<compile_context>
chip_gen: v7x
topology: tpu7x:2x2x1
jax: 0.10.2.dev20260603
libtpu: 0.0.44.dev20260713+nightly
codegen_flags: <defaults>
</compile_context>

<pallas_src>
import functools

import jax
import jax.numpy as jnp
from jax import lax
from jax.experimental import pallas as pl
from jax.experimental.pallas import tpu as pltpu
from jax.experimental.pallas import tpu_sc as plsc

N = 10000
E = 320000
D = 128
R = 200

NC = 2
NS = 16
EPT = E // NS
C = 48
EPTP = 20160
NCHUNK = EPTP // C
BLK = 20
NP = 10112
RPT = NP // NS


def _pad_edges(x):
  return jnp.pad(x.reshape(NS, EPT), ((0, 0), (0, EPTP - EPT))).reshape(-1)


def _sc_aggregate(H_all, icol, irow, inrm, ocol, orow, onrm, zeros_tile):
  mesh = plsc.VectorSubcoreMesh(core_axis_name="c", subcore_axis_name="s")
  f32 = jnp.float32
  BW = BLK * C

  @functools.partial(
      pl.kernel,
      out_type=jax.ShapeDtypeStruct((4 * NP, D), f32),
      mesh=mesh,
      compiler_params=pltpu.CompilerParams(needs_layout_passes=False),
      scratch_types=[
          pltpu.VMEM((BW,), jnp.int32),
          pltpu.VMEM((BW,), jnp.int32),
          pltpu.VMEM((BW,), f32),
          pltpu.VMEM((C,), jnp.int32),
          pltpu.VMEM((C,), jnp.int32),
          pltpu.VMEM((C,), jnp.int32),
          pltpu.VMEM((C,), jnp.int32),
          pltpu.VMEM((C + 16,), f32),
          pltpu.VMEM((C + 16,), f32),
          pltpu.VMEM((C, D), f32),
          pltpu.VMEM((C, D), f32),
          pltpu.VMEM((C, D), f32),
          pltpu.VMEM_SHARED((NP, D), f32),
          pltpu.SemaphoreType.DMA,
          pltpu.SemaphoreType.DMA,
          pltpu.SemaphoreType.DMA,
      ],
  )
  def sc_kernel(h_hbm, icol_hbm, irow_hbm, inrm_hbm,
                ocol_hbm, orow_hbm, onrm_hbm, z_hbm, out_hbm,
                cblk, rblk, nblk, row0, row1, col0, col1,
                nrm0, nrm1, h0, h1, msg, acc, sh0, sh1, ss):
    cid = lax.axis_index("c")
    sid = lax.axis_index("s")
    iota16 = lax.broadcasted_iota(jnp.int32, (16,), 0)
    rows = (row0, row1)
    cols = (col0, col1)
    nrms = (nrm0, nrm1)
    hbufs = (h0, h1)
    hsems = (sh0, sh1)

    def body(p, col_hbm, row_hbm, nrm_hbm):
      seg = cid * 2 + p
      coloff = p * N
      out_off = seg * NP
      pltpu.sync_copy(z_hbm, acc.at[pl.ds(sid * RPT, RPT)])
      plsc.subcore_barrier()

      def prep(j, b):
        @pl.when(lax.rem(j, BLK) == 0)
        def _():
          blk_off = (sid * NCHUNK + j) * C
          pltpu.sync_copy(col_hbm.at[pl.ds(blk_off, BW)], cblk)
          pltpu.sync_copy(row_hbm.at[pl.ds(blk_off, BW)], rblk)
          pltpu.sync_copy(nrm_hbm.at[pl.ds(blk_off, BW)], nblk)
        off = lax.rem(j, BLK) * C
        for jj in range(C // 16):
          sl = pl.ds(off + jj * 16, 16)
          cols[b][pl.ds(jj * 16, 16)] = cblk[sl] + coloff
          rows[b][pl.ds(jj * 16, 16)] = rblk[sl]
          nrms[b][pl.ds(jj * 16, 16)] = nblk[sl]
        pltpu.async_copy(h_hbm.at[cols[b]], hbufs[b], hsems[b])

      def compute(k, b):
        pltpu.make_async_copy(h_hbm.at[cols[b]], hbufs[b], hsems[b]).wait()

        @plsc.parallel_loop(0, C, step=1, unroll=8)
        def _(e):
          n16 = jnp.full((16,), nrms[b][pl.ds(e, 16)][0], f32)
          for dc in range(D // 16):
            h16 = hbufs[b][e, pl.ds(dc * 16, 16)]
            msg[e, pl.ds(dc * 16, 16)] = h16 * n16

        pltpu.async_copy(msg, acc.at[rows[b]], ss, add=True)

      prep(jnp.int32(0), 0)

      def pair(k2, carry):
        for b in range(2):
          k = k2 * 2 + b
          nb = 1 - b

          @pl.when(k >= 1)
          def _():
            pltpu.make_async_copy(msg, acc.at[rows[b]], ss).wait()

          @pl.when(k + 1 < NCHUNK)
          def _():
            prep(k + 1, nb)
          compute(k, b)
        return carry

      lax.fori_loop(0, NCHUNK // 2, pair, 0)
      pltpu.make_async_copy(msg, acc.at[rows[1]], ss).wait()
      plsc.subcore_barrier()
      pltpu.sync_copy(acc.at[pl.ds(sid * RPT, RPT)],
                      out_hbm.at[pl.ds(out_off + sid * RPT, RPT)])
      plsc.subcore_barrier()

    def do_pass(p, carry):
      @pl.when(cid == 0)
      def _():
        body(p, icol_hbm, irow_hbm, inrm_hbm)

      @pl.when(cid == 1)
      def _():
        body(p, ocol_hbm, orow_hbm, onrm_hbm)
      return carry

    lax.fori_loop(0, 2, do_pass, 0)

  return sc_kernel(H_all, icol, irow, inrm,
                   ocol, orow, onrm, zeros_tile)


NPS = 10240


def _sc_scatter_s(isidx, inrm, osidx, onrm, zeros_s):
  mesh = plsc.VectorSubcoreMesh(core_axis_name="c", subcore_axis_name="s")
  f32 = jnp.float32
  BW = BLK * C
  SW = NPS * R
  SRPT = SW // NS

  @functools.partial(
      pl.kernel,
      out_type=jax.ShapeDtypeStruct((2 * SW,), f32),
      mesh=mesh,
      compiler_params=pltpu.CompilerParams(needs_layout_passes=False),
      scratch_types=[
          pltpu.VMEM((BW,), jnp.int32),
          pltpu.VMEM((BW,), f32),
          pltpu.VMEM((C,), jnp.int32),
          pltpu.VMEM((C,), jnp.int32),
          pltpu.VMEM((C,), f32),
          pltpu.VMEM((C,), f32),
          pltpu.VMEM_SHARED((SW,), f32),
          pltpu.SemaphoreType.DMA,
          pltpu.SemaphoreType.DMA,
      ],
  )
  def s_kernel(isidx_hbm, inrm_hbm, osidx_hbm, onrm_hbm,
               zs_hbm, out_hbm,
               sblk, nblk, fx0, fx1, vl0, vl1, stab, ss0, ss1):
    cid = lax.axis_index("c")
    sid = lax.axis_index("s")
    fxs = (fx0, fx1)
    vls = (vl0, vl1)
    ssems = (ss0, ss1)

    def body(sidx_hbm, nrm_hbm):
      pltpu.sync_copy(zs_hbm, stab.at[pl.ds(sid * SRPT, SRPT)])
      plsc.subcore_barrier()

      def prep(j, b):
        @pl.when(lax.rem(j, BLK) == 0)
        def _():
          blk_off = (sid * NCHUNK + j) * C
          pltpu.sync_copy(sidx_hbm.at[pl.ds(blk_off, BW)], sblk)
          pltpu.sync_copy(nrm_hbm.at[pl.ds(blk_off, BW)], nblk)
        off = lax.rem(j, BLK) * C
        for jj in range(C // 16):
          sl = pl.ds(off + jj * 16, 16)
          fxs[b][pl.ds(jj * 16, 16)] = sblk[sl]
          vls[b][pl.ds(jj * 16, 16)] = nblk[sl]
        pltpu.async_copy(vls[b], stab.at[fxs[b]], ssems[b], add=True)

      prep(jnp.int32(0), 0)

      def pair(k2, carry):
        for b in range(2):
          k = k2 * 2 + b
          nb = 1 - b

          @pl.when(k + 1 < NCHUNK)
          def _():
            @pl.when(k + 1 >= 2)
            def _():
              pltpu.make_async_copy(vls[nb], stab.at[fxs[nb]],
                                    ssems[nb]).wait()
            prep(k + 1, nb)
        return carry

      lax.fori_loop(0, NCHUNK // 2, pair, 0)
      pltpu.make_async_copy(vls[0], stab.at[fxs[0]], ssems[0]).wait()
      pltpu.make_async_copy(vls[1], stab.at[fxs[1]], ssems[1]).wait()
      plsc.subcore_barrier()
      pltpu.sync_copy(stab.at[pl.ds(sid * SRPT, SRPT)],
                      out_hbm.at[pl.ds(cid * SW + sid * SRPT, SRPT)])

    @pl.when(cid == 0)
    def _():
      body(isidx_hbm, inrm_hbm)

    @pl.when(cid == 1)
    def _():
      body(osidx_hbm, onrm_hbm)

  return s_kernel(isidx, inrm, osidx, onrm, zeros_s)


def _dot_t(x, w):
  return lax.dot_general(x, w, (((1,), (1,)), ((), ())),
                         preferred_element_type=jnp.float32)


def _dot(x, w):
  return lax.dot_general(x, w, (((1,), (0,)), ((), ())),
                         preferred_element_type=jnp.float32)


def _tc_combine_body(aic, air, aoc, aor, sin, sout, hc, hr,
                     win, wout, wloop, pic, pir, poc, por, lrc, lrr,
                     hnc_o, hnr_o):
  w_in = win[...]
  w_out = wout[...]
  w_loop = wloop[...]
  x = lrr[...]
  sp = jnp.maximum(x, 0.0) + jnp.log(1.0 + jnp.exp(-jnp.abs(x)))
  c3 = (_dot_t(aic[...], w_in) + _dot_t(aoc[...], w_out)
        + _dot(sin[...], pic[...]) - _dot(sout[...], poc[...])
        + _dot_t(hc[...] + lrc[...], w_loop))
  r3 = (_dot_t(air[...], jnp.abs(w_in)) + _dot_t(aor[...], jnp.abs(w_out))
        + _dot(sin[...], pir[...]) + _dot(sout[...], por[...])
        + _dot_t(hr[...] + sp, jnp.abs(w_loop)))
  c = c3 * (1.0 / 3.0)
  r = r3 * (1.0 / 3.0)
  lo = jnp.maximum(c - r, 0.0)
  hi = jnp.maximum(c + r, 0.0)
  hnc_o[...] = (hi + lo) * 0.5
  hnr_o[...] = (hi - lo) * 0.5


RP = 256


def _tc_combine(a_in_c, a_in_r, a_out_c, a_out_r, S_in, S_out, H_c, H_r,
                W_in, W_out, W_loop, P_in_c, P_in_r, P_out_c, P_out_r,
                loop_rel_c, loop_rel_r):
  blk = 2000
  grid = (N // blk,)
  row_spec = pl.BlockSpec((blk, D), lambda i: (i, 0))
  s_spec = pl.BlockSpec((blk, RP), lambda i: (i, 0))
  w_spec = pl.BlockSpec((D, D), lambda i: (0, 0))
  p_spec = pl.BlockSpec((RP, D), lambda i: (0, 0))
  v_spec = pl.BlockSpec((1, D), lambda i: (0, 0))
  return pl.pallas_call(
      _tc_combine_body,
      grid=grid,
      in_specs=([row_spec] * 4 + [s_spec] * 2 + [row_spec] * 2
                + [w_spec] * 3 + [p_spec] * 4 + [v_spec] * 2),
      out_specs=[row_spec, row_spec],
      out_shape=[jax.ShapeDtypeStruct((N, D), jnp.float32)] * 2,
  )(a_in_c, a_in_r, a_out_c, a_out_r, S_in, S_out, H_c, H_r,
    W_in, W_out, W_loop, P_in_c, P_in_r, P_out_c, P_out_r,
    loop_rel_c, loop_rel_r)


def _tc_rel_body(rc, rr, wr, win, wout, orc_o, orr_o, pic_o, pir_o,
                 poc_o, por_o):
  w = wr[...]
  rcv = rc[...]
  rrv = rr[...]
  orc_o[...] = _dot_t(rcv, w)
  orr_o[...] = _dot_t(rrv, jnp.abs(w))
  pic_o[...] = _dot_t(rcv, win[...])
  pir_o[...] = _dot_t(rrv, jnp.abs(win[...]))
  poc_o[...] = _dot_t(rcv, wout[...])
  por_o[...] = _dot_t(rrv, jnp.abs(wout[...]))


def _tc_rel(rel_c, rel_r, W_rel, W_in, W_out):
  return pl.pallas_call(
      _tc_rel_body,
      out_shape=[jax.ShapeDtypeStruct((R, D), jnp.float32)] * 6,
  )(rel_c, rel_r, W_rel, W_in, W_out)


def kernel(H_c, H_r, rel_c, rel_r, in_row, in_col, in_type, in_norm,
           out_row, out_col, out_type, out_norm, loop_row, loop_col,
           W_in, W_out, W_loop, W_rel, loop_rel_c, loop_rel_r):
  zeros_tile = jnp.zeros((RPT, D), jnp.float32)
  in_row = in_row.astype(jnp.int32)
  in_col = in_col.astype(jnp.int32)
  in_type = in_type.astype(jnp.int32)
  out_row = out_row.astype(jnp.int32)
  out_col = out_col.astype(jnp.int32)
  out_type = out_type.astype(jnp.int32)
  H_all = jnp.concatenate([H_c, H_r], axis=0)
  pirow = _pad_edges(in_row)
  pinrm = _pad_edges(in_norm)
  porow = _pad_edges(out_row)
  ponrm = _pad_edges(out_norm)
  outs = _sc_aggregate(
      H_all, _pad_edges(in_col), pirow, pinrm,
      _pad_edges(out_col), porow, ponrm, zeros_tile)
  zeros_s = jnp.zeros(((NPS // NS) * R,), jnp.float32)
  s_flat = _sc_scatter_s(_pad_edges(in_row * R + in_type), pinrm,
                         _pad_edges(out_row * R + out_type), ponrm, zeros_s)
  s_pad = jnp.pad(s_flat.reshape(2, NPS, R)[:, :N],
                  ((0, 0), (0, 0), (0, RP - R)))
  a_in_c = outs[:N]
  a_in_r = outs[NP:NP + N]
  a_out_c = outs[2 * NP:2 * NP + N]
  a_out_r = outs[3 * NP:3 * NP + N]
  new_rel_c, new_rel_r, p_in_c, p_in_r, p_out_c, p_out_r = _tc_rel(
      rel_c, rel_r, W_rel, W_in, W_out)
  pad_p = lambda p: jnp.pad(p, ((0, RP - R), (0, 0)))
  Hn_c, Hn_r = _tc_combine(
      a_in_c, a_in_r, a_out_c, a_out_r, s_pad[0], s_pad[1], H_c, H_r,
      W_in, W_out, W_loop, pad_p(p_in_c), pad_p(p_in_r),
      pad_p(p_out_c), pad_p(p_out_r), loop_rel_c, loop_rel_r)
  return Hn_c, Hn_r, new_rel_c, new_rel_r

# --- scband reference (transcript-rebuilt; emitter-appended) ---
"""Pipeline reference for scband-comp-gcninterval-layer-64750926954550 (READ-ONLY COPY).

The authoritative reference and input builder live on the scoring server;
editing this copy changes nothing except your own understanding.
"""

import jax, jax.numpy as jnp
import numpy as np

N = 10000
E = 320000
D = 128
R = 200


def setup_inputs(seed: int = 0) -> dict:
    key = jax.random.key(seed)
    ks = jax.random.split(key, 16)
    H_c = jax.random.normal(ks[0], (N, D), dtype=jnp.float32)
    H_r = jax.random.uniform(ks[1], (N, D), dtype=jnp.float32)
    rel_c = jax.random.normal(ks[2], (R, D), dtype=jnp.float32)
    rel_r = jax.random.uniform(ks[3], (R, D), dtype=jnp.float32)
    in_row = jax.random.randint(ks[4], (E,), 0, N)
    in_col = jax.random.randint(ks[5], (E,), 0, N)
    in_type = jax.random.randint(ks[6], (E,), 0, R)
    in_norm = jax.random.uniform(ks[7], (E,), dtype=jnp.float32)
    out_row = jax.random.randint(ks[8], (E,), 0, N)
    out_col = jax.random.randint(ks[9], (E,), 0, N)
    out_type = jax.random.randint(ks[10], (E,), 0, R)
    out_norm = jax.random.uniform(ks[11], (E,), dtype=jnp.float32)
    loop_row = jnp.arange(N)
    loop_col = jnp.arange(N)
    s = 1.0 / np.sqrt(D)
    W_in = jax.random.uniform(ks[12], (D, D), dtype=jnp.float32, minval=-s, maxval=s)
    W_out = jax.random.uniform(ks[13], (D, D), dtype=jnp.float32, minval=-s, maxval=s)
    W_loop = jax.random.uniform(ks[14], (D, D), dtype=jnp.float32, minval=-s, maxval=s)
    W_rel = jax.random.uniform(ks[15], (D, D), dtype=jnp.float32, minval=-s, maxval=s)
    loop_rel_c = jnp.zeros((1, D), dtype=jnp.float32)
    loop_rel_r = jnp.full((1, D), -5.0, dtype=jnp.float32)
    return {"H_c": H_c, "H_r": H_r, "rel_c": rel_c, "rel_r": rel_r,
            "in_row": in_row, "in_col": in_col, "in_type": in_type, "in_norm": in_norm,
            "out_row": out_row, "out_col": out_col, "out_type": out_type, "out_norm": out_norm,
            "loop_row": loop_row, "loop_col": loop_col,
            "W_in": W_in, "W_out": W_out, "W_loop": W_loop, "W_rel": W_rel,
            "loop_rel_c": loop_rel_c, "loop_rel_r": loop_rel_r}


def reference(H_c, H_r, rel_c, rel_r, in_row, in_col, in_type, in_norm,
              out_row, out_col, out_type, out_norm, loop_row, loop_col,
              W_in, W_out, W_loop, W_rel, loop_rel_c, loop_rel_r):
    num_ent = H_c.shape[0]

    def aggregate(row, col, edge_type, r_c, r_r, W, mode, edge_weight):
        x_j_c = H_c[col]
        x_j_r = H_r[col]
        if mode == 'in':
            msg_c = x_j_c + r_c[edge_type]
            msg_r = x_j_r + r_r[edge_type]
        elif mode == 'out':
            msg_c = x_j_c - r_c[edge_type]
            msg_r = x_j_r + r_r[edge_type]
        else:
            msg_c = x_j_c + r_c
            msg_r = x_j_r + r_r
        out_c = msg_c @ W.T
        out_r = msg_r @ jnp.abs(W).T
        if edge_weight is not None:
            out_c = out_c * edge_weight[:, None]
            out_r = out_r * edge_weight[:, None]
        dim = out_c.shape[1]
        res_c = jnp.zeros((num_ent, dim), dtype=out_c.dtype).at[row].add(out_c)
        res_r = jnp.zeros((num_ent, dim), dtype=out_r.dtype).at[row].add(out_r)
        return res_c, res_r

    c_in, r_in = aggregate(in_row, in_col, in_type, rel_c, rel_r, W_in, 'in', in_norm)
    c_out, r_out = aggregate(out_row, out_col, out_type, rel_c, rel_r, W_out, 'out', out_norm)
    soft_loop_r = jax.nn.softplus(loop_rel_r)
    c_loop, r_loop = aggregate(loop_row, loop_col, None, loop_rel_c, soft_loop_r, W_loop, 'loop', None)
    c_agg = (c_in + c_out + c_loop) / 3.0
    r_agg = (r_in + r_out + r_loop) / 3.0
    new_rel_c = rel_c @ W_rel.T
    new_rel_r = rel_r @ jnp.abs(W_rel).T
    # interval_relu: relu applied to interval endpoints, re-centered
    lo = jax.nn.relu(c_agg - r_agg)
    hi = jax.nn.relu(c_agg + r_agg)
    Hn_c = (hi + lo) * 0.5
    Hn_r = (hi - lo) * 0.5
    return (Hn_c, Hn_r, new_rel_c, new_rel_r)

if __name__ == "__main__":
    import jax
    _d = setup_inputs()
    print(jax.jit(kernel)(*tuple(_d.values())))

</pallas_src>

<mosaic_0001>
#map = affine_map<(d0, d1) -> (0)>
module attributes {stable_mosaic.version = 14 : i64} {
  func.func @s_kernel(%arg0: i32, %arg1: i32, %arg2: memref<322560xi32, #tpu.memory_space<hbm>>, %arg3: memref<322560xf32, #tpu.memory_space<hbm>>, %arg4: memref<322560xi32, #tpu.memory_space<hbm>>, %arg5: memref<322560xf32, #tpu.memory_space<hbm>>, %arg6: memref<128000xf32, #tpu.memory_space<hbm>>, %arg7: memref<4096000xf32, #tpu.memory_space<hbm>>, %arg8: memref<960xi32, #tpu.memory_space<vmem>>, %arg9: memref<960xf32, #tpu.memory_space<vmem>>, %arg10: memref<48xi32, #tpu.memory_space<vmem>>, %arg11: memref<48xi32, #tpu.memory_space<vmem>>, %arg12: memref<48xf32, #tpu.memory_space<vmem>>, %arg13: memref<48xf32, #tpu.memory_space<vmem>>, %arg14: memref<2048000xf32, #tpu.memory_space<vmem_shared>>, %arg15: memref<!tpu.dma_semaphore, #tpu.memory_space<semaphore_mem>>, %arg16: memref<!tpu.dma_semaphore, #tpu.memory_space<semaphore_mem>>) attributes {dimension_semantics = [#tpu.dimension_semantics<core_parallel>, #tpu.dimension_semantics<subcore_parallel>], iteration_bounds = array<i64: 2, 16>, scalar_prefetch = 0 : i64, scratch_operands = 9 : i64, tpu.core_type = #tpu.core_type<sc_vector_subcore>, window_params = [{transform_indices = #map}, {transform_indices = #map}, {transform_indices = #map}, {transform_indices = #map}, {transform_indices = #map}, {transform_indices = #map}]} {
    %eq3A = arith.constant 0 : i32
    %eq3A_0 = arith.cmpi eq, %arg0, %eq3A : i32
    %convert_element_type3A = arith.extui %eq3A_0 : i1 to i32
    %cond3A = arith.constant 0 : i32
    %cond3A_1 = arith.cmpi ne, %convert_element_type3A, %cond3A : i32
    scf.if %cond3A_1 {
      %mul3A = arith.constant 128000 : i32
      %mul3A_7 = arith.muli %arg1, %mul3A : i32
      "tpu.region"() ({
        %run_scoped3A = tpu.sem_alloc : memref<!tpu.dma_semaphore, #tpu.memory_space<semaphore_mem>>
        %dma_start3A_65 = tpu.memref_slice %arg14[%mul3A_7] : memref<2048000xf32, #tpu.memory_space<vmem_shared>> -> memref<128000xf32, #tpu.memory_space<vmem_shared>>
        tpu.enqueue_dma source(%arg6 : memref<128000xf32, #tpu.memory_space<hbm>>) target(%dma_start3A_65 : memref<128000xf32, #tpu.memory_space<vmem_shared>>) target_semaphore(%run_scoped3A : memref<!tpu.dma_semaphore, #tpu.memory_space<semaphore_mem>>)
        %dma_wait3A_66 = tpu.memref_slice %arg14[%mul3A_7] : memref<2048000xf32, #tpu.memory_space<vmem_shared>> -> memref<128000xf32, #tpu.memory_space<vmem_shared>>
        tpu.wait_dma2 semaphore(%run_scoped3A : memref<!tpu.dma_semaphore, #tpu.memory_space<semaphore_mem>>) src(%arg6 : memref<128000xf32, #tpu.memory_space<hbm>>) dst(%dma_wait3A_66 : memref<128000xf32, #tpu.memory_space<vmem_shared>>)
        tpu.yield
      }) : () -> ()
      %barrier3A = arith.constant 0 : index
      tpu.barrier barrier_id(%barrier3A)
      %rem3A = arith.constant 0 : i32
      %rem3A_8 = arith.constant 20 : i32
      %rem3A_9 = arith.remsi %rem3A, %rem3A_8 : i32
      %eq3A_10 = arith.constant 0 : i32
      %eq3A_11 = arith.cmpi eq, %rem3A_9, %eq3A_10 : i32
      %convert_element_type3A_12 = arith.extui %eq3A_11 : i1 to i32
      %cond3A_13 = arith.constant 0 : i32
      %cond3A_14 = arith.constant 0 : i32
      %cond3A_15 = arith.cmpi ne, %convert_element_type3A_12, %cond3A_14 : i32
      scf.if %cond3A_15 {
        %mul3A_65 = arith.constant 420 : i32
        %mul3A_66 = arith.muli %arg1, %mul3A_65 : i32
        %add3A_67 = arith.addi %mul3A_66, %cond3A_13 : i32
        %mul3A_68 = arith.constant 48 : i32
        %mul3A_69 = arith.muli %add3A_67, %mul3A_68 : i32
        "tpu.region"() ({
          %run_scoped3A = tpu.sem_alloc : memref<!tpu.dma_semaphore, #tpu.memory_space<semaphore_mem>>
          %dma_start3A_70 = tpu.memref_slice %arg2[%mul3A_69] : memref<322560xi32, #tpu.memory_space<hbm>> -> memref<960xi32, #tpu.memory_space<hbm>>
          %dma_start3A_71 = tpu.memref_slice %arg2[%mul3A_69] : memref<322560xi32, #tpu.memory_space<hbm>> -> memref<960xi32, #tpu.memory_space<hbm>>
          tpu.enqueue_dma source(%dma_start3A_71 : memref<960xi32, #tpu.memory_space<hbm>>) target(%arg8 : memref<960xi32, #tpu.memory_space<vmem>>) target_semaphore(%run_scoped3A : memref<!tpu.dma_semaphore, #tpu.memory_space<semaphore_mem>>)
          %dma_wait3A_72 = tpu.memref_slice %arg2[%mul3A_69] : memref<322560xi32, #tpu.memory_space<hbm>> -> memref<960xi32, #tpu.memory_space<hbm>>
          %dma_wait3A_73 = tpu.memref_slice %arg2[%mul3A_69] : memref<322560xi32, #tpu.memory_space<hbm>> -> memref<960xi32, #tpu.memory_space<hbm>>
          tpu.wait_dma2 semaphore(%run_scoped3A : memref<!tpu.dma_semaphore, #tpu.memory_space<semaphore_mem>>) src(%dma_wait3A_73 : memref<960xi32, #tpu.memory_space<hbm>>) dst(%arg8 : memref<960xi32, #tpu.memory_space<vmem>>)
          tpu.yield
        }) : () -> ()
        "tpu.region"() ({
          %run_scoped3A = tpu.sem_alloc : memref<!tpu.dma_semaphore, #tpu.memory_space<semaphore_mem>>
          %dma_start3A_70 = tpu.memref_slice %arg3[%mul3A_69] : memref<322560xf32, #tpu.memory_space<hbm>> -> memref<960xf32, #tpu.memory_space<hbm>>
          %dma_start3A_71 = tpu.memref_slice %arg3[%mul3A_69] : memref<322560xf32, #tpu.memory_space<hbm>> -> memref<960xf32, #tpu.memory_space<hbm>>
          tpu.enqueue_dma source(%dma_start3A_71 : memref<960xf32, #tpu.memory_space<hbm>>) target(%arg9 : memref<960xf32, #tpu.memory_space<vmem>>) target_semaphore(%run_scoped3A : memref<!tpu.dma_semaphore, #tpu.memory_space<semaphore_mem>>)
          %dma_wait3A_72 = tpu.memref_slice %arg3[%mul3A_69] : memref<322560xf32, #tpu.memory_space<hbm>> -> memref<960xf32, #tpu.memory_space<hbm>>
          %dma_wait3A_73 = tpu.memref_slice %arg3[%mul3A_69] : memref<322560xf32, #tpu.memory_space<hbm>> -> memref<960xf32, #tpu.memory_space<hbm>>
          tpu.wait_dma2 semaphore(%run_scoped3A : memref<!tpu.dma_semaphore, #tpu.memory_space<semaphore_mem>>) src(%dma_wait3A_73 : memref<960xf32, #tpu.memory_space<hbm>>) dst(%arg9 : memref<960xf32, #tpu.memory_space<vmem>>)
          tpu.yield
        }) : () -> ()
      } else {
      }
      %rem3A_16 = arith.constant 0 : i32
      %rem3A_17 = arith.constant 20 : i32
      %rem3A_18 = arith.remsi %rem3A_16, %rem3A_17 : i32
      %mul3A_19 = arith.constant 48 : i32
      %mul3A_20 = arith.muli %rem3A_18, %mul3A_19 : i32
      %add3A = arith.constant 0 : i32
      %add3A_21 = arith.addi %mul3A_20, %add3A : i32
      %get3A = arith.index_cast %add3A_21 : i32 to index
      %get3A_22 = tpu.vector_load %arg8[%get3A] {strides = array<i32>} : memref<960xi32, #tpu.memory_space<vmem>>, vector<16xi32>,
      %swap3A = arith.constant 0 : index
      %swap3A_23 = tpu.vector_load %arg10[%swap3A] {strides = array<i32>} : memref<48xi32, #tpu.memory_space<vmem>>, vector<16xi32>,
      tpu.vector_store %arg10[%swap3A], %get3A_22 {strides = array<i32>} : memref<48xi32, #tpu.memory_space<vmem>>, vector<16xi32>,
      %get3A_24 = arith.index_cast %add3A_21 : i32 to index
      %get3A_25 = tpu.vector_load %arg9[%get3A_24] {strides = array<i32>} : memref<960xf32, #tpu.memory_space<vmem>>, vector<16xf32>,
      %swap3A_26 = arith.constant 0 : index
      %swap3A_27 = tpu.vector_load %arg12[%swap3A_26] {strides = array<i32>} : memref<48xf32, #tpu.memory_space<vmem>>, vector<16xf32>,
      tpu.vector_store %arg12[%swap3A_26], %get3A_25 {strides = array<i32>} : memref<48xf32, #tpu.memory_space<vmem>>, vector<16xf32>,
      %add3A_28 = arith.constant 16 : i32
      %add3A_29 = arith.addi %mul3A_20, %add3A_28 : i32
      %get3A_30 = arith.index_cast %add3A_29 : i32 to index
      %get3A_31 = tpu.vector_load %arg8[%get3A_30] {strides = array<i32>} : memref<960xi32, #tpu.memory_space<vmem>>, vector<16xi32>,
      %swap3A_32 = arith.constant 16 : index
      %swap3A_33 = tpu.vector_load %arg10[%swap3A_32] {strides = array<i32>} : memref<48xi32, #tpu.memory_space<vmem>>, vector<16xi32>,
      tpu.vector_store %arg10[%swap3A_32], %get3A_31 {strides = array<i32>} : memref<48xi32, #tpu.memory_space<vmem>>, vector<16xi32>,
      %get3A_34 = arith.index_cast %add3A_29 : i32 to index
      %get3A_35 = tpu.vector_load %arg9[%get3A_34] {strides = array<i32>} : memref<960xf32, #tpu.memory_space<vmem>>, vector<16xf32>,
      %swap3A_36 = arith.constant 16 : index
      %swap3A_37 = tpu.vector_load %arg12[%swap3A_36] {strides = array<i32>} : memref<48xf32, #tpu.memory_space<vmem>>, vector<16xf32>,
      tpu.vector_store %arg12[%swap3A_36], %get3A_35 {strides = array<i32>} : memref<48xf32, #tpu.memory_space<vmem>>, vector<16xf32>,
      %add3A_38 = arith.constant 32 : i32
      %add3A_39 = arith.addi %mul3A_20, %add3A_38 : i32
      %get3A_40 = arith.index_cast %add3A_39 : i32 to index
      %get3A_41 = tpu.vector_load %arg8[%get3A_40] {strides = array<i32>} : memref<960xi32, #tpu.memory_space<vmem>>, vector<16xi32>,
      %swap3A_42 = arith.constant 32 : index
      %swap3A_43 = tpu.vector_load %arg10[%swap3A_42] {strides = array<i32>} : memref<48xi32, #tpu.memory_space<vmem>>, vector<16xi32>,
      tpu.vector_store %arg10[%swap3A_42], %get3A_41 {strides = array<i32>} : memref<48xi32, #tpu.memory_space<vmem>>, vector<16xi32>,
      %get3A_44 = arith.index_cast %add3A_39 : i32 to index
      %get3A_45 = tpu.vector_load %arg9[%get3A_44] {strides = array<i32>} : memref<960xf32, #tpu.memory_space<vmem>>, vector<16xf32>,
      %swap3A_46 = arith.constant 32 : index
      %swap3A_47 = tpu.vector_load %arg12[%swap3A_46] {strides = array<i32>} : memref<48xf32, #tpu.memory_space<vmem>>, vector<16xf32>,
      tpu.vector_store %arg12[%swap3A_46], %get3A_45 {strides = array<i32>} : memref<48xf32, #tpu.memory_space<vmem>>, vector<16xf32>,
      %dma_start3A = arith.constant 0 : i32
      %dma_start3A_48 = tpu.memref_slice %arg14[%dma_start3A] : memref<2048000xf32, #tpu.memory_space<vmem_shared>> -> memref<2048000xf32, #tpu.memory_space<vmem_shared>>
      tpu.enqueue_indirect_dma source(%arg12 : memref<48xf32, #tpu.memory_space<vmem>>) target(%dma_start3A_48 : memref<2048000xf32, #tpu.memory_space<vmem_shared>>) offsets(%arg10 : memref<48xi32, #tpu.memory_space<vmem>>) semaphore(%arg15 : memref<!tpu.dma_semaphore, #tpu.memory_space<semaphore_mem>>) {add = true}
      %scan3A = arith.constant 0 : i32
      %scan3A_49 = arith.constant 0 : i32
      %scan3A_50 = arith.constant 210 : i32
      %scan3A_51 = arith.addi %scan3A_49, %scan3A_50 : i32
      %scan3A_52 = arith.constant 1 : i32
      scf.for %scan3A_65 = %scan3A_49 to %scan3A_51 step %scan3A_52  : i32 {
        %mul3A_66 = arith.constant 2 : i32
        %mul3A_67 = arith.muli %scan3A_65, %mul3A_66 : i32
        %add3A_68 = arith.constant 0 : i32
        %add3A_69 = arith.addi %mul3A_67, %add3A_68 : i32
        %add3A_70 = arith.constant 1 : i32
        %add3A_71 = arith.addi %add3A_69, %add3A_70 : i32
        %lt3A = arith.constant 420 : i32
        %lt3A_72 = arith.cmpi slt, %add3A_71, %lt3A : i32
        %convert_element_type3A_73 = arith.extui %lt3A_72 : i1 to i32
        %cond3A_74 = arith.constant 0 : i32
        %cond3A_75 = arith.cmpi ne, %convert_element_type3A_73, %cond3A_74 : i32
        scf.if %cond3A_75 {
          %add3A_87 = arith.constant 1 : i32
          %add3A_88 = arith.addi %add3A_69, %add3A_87 : i32
          %ge3A = arith.constant 2 : i32
          %ge3A_89 = arith.cmpi sge, %add3A_88, %ge3A : i32
          %convert_element_type3A_90 = arith.extui %ge3A_89 : i1 to i32
          %cond3A_91 = arith.constant 0 : i32
          %cond3A_92 = arith.cmpi ne, %convert_element_type3A_90, %cond3A_91 : i32
          scf.if %cond3A_92 {
            %dma_wait3A_138 = arith.constant 0 : i32
            %dma_wait3A_139 = tpu.memref_slice %arg14[%dma_wait3A_138] : memref<2048000xf32, #tpu.memory_space<vmem_shared>> -> memref<2048000xf32, #tpu.memory_space<vmem_shared>>
            tpu.wait_indirect_dma semaphore(%arg16 : memref<!tpu.dma_semaphore, #tpu.memory_space<semaphore_mem>>) src(%arg13 : memref<48xf32, #tpu.memory_space<vmem>>) dst(%dma_wait3A_139 : memref<2048000xf32, #tpu.memory_space<vmem_shared>>)
          } else {
          }
          %add3A_93 = arith.constant 1 : i32
          %add3A_94 = arith.addi %add3A_69, %add3A_93 : i32
          %rem3A_95 = arith.constant 20 : i32
          %rem3A_96 = arith.remsi %add3A_94, %rem3A_95 : i32
          %eq3A_97 = arith.constant 0 : i32
          %eq3A_98 = arith.cmpi eq, %rem3A_96, %eq3A_97 : i32
          %convert_element_type3A_99 = arith.extui %eq3A_98 : i1 to i32
          %cond3A_100 = arith.constant 0 : i32
          %cond3A_101 = arith.cmpi ne, %convert_element_type3A_99, %cond3A_100 : i32
          scf.if %cond3A_101 {
            %mul3A_138 = arith.constant 420 : i32
            %mul3A_139 = arith.muli %arg1, %mul3A_138 : i32
            %add3A_140 = arith.addi %mul3A_139, %add3A_94 : i32
            %mul3A_141 = arith.constant 48 : i32
            %mul3A_142 = arith.muli %add3A_140, %mul3A_141 : i32
            "tpu.region"() ({
              %run_scoped3A = tpu.sem_alloc : memref<!tpu.dma_semaphore, #tpu.memory_space<semaphore_mem>>
              %dma_start3A_143 = tpu.memref_slice %arg2[%mul3A_142] : memref<322560xi32, #tpu.memory_space<hbm>> -> memref<960xi32, #tpu.memory_space<hbm>>
              %dma_start3A_144 = tpu.memref_slice %arg2[%mul3A_142] : memref<322560xi32, #tpu.memory_space<hbm>> -> memref<960xi32, #tpu.memory_space<hbm>>
              tpu.enqueue_dma source(%dma_start3A_144 : memref<960xi32, #tpu.memory_space<hbm>>) target(%arg8 : memref<960xi32, #tpu.memory_space<vmem>>) target_semaphore(%run_scoped3A : memref<!tpu.dma_semaphore, #tpu.memory_space<semaphore_mem>>)
              %dma_wait3A_145 = tpu.memref_slice %arg2[%mul3A_142] : memref<322560xi32, #tpu.memory_space<hbm>> -> memref<960xi32, #tpu.memory_space<hbm>>
              %dma_wait3A_146 = tpu.memref_slice %arg2[%mul3A_142] : memref<322560xi32, #tpu.memory_space<hbm>> -> memref<960xi32, #tpu.memory_space<hbm>>
              tpu.wait_dma2 semaphore(%run_scoped3A : memref<!tpu.dma_semaphore, #tpu.memory_space<semaphore_mem>>) src(%dma_wait3A_146 : memref<960xi32, #tpu.memory_space<hbm>>) dst(%arg8 : memref<960xi32, #tpu.memory_space<vmem>>)
              tpu.yield
            }) : () -> ()
            "tpu.region"() ({
              %run_scoped3A = tpu.sem_alloc : memref<!tpu.dma_semaphore, #tpu.memory_space<semaphore_mem>>
              %dma_start3A_143 = tpu.memref_slice %arg3[%mul3A_142] : memref<322560xf32, #tpu.memory_space<hbm>> -> memref<960xf32, #tpu.memory_space<hbm>>
              %dma_start3A_144 = tpu.memref_slice %arg3[%mul3A_142] : memref<322560xf32, #tpu.memory_space<hbm>> -> memref<960xf32, #tpu.memory_space<hbm>>
              tpu.enqueue_dma source(%dma_start3A_144 : memref<960xf32, #tpu.memory_space<hbm>>) target(%arg9 : memref<960xf32, #tpu.memory_space<vmem>>) target_semaphore(%run_scoped3A : memref<!tpu.dma_semaphore, #tpu.memory_space<semaphore_mem>>)
              %dma_wait3A_145 = tpu.memref_slice %arg3[%mul3A_142] : memref<322560xf32, #tpu.memory_space<hbm>> -> memref<960xf32, #tpu.memory_space<hbm>>
              %dma_wait3A_146 = tpu.memref_slice %arg3[%mul3A_142] : memref<322560xf32, #tpu.memory_space<hbm>> -> memref<960xf32, #tpu.memory_space<hbm>>
              tpu.wait_dma2 semaphore(%run_scoped3A : memref<!tpu.dma_semaphore, #tpu.memory_space<semaphore_mem>>) src(%dma_wait3A_146 : memref<960xf32, #tpu.memory_space<hbm>>) dst(%arg9 : memref<960xf32, #tpu.memory_space<vmem>>)
              tpu.yield
            }) : () -> ()
          } else {
          }
          %rem3A_102 = arith.constant 20 : i32
          %rem3A_103 = arith.remsi %add3A_94, %rem3A_102 : i32
          %mul3A_104 = arith.constant 48 : i32
          %mul3A_105 = arith.muli %rem3A_103, %mul3A_104 : i32
          %add3A_106 = arith.constant 0 : i32
          %add3A_107 = arith.addi %mul3A_105, %add3A_106 : i32
          %get3A_108 = arith.index_cast %add3A_107 : i32 to index
          %get3A_109 = tpu.vector_load %arg8[%get3A_108] {strides = array<i32>} : memref<960xi32, #tpu.memory_space<vmem>>, vector<16xi32>,
          %swap3A_110 = arith.constant 0 : index
          %swap3A_111 = tpu.vector_load %arg11[%swap3A_110] {strides = array<i32>} : memref<48xi32, #tpu.memory_space<vmem>>, vector<16xi32>,
          tpu.vector_store %arg11[%swap3A_110], %get3A_109 {strides = array<i32>} : memref<48xi32, #tpu.memory_space<vmem>>, vector<16xi32>,
          %get3A_112 = arith.index_cast %add3A_107 : i32 to index
          %get3A_113 = tpu.vector_load %arg9[%get3A_112] {strides = array<i32>} : memref<960xf32, #tpu.memory_space<vmem>>, vector<16xf32>,
          %swap3A_114 = arith.constant 0 : index
          %swap3A_115 = tpu.vector_load %arg13[%swap3A_114] {strides = array<i32>} : memref<48xf32, #tpu.memory_space<vmem>>, vector<16xf32>,
          tpu.vector_store %arg13[%swap3A_114], %get3A_113 {strides = array<i32>} : memref<48xf32, #tpu.memory_space<vmem>>, vector<16xf32>,
          %add3A_116 = arith.constant 16 : i32
          %add3A_117 = arith.addi %mul3A_105, %add3A_116 : i32
          %get3A_118 = arith.index_cast %add3A_117 : i32 to index
          %get3A_119 = tpu.vector_load %arg8[%get3A_118] {strides = array<i32>} : memref<960xi32, #tpu.memory_space<vmem>>, vector<16xi32>,
          %swap3A_120 = arith.constant 16 : index
          %swap3A_121 = tpu.vector_load %arg11[%swap3A_120] {strides = array<i32>} : memref<48xi32, #tpu.memory_space<vmem>>, vector<16xi32>,
          tpu.vector_store %arg11[%swap3A_120], %get3A_119 {strides = array<i32>} : memref<48xi32, #tpu.memory_space<vmem>>, vector<16xi32>,
          %get3A_122 = arith.index_cast %add3A_117 : i32 to index
          %get3A_123 = tpu.vector_load %arg9[%get3A_122] {strides = array<i32>} : memref<960xf32, #tpu.memory_space<vmem>>, vector<16xf32>,
          %swap3A_124 = arith.constant 16 : index
          %swap3A_125 = tpu.vector_load %arg13[%swap3A_124] {strides = array<i32>} : memref<48xf32, #tpu.memory_space<vmem>>, vector<16xf32>,
          tpu.vector_store %arg13[%swap3A_124], %get3A_123 {strides = array<i32>} : memref<48xf32, #tpu.memory_space<vmem>>, vector<16xf32>,
          %add3A_126 = arith.constant 32 : i32
          %add3A_127 = arith.addi %mul3A_105, %add3A_126 : i32
          %get3A_128 = arith.index_cast %add3A_127 : i32 to index
          %get3A_129 = tpu.vector_load %arg8[%get3A_128] {strides = array<i32>} : memref<960xi32, #tpu.memory_space<vmem>>, vector<16xi32>,
          %swap3A_130 = arith.constant 32 : index
          %swap3A_131 = tpu.vector_load %arg11[%swap3A_130] {strides = array<i32>} : memref<48xi32, #tpu.memory_space<vmem>>, vector<16xi32>,
          tpu.vector_store %arg11[%swap3A_130], %get3A_129 {strides = array<i32>} : memref<48xi32, #tpu.memory_space<vmem>>, vector<16xi32>,
          %get3A_132 = arith.index_cast %add3A_127 : i32 to index
          %get3A_133 = tpu.vector_load %arg9[%get3A_132] {strides = array<i32>} : memref<960xf32, #tpu.memory_space<vmem>>, vector<16xf32>,
          %swap3A_134 = arith.constant 32 : index
          %swap3A_135 = tpu.vector_load %arg13[%swap3A_134] {strides = array<i32>} : memref<48xf32, #tpu.memory_space<vmem>>, vector<16xf32>,
          tpu.vector_store %arg13[%swap3A_134], %get3A_133 {strides = array<i32>} : memref<48xf32, #tpu.memory_space<vmem>>, vector<16xf32>,
          %dma_start3A_136 = arith.constant 0 : i32
          %dma_start3A_137 = tpu.memref_slice %arg14[%dma_start3A_136] : memref<2048000xf32, #tpu.memory_space<vmem_shared>> -> memref<2048000xf32, #tpu.memory_space<vmem_shared>>
          tpu.enqueue_indirect_dma source(%arg13 : memref<48xf32, #tpu.memory_space<vmem>>) target(%dma_start3A_137 : memref<2048000xf32, #tpu.memory_space<vmem_shared>>) offsets(%arg11 : memref<48xi32, #tpu.memory_space<vmem>>) semaphore(%arg16 : memref<!tpu.dma_semaphore, #tpu.memory_space<semaphore_mem>>) {add = true}
        } else {
        }
        %mul3A_76 = arith.constant 2 : i32
        %mul3A_77 = arith.muli %scan3A_65, %mul3A_76 : i32
        %add3A_78 = arith.constant 1 : i32
        %add3A_79 = arith.addi %mul3A_77, %add3A_78 : i32
        %add3A_80 = arith.constant 1 : i32
        %add3A_81 = arith.addi %add3A_79, %add3A_80 : i32
        %lt3A_82 = arith.constant 420 : i32
        %lt3A_83 = arith.cmpi slt, %add3A_81, %lt3A_82 : i32
        %convert_element_type3A_84 = arith.extui %lt3A_83 : i1 to i32
        %cond3A_85 = arith.constant 0 : i32
        %cond3A_86 = arith.cmpi ne, %convert_element_type3A_84, %cond3A_85 : i32
        scf.if %cond3A_86 {
          %add3A_87 = arith.constant 1 : i32
          %add3A_88 = arith.addi %add3A_79, %add3A_87 : i32
          %ge3A = arith.constant 2 : i32
          %ge3A_89 = arith.cmpi sge, %add3A_88, %ge3A : i32
          %convert_element_type3A_90 = arith.extui %ge3A_89 : i1 to i32
          %cond3A_91 = arith.constant 0 : i32
          %cond3A_92 = arith.cmpi ne, %convert_element_type3A_90, %cond3A_91 : i32
          scf.if %cond3A_92 {
            %dma_wait3A_138 = arith.constant 0 : i32
            %dma_wait3A_139 = tpu.memref_slice %arg14[%dma_wait3A_138] : memref<2048000xf32, #tpu.memory_space<vmem_shared>> -> memref<2048000xf32, #tpu.memory_space<vmem_shared>>
            tpu.wait_indirect_dma semaphore(%arg15 : memref<!tpu.dma_semaphore, #tpu.memory_space<semaphore_mem>>) src(%arg12 : memref<48xf32, #tpu.memory_space<vmem>>) dst(%dma_wait3A_139 : memref<2048000xf32, #tpu.memory_space<vmem_shared>>)
          } else {
          }
          %add3A_93 = arith.constant 1 : i32
          %add3A_94 = arith.addi %add3A_79, %add3A_93 : i32
          %rem3A_95 = arith.constant 20 : i32
          %rem3A_96 = arith.remsi %add3A_94, %rem3A_95 : i32
          %eq3A_97 = arith.constant 0 : i32
          %eq3A_98 = arith.cmpi eq, %rem3A_96, %eq3A_97 : i32
          %convert_element_type3A_99 = arith.extui %eq3A_98 : i1 to i32
          %cond3A_100 = arith.constant 0 : i32
          %cond3A_101 = arith.cmpi ne, %convert_element_type3A_99, %cond3A_100 : i32
          scf.if %cond3A_101 {
            %mul3A_138 = arith.constant 420 : i32
            %mul3A_139 = arith.muli %arg1, %mul3A_138 : i32
            %add3A_140 = arith.addi %mul3A_139, %add3A_94 : i32
            %mul3A_141 = arith.constant 48 : i32
            %mul3A_142 = arith.muli %add3A_140, %mul3A_141 : i32
            "tpu.region"() ({
              %run_scoped3A = tpu.sem_alloc : memref<!tpu.dma_semaphore, #tpu.memory_space<semaphore_mem>>
              %dma_start3A_143 = tpu.memref_slice %arg2[%mul3A_142] : memref<322560xi32, #tpu.memory_space<hbm>> -> memref<960xi32, #tpu.memory_space<hbm>>
              %dma_start3A_144 = tpu.memref_slice %arg2[%mul3A_142] : memref<322560xi32, #tpu.memory_space<hbm>> -> memref<960xi32, #tpu.memory_space<hbm>>
              tpu.enqueue_dma source(%dma_start3A_144 : memref<960xi32, #tpu.memory_space<hbm>>) target(%arg8 : memref<960xi32, #tpu.memory_space<vmem>>) target_semaphore(%run_scoped3A : memref<!tpu.dma_semaphore, #tpu.memory_space<semaphore_mem>>)
              %dma_wait3A_145 = tpu.memref_slice %arg2[%mul3A_142] : memref<322560xi32, #tpu.memory_space<hbm>> -> memref<960xi32, #tpu.memory_space<hbm>>
              %dma_wait3A_146 = tpu.memref_slice %arg2[%mul3A_142] : memref<322560xi32, #tpu.memory_space<hbm>> -> memref<960xi32, #tpu.memory_space<hbm>>
              tpu.wait_dma2 semaphore(%run_scoped3A : memref<!tpu.dma_semaphore, #tpu.memory_space<semaphore_mem>>) src(%dma_wait3A_146 : memref<960xi32, #tpu.memory_space<hbm>>) dst(%arg8 : memref<960xi32, #tpu.memory_space<vmem>>)
              tpu.yield
            }) : () -> ()
            "tpu.region"() ({
              %run_scoped3A = tpu.sem_alloc : memref<!tpu.dma_semaphore, #tpu.memory_space<semaphore_mem>>
              %dma_start3A_143 = tpu.memref_slice %arg3[%mul3A_142] : memref<322560xf32, #tpu.memory_space<hbm>> -> memref<960xf32, #tpu.memory_space<hbm>>
              %dma_start3A_144 = tpu.memref_slice %arg3[%mul3A_142] : memref<322560xf32, #tpu.memory_space<hbm>> -> memref<960xf32, #tpu.memory_space<hbm>>
              tpu.enqueue_dma source(%dma_start3A_144 : memref<960xf32, #tpu.memory_space<hbm>>) target(%arg9 : memref<960xf32, #tpu.memory_space<vmem>>) target_semaphore(%run_scoped3A : memref<!tpu.dma_semaphore, #tpu.memory_space<semaphore_mem>>)
              %dma_wait3A_145 = tpu.memref_slice %arg3[%mul3A_142] : memref<322560xf32, #tpu.memory_space<hbm>> -> memref<960xf32, #tpu.memory_space<hbm>>
              %dma_wait3A_146 = tpu.memref_slice %arg3[%mul3A_142] : memref<322560xf32, #tpu.memory_space<hbm>> -> memref<960xf32, #tpu.memory_space<hbm>>
              tpu.wait_dma2 semaphore(%run_scoped3A : memref<!tpu.dma_semaphore, #tpu.memory_space<semaphore_mem>>) src(%dma_wait3A_146 : memref<960xf32, #tpu.memory_space<hbm>>) dst(%arg9 : memref<960xf32, #tpu.memory_space<vmem>>)
              tpu.yield
            }) : () -> ()
          } else {
          }
          %rem3A_102 = arith.constant 20 : i32
          %rem3A_103 = arith.remsi %add3A_94, %rem3A_102 : i32
          %mul3A_104 = arith.constant 48 : i32
          %mul3A_105 = arith.muli %rem3A_103, %mul3A_104 : i32
          %add3A_106 = arith.constant 0 : i32
          %add3A_107 = arith.addi %mul3A_105, %add3A_106 : i32
          %get3A_108 = arith.index_cast %add3A_107 : i32 to index
          %get3A_109 = tpu.vector_load %arg8[%get3A_108] {strides = array<i32>} : memref<960xi32, #tpu.memory_space<vmem>>, vector<16xi32>,
          %swap3A_110 = arith.constant 0 : index
          %swap3A_111 = tpu.vector_load %arg10[%swap3A_110] {strides = array<i32>} : memref<48xi32, #tpu.memory_space<vmem>>, vector<16xi32>,
          tpu.vector_store %arg10[%swap3A_110], %get3A_109 {strides = array<i32>} : memref<48xi32, #tpu.memory_space<vmem>>, vector<16xi32>,
          %get3A_112 = arith.index_cast %add3A_107 : i32 to index
          %get3A_113 = tpu.vector_load %arg9[%get3A_112] {strides = array<i32>} : memref<960xf32, #tpu.memory_space<vmem>>, vector<16xf32>,
          %swap3A_114 = arith.constant 0 : index
          %swap3A_115 = tpu.vector_load %arg12[%swap3A_114] {strides = array<i32>} : memref<48xf32, #tpu.memory_space<vmem>>, vector<16xf32>,
          tpu.vector_store %arg12[%swap3A_114], %get3A_113 {strides = array<i32>} : memref<48xf32, #tpu.memory_space<vmem>>, vector<16xf32>,
          %add3A_116 = arith.constant 16 : i32
          %add3A_117 = arith.addi %mul3A_105, %add3A_116 : i32
          %get3A_118 = arith.index_cast %add3A_117 : i32 to index
          %get3A_119 = tpu.vector_load %arg8[%get3A_118] {strides = array<i32>} : memref<960xi32, #tpu.memory_space<vmem>>, vector<16xi32>,
          %swap3A_120 = arith.constant 16 : index
          %swap3A_121 = tpu.vector_load %arg10[%swap3A_120] {strides = array<i32>} : memref<48xi32, #tpu.memory_space<vmem>>, vector<16xi32>,
          tpu.vector_store %arg10[%swap3A_120], %get3A_119 {strides = array<i32>} : memref<48xi32, #tpu.memory_space<vmem>>, vector<16xi32>,
          %get3A_122 = arith.index_cast %add3A_117 : i32 to index
          %get3A_123 = tpu.vector_load %arg9[%get3A_122] {strides = array<i32>} : memref<960xf32, #tpu.memory_space<vmem>>, vector<16xf32>,
          %swap3A_124 = arith.constant 16 : index
          %swap3A_125 = tpu.vector_load %arg12[%swap3A_124] {strides = array<i32>} : memref<48xf32, #tpu.memory_space<vmem>>, vector<16xf32>,
          tpu.vector_store %arg12[%swap3A_124], %get3A_123 {strides = array<i32>} : memref<48xf32, #tpu.memory_space<vmem>>, vector<16xf32>,
          %add3A_126 = arith.constant 32 : i32
          %add3A_127 = arith.addi %mul3A_105, %add3A_126 : i32
          %get3A_128 = arith.index_cast %add3A_127 : i32 to index
          %get3A_129 = tpu.vector_load %arg8[%get3A_128] {strides = array<i32>} : memref<960xi32, #tpu.memory_space<vmem>>, vector<16xi32>,
          %swap3A_130 = arith.constant 32 : index
          %swap3A_131 = tpu.vector_load %arg10[%swap3A_130] {strides = array<i32>} : memref<48xi32, #tpu.memory_space<vmem>>, vector<16xi32>,
          tpu.vector_store %arg10[%swap3A_130], %get3A_129 {strides = array<i32>} : memref<48xi32, #tpu.memory_space<vmem>>, vector<16xi32>,
          %get3A_132 = arith.index_cast %add3A_127 : i32 to index
          %get3A_133 = tpu.vector_load %arg9[%get3A_132] {strides = array<i32>} : memref<960xf32, #tpu.memory_space<vmem>>, vector<16xf32>,
          %swap3A_134 = arith.constant 32 : index
          %swap3A_135 = tpu.vector_load %arg12[%swap3A_134] {strides = array<i32>} : memref<48xf32, #tpu.memory_space<vmem>>, vector<16xf32>,
          tpu.vector_store %arg12[%swap3A_134], %get3A_133 {strides = array<i32>} : memref<48xf32, #tpu.memory_space<vmem>>, vector<16xf32>,
          %dma_start3A_136 = arith.constant 0 : i32
          %dma_start3A_137 = tpu.memref_slice %arg14[%dma_start3A_136] : memref<2048000xf32, #tpu.memory_space<vmem_shared>> -> memref<2048000xf32, #tpu.memory_space<vmem_shared>>
          tpu.enqueue_indirect_dma source(%arg12 : memref<48xf32, #tpu.memory_space<vmem>>) target(%dma_start3A_137 : memref<2048000xf32, #tpu.memory_space<vmem_shared>>) offsets(%arg10 : memref<48xi32, #tpu.memory_space<vmem>>) semaphore(%arg15 : memref<!tpu.dma_semaphore, #tpu.memory_space<semaphore_mem>>) {add = true}
        } else {
        }
      }
      %scan3A_53 = arith.constant 210 : i32
      %dma_wait3A = arith.constant 0 : i32
      %dma_wait3A_54 = tpu.memref_slice %arg14[%dma_wait3A] : memref<2048000xf32, #tpu.memory_space<vmem_shared>> -> memref<2048000xf32, #tpu.memory_space<vmem_shared>>
      tpu.wait_indirect_dma semaphore(%arg15 : memref<!tpu.dma_semaphore, #tpu.memory_space<semaphore_mem>>) src(%arg12 : memref<48xf32, #tpu.memory_space<vmem>>) dst(%dma_wait3A_54 : memref<2048000xf32, #tpu.memory_space<vmem_shared>>)
      %dma_wait3A_55 = arith.constant 0 : i32
      %dma_wait3A_56 = tpu.memref_slice %arg14[%dma_wait3A_55] : memref<2048000xf32, #tpu.memory_space<vmem_shared>> -> memref<2048000xf32, #tpu.memory_space<vmem_shared>>
      tpu.wait_indirect_dma semaphore(%arg16 : memref<!tpu.dma_semaphore, #tpu.memory_space<semaphore_mem>>) src(%arg13 : memref<48xf32, #tpu.memory_space<vmem>>) dst(%dma_wait3A_56 : memref<2048000xf32, #tpu.memory_space<vmem_shared>>)
      %barrier3A_57 = arith.constant 0 : index
      tpu.barrier barrier_id(%barrier3A_57)
      %mul3A_58 = arith.constant 128000 : i32
      %mul3A_59 = arith.muli %arg1, %mul3A_58 : i32
      %mul3A_60 = arith.constant 2048000 : i32
      %mul3A_61 = arith.muli %arg0, %mul3A_60 : i32
      %mul3A_62 = arith.constant 128000 : i32
      %mul3A_63 = arith.muli %arg1, %mul3A_62 : i32
      %add3A_64 = arith.addi %mul3A_61, %mul3A_63 : i32
      "tpu.region"() ({
        %run_scoped3A = tpu.sem_alloc : memref<!tpu.dma_semaphore, #tpu.memory_space<semaphore_mem>>
        %dma_start3A_65 = tpu.memref_slice %arg7[%add3A_64] : memref<4096000xf32, #tpu.memory_space<hbm>> -> memref<128000xf32, #tpu.memory_space<hbm>>
        %dma_start3A_66 = tpu.memref_slice %arg14[%mul3A_59] : memref<2048000xf32, #tpu.memory_space<vmem_shared>> -> memref<128000xf32, #tpu.memory_space<vmem_shared>>
        tpu.enqueue_dma source(%dma_start3A_66 : memref<128000xf32, #tpu.memory_space<vmem_shared>>) target(%dma_start3A_65 : memref<128000xf32, #tpu.memory_space<hbm>>) target_semaphore(%run_scoped3A : memref<!tpu.dma_semaphore, #tpu.memory_space<semaphore_mem>>)
        %dma_wait3A_67 = tpu.memref_slice %arg7[%add3A_64] : memref<4096000xf32, #tpu.memory_space<hbm>> -> memref<128000xf32, #tpu.memory_space<hbm>>
        %dma_wait3A_68 = tpu.memref_slice %arg14[%mul3A_59] : memref<2048000xf32, #tpu.memory_space<vmem_shared>> -> memref<128000xf32, #tpu.memory_space<vmem_shared>>
        tpu.wait_dma2 semaphore(%run_scoped3A : memref<!tpu.dma_semaphore, #tpu.memory_space<semaphore_mem>>) src(%dma_wait3A_68 : memref<128000xf32, #tpu.memory_space<vmem_shared>>) dst(%dma_wait3A_67 : memref<128000xf32, #tpu.memory_space<hbm>>)
        tpu.yield
      }) : () -> ()
    } else {
    }
    %eq3A_2 = arith.constant 1 : i32
    %eq3A_3 = arith.cmpi eq, %arg0, %eq3A_2 : i32
    %convert_element_type3A_4 = arith.extui %eq3A_3 : i1 to i32
    %cond3A_5 = arith.constant 0 : i32
    %cond3A_6 = arith.cmpi ne, %convert_element_type3A_4, %cond3A_5 : i32
    scf.if %cond3A_6 {
      %mul3A = arith.constant 128000 : i32
      %mul3A_7 = arith.muli %arg1, %mul3A : i32
      "tpu.region"() ({
        %run_scoped3A = tpu.sem_alloc : memref<!tpu.dma_semaphore, #tpu.memory_space<semaphore_mem>>
        %dma_start3A_65 = tpu.memref_slice %arg14[%mul3A_7] : memref<2048000xf32, #tpu.memory_space<vmem_shared>> -> memref<128000xf32, #tpu.memory_space<vmem_shared>>
        tpu.enqueue_dma source(%arg6 : memref<128000xf32, #tpu.memory_space<hbm>>) target(%dma_start3A_65 : memref<128000xf32, #tpu.memory_space<vmem_shared>>) target_semaphore(%run_scoped3A : memref<!tpu.dma_semaphore, #tpu.memory_space<semaphore_mem>>)
        %dma_wait3A_66 = tpu.memref_slice %arg14[%mul3A_7] : memref<2048000xf32, #tpu.memory_space<vmem_shared>> -> memref<128000xf32, #tpu.memory_space<vmem_shared>>
        tpu.wait_dma2 semaphore(%run_scoped3A : memref<!tpu.dma_semaphore, #tpu.memory_space<semaphore_mem>>) src(%arg6 : memref<128000xf32, #tpu.memory_space<hbm>>) dst(%dma_wait3A_66 : memref<128000xf32, #tpu.memory_space<vmem_shared>>)
        tpu.yield
      }) : () -> ()
      %barrier3A = arith.constant 0 : index
      tpu.barrier barrier_id(%barrier3A)
      %rem3A = arith.constant 0 : i32
      %rem3A_8 = arith.constant 20 : i32
      %rem3A_9 = arith.remsi %rem3A, %rem3A_8 : i32
      %eq3A_10 = arith.constant 0 : i32
      %eq3A_11 = arith.cmpi eq, %rem3A_9, %eq3A_10 : i32
      %convert_element_type3A_12 = arith.extui %eq3A_11 : i1 to i32
      %cond3A_13 = arith.constant 0 : i32
      %cond3A_14 = arith.constant 0 : i32
      %cond3A_15 = arith.cmpi ne, %convert_element_type3A_12, %cond3A_14 : i32
      scf.if %cond3A_15 {
        %mul3A_65 = arith.constant 420 : i32
        %mul3A_66 = arith.muli %arg1, %mul3A_65 : i32
        %add3A_67 = arith.addi %mul3A_66, %cond3A_13 : i32
        %mul3A_68 = arith.constant 48 : i32
        %mul3A_69 = arith.muli %add3A_67, %mul3A_68 : i32
        "tpu.region"() ({
          %run_scoped3A = tpu.sem_alloc : memref<!tpu.dma_semaphore, #tpu.memory_space<semaphore_mem>>
          %dma_start3A_70 = tpu.memref_slice %arg4[%mul3A_69] : memref<322560xi32, #tpu.memory_space<hbm>> -> memref<960xi32, #tpu.memory_space<hbm>>
          %dma_start3A_71 = tpu.memref_slice %arg4[%mul3A_69] : memref<322560xi32, #tpu.memory_space<hbm>> -> memref<960xi32, #tpu.memory_space<hbm>>
          tpu.enqueue_dma source(%dma_start3A_71 : memref<960xi32, #tpu.memory_space<hbm>>) target(%arg8 : memref<960xi32, #tpu.memory_space<vmem>>) target_semaphore(%run_scoped3A : memref<!tpu.dma_semaphore, #tpu.memory_space<semaphore_mem>>)
          %dma_wait3A_72 = tpu.memref_slice %arg4[%mul3A_69] : memref<322560xi32, #tpu.memory_space<hbm>> -> memref<960xi32, #tpu.memory_space<hbm>>
          %dma_wait3A_73 = tpu.memref_slice %arg4[%mul3A_69] : memref<322560xi32, #tpu.memory_space<hbm>> -> memref<960xi32, #tpu.memory_space<hbm>>
          tpu.wait_dma2 semaphore(%run_scoped3A : memref<!tpu.dma_semaphore, #tpu.memory_space<semaphore_mem>>) src(%dma_wait3A_73 : memref<960xi32, #tpu.memory_space<hbm>>) dst(%arg8 : memref<960xi32, #tpu.memory_space<vmem>>)
          tpu.yield
        }) : () -> ()
        "tpu.region"() ({
          %run_scoped3A = tpu.sem_alloc : memref<!tpu.dma_semaphore, #tpu.memory_space<semaphore_mem>>
          %dma_start3A_70 = tpu.memref_slice %arg5[%mul3A_69] : memref<322560xf32, #tpu.memory_space<hbm>> -> memref<960xf32, #tpu.memory_space<hbm>>
          %dma_start3A_71 = tpu.memref_slice %arg5[%mul3A_69] : memref<322560xf32, #tpu.memory_space<hbm>> -> memref<960xf32, #tpu.memory_space<hbm>>
          tpu.enqueue_dma source(%dma_start3A_71 : memref<960xf32, #tpu.memory_space<hbm>>) target(%arg9 : memref<960xf32, #tpu.memory_space<vmem>>) target_semaphore(%run_scoped3A : memref<!tpu.dma_semaphore, #tpu.memory_space<semaphore_mem>>)
          %dma_wait3A_72 = tpu.memref_slice %arg5[%mul3A_69] : memref<322560xf32, #tpu.memory_space<hbm>> -> memref<960xf32, #tpu.memory_space<hbm>>
          %dma_wait3A_73 = tpu.memref_slice %arg5[%mul3A_69] : memref<322560xf32, #tpu.memory_space<hbm>> -> memref<960xf32, #tpu.memory_space<hbm>>
          tpu.wait_dma2 semaphore(%run_scoped3A : memref<!tpu.dma_semaphore, #tpu.memory_space<semaphore_mem>>) src(%dma_wait3A_73 : memref<960xf32, #tpu.memory_space<hbm>>) dst(%arg9 : memref<960xf32, #tpu.memory_space<vmem>>)
          tpu.yield
        }) : () -> ()
      } else {
      }
      %rem3A_16 = arith.constant 0 : i32
      %rem3A_17 = arith.constant 20 : i32
      %rem3A_18 = arith.remsi %rem3A_16, %rem3A_17 : i32
      %mul3A_19 = arith.constant 48 : i32
      %mul3A_20 = arith.muli %rem3A_18, %mul3A_19 : i32
      %add3A = arith.constant 0 : i32
      %add3A_21 = arith.addi %mul3A_20, %add3A : i32
      %get3A = arith.index_cast %add3A_21 : i32 to index
      %get3A_22 = tpu.vector_load %arg8[%get3A] {strides = array<i32>} : memref<960xi32, #tpu.memory_space<vmem>>, vector<16xi32>,
      %swap3A = arith.constant 0 : index
      %swap3A_23 = tpu.vector_load %arg10[%swap3A] {strides = array<i32>} : memref<48xi32, #tpu.memory_space<vmem>>, vector<16xi32>,
      tpu.vector_store %arg10[%swap3A], %get3A_22 {strides = array<i32>} : memref<48xi32, #tpu.memory_space<vmem>>, vector<16xi32>,
      %get3A_24 = arith.index_cast %add3A_21 : i32 to index
      %get3A_25 = tpu.vector_load %arg9[%get3A_24] {strides = array<i32>} : memref<960xf32, #tpu.memory_space<vmem>>, vector<16xf32>,
      %swap3A_26 = arith.constant 0 : index
      %swap3A_27 = tpu.vector_load %arg12[%swap3A_26] {strides = array<i32>} : memref<48xf32, #tpu.memory_space<vmem>>, vector<16xf32>,
      tpu.vector_store %arg12[%swap3A_26], %get3A_25 {strides = array<i32>} : memref<48xf32, #tpu.memory_space<vmem>>, vector<16xf32>,
      %add3A_28 = arith.constant 16 : i32
      %add3A_29 = arith.addi %mul3A_20, %add3A_28 : i32
      %get3A_30 = arith.index_cast %add3A_29 : i32 to index
      %get3A_31 = tpu.vector_load %arg8[%get3A_30] {strides = array<i32>} : memref<960xi32, #tpu.memory_space<vmem>>, vector<16xi32>,
      %swap3A_32 = arith.constant 16 : index
      %swap3A_33 = tpu.vector_load %arg10[%swap3A_32] {strides = array<i32>} : memref<48xi32, #tpu.memory_space<vmem>>, vector<16xi32>,
      tpu.vector_store %arg10[%swap3A_32], %get3A_31 {strides = array<i32>} : memref<48xi32, #tpu.memory_space<vmem>>, vector<16xi32>,
      %get3A_34 = arith.index_cast %add3A_29 : i32 to index
      %get3A_35 = tpu.vector_load %arg9[%get3A_34] {strides = array<i32>} : memref<960xf32, #tpu.memory_space<vmem>>, vector<16xf32>,
      %swap3A_36 = arith.constant 16 : index
      %swap3A_37 = tpu.vector_load %arg12[%swap3A_36] {strides = array<i32>} : memref<48xf32, #tpu.memory_space<vmem>>, vector<16xf32>,
      tpu.vector_store %arg12[%swap3A_36], %get3A_35 {strides = array<i32>} : memref<48xf32, #tpu.memory_space<vmem>>, vector<16xf32>,
      %add3A_38 = arith.constant 32 : i32
      %add3A_39 = arith.addi %mul3A_20, %add3A_38 : i32
      %get3A_40 = arith.index_cast %add3A_39 : i32 to index
      %get3A_41 = tpu.vector_load %arg8[%get3A_40] {strides = array<i32>} : memref<960xi32, #tpu.memory_space<vmem>>, vector<16xi32>,
      %swap3A_42 = arith.constant 32 : index
      %swap3A_43 = tpu.vector_load %arg10[%swap3A_42] {strides = array<i32>} : memref<48xi32, #tpu.memory_space<vmem>>, vector<16xi32>,
      tpu.vector_store %arg10[%swap3A_42], %get3A_41 {strides = array<i32>} : memref<48xi32, #tpu.memory_space<vmem>>, vector<16xi32>,
      %get3A_44 = arith.index_cast %add3A_39 : i32 to index
      %get3A_45 = tpu.vector_load %arg9[%get3A_44] {strides = array<i32>} : memref<960xf32, #tpu.memory_space<vmem>>, vector<16xf32>,
      %swap3A_46 = arith.constant 32 : index
      %swap3A_47 = tpu.vector_load %arg12[%swap3A_46] {strides = array<i32>} : memref<48xf32, #tpu.memory_space<vmem>>, vector<16xf32>,
      tpu.vector_store %arg12[%swap3A_46], %get3A_45 {strides = array<i32>} : memref<48xf32, #tpu.memory_space<vmem>>, vector<16xf32>,
      %dma_start3A = arith.constant 0 : i32
      %dma_start3A_48 = tpu.memref_slice %arg14[%dma_start3A] : memref<2048000xf32, #tpu.memory_space<vmem_shared>> -> memref<2048000xf32, #tpu.memory_space<vmem_shared>>
      tpu.enqueue_indirect_dma source(%arg12 : memref<48xf32, #tpu.memory_space<vmem>>) target(%dma_start3A_48 : memref<2048000xf32, #tpu.memory_space<vmem_shared>>) offsets(%arg10 : memref<48xi32, #tpu.memory_space<vmem>>) semaphore(%arg15 : memref<!tpu.dma_semaphore, #tpu.memory_space<semaphore_mem>>) {add = true}
      %scan3A = arith.constant 0 : i32
      %scan3A_49 = arith.constant 0 : i32
      %scan3A_50 = arith.constant 210 : i32
      %scan3A_51 = arith.addi %scan3A_49, %scan3A_50 : i32
      %scan3A_52 = arith.constant 1 : i32
      scf.for %scan3A_65 = %scan3A_49 to %scan3A_51 step %scan3A_52  : i32 {
        %mul3A_66 = arith.constant 2 : i32
        %mul3A_67 = arith.muli %scan3A_65, %mul3A_66 : i32
        %add3A_68 = arith.constant 0 : i32
        %add3A_69 = arith.addi %mul3A_67, %add3A_68 : i32
        %add3A_70 = arith.constant 1 : i32
        %add3A_71 = arith.addi %add3A_69, %add3A_70 : i32
        %lt3A = arith.constant 420 : i32
        %lt3A_72 = arith.cmpi slt, %add3A_71, %lt3A : i32
        %convert_element_type3A_73 = arith.extui %lt3A_72 : i1 to i32
        %cond3A_74 = arith.constant 0 : i32
        %cond3A_75 = arith.cmpi ne, %convert_element_type3A_73, %cond3A_74 : i32
        scf.if %cond3A_75 {
          %add3A_87 = arith.constant 1 : i32
          %add3A_88 = arith.addi %add3A_69, %add3A_87 : i32
          %ge3A = arith.constant 2 : i32
          %ge3A_89 = arith.cmpi sge, %add3A_88, %ge3A : i32
          %convert_element_type3A_90 = arith.extui %ge3A_89 : i1 to i32
          %cond3A_91 = arith.constant 0 : i32
          %cond3A_92 = arith.cmpi ne, %convert_element_type3A_90, %cond3A_91 : i32
          scf.if %cond3A_92 {
            %dma_wait3A_138 = arith.constant 0 : i32
            %dma_wait3A_139 = tpu.memref_slice %arg14[%dma_wait3A_138] : memref<2048000xf32, #tpu.memory_space<vmem_shared>> -> memref<2048000xf32, #tpu.memory_space<vmem_shared>>
            tpu.wait_indirect_dma semaphore(%arg16 : memref<!tpu.dma_semaphore, #tpu.memory_space<semaphore_mem>>) src(%arg13 : memref<48xf32, #tpu.memory_space<vmem>>) dst(%dma_wait3A_139 : memref<2048000xf32, #tpu.memory_space<vmem_shared>>)
          } else {
          }
          %add3A_93 = arith.constant 1 : i32
          %add3A_94 = arith.addi %add3A_69, %add3A_93 : i32
          %rem3A_95 = arith.constant 20 : i32
          %rem3A_96 = arith.remsi %add3A_94, %rem3A_95 : i32
          %eq3A_97 = arith.constant 0 : i32
          %eq3A_98 = arith.cmpi eq, %rem3A_96, %eq3A_97 : i32
          %convert_element_type3A_99 = arith.extui %eq3A_98 : i1 to i32
          %cond3A_100 = arith.constant 0 : i32
          %cond3A_101 = arith.cmpi ne, %convert_element_type3A_99, %cond3A_100 : i32
          scf.if %cond3A_101 {
            %mul3A_138 = arith.constant 420 : i32
            %mul3A_139 = arith.muli %arg1, %mul3A_138 : i32
            %add3A_140 = arith.addi %mul3A_139, %add3A_94 : i32
            %mul3A_141 = arith.constant 48 : i32
            %mul3A_142 = arith.muli %add3A_140, %mul3A_141 : i32
            "tpu.region"() ({
              %run_scoped3A = tpu.sem_alloc : memref<!tpu.dma_semaphore, #tpu.memory_space<semaphore_mem>>
              %dma_start3A_143 = tpu.memref_slice %arg4[%mul3A_142] : memref<322560xi32, #tpu.memory_space<hbm>> -> memref<960xi32, #tpu.memory_space<hbm>>
              %dma_start3A_144 = tpu.memref_slice %arg4[%mul3A_142] : memref<322560xi32, #tpu.memory_space<hbm>> -> memref<960xi32, #tpu.memory_space<hbm>>
              tpu.enqueue_dma source(%dma_start3A_144 : memref<960xi32, #tpu.memory_space<hbm>>) target(%arg8 : memref<960xi32, #tpu.memory_space<vmem>>) target_semaphore(%run_scoped3A : memref<!tpu.dma_semaphore, #tpu.memory_space<semaphore_mem>>)
              %dma_wait3A_145 = tpu.memref_slice %arg4[%mul3A_142] : memref<322560xi32, #tpu.memory_space<hbm>> -> memref<960xi32, #tpu.memory_space<hbm>>
              %dma_wait3A_146 = tpu.memref_slice %arg4[%mul3A_142] : memref<322560xi32, #tpu.memory_space<hbm>> -> memref<960xi32, #tpu.memory_space<hbm>>
              tpu.wait_dma2 semaphore(%run_scoped3A : memref<!tpu.dma_semaphore, #tpu.memory_space<semaphore_mem>>) src(%dma_wait3A_146 : memref<960xi32, #tpu.memory_space<hbm>>) dst(%arg8 : memref<960xi32, #tpu.memory_space<vmem>>)
              tpu.yield
            }) : () -> ()
            "tpu.region"() ({
              %run_scoped3A = tpu.sem_alloc : memref<!tpu.dma_semaphore, #tpu.memory_space<semaphore_mem>>
              %dma_start3A_143 = tpu.memref_slice %arg5[%mul3A_142] : memref<322560xf32, #tpu.memory_space<hbm>> -> memref<960xf32, #tpu.memory_space<hbm>>
              %dma_start3A_144 = tpu.memref_slice %arg5[%mul3A_142] : memref<322560xf32, #tpu.memory_space<hbm>> -> memref<960xf32, #tpu.memory_space<hbm>>
              tpu.enqueue_dma source(%dma_start3A_144 : memref<960xf32, #tpu.memory_space<hbm>>) target(%arg9 : memref<960xf32, #tpu.memory_space<vmem>>) target_semaphore(%run_scoped3A : memref<!tpu.dma_semaphore, #tpu.memory_space<semaphore_mem>>)
              %dma_wait3A_145 = tpu.memref_slice %arg5[%mul3A_142] : memref<322560xf32, #tpu.memory_space<hbm>> -> memref<960xf32, #tpu.memory_space<hbm>>
              %dma_wait3A_146 = tpu.memref_slice %arg5[%mul3A_142] : memref<322560xf32, #tpu.memory_space<hbm>> -> memref<960xf32, #tpu.memory_space<hbm>>
              tpu.wait_dma2 semaphore(%run_scoped3A : memref<!tpu.dma_semaphore, #tpu.memory_space<semaphore_mem>>) src(%dma_wait3A_146 : memref<960xf32, #tpu.memory_space<hbm>>) dst(%arg9 : memref<960xf32, #tpu.memory_space<vmem>>)
              tpu.yield
            }) : () -> ()
          } else {
          }
          %rem3A_102 = arith.constant 20 : i32
          %rem3A_103 = arith.remsi %add3A_94, %rem3A_102 : i32
          %mul3A_104 = arith.constant 48 : i32
          %mul3A_105 = arith.muli %rem3A_103, %mul3A_104 : i32
          %add3A_106 = arith.constant 0 : i32
          %add3A_107 = arith.addi %mul3A_105, %add3A_106 : i32
          %get3A_108 = arith.index_cast %add3A_107 : i32 to index
          %get3A_109 = tpu.vector_load %arg8[%get3A_108] {strides = array<i32>} : memref<960xi32, #tpu.memory_space<vmem>>, vector<16xi32>,
          %swap3A_110 = arith.constant 0 : index
          %swap3A_111 = tpu.vector_load %arg11[%swap3A_110] {strides = array<i32>} : memref<48xi32, #tpu.memory_space<vmem>>, vector<16xi32>,
          tpu.vector_store %arg11[%swap3A_110], %get3A_109 {strides = array<i32>} : memref<48xi32, #tpu.memory_space<vmem>>, vector<16xi32>,
          %get3A_112 = arith.index_cast %add3A_107 : i32 to index
          %get3A_113 = tpu.vector_load %arg9[%get3A_112] {strides = array<i32>} : memref<960xf32, #tpu.memory_space<vmem>>, vector<16xf32>,
          %swap3A_114 = arith.constant 0 : index
          %swap3A_115 = tpu.vector_load %arg13[%swap3A_114] {strides = array<i32>} : memref<48xf32, #tpu.memory_space<vmem>>, vector<16xf32>,
          tpu.vector_store %arg13[%swap3A_114], %get3A_113 {strides = array<i32>} : memref<48xf32, #tpu.memory_space<vmem>>, vector<16xf32>,
          %add3A_116 = arith.constant 16 : i32
          %add3A_117 = arith.addi %mul3A_105, %add3A_116 : i32
          %get3A_118 = arith.index_cast %add3A_117 : i32 to index
          %get3A_119 = tpu.vector_load %arg8[%get3A_118] {strides = array<i32>} : memref<960xi32, #tpu.memory_space<vmem>>, vector<16xi32>,
          %swap3A_120 = arith.constant 16 : index
          %swap3A_121 = tpu.vector_load %arg11[%swap3A_120] {strides = array<i32>} : memref<48xi32, #tpu.memory_space<vmem>>, vector<16xi32>,
          tpu.vector_store %arg11[%swap3A_120], %get3A_119 {strides = array<i32>} : memref<48xi32, #tpu.memory_space<vmem>>, vector<16xi32>,
          %get3A_122 = arith.index_cast %add3A_117 : i32 to index
          %get3A_123 = tpu.vector_load %arg9[%get3A_122] {strides = array<i32>} : memref<960xf32, #tpu.memory_space<vmem>>, vector<16xf32>,
          %swap3A_124 = arith.constant 16 : index
          %swap3A_125 = tpu.vector_load %arg13[%swap3A_124] {strides = array<i32>} : memref<48xf32, #tpu.memory_space<vmem>>, vector<16xf32>,
          tpu.vector_store %arg13[%swap3A_124], %get3A_123 {strides = array<i32>} : memref<48xf32, #tpu.memory_space<vmem>>, vector<16xf32>,
          %add3A_126 = arith.constant 32 : i32
          %add3A_127 = arith.addi %mul3A_105, %add3A_126 : i32
          %get3A_128 = arith.index_cast %add3A_127 : i32 to index
          %get3A_129 = tpu.vector_load %arg8[%get3A_128] {strides = array<i32>} : memref<960xi32, #tpu.memory_space<vmem>>, vector<16xi32>,
          %swap3A_130 = arith.constant 32 : index
          %swap3A_131 = tpu.vector_load %arg11[%swap3A_130] {strides = array<i32>} : memref<48xi32, #tpu.memory_space<vmem>>, vector<16xi32>,
          tpu.vector_store %arg11[%swap3A_130], %get3A_129 {strides = array<i32>} : memref<48xi32, #tpu.memory_space<vmem>>, vector<16xi32>,
          %get3A_132 = arith.index_cast %add3A_127 : i32 to index
          %get3A_133 = tpu.vector_load %arg9[%get3A_132] {strides = array<i32>} : memref<960xf32, #tpu.memory_space<vmem>>, vector<16xf32>,
          %swap3A_134 = arith.constant 32 : index
          %swap3A_135 = tpu.vector_load %arg13[%swap3A_134] {strides = array<i32>} : memref<48xf32, #tpu.memory_space<vmem>>, vector<16xf32>,
          tpu.vector_store %arg13[%swap3A_134], %get3A_133 {strides = array<i32>} : memref<48xf32, #tpu.memory_space<vmem>>, vector<16xf32>,
          %dma_start3A_136 = arith.constant 0 : i32
          %dma_start3A_137 = tpu.memref_slice %arg14[%dma_start3A_136] : memref<2048000xf32, #tpu.memory_space<vmem_shared>> -> memref<2048000xf32, #tpu.memory_space<vmem_shared>>
          tpu.enqueue_indirect_dma source(%arg13 : memref<48xf32, #tpu.memory_space<vmem>>) target(%dma_start3A_137 : memref<2048000xf32, #tpu.memory_space<vmem_shared>>) offsets(%arg11 : memref<48xi32, #tpu.memory_space<vmem>>) semaphore(%arg16 : memref<!tpu.dma_semaphore, #tpu.memory_space<semaphore_mem>>) {add = true}
        } else {
        }
        %mul3A_76 = arith.constant 2 : i32
        %mul3A_77 = arith.muli %scan3A_65, %mul3A_76 : i32
        %add3A_78 = arith.constant 1 : i32
        %add3A_79 = arith.addi %mul3A_77, %add3A_78 : i32
        %add3A_80 = arith.constant 1 : i32
        %add3A_81 = arith.addi %add3A_79, %add3A_80 : i32
        %lt3A_82 = arith.constant 420 : i32
        %lt3A_83 = arith.cmpi slt, %add3A_81, %lt3A_82 : i32
        %convert_element_type3A_84 = arith.extui %lt3A_83 : i1 to i32
        %cond3A_85 = arith.constant 0 : i32
        %cond3A_86 = arith.cmpi ne, %convert_element_type3A_84, %cond3A_85 : i32
        scf.if %cond3A_86 {
          %add3A_87 = arith.constant 1 : i32
          %add3A_88 = arith.addi %add3A_79, %add3A_87 : i32
          %ge3A = arith.constant 2 : i32
          %ge3A_89 = arith.cmpi sge, %add3A_88, %ge3A : i32
          %convert_element_type3A_90 = arith.extui %ge3A_89 : i1 to i32
          %cond3A_91 = arith.constant 0 : i32
          %cond3A_92 = arith.cmpi ne, %convert_element_type3A_90, %cond3A_91 : i32
          scf.if %cond3A_92 {
            %dma_wait3A_138 = arith.constant 0 : i32
            %dma_wait3A_139 = tpu.memref_slice %arg14[%dma_wait3A_138] : memref<2048000xf32, #tpu.memory_space<vmem_shared>> -> memref<2048000xf32, #tpu.memory_space<vmem_shared>>
            tpu.wait_indirect_dma semaphore(%arg15 : memref<!tpu.dma_semaphore, #tpu.memory_space<semaphore_mem>>) src(%arg12 : memref<48xf32, #tpu.memory_space<vmem>>) dst(%dma_wait3A_139 : memref<2048000xf32, #tpu.memory_space<vmem_shared>>)
          } else {
          }
          %add3A_93 = arith.constant 1 : i32
          %add3A_94 = arith.addi %add3A_79, %add3A_93 : i32
          %rem3A_95 = arith.constant 20 : i32
          %rem3A_96 = arith.remsi %add3A_94, %rem3A_95 : i32
          %eq3A_97 = arith.constant 0 : i32
          %eq3A_98 = arith.cmpi eq, %rem3A_96, %eq3A_97 : i32
          %convert_element_type3A_99 = arith.extui %eq3A_98 : i1 to i32
          %cond3A_100 = arith.constant 0 : i32
          %cond3A_101 = arith.cmpi ne, %convert_element_type3A_99, %cond3A_100 : i32
          scf.if %cond3A_101 {
            %mul3A_138 = arith.constant 420 : i32
            %mul3A_139 = arith.muli %arg1, %mul3A_138 : i32
            %add3A_140 = arith.addi %mul3A_139, %add3A_94 : i32
            %mul3A_141 = arith.constant 48 : i32
            %mul3A_142 = arith.muli %add3A_140, %mul3A_141 : i32
            "tpu.region"() ({
              %run_scoped3A = tpu.sem_alloc : memref<!tpu.dma_semaphore, #tpu.memory_space<semaphore_mem>>
              %dma_start3A_143 = tpu.memref_slice %arg4[%mul3A_142] : memref<322560xi32, #tpu.memory_space<hbm>> -> memref<960xi32, #tpu.memory_space<hbm>>
              %dma_start3A_144 = tpu.memref_slice %arg4[%mul3A_142] : memref<322560xi32, #tpu.memory_space<hbm>> -> memref<960xi32, #tpu.memory_space<hbm>>
              tpu.enqueue_dma source(%dma_start3A_144 : memref<960xi32, #tpu.memory_space<hbm>>) target(%arg8 : memref<960xi32, #tpu.memory_space<vmem>>) target_semaphore(%run_scoped3A : memref<!tpu.dma_semaphore, #tpu.memory_space<semaphore_mem>>)
              %dma_wait3A_145 = tpu.memref_slice %arg4[%mul3A_142] : memref<322560xi32, #tpu.memory_space<hbm>> -> memref<960xi32, #tpu.memory_space<hbm>>
              %dma_wait3A_146 = tpu.memref_slice %arg4[%mul3A_142] : memref<322560xi32, #tpu.memory_space<hbm>> -> memref<960xi32, #tpu.memory_space<hbm>>
              tpu.wait_dma2 semaphore(%run_scoped3A : memref<!tpu.dma_semaphore, #tpu.memory_space<semaphore_mem>>) src(%dma_wait3A_146 : memref<960xi32, #tpu.memory_space<hbm>>) dst(%arg8 : memref<960xi32, #tpu.memory_space<vmem>>)
              tpu.yield
            }) : () -> ()
            "tpu.region"() ({
              %run_scoped3A = tpu.sem_alloc : memref<!tpu.dma_semaphore, #tpu.memory_space<semaphore_mem>>
              %dma_start3A_143 = tpu.memref_slice %arg5[%mul3A_142] : memref<322560xf32, #tpu.memory_space<hbm>> -> memref<960xf32, #tpu.memory_space<hbm>>
              %dma_start3A_144 = tpu.memref_slice %arg5[%mul3A_142] : memref<322560xf32, #tpu.memory_space<hbm>> -> memref<960xf32, #tpu.memory_space<hbm>>
              tpu.enqueue_dma source(%dma_start3A_144 : memref<960xf32, #tpu.memory_space<hbm>>) target(%arg9 : memref<960xf32, #tpu.memory_space<vmem>>) target_semaphore(%run_scoped3A : memref<!tpu.dma_semaphore, #tpu.memory_space<semaphore_mem>>)
              %dma_wait3A_145 = tpu.memref_slice %arg5[%mul3A_142] : memref<322560xf32, #tpu.memory_space<hbm>> -> memref<960xf32, #tpu.memory_space<hbm>>
              %dma_wait3A_146 = tpu.memref_slice %arg5[%mul3A_142] : memref<322560xf32, #tpu.memory_space<hbm>> -> memref<960xf32, #tpu.memory_space<hbm>>
              tpu.wait_dma2 semaphore(%run_scoped3A : memref<!tpu.dma_semaphore, #tpu.memory_space<semaphore_mem>>) src(%dma_wait3A_146 : memref<960xf32, #tpu.memory_space<hbm>>) dst(%arg9 : memref<960xf32, #tpu.memory_space<vmem>>)
              tpu.yield
            }) : () -> ()
          } else {
          }
          %rem3A_102 = arith.constant 20 : i32
          %rem3A_103 = arith.remsi %add3A_94, %rem3A_102 : i32
          %mul3A_104 = arith.constant 48 : i32
          %mul3A_105 = arith.muli %rem3A_103, %mul3A_104 : i32
          %add3A_106 = arith.constant 0 : i32
          %add3A_107 = arith.addi %mul3A_105, %add3A_106 : i32
          %get3A_108 = arith.index_cast %add3A_107 : i32 to index
          %get3A_109 = tpu.vector_load %arg8[%get3A_108] {strides = array<i32>} : memref<960xi32, #tpu.memory_space<vmem>>, vector<16xi32>,
          %swap3A_110 = arith.constant 0 : index
          %swap3A_111 = tpu.vector_load %arg10[%swap3A_110] {strides = array<i32>} : memref<48xi32, #tpu.memory_space<vmem>>, vector<16xi32>,
          tpu.vector_store %arg10[%swap3A_110], %get3A_109 {strides = array<i32>} : memref<48xi32, #tpu.memory_space<vmem>>, vector<16xi32>,
          %get3A_112 = arith.index_cast %add3A_107 : i32 to index
          %get3A_113 = tpu.vector_load %arg9[%get3A_112] {strides = array<i32>} : memref<960xf32, #tpu.memory_space<vmem>>, vector<16xf32>,
          %swap3A_114 = arith.constant 0 : index
          %swap3A_115 = tpu.vector_load %arg12[%swap3A_114] {strides = array<i32>} : memref<48xf32, #tpu.memory_space<vmem>>, vector<16xf32>,
          tpu.vector_store %arg12[%swap3A_114], %get3A_113 {strides = array<i32>} : memref<48xf32, #tpu.memory_space<vmem>>, vector<16xf32>,
          %add3A_116 = arith.constant 16 : i32
          %add3A_117 = arith.addi %mul3A_105, %add3A_116 : i32
          %get3A_118 = arith.index_cast %add3A_117 : i32 to index
          %get3A_119 = tpu.vector_load %arg8[%get3A_118] {strides = array<i32>} : memref<960xi32, #tpu.memory_space<vmem>>, vector<16xi32>,
          %swap3A_120 = arith.constant 16 : index
          %swap3A_121 = tpu.vector_load %arg10[%swap3A_120] {strides = array<i32>} : memref<48xi32, #tpu.memory_space<vmem>>, vector<16xi32>,
          tpu.vector_store %arg10[%swap3A_120], %get3A_119 {strides = array<i32>} : memref<48xi32, #tpu.memory_space<vmem>>, vector<16xi32>,
          %get3A_122 = arith.index_cast %add3A_117 : i32 to index
          %get3A_123 = tpu.vector_load %arg9[%get3A_122] {strides = array<i32>} : memref<960xf32, #tpu.memory_space<vmem>>, vector<16xf32>,
          %swap3A_124 = arith.constant 16 : index
          %swap3A_125 = tpu.vector_load %arg12[%swap3A_124] {strides = array<i32>} : memref<48xf32, #tpu.memory_space<vmem>>, vector<16xf32>,
          tpu.vector_store %arg12[%swap3A_124], %get3A_123 {strides = array<i32>} : memref<48xf32, #tpu.memory_space<vmem>>, vector<16xf32>,
          %add3A_126 = arith.constant 32 : i32
          %add3A_127 = arith.addi %mul3A_105, %add3A_126 : i32
          %get3A_128 = arith.index_cast %add3A_127 : i32 to index
          %get3A_129 = tpu.vector_load %arg8[%get3A_128] {strides = array<i32>} : memref<960xi32, #tpu.memory_space<vmem>>, vector<16xi32>,
          %swap3A_130 = arith.constant 32 : index
          %swap3A_131 = tpu.vector_load %arg10[%swap3A_130] {strides = array<i32>} : memref<48xi32, #tpu.memory_space<vmem>>, vector<16xi32>,
          tpu.vector_store %arg10[%swap3A_130], %get3A_129 {strides = array<i32>} : memref<48xi32, #tpu.memory_space<vmem>>, vector<16xi32>,
          %get3A_132 = arith.index_cast %add3A_127 : i32 to index
          %get3A_133 = tpu.vector_load %arg9[%get3A_132] {strides = array<i32>} : memref<960xf32, #tpu.memory_space<vmem>>, vector<16xf32>,
          %swap3A_134 = arith.constant 32 : index
          %swap3A_135 = tpu.vector_load %arg12[%swap3A_134] {strides = array<i32>} : memref<48xf32, #tpu.memory_space<vmem>>, vector<16xf32>,
          tpu.vector_store %arg12[%swap3A_134], %get3A_133 {strides = array<i32>} : memref<48xf32, #tpu.memory_space<vmem>>, vector<16xf32>,
          %dma_start3A_136 = arith.constant 0 : i32
          %dma_start3A_137 = tpu.memref_slice %arg14[%dma_start3A_136] : memref<2048000xf32, #tpu.memory_space<vmem_shared>> -> memref<2048000xf32, #tpu.memory_space<vmem_shared>>
          tpu.enqueue_indirect_dma source(%arg12 : memref<48xf32, #tpu.memory_space<vmem>>) target(%dma_start3A_137 : memref<2048000xf32, #tpu.memory_space<vmem_shared>>) offsets(%arg10 : memref<48xi32, #tpu.memory_space<vmem>>) semaphore(%arg15 : memref<!tpu.dma_semaphore, #tpu.memory_space<semaphore_mem>>) {add = true}
        } else {
        }
      }
      %scan3A_53 = arith.constant 210 : i32
      %dma_wait3A = arith.constant 0 : i32
      %dma_wait3A_54 = tpu.memref_slice %arg14[%dma_wait3A] : memref<2048000xf32, #tpu.memory_space<vmem_shared>> -> memref<2048000xf32, #tpu.memory_space<vmem_shared>>
      tpu.wait_indirect_dma semaphore(%arg15 : memref<!tpu.dma_semaphore, #tpu.memory_space<semaphore_mem>>) src(%arg12 : memref<48xf32, #tpu.memory_space<vmem>>) dst(%dma_wait3A_54 : memref<2048000xf32, #tpu.memory_space<vmem_shared>>)
      %dma_wait3A_55 = arith.constant 0 : i32
      %dma_wait3A_56 = tpu.memref_slice %arg14[%dma_wait3A_55] : memref<2048000xf32, #tpu.memory_space<vmem_shared>> -> memref<2048000xf32, #tpu.memory_space<vmem_shared>>
      tpu.wait_indirect_dma semaphore(%arg16 : memref<!tpu.dma_semaphore, #tpu.memory_space<semaphore_mem>>) src(%arg13 : memref<48xf32, #tpu.memory_space<vmem>>) dst(%dma_wait3A_56 : memref<2048000xf32, #tpu.memory_space<vmem_shared>>)
      %barrier3A_57 = arith.constant 0 : index
      tpu.barrier barrier_id(%barrier3A_57)
      %mul3A_58 = arith.constant 128000 : i32
      %mul3A_59 = arith.muli %arg1, %mul3A_58 : i32
      %mul3A_60 = arith.constant 2048000 : i32
      %mul3A_61 = arith.muli %arg0, %mul3A_60 : i32
      %mul3A_62 = arith.constant 128000 : i32
      %mul3A_63 = arith.muli %arg1, %mul3A_62 : i32
      %add3A_64 = arith.addi %mul3A_61, %mul3A_63 : i32
      "tpu.region"() ({
        %run_scoped3A = tpu.sem_alloc : memref<!tpu.dma_semaphore, #tpu.memory_space<semaphore_mem>>
        %dma_start3A_65 = tpu.memref_slice %arg7[%add3A_64] : memref<4096000xf32, #tpu.memory_space<hbm>> -> memref<128000xf32, #tpu.memory_space<hbm>>
        %dma_start3A_66 = tpu.memref_slice %arg14[%mul3A_59] : memref<2048000xf32, #tpu.memory_space<vmem_shared>> -> memref<128000xf32, #tpu.memory_space<vmem_shared>>
        tpu.enqueue_dma source(%dma_start3A_66 : memref<128000xf32, #tpu.memory_space<vmem_shared>>) target(%dma_start3A_65 : memref<128000xf32, #tpu.memory_space<hbm>>) target_semaphore(%run_scoped3A : memref<!tpu.dma_semaphore, #tpu.memory_space<semaphore_mem>>)
        %dma_wait3A_67 = tpu.memref_slice %arg7[%add3A_64] : memref<4096000xf32, #tpu.memory_space<hbm>> -> memref<128000xf32, #tpu.memory_space<hbm>>
        %dma_wait3A_68 = tpu.memref_slice %arg14[%mul3A_59] : memref<2048000xf32, #tpu.memory_space<vmem_shared>> -> memref<128000xf32, #tpu.memory_space<vmem_shared>>
        tpu.wait_dma2 semaphore(%run_scoped3A : memref<!tpu.dma_semaphore, #tpu.memory_space<semaphore_mem>>) src(%dma_wait3A_68 : memref<128000xf32, #tpu.memory_space<vmem_shared>>) dst(%dma_wait3A_67 : memref<128000xf32, #tpu.memory_space<hbm>>)
        tpu.yield
      }) : () -> ()
    } else {
    }
    return
  }
}

#map = affine_map<(d0, d1) -> (0, 0)>
#map1 = affine_map<(d0, d1) -> (0)>
module attributes {stable_mosaic.version = 14 : i64} {
  func.func @sc_kernel(%arg0: i32, %arg1: i32, %arg2: memref<20000x128xf32, #tpu.memory_space<hbm>>, %arg3: memref<322560xi32, #tpu.memory_space<hbm>>, %arg4: memref<322560xi32, #tpu.memory_space<hbm>>, %arg5: memref<322560xf32, #tpu.memory_space<hbm>>, %arg6: memref<322560xi32, #tpu.memory_space<hbm>>, %arg7: memref<322560xi32, #tpu.memory_space<hbm>>, %arg8: memref<322560xf32, #tpu.memory_space<hbm>>, %arg9: memref<632x128xf32, #tpu.memory_space<hbm>>, %arg10: memref<40448x128xf32, #tpu.memory_space<hbm>>, %arg11: memref<960xi32, #tpu.memory_space<vmem>>, %arg12: memref<960xi32, #tpu.memory_space<vmem>>, %arg13: memref<960xf32, #tpu.memory_space<vmem>>, %arg14: memref<48xi32, #tpu.memory_space<vmem>>, %arg15: memref<48xi32, #tpu.memory_space<vmem>>, %arg16: memref<48xi32, #tpu.memory_space<vmem>>, %arg17: memref<48xi32, #tpu.memory_space<vmem>>, %arg18: memref<64xf32, #tpu.memory_space<vmem>>, %arg19: memref<64xf32, #tpu.memory_space<vmem>>, %arg20: memref<48x128xf32, #tpu.memory_space<vmem>>, %arg21: memref<48x128xf32, #tpu.memory_space<vmem>>, %arg22: memref<48x128xf32, #tpu.memory_space<vmem>>, %arg23: memref<10112x128xf32, #tpu.memory_space<vmem_shared>>, %arg24: memref<!tpu.dma_semaphore, #tpu.memory_space<semaphore_mem>>, %arg25: memref<!tpu.dma_semaphore, #tpu.memory_space<semaphore_mem>>, %arg26: memref<!tpu.dma_semaphore, #tpu.memory_space<semaphore_mem>>) attributes {dimension_semantics = [#tpu.dimension_semantics<core_parallel>, #tpu.dimension_semantics<subcore_parallel>], iteration_bounds = array<i64: 2, 16>, scalar_prefetch = 0 : i64, scratch_operands = 16 : i64, tpu.core_type = #tpu.core_type<sc_vector_subcore>, window_params = [{transform_indices = #map}, {transform_indices = #map1}, {transform_indices = #map1}, {transform_indices = #map1}, {transform_indices = #map1}, {transform_indices = #map1}, {transform_indices = #map1}, {transform_indices = #map}, {transform_indices = #map}]} {
    %iota3A = tpu.iota {dimensions = array<i32: 0>} : vector<16xi32>
    %scan3A = arith.constant 0 : i32
    %scan3A_0 = arith.constant 0 : i32
    %scan3A_1 = arith.constant 2 : i32
    %scan3A_2 = arith.addi %scan3A_0, %scan3A_1 : i32
    %scan3A_3 = arith.constant 1 : i32
    scf.for %scan3A_5 = %scan3A_0 to %scan3A_2 step %scan3A_3  : i32 {
      %eq3A = arith.constant 0 : i32
      %eq3A_6 = arith.cmpi eq, %arg0, %eq3A : i32
      %convert_element_type3A = arith.extui %eq3A_6 : i1 to i32
      %cond3A = arith.constant 0 : i32
      %cond3A_7 = arith.cmpi ne, %convert_element_type3A, %cond3A : i32
      scf.if %cond3A_7 {
        %mul3A = arith.constant 2 : i32
        %mul3A_13 = arith.muli %arg0, %mul3A : i32
        %add3A = arith.addi %mul3A_13, %scan3A_5 : i32
        %mul3A_14 = arith.constant 10000 : i32
        %mul3A_15 = arith.muli %scan3A_5, %mul3A_14 : i32
        %mul3A_16 = arith.constant 10112 : i32
        %mul3A_17 = arith.muli %add3A, %mul3A_16 : i32
        %mul3A_18 = arith.constant 632 : i32
        %mul3A_19 = arith.muli %arg1, %mul3A_18 : i32
        "tpu.region"() ({
          %run_scoped3A = tpu.sem_alloc : memref<!tpu.dma_semaphore, #tpu.memory_space<semaphore_mem>>
          %dma_start3A_96 = arith.constant 0 : i32
          %dma_start3A_97 = tpu.memref_slice %arg23[%mul3A_19, %dma_start3A_96] : memref<10112x128xf32, #tpu.memory_space<vmem_shared>> -> memref<632x128xf32, #tpu.memory_space<vmem_shared>>
          tpu.enqueue_dma source(%arg9 : memref<632x128xf32, #tpu.memory_space<hbm>>) target(%dma_start3A_97 : memref<632x128xf32, #tpu.memory_space<vmem_shared>>) target_semaphore(%run_scoped3A : memref<!tpu.dma_semaphore, #tpu.memory_space<semaphore_mem>>)
          %dma_wait3A_98 = arith.constant 0 : i32
          %dma_wait3A_99 = tpu.memref_slice %arg23[%mul3A_19, %dma_wait3A_98] : memref<10112x128xf32, #tpu.memory_space<vmem_shared>> -> memref<632x128xf32, #tpu.memory_space<vmem_shared>>
          tpu.wait_dma2 semaphore(%run_scoped3A : memref<!tpu.dma_semaphore, #tpu.memory_space<semaphore_mem>>) src(%arg9 : memref<632x128xf32, #tpu.memory_space<hbm>>) dst(%dma_wait3A_99 : memref<632x128xf32, #tpu.memory_space<vmem_shared>>)
          tpu.yield
        }) : () -> ()
        %barrier3A = arith.constant 0 : index
        tpu.barrier barrier_id(%barrier3A)
        %rem3A = arith.constant 0 : i32
        %rem3A_20 = arith.constant 20 : i32
        %rem3A_21 = arith.remsi %rem3A, %rem3A_20 : i32
        %eq3A_22 = arith.constant 0 : i32
        %eq3A_23 = arith.cmpi eq, %rem3A_21, %eq3A_22 : i32
        %convert_element_type3A_24 = arith.extui %eq3A_23 : i1 to i32
        %cond3A_25 = arith.constant 0 : i32
        %cond3A_26 = arith.constant 0 : i32
        %cond3A_27 = arith.cmpi ne, %convert_element_type3A_24, %cond3A_26 : i32
        scf.if %cond3A_27 {
          %mul3A_96 = arith.constant 420 : i32
          %mul3A_97 = arith.muli %arg1, %mul3A_96 : i32
          %add3A_98 = arith.addi %mul3A_97, %cond3A_25 : i32
          %mul3A_99 = arith.constant 48 : i32
          %mul3A_100 = arith.muli %add3A_98, %mul3A_99 : i32
          "tpu.region"() ({
            %run_scoped3A = tpu.sem_alloc : memref<!tpu.dma_semaphore, #tpu.memory_space<semaphore_mem>>
            %dma_start3A_101 = tpu.memref_slice %arg3[%mul3A_100] : memref<322560xi32, #tpu.memory_space<hbm>> -> memref<960xi32, #tpu.memory_space<hbm>>
            %dma_start3A_102 = tpu.memref_slice %arg3[%mul3A_100] : memref<322560xi32, #tpu.memory_space<hbm>> -> memref<960xi32, #tpu.memory_space<hbm>>
            tpu.enqueue_dma source(%dma_start3A_102 : memref<960xi32, #tpu.memory_space<hbm>>) target(%arg11 : memref<960xi32, #tpu.memory_space<vmem>>) target_semaphore(%run_scoped3A : memref<!tpu.dma_semaphore, #tpu.memory_space<semaphore_mem>>)
            %dma_wait3A_103 = tpu.memref_slice %arg3[%mul3A_100] : memref<322560xi32, #tpu.memory_space<hbm>> -> memref<960xi32, #tpu.memory_space<hbm>>
            %dma_wait3A_104 = tpu.memref_slice %arg3[%mul3A_100] : memref<322560xi32, #tpu.memory_space<hbm>> -> memref<960xi32, #tpu.memory_space<hbm>>
            tpu.wait_dma2 semaphore(%run_scoped3A : memref<!tpu.dma_semaphore, #tpu.memory_space<semaphore_mem>>) src(%dma_wait3A_104 : memref<960xi32, #tpu.memory_space<hbm>>) dst(%arg11 : memref<960xi32, #tpu.memory_space<vmem>>)
            tpu.yield
          }) : () -> ()
          "tpu.region"() ({
            %run_scoped3A = tpu.sem_alloc : memref<!tpu.dma_semaphore, #tpu.memory_space<semaphore_mem>>
            %dma_start3A_101 = tpu.memref_slice %arg4[%mul3A_100] : memref<322560xi32, #tpu.memory_space<hbm>> -> memref<960xi32, #tpu.memory_space<hbm>>
            %dma_start3A_102 = tpu.memref_slice %arg4[%mul3A_100] : memref<322560xi32, #tpu.memory_space<hbm>> -> memref<960xi32, #tpu.memory_space<hbm>>
            tpu.enqueue_dma source(%dma_start3A_102 : memref<960xi32, #tpu.memory_space<hbm>>) target(%arg12 : memref<960xi32, #tpu.memory_space<vmem>>) target_semaphore(%run_scoped3A : memref<!tpu.dma_semaphore, #tpu.memory_space<semaphore_mem>>)
            %dma_wait3A_103 = tpu.memref_slice %arg4[%mul3A_100] : memref<322560xi32, #tpu.memory_space<hbm>> -> memref<960xi32, #tpu.memory_space<hbm>>
            %dma_wait3A_104 = tpu.memref_slice %arg4[%mul3A_100] : memref<322560xi32, #tpu.memory_space<hbm>> -> memref<960xi32, #tpu.memory_space<hbm>>
            tpu.wait_dma2 semaphore(%run_scoped3A : memref<!tpu.dma_semaphore, #tpu.memory_space<semaphore_mem>>) src(%dma_wait3A_104 : memref<960xi32, #tpu.memory_space<hbm>>) dst(%arg12 : memref<960xi32, #tpu.memory_space<vmem>>)
            tpu.yield
          }) : () -> ()
          "tpu.region"() ({
            %run_scoped3A = tpu.sem_alloc : memref<!tpu.dma_semaphore, #tpu.memory_space<semaphore_mem>>
            %dma_start3A_101 = tpu.memref_slice %arg5[%mul3A_100] : memref<322560xf32, #tpu.memory_space<hbm>> -> memref<960xf32, #tpu.memory_space<hbm>>
            %dma_start3A_102 = tpu.memref_slice %arg5[%mul3A_100] : memref<322560xf32, #tpu.memory_space<hbm>> -> memref<960xf32, #tpu.memory_space<hbm>>
            tpu.enqueue_dma source(%dma_start3A_102 : memref<960xf32, #tpu.memory_space<hbm>>) target(%arg13 : memref<960xf32, #tpu.memory_space<vmem>>) target_semaphore(%run_scoped3A : memref<!tpu.dma_semaphore, #tpu.memory_space<semaphore_mem>>)
            %dma_wait3A_103 = tpu.memref_slice %arg5[%mul3A_100] : memref<322560xf32, #tpu.memory_space<hbm>> -> memref<960xf32, #tpu.memory_space<hbm>>
            %dma_wait3A_104 = tpu.memref_slice %arg5[%mul3A_100] : memref<322560xf32, #tpu.memory_space<hbm>> -> memref<960xf32, #tpu.memory_space<hbm>>
            tpu.wait_dma2 semaphore(%run_scoped3A : memref<!tpu.dma_semaphore, #tpu.memory_space<semaphore_mem>>) src(%dma_wait3A_104 : memref<960xf32, #tpu.memory_space<hbm>>) dst(%arg13 : memref<960xf32, #tpu.memory_space<vmem>>)
            tpu.yield
          }) : () -> ()
        } else {
        }
        %rem3A_28 = arith.constant 0 : i32
        %rem3A_29 = arith.constant 20 : i32
        %rem3A_30 = arith.remsi %rem3A_28, %rem3A_29 : i32
        %mul3A_31 = arith.constant 48 : i32
        %mul3A_32 = arith.muli %rem3A_30, %mul3A_31 : i32
        %add3A_33 = arith.constant 0 : i32
        %add3A_34 = arith.addi %mul3A_32, %add3A_33 : i32
        %get3A = arith.index_cast %add3A_34 : i32 to index
        %get3A_35 = tpu.vector_load %arg11[%get3A] {strides = array<i32>} : memref<960xi32, #tpu.memory_space<vmem>>, vector<16xi32>,
        %add3A_36 = vector.broadcast %mul3A_15 : i32 to vector<16xi32>
        %add3A_37 = arith.addi %get3A_35, %add3A_36 : vector<16xi32>
        %swap3A = arith.constant 0 : index
        %swap3A_38 = tpu.vector_load %arg16[%swap3A] {strides = array<i32>} : memref<48xi32, #tpu.memory_space<vmem>>, vector<16xi32>,
        tpu.vector_store %arg16[%swap3A], %add3A_37 {strides = array<i32>} : memref<48xi32, #tpu.memory_space<vmem>>, vector<16xi32>,
        %get3A_39 = arith.index_cast %add3A_34 : i32 to index
        %get3A_40 = tpu.vector_load %arg12[%get3A_39] {strides = array<i32>} : memref<960xi32, #tpu.memory_space<vmem>>, vector<16xi32>,
        %swap3A_41 = arith.constant 0 : index
        %swap3A_42 = tpu.vector_load %arg14[%swap3A_41] {strides = array<i32>} : memref<48xi32, #tpu.memory_space<vmem>>, vector<16xi32>,
        tpu.vector_store %arg14[%swap3A_41], %get3A_40 {strides = array<i32>} : memref<48xi32, #tpu.memory_space<vmem>>, vector<16xi32>,
        %get3A_43 = arith.index_cast %add3A_34 : i32 to index
        %get3A_44 = tpu.vector_load %arg13[%get3A_43] {strides = array<i32>} : memref<960xf32, #tpu.memory_space<vmem>>, vector<16xf32>,
        %swap3A_45 = arith.constant 0 : index
        %swap3A_46 = tpu.vector_load %arg18[%swap3A_45] {strides = array<i32>} : memref<64xf32, #tpu.memory_space<vmem>>, vector<16xf32>,
        tpu.vector_store %arg18[%swap3A_45], %get3A_44 {strides = array<i32>} : memref<64xf32, #tpu.memory_space<vmem>>, vector<16xf32>,
        %add3A_47 = arith.constant 16 : i32
        %add3A_48 = arith.addi %mul3A_32, %add3A_47 : i32
        %get3A_49 = arith.index_cast %add3A_48 : i32 to index
        %get3A_50 = tpu.vector_load %arg11[%get3A_49] {strides = array<i32>} : memref<960xi32, #tpu.memory_space<vmem>>, vector<16xi32>,
        %add3A_51 = vector.broadcast %mul3A_15 : i32 to vector<16xi32>
        %add3A_52 = arith.addi %get3A_50, %add3A_51 : vector<16xi32>
        %swap3A_53 = arith.constant 16 : index
        %swap3A_54 = tpu.vector_load %arg16[%swap3A_53] {strides = array<i32>} : memref<48xi32, #tpu.memory_space<vmem>>, vector<16xi32>,
        tpu.vector_store %arg16[%swap3A_53], %add3A_52 {strides = array<i32>} : memref<48xi32, #tpu.memory_space<vmem>>, vector<16xi32>,
        %get3A_55 = arith.index_cast %add3A_48 : i32 to index
        %get3A_56 = tpu.vector_load %arg12[%get3A_55] {strides = array<i32>} : memref<960xi32, #tpu.memory_space<vmem>>, vector<16xi32>,
        %swap3A_57 = arith.constant 16 : index
        %swap3A_58 = tpu.vector_load %arg14[%swap3A_57] {strides = array<i32>} : memref<48xi32, #tpu.memory_space<vmem>>, vector<16xi32>,
        tpu.vector_store %arg14[%swap3A_57], %get3A_56 {strides = array<i32>} : memref<48xi32, #tpu.memory_space<vmem>>, vector<16xi32>,
        %get3A_59 = arith.index_cast %add3A_48 : i32 to index
        %get3A_60 = tpu.vector_load %arg13[%get3A_59] {strides = array<i32>} : memref<960xf32, #tpu.memory_space<vmem>>, vector<16xf32>,
        %swap3A_61 = arith.constant 16 : index
        %swap3A_62 = tpu.vector_load %arg18[%swap3A_61] {strides = array<i32>} : memref<64xf32, #tpu.memory_space<vmem>>, vector<16xf32>,
        tpu.vector_store %arg18[%swap3A_61], %get3A_60 {strides = array<i32>} : memref<64xf32, #tpu.memory_space<vmem>>, vector<16xf32>,
        %add3A_63 = arith.constant 32 : i32
        %add3A_64 = arith.addi %mul3A_32, %add3A_63 : i32
        %get3A_65 = arith.index_cast %add3A_64 : i32 to index
        %get3A_66 = tpu.vector_load %arg11[%get3A_65] {strides = array<i32>} : memref<960xi32, #tpu.memory_space<vmem>>, vector<16xi32>,
        %add3A_67 = vector.broadcast %mul3A_15 : i32 to vector<16xi32>
        %add3A_68 = arith.addi %get3A_66, %add3A_67 : vector<16xi32>
        %swap3A_69 = arith.constant 32 : index
        %swap3A_70 = tpu.vector_load %arg16[%swap3A_69] {strides = array<i32>} : memref<48xi32, #tpu.memory_space<vmem>>, vector<16xi32>,
        tpu.vector_store %arg16[%swap3A_69], %add3A_68 {strides = array<i32>} : memref<48xi32, #tpu.memory_space<vmem>>, vector<16xi32>,
        %get3A_71 = arith.index_cast %add3A_64 : i32 to index
        %get3A_72 = tpu.vector_load %arg12[%get3A_71] {strides = array<i32>} : memref<960xi32, #tpu.memory_space<vmem>>, vector<16xi32>,
        %swap3A_73 = arith.constant 32 : index
        %swap3A_74 = tpu.vector_load %arg14[%swap3A_73] {strides = array<i32>} : memref<48xi32, #tpu.memory_space<vmem>>, vector<16xi32>,
        tpu.vector_store %arg14[%swap3A_73], %get3A_72 {strides = array<i32>} : memref<48xi32, #tpu.memory_space<vmem>>, vector<16xi32>,
        %get3A_75 = arith.index_cast %add3A_64 : i32 to index
        %get3A_76 = tpu.vector_load %arg13[%get3A_75] {strides = array<i32>} : memref<960xf32, #tpu.memory_space<vmem>>, vector<16xf32>,
        %swap3A_77 = arith.constant 32 : index
        %swap3A_78 = tpu.vector_load %arg18[%swap3A_77] {strides = array<i32>} : memref<64xf32, #tpu.memory_space<vmem>>, vector<16xf32>,
        tpu.vector_store %arg18[%swap3A_77], %get3A_76 {strides = array<i32>} : memref<64xf32, #tpu.memory_space<vmem>>, vector<16xf32>,
        %dma_start3A = arith.constant 0 : i32
        %dma_start3A_79 = arith.constant 0 : i32
        %dma_start3A_80 = tpu.memref_slice %arg2[%dma_start3A, %dma_start3A_79] : memref<20000x128xf32, #tpu.memory_space<hbm>> -> memref<20000x128xf32, #tpu.memory_space<hbm>>
        tpu.enqueue_indirect_dma source(%dma_start3A_80 : memref<20000x128xf32, #tpu.memory_space<hbm>>) target(%arg20 : memref<48x128xf32, #tpu.memory_space<vmem>>) offsets(%arg16 : memref<48xi32, #tpu.memory_space<vmem>>) semaphore(%arg24 : memref<!tpu.dma_semaphore, #tpu.memory_space<semaphore_mem>>)
        %scan3A_81 = arith.constant 0 : i32
        %scan3A_82 = arith.constant 0 : i32
        %scan3A_83 = arith.constant 210 : i32
        %scan3A_84 = arith.addi %scan3A_82, %scan3A_83 : i32
        %scan3A_85 = arith.constant 1 : i32
        scf.for %scan3A_96 = %scan3A_82 to %scan3A_84 step %scan3A_85  : i32 {
          %mul3A_97 = arith.constant 2 : i32
          %mul3A_98 = arith.muli %scan3A_96, %mul3A_97 : i32
          %add3A_99 = arith.constant 0 : i32
          %add3A_100 = arith.addi %mul3A_98, %add3A_99 : i32
          %ge3A = arith.constant 1 : i32
          %ge3A_101 = arith.cmpi sge, %add3A_100, %ge3A : i32
          %convert_element_type3A_102 = arith.extui %ge3A_101 : i1 to i32
          %cond3A_103 = arith.constant 0 : i32
          %cond3A_104 = arith.cmpi ne, %convert_element_type3A_102, %cond3A_103 : i32
          scf.if %cond3A_104 {
            %dma_wait3A_144 = arith.constant 0 : i32
            %dma_wait3A_145 = arith.constant 0 : i32
            %dma_wait3A_146 = tpu.memref_slice %arg23[%dma_wait3A_144, %dma_wait3A_145] : memref<10112x128xf32, #tpu.memory_space<vmem_shared>> -> memref<10112x128xf32, #tpu.memory_space<vmem_shared>>
            tpu.wait_indirect_dma semaphore(%arg26 : memref<!tpu.dma_semaphore, #tpu.memory_space<semaphore_mem>>) src(%arg22 : memref<48x128xf32, #tpu.memory_space<vmem>>) dst(%dma_wait3A_146 : memref<10112x128xf32, #tpu.memory_space<vmem_shared>>)
          } else {
          }
          %add3A_105 = arith.constant 1 : i32
          %add3A_106 = arith.addi %add3A_100, %add3A_105 : i32
          %lt3A = arith.constant 420 : i32
          %lt3A_107 = arith.cmpi slt, %add3A_106, %lt3A : i32
          %convert_element_type3A_108 = arith.extui %lt3A_107 : i1 to i32
          %cond3A_109 = arith.constant 0 : i32
          %cond3A_110 = arith.cmpi ne, %convert_element_type3A_108, %cond3A_109 : i32
          scf.if %cond3A_110 {
            %add3A_144 = arith.constant 1 : i32
            %add3A_145 = arith.addi %add3A_100, %add3A_144 : i32
            %rem3A_146 = arith.constant 20 : i32
            %rem3A_147 = arith.remsi %add3A_145, %rem3A_146 : i32
            %eq3A_148 = arith.constant 0 : i32
            %eq3A_149 = arith.cmpi eq, %rem3A_147, %eq3A_148 : i32
            %convert_element_type3A_150 = arith.extui %eq3A_149 : i1 to i32
            %cond3A_151 = arith.constant 0 : i32
            %cond3A_152 = arith.cmpi ne, %convert_element_type3A_150, %cond3A_151 : i32
            scf.if %cond3A_152 {
              %mul3A_208 = arith.constant 420 : i32
              %mul3A_209 = arith.muli %arg1, %mul3A_208 : i32
              %add3A_210 = arith.addi %mul3A_209, %add3A_145 : i32
              %mul3A_211 = arith.constant 48 : i32
              %mul3A_212 = arith.muli %add3A_210, %mul3A_211 : i32
              "tpu.region"() ({
                %run_scoped3A = tpu.sem_alloc : memref<!tpu.dma_semaphore, #tpu.memory_space<semaphore_mem>>
                %dma_start3A_213 = tpu.memref_slice %arg3[%mul3A_212] : memref<322560xi32, #tpu.memory_space<hbm>> -> memref<960xi32, #tpu.memory_space<hbm>>
                %dma_start3A_214 = tpu.memref_slice %arg3[%mul3A_212] : memref<322560xi32, #tpu.memory_space<hbm>> -> memref<960xi32, #tpu.memory_space<hbm>>
                tpu.enqueue_dma source(%dma_start3A_214 : memref<960xi32, #tpu.memory_space<hbm>>) target(%arg11 : memref<960xi32, #tpu.memory_space<vmem>>) target_semaphore(%run_scoped3A : memref<!tpu.dma_semaphore, #tpu.memory_space<semaphore_mem>>)
                %dma_wait3A_215 = tpu.memref_slice %arg3[%mul3A_212] : memref<322560xi32, #tpu.memory_space<hbm>> -> memref<960xi32, #tpu.memory_space<hbm>>
                %dma_wait3A_216 = tpu.memref_slice %arg3[%mul3A_212] : memref<322560xi32, #tpu.memory_space<hbm>> -> memref<960xi32, #tpu.memory_space<hbm>>
                tpu.wait_dma2 semaphore(%run_scoped3A : memref<!tpu.dma_semaphore, #tpu.memory_space<semaphore_mem>>) src(%dma_wait3A_216 : memref<960xi32, #tpu.memory_space<hbm>>) dst(%arg11 : memref<960xi32, #tpu.memory_space<vmem>>)
                tpu.yield
              }) : () -> ()
              "tpu.region"() ({
                %run_scoped3A = tpu.sem_alloc : memref<!tpu.dma_semaphore, #tpu.memory_space<semaphore_mem>>
                %dma_start3A_213 = tpu.memref_slice %arg4[%mul3A_212] : memref<322560xi32, #tpu.memory_space<hbm>> -> memref<960xi32, #tpu.memory_space<hbm>>
                %dma_start3A_214 = tpu.memref_slice %arg4[%mul3A_212] : memref<322560xi32, #tpu.memory_space<hbm>> -> memref<960xi32, #tpu.memory_space<hbm>>
                tpu.enqueue_dma source(%dma_start3A_214 : memref<960xi32, #tpu.memory_space<hbm>>) target(%arg12 : memref<960xi32, #tpu.memory_space<vmem>>) target_semaphore(%run_scoped3A : memref<!tpu.dma_semaphore, #tpu.memory_space<semaphore_mem>>)
                %dma_wait3A_215 = tpu.memref_slice %arg4[%mul3A_212] : memref<322560xi32, #tpu.memory_space<hbm>> -> memref<960xi32, #tpu.memory_space<hbm>>
                %dma_wait3A_216 = tpu.memref_slice %arg4[%mul3A_212] : memref<322560xi32, #tpu.memory_space<hbm>> -> memref<960xi32, #tpu.memory_space<hbm>>
                tpu.wait_dma2 semaphore(%run_scoped3A : memref<!tpu.dma_semaphore, #tpu.memory_space<semaphore_mem>>) src(%dma_wait3A_216 : memref<960xi32, #tpu.memory_space<hbm>>) dst(%arg12 : memref<960xi32, #tpu.memory_space<vmem>>)
                tpu.yield
              }) : () -> ()
              "tpu.region"() ({
                %run_scoped3A = tpu.sem_alloc : memref<!tpu.dma_semaphore, #tpu.memory_space<semaphore_mem>>
                %dma_start3A_213 = tpu.memref_slice %arg5[%mul3A_212] : memref<322560xf32, #tpu.memory_space<hbm>> -> memref<960xf32, #tpu.memory_space<hbm>>
                %dma_start3A_214 = tpu.memref_slice %arg5[%mul3A_212] : memref<322560xf32, #tpu.memory_space<hbm>> -> memref<960xf32, #tpu.memory_space<hbm>>
                tpu.enqueue_dma source(%dma_start3A_214 : memref<960xf32, #tpu.memory_space<hbm>>) target(%arg13 : memref<960xf32, #tpu.memory_space<vmem>>) target_semaphore(%run_scoped3A : memref<!tpu.dma_semaphore, #tpu.memory_space<semaphore_mem>>)
                %dma_wait3A_215 = tpu.memref_slice %arg5[%mul3A_212] : memref<322560xf32, #tpu.memory_space<hbm>> -> memref<960xf32, #tpu.memory_space<hbm>>
                %dma_wait3A_216 = tpu.memref_slice %arg5[%mul3A_212] : memref<322560xf32, #tpu.memory_space<hbm>> -> memref<960xf32, #tpu.memory_space<hbm>>
                tpu.wait_dma2 semaphore(%run_scoped3A : memref<!tpu.dma_semaphore, #tpu.memory_space<semaphore_mem>>) src(%dma_wait3A_216 : memref<960xf32, #tpu.memory_space<hbm>>) dst(%arg13 : memref<960xf32, #tpu.memory_space<vmem>>)
                tpu.yield
              }) : () -> ()
            } else {
            }
            %rem3A_153 = arith.constant 20 : i32
            %rem3A_154 = arith.remsi %add3A_145, %rem3A_153 : i32
            %mul3A_155 = arith.constant 48 : i32
            %mul3A_156 = arith.muli %rem3A_154, %mul3A_155 : i32
            %add3A_157 = arith.constant 0 : i32
            %add3A_158 = arith.addi %mul3A_156, %add3A_157 : i32
            %get3A_159 = arith.index_cast %add3A_158 : i32 to index
            %get3A_160 = tpu.vector_load %arg11[%get3A_159] {strides = array<i32>} : memref<960xi32, #tpu.memory_space<vmem>>, vector<16xi32>,
            %add3A_161 = vector.broadcast %mul3A_15 : i32 to vector<16xi32>
            %add3A_162 = arith.addi %get3A_160, %add3A_161 : vector<16xi32>
            %swap3A_163 = arith.constant 0 : index
            %swap3A_164 = tpu.vector_load %arg17[%swap3A_163] {strides = array<i32>} : memref<48xi32, #tpu.memory_space<vmem>>, vector<16xi32>,
            tpu.vector_store %arg17[%swap3A_163], %add3A_162 {strides = array<i32>} : memref<48xi32, #tpu.memory_space<vmem>>, vector<16xi32>,
            %get3A_165 = arith.index_cast %add3A_158 : i32 to index
            %get3A_166 = tpu.vector_load %arg12[%get3A_165] {strides = array<i32>} : memref<960xi32, #tpu.memory_space<vmem>>, vector<16xi32>,
            %swap3A_167 = arith.constant 0 : index
            %swap3A_168 = tpu.vector_load %arg15[%swap3A_167] {strides = array<i32>} : memref<48xi32, #tpu.memory_space<vmem>>, vector<16xi32>,
            tpu.vector_store %arg15[%swap3A_167], %get3A_166 {strides = array<i32>} : memref<48xi32, #tpu.memory_space<vmem>>, vector<16xi32>,
            %get3A_169 = arith.index_cast %add3A_158 : i32 to index
            %get3A_170 = tpu.vector_load %arg13[%get3A_169] {strides = array<i32>} : memref<960xf32, #tpu.memory_space<vmem>>, vector<16xf32>,
            %swap3A_171 = arith.constant 0 : index
            %swap3A_172 = tpu.vector_load %arg19[%swap3A_171] {strides = array<i32>} : memref<64xf32, #tpu.memory_space<vmem>>, vector<16xf32>,
            tpu.vector_store %arg19[%swap3A_171], %get3A_170 {strides = array<i32>} : memref<64xf32, #tpu.memory_space<vmem>>, vector<16xf32>,
            %add3A_173 = arith.constant 16 : i32
            %add3A_174 = arith.addi %mul3A_156, %add3A_173 : i32
            %get3A_175 = arith.index_cast %add3A_174 : i32 to index
            %get3A_176 = tpu.vector_load %arg11[%get3A_175] {strides = array<i32>} : memref<960xi32, #tpu.memory_space<vmem>>, vector<16xi32>,
            %add3A_177 = vector.broadcast %mul3A_15 : i32 to vector<16xi32>
            %add3A_178 = arith.addi %get3A_176, %add3A_177 : vector<16xi32>
            %swap3A_179 = arith.constant 16 : index
            %swap3A_180 = tpu.vector_load %arg17[%swap3A_179] {strides = array<i32>} : memref<48xi32, #tpu.memory_space<vmem>>, vector<16xi32>,
            tpu.vector_store %arg17[%swap3A_179], %add3A_178 {strides = array<i32>} : memref<48xi32, #tpu.memory_space<vmem>>, vector<16xi32>,
            %get3A_181 = arith.index_cast %add3A_174 : i32 to index
            %get3A_182 = tpu.vector_load %arg12[%get3A_181] {strides = array<i32>} : memref<960xi32, #tpu.memory_space<vmem>>, vector<16xi32>,
            %swap3A_183 = arith.constant 16 : index
            %swap3A_184 = tpu.vector_load %arg15[%swap3A_183] {strides = array<i32>} : memref<48xi32, #tpu.memory_space<vmem>>, vector<16xi32>,
            tpu.vector_store %arg15[%swap3A_183], %get3A_182 {strides = array<i32>} : memref<48xi32, #tpu.memory_space<vmem>>, vector<16xi32>,
            %get3A_185 = arith.index_cast %add3A_174 : i32 to index
            %get3A_186 = tpu.vector_load %arg13[%get3A_185] {strides = array<i32>} : memref<960xf32, #tpu.memory_space<vmem>>, vector<16xf32>,
            %swap3A_187 = arith.constant 16 : index
            %swap3A_188 = tpu.vector_load %arg19[%swap3A_187] {strides = array<i32>} : memref<64xf32, #tpu.memory_space<vmem>>, vector<16xf32>,
            tpu.vector_store %arg19[%swap3A_187], %get3A_186 {strides = array<i32>} : memref<64xf32, #tpu.memory_space<vmem>>, vector<16xf32>,
            %add3A_189 = arith.constant 32 : i32
            %add3A_190 = arith.addi %mul3A_156, %add3A_189 : i32
            %get3A_191 = arith.index_cast %add3A_190 : i32 to index
            %get3A_192 = tpu.vector_load %arg11[%get3A_191] {strides = array<i32>} : memref<960xi32, #tpu.memory_space<vmem>>, vector<16xi32>,
            %add3A_193 = vector.broadcast %mul3A_15 : i32 to vector<16xi32>
            %add3A_194 = arith.addi %get3A_192, %add3A_193 : vector<16xi32>
            %swap3A_195 = arith.constant 32 : index
            %swap3A_196 = tpu.vector_load %arg17[%swap3A_195] {strides = array<i32>} : memref<48xi32, #tpu.memory_space<vmem>>, vector<16xi32>,
            tpu.vector_store %arg17[%swap3A_195], %add3A_194 {strides = array<i32>} : memref<48xi32, #tpu.memory_space<vmem>>, vector<16xi32>,
            %get3A_197 = arith.index_cast %add3A_190 : i32 to index
            %get3A_198 = tpu.vector_load %arg12[%get3A_197] {strides = array<i32>} : memref<960xi32, #tpu.memory_space<vmem>>, vector<16xi32>,
            %swap3A_199 = arith.constant 32 : index
            %swap3A_200 = tpu.vector_load %arg15[%swap3A_199] {strides = array<i32>} : memref<48xi32, #tpu.memory_space<vmem>>, vector<16xi32>,
            tpu.vector_store %arg15[%swap3A_199], %get3A_198 {strides = array<i32>} : memref<48xi32, #tpu.memory_space<vmem>>, vector<16xi32>,
            %get3A_201 = arith.index_cast %add3A_190 : i32 to index
            %get3A_202 = tpu.vector_load %arg13[%get3A_201] {strides = array<i32>} : memref<960xf32, #tpu.memory_space<vmem>>, vector<16xf32>,
            %swap3A_203 = arith.constant 32 : index
            %swap3A_204 = tpu.vector_load %arg19[%swap3A_203] {strides = array<i32>} : memref<64xf32, #tpu.memory_space<vmem>>, vector<16xf32>,
            tpu.vector_store %arg19[%swap3A_203], %get3A_202 {strides = array<i32>} : memref<64xf32, #tpu.memory_space<vmem>>, vector<16xf32>,
            %dma_start3A_205 = arith.constant 0 : i32
            %dma_start3A_206 = arith.constant 0 : i32
            %dma_start3A_207 = tpu.memref_slice %arg2[%dma_start3A_205, %dma_start3A_206] : memref<20000x128xf32, #tpu.memory_space<hbm>> -> memref<20000x128xf32, #tpu.memory_space<hbm>>
            tpu.enqueue_indirect_dma source(%dma_start3A_207 : memref<20000x128xf32, #tpu.memory_space<hbm>>) target(%arg21 : memref<48x128xf32, #tpu.memory_space<vmem>>) offsets(%arg17 : memref<48xi32, #tpu.memory_space<vmem>>) semaphore(%arg25 : memref<!tpu.dma_semaphore, #tpu.memory_space<semaphore_mem>>)
          } else {
          }
          %dma_wait3A_111 = arith.constant 0 : i32
          %dma_wait3A_112 = arith.constant 0 : i32
          %dma_wait3A_113 = tpu.memref_slice %arg2[%dma_wait3A_111, %dma_wait3A_112] : memref<20000x128xf32, #tpu.memory_space<hbm>> -> memref<20000x128xf32, #tpu.memory_space<hbm>>
          tpu.wait_indirect_dma semaphore(%arg24 : memref<!tpu.dma_semaphore, #tpu.memory_space<semaphore_mem>>) src(%dma_wait3A_113 : memref<20000x128xf32, #tpu.memory_space<hbm>>) dst(%arg20 : memref<48x128xf32, #tpu.memory_space<vmem>>)
          %parallel_loop3A = arith.constant 0 : i32
          %parallel_loop3A_114 = arith.constant 48 : i32
          %parallel_loop3A_115 = arith.constant 1 : i32
          scf.for %parallel_loop3A_144 = %parallel_loop3A to %parallel_loop3A_114 step %parallel_loop3A_115  : i32 {
            %parallel_loop3A_145 = arith.index_cast %parallel_loop3A_144 : i32 to index
            %parallel_loop3A_146 = tpu.vector_load %arg18[%parallel_loop3A_145] {strides = array<i32>} : memref<64xf32, #tpu.memory_space<vmem>>, vector<16xf32>,
            %parallel_loop3A_147 = vector.extract_strided_slice %parallel_loop3A_146 {offsets = [0], sizes = [1], strides = [1]} : vector<16xf32> to vector<1xf32>
            %parallel_loop3A_148 = vector.extract %parallel_loop3A_147[0] : f32 from vector<1xf32>
            %parallel_loop3A_149 = vector.broadcast %parallel_loop3A_148 : f32 to vector<16xf32>
            %parallel_loop3A_150 = arith.index_cast %parallel_loop3A_144 : i32 to index
            %parallel_loop3A_151 = arith.constant 0 : index
            %parallel_loop3A_152 = tpu.vector_load %arg20[%parallel_loop3A_150, %parallel_loop3A_151] {strides = array<i32>} : memref<48x128xf32, #tpu.memory_space<vmem>>, vector<16xf32>,
            %parallel_loop3A_153 = arith.mulf %parallel_loop3A_152, %parallel_loop3A_149 : vector<16xf32>
            %parallel_loop3A_154 = arith.index_cast %parallel_loop3A_144 : i32 to index
            %parallel_loop3A_155 = arith.constant 0 : index
            %parallel_loop3A_156 = tpu.vector_load %arg22[%parallel_loop3A_154, %parallel_loop3A_155] {strides = array<i32>} : memref<48x128xf32, #tpu.memory_space<vmem>>, vector<16xf32>,
            tpu.vector_store %arg22[%parallel_loop3A_154, %parallel_loop3A_155], %parallel_loop3A_153 {strides = array<i32>} : memref<48x128xf32, #tpu.memory_space<vmem>>, vector<16xf32>,
            %parallel_loop3A_157 = arith.index_cast %parallel_loop3A_144 : i32 to index
            %parallel_loop3A_158 = arith.constant 16 : index
            %parallel_loop3A_159 = tpu.vector_load %arg20[%parallel_loop3A_157, %parallel_loop3A_158] {strides = array<i32>} : memref<48x128xf32, #tpu.memory_space<vmem>>, vector<16xf32>,
            %parallel_loop3A_160 = arith.mulf %parallel_loop3A_159, %parallel_loop3A_149 : vector<16xf32>
            %parallel_loop3A_161 = arith.index_cast %parallel_loop3A_144 : i32 to index
            %parallel_loop3A_162 = arith.constant 16 : index
            %parallel_loop3A_163 = tpu.vector_load %arg22[%parallel_loop3A_161, %parallel_loop3A_162] {strides = array<i32>} : memref<48x128xf32, #tpu.memory_space<vmem>>, vector<16xf32>,
            tpu.vector_store %arg22[%parallel_loop3A_161, %parallel_loop3A_162], %parallel_loop3A_160 {strides = array<i32>} : memref<48x128xf32, #tpu.memory_space<vmem>>, vector<16xf32>,
            %parallel_loop3A_164 = arith.index_cast %parallel_loop3A_144 : i32 to index
            %parallel_loop3A_165 = arith.constant 32 : index
            %parallel_loop3A_166 = tpu.vector_load %arg20[%parallel_loop3A_164, %parallel_loop3A_165] {strides = array<i32>} : memref<48x128xf32, #tpu.memory_space<vmem>>, vector<16xf32>,
            %parallel_loop3A_167 = arith.mulf %parallel_loop3A_166, %parallel_loop3A_149 : vector<16xf32>
            %parallel_loop3A_168 = arith.index_cast %parallel_loop3A_144 : i32 to index
            %parallel_loop3A_169 = arith.constant 32 : index
            %parallel_loop3A_170 = tpu.vector_load %arg22[%parallel_loop3A_168, %parallel_loop3A_169] {strides = array<i32>} : memref<48x128xf32, #tpu.memory_space<vmem>>, vector<16xf32>,
            tpu.vector_store %arg22[%parallel_loop3A_168, %parallel_loop3A_169], %parallel_loop3A_167 {strides = array<i32>} : memref<48x128xf32, #tpu.memory_space<vmem>>, vector<16xf32>,
            %parallel_loop3A_171 = arith.index_cast %parallel_loop3A_144 : i32 to index
            %parallel_loop3A_172 = arith.constant 48 : index
            %parallel_loop3A_173 = tpu.vector_load %arg20[%parallel_loop3A_171, %parallel_loop3A_172] {strides = array<i32>} : memref<48x128xf32, #tpu.memory_space<vmem>>, vector<16xf32>,
            %parallel_loop3A_174 = arith.mulf %parallel_loop3A_173, %parallel_loop3A_149 : vector<16xf32>
            %parallel_loop3A_175 = arith.index_cast %parallel_loop3A_144 : i32 to index
            %parallel_loop3A_176 = arith.constant 48 : index
            %parallel_loop3A_177 = tpu.vector_load %arg22[%parallel_loop3A_175, %parallel_loop3A_176] {strides = array<i32>} : memref<48x128xf32, #tpu.memory_space<vmem>>, vector<16xf32>,
            tpu.vector_store %arg22[%parallel_loop3A_175, %parallel_loop3A_176], %parallel_loop3A_174 {strides = array<i32>} : memref<48x128xf32, #tpu.memory_space<vmem>>, vector<16xf32>,
            %parallel_loop3A_178 = arith.index_cast %parallel_loop3A_144 : i32 to index
            %parallel_loop3A_179 = arith.constant 64 : index
            %parallel_loop3A_180 = tpu.vector_load %arg20[%parallel_loop3A_178, %parallel_loop3A_179] {strides = array<i32>} : memref<48x128xf32, #tpu.memory_space<vmem>>, vector<16xf32>,
            %parallel_loop3A_181 = arith.mulf %parallel_loop3A_180, %parallel_loop3A_149 : vector<16xf32>
            %parallel_loop3A_182 = arith.index_cast %parallel_loop3A_144 : i32 to index
            %parallel_loop3A_183 = arith.constant 64 : index
            %parallel_loop3A_184 = tpu.vector_load %arg22[%parallel_loop3A_182, %parallel_loop3A_183] {strides = array<i32>} : memref<48x128xf32, #tpu.memory_space<vmem>>, vector<16xf32>,
            tpu.vector_store %arg22[%parallel_loop3A_182, %parallel_loop3A_183], %parallel_loop3A_181 {strides = array<i32>} : memref<48x128xf32, #tpu.memory_space<vmem>>, vector<16xf32>,
            %parallel_loop3A_185 = arith.index_cast %parallel_loop3A_144 : i32 to index
            %parallel_loop3A_186 = arith.constant 80 : index
            %parallel_loop3A_187 = tpu.vector_load %arg20[%parallel_loop3A_185, %parallel_loop3A_186] {strides = array<i32>} : memref<48x128xf32, #tpu.memory_space<vmem>>, vector<16xf32>,
            %parallel_loop3A_188 = arith.mulf %parallel_loop3A_187, %parallel_loop3A_149 : vector<16xf32>
            %parallel_loop3A_189 = arith.index_cast %parallel_loop3A_144 : i32 to index
            %parallel_loop3A_190 = arith.constant 80 : index
            %parallel_loop3A_191 = tpu.vector_load %arg22[%parallel_loop3A_189, %parallel_loop3A_190] {strides = array<i32>} : memref<48x128xf32, #tpu.memory_space<vmem>>, vector<16xf32>,
            tpu.vector_store %arg22[%parallel_loop3A_189, %parallel_loop3A_190], %parallel_loop3A_188 {strides = array<i32>} : memref<48x128xf32, #tpu.memory_space<vmem>>, vector<16xf32>,
            %parallel_loop3A_192 = arith.index_cast %parallel_loop3A_144 : i32 to index
            %parallel_loop3A_193 = arith.constant 96 : index
            %parallel_loop3A_194 = tpu.vector_load %arg20[%parallel_loop3A_192, %parallel_loop3A_193] {strides = array<i32>} : memref<48x128xf32, #tpu.memory_space<vmem>>, vector<16xf32>,
            %parallel_loop3A_195 = arith.mulf %parallel_loop3A_194, %parallel_loop3A_149 : vector<16xf32>
            %parallel_loop3A_196 = arith.index_cast %parallel_loop3A_144 : i32 to index
            %parallel_loop3A_197 = arith.constant 96 : index
            %parallel_loop3A_198 = tpu.vector_load %arg22[%parallel_loop3A_196, %parallel_loop3A_197] {strides = array<i32>} : memref<48x128xf32, #tpu.memory_space<vmem>>, vector<16xf32>,
            tpu.vector_store %arg22[%parallel_loop3A_196, %parallel_loop3A_197], %parallel_loop3A_195 {strides = array<i32>} : memref<48x128xf32, #tpu.memory_space<vmem>>, vector<16xf32>,
            %parallel_loop3A_199 = arith.index_cast %parallel_loop3A_144 : i32 to index
            %parallel_loop3A_200 = arith.constant 112 : index
            %parallel_loop3A_201 = tpu.vector_load %arg20[%parallel_loop3A_199, %parallel_loop3A_200] {strides = array<i32>} : memref<48x128xf32, #tpu.memory_space<vmem>>, vector<16xf32>,
            %parallel_loop3A_202 = arith.mulf %parallel_loop3A_201, %parallel_loop3A_149 : vector<16xf32>
            %parallel_loop3A_203 = arith.index_cast %parallel_loop3A_144 : i32 to index
            %parallel_loop3A_204 = arith.constant 112 : index
            %parallel_loop3A_205 = tpu.vector_load %arg22[%parallel_loop3A_203, %parallel_loop3A_204] {strides = array<i32>} : memref<48x128xf32, #tpu.memory_space<vmem>>, vector<16xf32>,
            tpu.vector_store %arg22[%parallel_loop3A_203, %parallel_loop3A_204], %parallel_loop3A_202 {strides = array<i32>} : memref<48x128xf32, #tpu.memory_space<vmem>>, vector<16xf32>,
          } {sc.loop_unroll_factor = 8 : i64, sc.parallel_access}
          %dma_start3A_116 = arith.constant 0 : i32
          %dma_start3A_117 = arith.constant 0 : i32
          %dma_start3A_118 = tpu.memref_slice %arg23[%dma_start3A_116, %dma_start3A_117] : memref<10112x128xf32, #tpu.memory_space<vmem_shared>> -> memref<10112x128xf32, #tpu.memory_space<vmem_shared>>
          tpu.enqueue_indirect_dma source(%arg22 : memref<48x128xf32, #tpu.memory_space<vmem>>) target(%dma_start3A_118 : memref<10112x128xf32, #tpu.memory_space<vmem_shared>>) offsets(%arg14 : memref<48xi32, #tpu.memory_space<vmem>>) semaphore(%arg26 : memref<!tpu.dma_semaphore, #tpu.memory_space<semaphore_mem>>) {add = true}
          %mul3A_119 = arith.constant 2 : i32
          %mul3A_120 = arith.muli %scan3A_96, %mul3A_119 : i32
          %add3A_121 = arith.constant 1 : i32
          %add3A_122 = arith.addi %mul3A_120, %add3A_121 : i32
          %ge3A_123 = arith.constant 1 : i32
          %ge3A_124 = arith.cmpi sge, %add3A_122, %ge3A_123 : i32
          %convert_element_type3A_125 = arith.extui %ge3A_124 : i1 to i32
          %cond3A_126 = arith.constant 0 : i32
          %cond3A_127 = arith.cmpi ne, %convert_element_type3A_125, %cond3A_126 : i32
          scf.if %cond3A_127 {
            %dma_wait3A_144 = arith.constant 0 : i32
            %dma_wait3A_145 = arith.constant 0 : i32
            %dma_wait3A_146 = tpu.memref_slice %arg23[%dma_wait3A_144, %dma_wait3A_145] : memref<10112x128xf32, #tpu.memory_space<vmem_shared>> -> memref<10112x128xf32, #tpu.memory_space<vmem_shared>>
            tpu.wait_indirect_dma semaphore(%arg26 : memref<!tpu.dma_semaphore, #tpu.memory_space<semaphore_mem>>) src(%arg22 : memref<48x128xf32, #tpu.memory_space<vmem>>) dst(%dma_wait3A_146 : memref<10112x128xf32, #tpu.memory_space<vmem_shared>>)
          } else {
          }
          %add3A_128 = arith.constant 1 : i32
          %add3A_129 = arith.addi %add3A_122, %add3A_128 : i32
          %lt3A_130 = arith.constant 420 : i32
          %lt3A_131 = arith.cmpi slt, %add3A_129, %lt3A_130 : i32
          %convert_element_type3A_132 = arith.extui %lt3A_131 : i1 to i32
          %cond3A_133 = arith.constant 0 : i32
          %cond3A_134 = arith.cmpi ne, %convert_element_type3A_132, %cond3A_133 : i32
          scf.if %cond3A_134 {
            %add3A_144 = arith.constant 1 : i32
            %add3A_145 = arith.addi %add3A_122, %add3A_144 : i32
            %rem3A_146 = arith.constant 20 : i32
            %rem3A_147 = arith.remsi %add3A_145, %rem3A_146 : i32
            %eq3A_148 = arith.constant 0 : i32
            %eq3A_149 = arith.cmpi eq, %rem3A_147, %eq3A_148 : i32
            %convert_element_type3A_150 = arith.extui %eq3A_149 : i1 to i32
            %cond3A_151 = arith.constant 0 : i32
            %cond3A_152 = arith.cmpi ne, %convert_element_type3A_150, %cond3A_151 : i32
            scf.if %cond3A_152 {
              %mul3A_208 = arith.constant 420 : i32
              %mul3A_209 = arith.muli %arg1, %mul3A_208 : i32
              %add3A_210 = arith.addi %mul3A_209, %add3A_145 : i32
              %mul3A_211 = arith.constant 48 : i32
              %mul3A_212 = arith.muli %add3A_210, %mul3A_211 : i32
              "tpu.region"() ({
                %run_scoped3A = tpu.sem_alloc : memref<!tpu.dma_semaphore, #tpu.memory_space<semaphore_mem>>
                %dma_start3A_213 = tpu.memref_slice %arg3[%mul3A_212] : memref<322560xi32, #tpu.memory_space<hbm>> -> memref<960xi32, #tpu.memory_space<hbm>>
                %dma_start3A_214 = tpu.memref_slice %arg3[%mul3A_212] : memref<322560xi32, #tpu.memory_space<hbm>> -> memref<960xi32, #tpu.memory_space<hbm>>
                tpu.enqueue_dma source(%dma_start3A_214 : memref<960xi32, #tpu.memory_space<hbm>>) target(%arg11 : memref<960xi32, #tpu.memory_space<vmem>>) target_semaphore(%run_scoped3A : memref<!tpu.dma_semaphore, #tpu.memory_space<semaphore_mem>>)
                %dma_wait3A_215 = tpu.memref_slice %arg3[%mul3A_212] : memref<322560xi32, #tpu.memory_space<hbm>> -> memref<960xi32, #tpu.memory_space<hbm>>
                %dma_wait3A_216 = tpu.memref_slice %arg3[%mul3A_212] : memref<322560xi32, #tpu.memory_space<hbm>> -> memref<960xi32, #tpu.memory_space<hbm>>
                tpu.wait_dma2 semaphore(%run_scoped3A : memref<!tpu.dma_semaphore, #tpu.memory_space<semaphore_mem>>) src(%dma_wait3A_216 : memref<960xi32, #tpu.memory_space<hbm>>) dst(%arg11 : memref<960xi32, #tpu.memory_space<vmem>>)
                tpu.yield
              }) : () -> ()
              "tpu.region"() ({
                %run_scoped3A = tpu.sem_alloc : memref<!tpu.dma_semaphore, #tpu.memory_space<semaphore_mem>>
                %dma_start3A_213 = tpu.memref_slice %arg4[%mul3A_212] : memref<322560xi32, #tpu.memory_space<hbm>> -> memref<960xi32, #tpu.memory_space<hbm>>
                %dma_start3A_214 = tpu.memref_slice %arg4[%mul3A_212] : memref<322560xi32, #tpu.memory_space<hbm>> -> memref<960xi32, #tpu.memory_space<hbm>>
                tpu.enqueue_dma source(%dma_start3A_214 : memref<960xi32, #tpu.memory_space<hbm>>) target(%arg12 : memref<960xi32, #tpu.memory_space<vmem>>) target_semaphore(%run_scoped3A : memref<!tpu.dma_semaphore, #tpu.memory_space<semaphore_mem>>)
                %dma_wait3A_215 = tpu.memref_slice %arg4[%mul3A_212] : memref<322560xi32, #tpu.memory_space<hbm>> -> memref<960xi32, #tpu.memory_space<hbm>>
                %dma_wait3A_216 = tpu.memref_slice %arg4[%mul3A_212] : memref<322560xi32, #tpu.memory_space<hbm>> -> memref<960xi32, #tpu.memory_space<hbm>>
                tpu.wait_dma2 semaphore(%run_scoped3A : memref<!tpu.dma_semaphore, #tpu.memory_space<semaphore_mem>>) src(%dma_wait3A_216 : memref<960xi32, #tpu.memory_space<hbm>>) dst(%arg12 : memref<960xi32, #tpu.memory_space<vmem>>)
                tpu.yield
              }) : () -> ()
              "tpu.region"() ({
                %run_scoped3A = tpu.sem_alloc : memref<!tpu.dma_semaphore, #tpu.memory_space<semaphore_mem>>
                %dma_start3A_213 = tpu.memref_slice %arg5[%mul3A_212] : memref<322560xf32, #tpu.memory_space<hbm>> -> memref<960xf32, #tpu.memory_space<hbm>>
                %dma_start3A_214 = tpu.memref_slice %arg5[%mul3A_212] : memref<322560xf32, #tpu.memory_space<hbm>> -> memref<960xf32, #tpu.memory_space<hbm>>
                tpu.enqueue_dma source(%dma_start3A_214 : memref<960xf32, #tpu.memory_space<hbm>>) target(%arg13 : memref<960xf32, #tpu.memory_space<vmem>>) target_semaphore(%run_scoped3A : memref<!tpu.dma_semaphore, #tpu.memory_space<semaphore_mem>>)
                %dma_wait3A_215 = tpu.memref_slice %arg5[%mul3A_212] : memref<322560xf32, #tpu.memory_space<hbm>> -> memref<960xf32, #tpu.memory_space<hbm>>
                %dma_wait3A_216 = tpu.memref_slice %arg5[%mul3A_212] : memref<322560xf32, #tpu.memory_space<hbm>> -> memref<960xf32, #tpu.memory_space<hbm>>
                tpu.wait_dma2 semaphore(%run_scoped3A : memref<!tpu.dma_semaphore, #tpu.memory_space<semaphore_mem>>) src(%dma_wait3A_216 : memref<960xf32, #tpu.memory_space<hbm>>) dst(%arg13 : memref<960xf32, #tpu.memory_space<vmem>>)
                tpu.yield
              }) : () -> ()
            } else {
            }
            %rem3A_153 = arith.constant 20 : i32
            %rem3A_154 = arith.remsi %add3A_145, %rem3A_153 : i32
            %mul3A_155 = arith.constant 48 : i32
            %mul3A_156 = arith.muli %rem3A_154, %mul3A_155 : i32
            %add3A_157 = arith.constant 0 : i32
            %add3A_158 = arith.addi %mul3A_156, %add3A_157 : i32
            %get3A_159 = arith.index_cast %add3A_158 : i32 to index
            %get3A_160 = tpu.vector_load %arg11[%get3A_159] {strides = array<i32>} : memref<960xi32, #tpu.memory_space<vmem>>, vector<16xi32>,
            %add3A_161 = vector.broadcast %mul3A_15 : i32 to vector<16xi32>
            %add3A_162 = arith.addi %get3A_160, %add3A_161 : vector<16xi32>
            %swap3A_163 = arith.constant 0 : index
            %swap3A_164 = tpu.vector_load %arg16[%swap3A_163] {strides = array<i32>} : memref<48xi32, #tpu.memory_space<vmem>>, vector<16xi32>,
            tpu.vector_store %arg16[%swap3A_163], %add3A_162 {strides = array<i32>} : memref<48xi32, #tpu.memory_space<vmem>>, vector<16xi32>,
            %get3A_165 = arith.index_cast %add3A_158 : i32 to index
            %get3A_166 = tpu.vector_load %arg12[%get3A_165] {strides = array<i32>} : memref<960xi32, #tpu.memory_space<vmem>>, vector<16xi32>,
            %swap3A_167 = arith.constant 0 : index
            %swap3A_168 = tpu.vector_load %arg14[%swap3A_167] {strides = array<i32>} : memref<48xi32, #tpu.memory_space<vmem>>, vector<16xi32>,
            tpu.vector_store %arg14[%swap3A_167], %get3A_166 {strides = array<i32>} : memref<48xi32, #tpu.memory_space<vmem>>, vector<16xi32>,
            %get3A_169 = arith.index_cast %add3A_158 : i32 to index
            %get3A_170 = tpu.vector_load %arg13[%get3A_169] {strides = array<i32>} : memref<960xf32, #tpu.memory_space<vmem>>, vector<16xf32>,
            %swap3A_171 = arith.constant 0 : index
            %swap3A_172 = tpu.vector_load %arg18[%swap3A_171] {strides = array<i32>} : memref<64xf32, #tpu.memory_space<vmem>>, vector<16xf32>,
            tpu.vector_store %arg18[%swap3A_171], %get3A_170 {strides = array<i32>} : memref<64xf32, #tpu.memory_space<vmem>>, vector<16xf32>,
            %add3A_173 = arith.constant 16 : i32
            %add3A_174 = arith.addi %mul3A_156, %add3A_173 : i32
            %get3A_175 = arith.index_cast %add3A_174 : i32 to index
            %get3A_176 = tpu.vector_load %arg11[%get3A_175] {strides = array<i32>} : memref<960xi32, #tpu.memory_space<vmem>>, vector<16xi32>,
            %add3A_177 = vector.broadcast %mul3A_15 : i32 to vector<16xi32>
            %add3A_178 = arith.addi %get3A_176, %add3A_177 : vector<16xi32>
            %swap3A_179 = arith.constant 16 : index
            %swap3A_180 = tpu.vector_load %arg16[%swap3A_179] {strides = array<i32>} : memref<48xi32, #tpu.memory_space<vmem>>, vector<16xi32>,
            tpu.vector_store %arg16[%swap3A_179], %add3A_178 {strides = array<i32>} : memref<48xi32, #tpu.memory_space<vmem>>, vector<16xi32>,
            %get3A_181 = arith.index_cast %add3A_174 : i32 to index
            %get3A_182 = tpu.vector_load %arg12[%get3A_181] {strides = array<i32>} : memref<960xi32, #tpu.memory_space<vmem>>, vector<16xi32>,
            %swap3A_183 = arith.constant 16 : index
            %swap3A_184 = tpu.vector_load %arg14[%swap3A_183] {strides = array<i32>} : memref<48xi32, #tpu.memory_space<vmem>>, vector<16xi32>,
            tpu.vector_store %arg14[%swap3A_183], %get3A_182 {strides = array<i32>} : memref<48xi32, #tpu.memory_space<vmem>>, vector<16xi32>,
            %get3A_185 = arith.index_cast %add3A_174 : i32 to index
            %get3A_186 = tpu.vector_load %arg13[%get3A_185] {strides = array<i32>} : memref<960xf32, #tpu.memory_space<vmem>>, vector<16xf32>,
            %swap3A_187 = arith.constant 16 : index
            %swap3A_188 = tpu.vector_load %arg18[%swap3A_187] {strides = array<i32>} : memref<64xf32, #tpu.memory_space<vmem>>, vector<16xf32>,
            tpu.vector_store %arg18[%swap3A_187], %get3A_186 {strides = array<i32>} : memref<64xf32, #tpu.memory_space<vmem>>, vector<16xf32>,
            %add3A_189 = arith.constant 32 : i32
            %add3A_190 = arith.addi %mul3A_156, %add3A_189 : i32
            %get3A_191 = arith.index_cast %add3A_190 : i32 to index
            %get3A_192 = tpu.vector_load %arg11[%get3A_191] {strides = array<i32>} : memref<960xi32, #tpu.memory_space<vmem>>, vector<16xi32>,
            %add3A_193 = vector.broadcast %mul3A_15 : i32 to vector<16xi32>
            %add3A_194 = arith.addi %get3A_192, %add3A_193 : vector<16xi32>
            %swap3A_195 = arith.constant 32 : index
            %swap3A_196 = tpu.vector_load %arg16[%swap3A_195] {strides = array<i32>} : memref<48xi32, #tpu.memory_space<vmem>>, vector<16xi32>,
            tpu.vector_store %arg16[%swap3A_195], %add3A_194 {strides = array<i32>} : memref<48xi32, #tpu.memory_space<vmem>>, vector<16xi32>,
            %get3A_197 = arith.index_cast %add3A_190 : i32 to index
            %get3A_198 = tpu.vector_load %arg12[%get3A_197] {strides = array<i32>} : memref<960xi32, #tpu.memory_space<vmem>>, vector<16xi32>,
            %swap3A_199 = arith.constant 32 : index
            %swap3A_200 = tpu.vector_load %arg14[%swap3A_199] {strides = array<i32>} : memref<48xi32, #tpu.memory_space<vmem>>, vector<16xi32>,
            tpu.vector_store %arg14[%swap3A_199], %get3A_198 {strides = array<i32>} : memref<48xi32, #tpu.memory_space<vmem>>, vector<16xi32>,
            %get3A_201 = arith.index_cast %add3A_190 : i32 to index
            %get3A_202 = tpu.vector_load %arg13[%get3A_201] {strides = array<i32>} : memref<960xf32, #tpu.memory_space<vmem>>, vector<16xf32>,
            %swap3A_203 = arith.constant 32 : index
            %swap3A_204 = tpu.vector_load %arg18[%swap3A_203] {strides = array<i32>} : memref<64xf32, #tpu.memory_space<vmem>>, vector<16xf32>,
            tpu.vector_store %arg18[%swap3A_203], %get3A_202 {strides = array<i32>} : memref<64xf32, #tpu.memory_space<vmem>>, vector<16xf32>,
            %dma_start3A_205 = arith.constant 0 : i32
            %dma_start3A_206 = arith.constant 0 : i32
            %dma_start3A_207 = tpu.memref_slice %arg2[%dma_start3A_205, %dma_start3A_206] : memref<20000x128xf32, #tpu.memory_space<hbm>> -> memref<20000x128xf32, #tpu.memory_space<hbm>>
            tpu.enqueue_indirect_dma source(%dma_start3A_207 : memref<20000x128xf32, #tpu.memory_space<hbm>>) target(%arg20 : memref<48x128xf32, #tpu.memory_space<vmem>>) offsets(%arg16 : memref<48xi32, #tpu.memory_space<vmem>>) semaphore(%arg24 : memref<!tpu.dma_semaphore, #tpu.memory_space<semaphore_mem>>)
          } else {
          }
          %dma_wait3A_135 = arith.constant 0 : i32
          %dma_wait3A_136 = arith.constant 0 : i32
          %dma_wait3A_137 = tpu.memref_slice %arg2[%dma_wait3A_135, %dma_wait3A_136] : memref<20000x128xf32, #tpu.memory_space<hbm>> -> memref<20000x128xf32, #tpu.memory_space<hbm>>
          tpu.wait_indirect_dma semaphore(%arg25 : memref<!tpu.dma_semaphore, #tpu.memory_space<semaphore_mem>>) src(%dma_wait3A_137 : memref<20000x128xf32, #tpu.memory_space<hbm>>) dst(%arg21 : memref<48x128xf32, #tpu.memory_space<vmem>>)
          %parallel_loop3A_138 = arith.constant 0 : i32
          %parallel_loop3A_139 = arith.constant 48 : i32
          %parallel_loop3A_140 = arith.constant 1 : i32
          scf.for %parallel_loop3A_144 = %parallel_loop3A_138 to %parallel_loop3A_139 step %parallel_loop3A_140  : i32 {
            %parallel_loop3A_145 = arith.index_cast %parallel_loop3A_144 : i32 to index
            %parallel_loop3A_146 = tpu.vector_load %arg19[%parallel_loop3A_145] {strides = array<i32>} : memref<64xf32, #tpu.memory_space<vmem>>, vector<16xf32>,
            %parallel_loop3A_147 = vector.extract_strided_slice %parallel_loop3A_146 {offsets = [0], sizes = [1], strides = [1]} : vector<16xf32> to vector<1xf32>
            %parallel_loop3A_148 = vector.extract %parallel_loop3A_147[0] : f32 from vector<1xf32>
            %parallel_loop3A_149 = vector.broadcast %parallel_loop3A_148 : f32 to vector<16xf32>
            %parallel_loop3A_150 = arith.index_cast %parallel_loop3A_144 : i32 to index
            %parallel_loop3A_151 = arith.constant 0 : index
            %parallel_loop3A_152 = tpu.vector_load %arg21[%parallel_loop3A_150, %parallel_loop3A_151] {strides = array<i32>} : memref<48x128xf32, #tpu.memory_space<vmem>>, vector<16xf32>,
            %parallel_loop3A_153 = arith.mulf %parallel_loop3A_152, %parallel_loop3A_149 : vector<16xf32>
            %parallel_loop3A_154 = arith.index_cast %parallel_loop3A_144 : i32 to index
            %parallel_loop3A_155 = arith.constant 0 : index
            %parallel_loop3A_156 = tpu.vector_load %arg22[%parallel_loop3A_154, %parallel_loop3A_155] {strides = array<i32>} : memref<48x128xf32, #tpu.memory_space<vmem>>, vector<16xf32>,
            tpu.vector_store %arg22[%parallel_loop3A_154, %parallel_loop3A_155], %parallel_loop3A_153 {strides = array<i32>} : memref<48x128xf32, #tpu.memory_space<vmem>>, vector<16xf32>,
            %parallel_loop3A_157 = arith.index_cast %parallel_loop3A_144 : i32 to index
            %parallel_loop3A_158 = arith.constant 16 : index
            %parallel_loop3A_159 = tpu.vector_load %arg21[%parallel_loop3A_157, %parallel_loop3A_158] {strides = array<i32>} : memref<48x128xf32, #tpu.memory_space<vmem>>, vector<16xf32>,
            %parallel_loop3A_160 = arith.mulf %parallel_loop3A_159, %parallel_loop3A_149 : vector<16xf32>
            %parallel_loop3A_161 = arith.index_cast %parallel_loop3A_144 : i32 to index
            %parallel_loop3A_162 = arith.constant 16 : index
            %parallel_loop3A_163 = tpu.vector_load %arg22[%parallel_loop3A_161, %parallel_loop3A_162] {strides = array<i32>} : memref<48x128xf32, #tpu.memory_space<vmem>>, vector<16xf32>,
            tpu.vector_store %arg22[%parallel_loop3A_161, %parallel_loop3A_162], %parallel_loop3A_160 {strides = array<i32>} : memref<48x128xf32, #tpu.memory_space<vmem>>, vector<16xf32>,
            %parallel_loop3A_164 = arith.index_cast %parallel_loop3A_144 : i32 to index
            %parallel_loop3A_165 = arith.constant 32 : index
            %parallel_loop3A_166 = tpu.vector_load %arg21[%parallel_loop3A_164, %parallel_loop3A_165] {strides = array<i32>} : memref<48x128xf32, #tpu.memory_space<vmem>>, vector<16xf32>,
            %parallel_loop3A_167 = arith.mulf %parallel_loop3A_166, %parallel_loop3A_149 : vector<16xf32>
            %parallel_loop3A_168 = arith.index_cast %parallel_loop3A_144 : i32 to index
            %parallel_loop3A_169 = arith.constant 32 : index
            %parallel_loop3A_170 = tpu.vector_load %arg22[%parallel_loop3A_168, %parallel_loop3A_169] {strides = array<i32>} : memref<48x128xf32, #tpu.memory_space<vmem>>, vector<16xf32>,
            tpu.vector_store %arg22[%parallel_loop3A_168, %parallel_loop3A_169], %parallel_loop3A_167 {strides = array<i32>} : memref<48x128xf32, #tpu.memory_space<vmem>>, vector<16xf32>,
            %parallel_loop3A_171 = arith.index_cast %parallel_loop3A_144 : i32 to index
            %parallel_loop3A_172 = arith.constant 48 : index
            %parallel_loop3A_173 = tpu.vector_load %arg21[%parallel_loop3A_171, %parallel_loop3A_172] {strides = array<i32>} : memref<48x128xf32, #tpu.memory_space<vmem>>, vector<16xf32>,
            %parallel_loop3A_174 = arith.mulf %parallel_loop3A_173, %parallel_loop3A_149 : vector<16xf32>
            %parallel_loop3A_175 = arith.index_cast %parallel_loop3A_144 : i32 to index
            %parallel_loop3A_176 = arith.constant 48 : index
            %parallel_loop3A_177 = tpu.vector_load %arg22[%parallel_loop3A_175, %parallel_loop3A_176] {strides = array<i32>} : memref<48x128xf32, #tpu.memory_space<vmem>>, vector<16xf32>,
            tpu.vector_store %arg22[%parallel_loop3A_175, %parallel_loop3A_176], %parallel_loop3A_174 {strides = array<i32>} : memref<48x128xf32, #tpu.memory_space<vmem>>, vector<16xf32>,
            %parallel_loop3A_178 = arith.index_cast %parallel_loop3A_144 : i32 to index
            %parallel_loop3A_179 = arith.constant 64 : index
            %parallel_loop3A_180 = tpu.vector_load %arg21[%parallel_loop3A_178, %parallel_loop3A_179] {strides = array<i32>} : memref<48x128xf32, #tpu.memory_space<vmem>>, vector<16xf32>,
            %parallel_loop3A_181 = arith.mulf %parallel_loop3A_180, %parallel_loop3A_149 : vector<16xf32>
            %parallel_loop3A_182 = arith.index_cast %parallel_loop3A_144 : i32 to index
            %parallel_loop3A_183 = arith.constant 64 : index
            %parallel_loop3A_184 = tpu.vector_load %arg22[%parallel_loop3A_182, %parallel_loop3A_183] {strides = array<i32>} : memref<48x128xf32, #tpu.memory_space<vmem>>, vector<16xf32>,
            tpu.vector_store %arg22[%parallel_loop3A_182, %parallel_loop3A_183], %parallel_loop3A_181 {strides = array<i32>} : memref<48x128xf32, #tpu.memory_space<vmem>>, vector<16xf32>,
            %parallel_loop3A_185 = arith.index_cast %parallel_loop3A_144 : i32 to index
            %parallel_loop3A_186 = arith.constant 80 : index
            %parallel_loop3A_187 = tpu.vector_load %arg21[%parallel_loop3A_185, %parallel_loop3A_186] {strides = array<i32>} : memref<48x128xf32, #tpu.memory_space<vmem>>, vector<16xf32>,
            %parallel_loop3A_188 = arith.mulf %parallel_loop3A_187, %parallel_loop3A_149 : vector<16xf32>
            %parallel_loop3A_189 = arith.index_cast %parallel_loop3A_144 : i32 to index
            %parallel_loop3A_190 = arith.constant 80 : index
            %parallel_loop3A_191 = tpu.vector_load %arg22[%parallel_loop3A_189, %parallel_loop3A_190] {strides = array<i32>} : memref<48x128xf32, #tpu.memory_space<vmem>>, vector<16xf32>,
            tpu.vector_store %arg22[%parallel_loop3A_189, %parallel_loop3A_190], %parallel_loop3A_188 {strides = array<i32>} : memref<48x128xf32, #tpu.memory_space<vmem>>, vector<16xf32>,
            %parallel_loop3A_192 = arith.index_cast %parallel_loop3A_144 : i32 to index
            %parallel_loop3A_193 = arith.constant 96 : index
            %parallel_loop3A_194 = tpu.vector_load %arg21[%parallel_loop3A_192, %parallel_loop3A_193] {strides = array<i32>} : memref<48x128xf32, #tpu.memory_space<vmem>>, vector<16xf32>,
            %parallel_loop3A_195 = arith.mulf %parallel_loop3A_194, %parallel_loop3A_149 : vector<16xf32>
            %parallel_loop3A_196 = arith.index_cast %parallel_loop3A_144 : i32 to index
            %parallel_loop3A_197 = arith.constant 96 : index
            %parallel_loop3A_198 = tpu.vector_load %arg22[%parallel_loop3A_196, %parallel_loop3A_197] {strides = array<i32>} : memref<48x128xf32, #tpu.memory_space<vmem>>, vector<16xf32>,
            tpu.vector_store %arg22[%parallel_loop3A_196, %parallel_loop3A_197], %parallel_loop3A_195 {strides = array<i32>} : memref<48x128xf32, #tpu.memory_space<vmem>>, vector<16xf32>,
            %parallel_loop3A_199 = arith.index_cast %parallel_loop3A_144 : i32 to index
            %parallel_loop3A_200 = arith.constant 112 : index
            %parallel_loop3A_201 = tpu.vector_load %arg21[%parallel_loop3A_199, %parallel_loop3A_200] {strides = array<i32>} : memref<48x128xf32, #tpu.memory_space<vmem>>, vector<16xf32>,
            %parallel_loop3A_202 = arith.mulf %parallel_loop3A_201, %parallel_loop3A_149 : vector<16xf32>
            %parallel_loop3A_203 = arith.index_cast %parallel_loop3A_144 : i32 to index
            %parallel_loop3A_204 = arith.constant 112 : index
            %parallel_loop3A_205 = tpu.vector_load %arg22[%parallel_loop3A_203, %parallel_loop3A_204] {strides = array<i32>} : memref<48x128xf32, #tpu.memory_space<vmem>>, vector<16xf32>,
            tpu.vector_store %arg22[%parallel_loop3A_203, %parallel_loop3A_204], %parallel_loop3A_202 {strides = array<i32>} : memref<48x128xf32, #tpu.memory_space<vmem>>, vector<16xf32>,
          } {sc.loop_unroll_factor = 8 : i64, sc.parallel_access}
          %dma_start3A_141 = arith.constant 0 : i32
          %dma_start3A_142 = arith.constant 0 : i32
          %dma_start3A_143 = tpu.memref_slice %arg23[%dma_start3A_141, %dma_start3A_142] : memref<10112x128xf32, #tpu.memory_space<vmem_shared>> -> memref<10112x128xf32, #tpu.memory_space<vmem_shared>>
          tpu.enqueue_indirect_dma source(%arg22 : memref<48x128xf32, #tpu.memory_space<vmem>>) target(%dma_start3A_143 : memref<10112x128xf32, #tpu.memory_space<vmem_shared>>) offsets(%arg15 : memref<48xi32, #tpu.memory_space<vmem>>) semaphore(%arg26 : memref<!tpu.dma_semaphore, #tpu.memory_space<semaphore_mem>>) {add = true}
        }
        %scan3A_86 = arith.constant 210 : i32
        %dma_wait3A = arith.constant 0 : i32
        %dma_wait3A_87 = arith.constant 0 : i32
        %dma_wait3A_88 = tpu.memref_slice %arg23[%dma_wait3A, %dma_wait3A_87] : memref<10112x128xf32, #tpu.memory_space<vmem_shared>> -> memref<10112x128xf32, #tpu.memory_space<vmem_shared>>
        tpu.wait_indirect_dma semaphore(%arg26 : memref<!tpu.dma_semaphore, #tpu.memory_space<semaphore_mem>>) src(%arg22 : memref<48x128xf32, #tpu.memory_space<vmem>>) dst(%dma_wait3A_88 : memref<10112x128xf32, #tpu.memory_space<vmem_shared>>)
        %barrier3A_89 = arith.constant 0 : index
        tpu.barrier barrier_id(%barrier3A_89)
        %mul3A_90 = arith.constant 632 : i32
        %mul3A_91 = arith.muli %arg1, %mul3A_90 : i32
        %mul3A_92 = arith.constant 632 : i32
        %mul3A_93 = arith.muli %arg1, %mul3A_92 : i32
        %add3A_94 = arith.addi %mul3A_17, %mul3A_93 : i32
        "tpu.region"() ({
          %run_scoped3A = tpu.sem_alloc : memref<!tpu.dma_semaphore, #tpu.memory_space<semaphore_mem>>
          %dma_start3A_96 = arith.constant 0 : i32
          %dma_start3A_97 = tpu.memref_slice %arg10[%add3A_94, %dma_start3A_96] : memref<40448x128xf32, #tpu.memory_space<hbm>> -> memref<632x128xf32, #tpu.memory_space<hbm>>
          %dma_start3A_98 = arith.constant 0 : i32
          %dma_start3A_99 = tpu.memref_slice %arg23[%mul3A_91, %dma_start3A_98] : memref<10112x128xf32, #tpu.memory_space<vmem_shared>> -> memref<632x128xf32, #tpu.memory_space<vmem_shared>>
          tpu.enqueue_dma source(%dma_start3A_99 : memref<632x128xf32, #tpu.memory_space<vmem_shared>>) target(%dma_start3A_97 : memref<632x128xf32, #tpu.memory_space<hbm>>) target_semaphore(%run_scoped3A : memref<!tpu.dma_semaphore, #tpu.memory_space<semaphore_mem>>)
          %dma_wait3A_100 = arith.constant 0 : i32
          %dma_wait3A_101 = tpu.memref_slice %arg10[%add3A_94, %dma_wait3A_100] : memref<40448x128xf32, #tpu.memory_space<hbm>> -> memref<632x128xf32, #tpu.memory_space<hbm>>
          %dma_wait3A_102 = arith.constant 0 : i32
          %dma_wait3A_103 = tpu.memref_slice %arg23[%mul3A_91, %dma_wait3A_102] : memref<10112x128xf32, #tpu.memory_space<vmem_shared>> -> memref<632x128xf32, #tpu.memory_space<vmem_shared>>
          tpu.wait_dma2 semaphore(%run_scoped3A : memref<!tpu.dma_semaphore, #tpu.memory_space<semaphore_mem>>) src(%dma_wait3A_103 : memref<632x128xf32, #tpu.memory_space<vmem_shared>>) dst(%dma_wait3A_101 : memref<632x128xf32, #tpu.memory_space<hbm>>)
          tpu.yield
        }) : () -> ()
        %barrier3A_95 = arith.constant 0 : index
        tpu.barrier barrier_id(%barrier3A_95)
      } else {
      }
      %eq3A_8 = arith.constant 1 : i32
      %eq3A_9 = arith.cmpi eq, %arg0, %eq3A_8 : i32
      %convert_element_type3A_10 = arith.extui %eq3A_9 : i1 to i32
      %cond3A_11 = arith.constant 0 : i32
      %cond3A_12 = arith.cmpi ne, %convert_element_type3A_10, %cond3A_11 : i32
      scf.if %cond3A_12 {
        %mul3A = arith.constant 2 : i32
        %mul3A_13 = arith.muli %arg0, %mul3A : i32
        %add3A = arith.addi %mul3A_13, %scan3A_5 : i32
        %mul3A_14 = arith.constant 10000 : i32
        %mul3A_15 = arith.muli %scan3A_5, %mul3A_14 : i32
        %mul3A_16 = arith.constant 10112 : i32
        %mul3A_17 = arith.muli %add3A, %mul3A_16 : i32
        %mul3A_18 = arith.constant 632 : i32
        %mul3A_19 = arith.muli %arg1, %mul3A_18 : i32
        "tpu.region"() ({
          %run_scoped3A = tpu.sem_alloc : memref<!tpu.dma_semaphore, #tpu.memory_space<semaphore_mem>>
          %dma_start3A_96 = arith.constant 0 : i32
          %dma_start3A_97 = tpu.memref_slice %arg23[%mul3A_19, %dma_start3A_96] : memref<10112x128xf32, #tpu.memory_space<vmem_shared>> -> memref<632x128xf32, #tpu.memory_space<vmem_shared>>
          tpu.enqueue_dma source(%arg9 : memref<632x128xf32, #tpu.memory_space<hbm>>) target(%dma_start3A_97 : memref<632x128xf32, #tpu.memory_space<vmem_shared>>) target_semaphore(%run_scoped3A : memref<!tpu.dma_semaphore, #tpu.memory_space<semaphore_mem>>)
          %dma_wait3A_98 = arith.constant 0 : i32
          %dma_wait3A_99 = tpu.memref_slice %arg23[%mul3A_19, %dma_wait3A_98] : memref<10112x128xf32, #tpu.memory_space<vmem_shared>> -> memref<632x128xf32, #tpu.memory_space<vmem_shared>>
          tpu.wait_dma2 semaphore(%run_scoped3A : memref<!tpu.dma_semaphore, #tpu.memory_space<semaphore_mem>>) src(%arg9 : memref<632x128xf32, #tpu.memory_space<hbm>>) dst(%dma_wait3A_99 : memref<632x128xf32, #tpu.memory_space<vmem_shared>>)
          tpu.yield
        }) : () -> ()
        %barrier3A = arith.constant 0 : index
        tpu.barrier barrier_id(%barrier3A)
        %rem3A = arith.constant 0 : i32
        %rem3A_20 = arith.constant 20 : i32
        %rem3A_21 = arith.remsi %rem3A, %rem3A_20 : i32
        %eq3A_22 = arith.constant 0 : i32
        %eq3A_23 = arith.cmpi eq, %rem3A_21, %eq3A_22 : i32
        %convert_element_type3A_24 = arith.extui %eq3A_23 : i1 to i32
        %cond3A_25 = arith.constant 0 : i32
        %cond3A_26 = arith.constant 0 : i32
        %cond3A_27 = arith.cmpi ne, %convert_element_type3A_24, %cond3A_26 : i32
        scf.if %cond3A_27 {
          %mul3A_96 = arith.constant 420 : i32
          %mul3A_97 = arith.muli %arg1, %mul3A_96 : i32
          %add3A_98 = arith.addi %mul3A_97, %cond3A_25 : i32
          %mul3A_99 = arith.constant 48 : i32
          %mul3A_100 = arith.muli %add3A_98, %mul3A_99 : i32
          "tpu.region"() ({
            %run_scoped3A = tpu.sem_alloc : memref<!tpu.dma_semaphore, #tpu.memory_space<semaphore_mem>>
            %dma_start3A_101 = tpu.memref_slice %arg6[%mul3A_100] : memref<322560xi32, #tpu.memory_space<hbm>> -> memref<960xi32, #tpu.memory_space<hbm>>
            %dma_start3A_102 = tpu.memref_slice %arg6[%mul3A_100] : memref<322560xi32, #tpu.memory_space<hbm>> -> memref<960xi32, #tpu.memory_space<hbm>>
            tpu.enqueue_dma source(%dma_start3A_102 : memref<960xi32, #tpu.memory_space<hbm>>) target(%arg11 : memref<960xi32, #tpu.memory_space<vmem>>) target_semaphore(%run_scoped3A : memref<!tpu.dma_semaphore, #tpu.memory_space<semaphore_mem>>)
            %dma_wait3A_103 = tpu.memref_slice %arg6[%mul3A_100] : memref<322560xi32, #tpu.memory_space<hbm>> -> memref<960xi32, #tpu.memory_space<hbm>>
            %dma_wait3A_104 = tpu.memref_slice %arg6[%mul3A_100] : memref<322560xi32, #tpu.memory_space<hbm>> -> memref<960xi32, #tpu.memory_space<hbm>>
            tpu.wait_dma2 semaphore(%run_scoped3A : memref<!tpu.dma_semaphore, #tpu.memory_space<semaphore_mem>>) src(%dma_wait3A_104 : memref<960xi32, #tpu.memory_space<hbm>>) dst(%arg11 : memref<960xi32, #tpu.memory_space<vmem>>)
            tpu.yield
          }) : () -> ()
          "tpu.region"() ({
            %run_scoped3A = tpu.sem_alloc : memref<!tpu.dma_semaphore, #tpu.memory_space<semaphore_mem>>
            %dma_start3A_101 = tpu.memref_slice %arg7[%mul3A_100] : memref<322560xi32, #tpu.memory_space<hbm>> -> memref<960xi32, #tpu.memory_space<hbm>>
            %dma_start3A_102 = tpu.memref_slice %arg7[%mul3A_100] : memref<322560xi32, #tpu.memory_space<hbm>> -> memref<960xi32, #tpu.memory_space<hbm>>
            tpu.enqueue_dma source(%dma_start3A_102 : memref<960xi32, #tpu.memory_space<hbm>>) target(%arg12 : memref<960xi32, #tpu.memory_space<vmem>>) target_semaphore(%run_scoped3A : memref<!tpu.dma_semaphore, #tpu.memory_space<semaphore_mem>>)
            %dma_wait3A_103 = tpu.memref_slice %arg7[%mul3A_100] : memref<322560xi32, #tpu.memory_space<hbm>> -> memref<960xi32, #tpu.memory_space<hbm>>
            %dma_wait3A_104 = tpu.memref_slice %arg7[%mul3A_100] : memref<322560xi32, #tpu.memory_space<hbm>> -> memref<960xi32, #tpu.memory_space<hbm>>
            tpu.wait_dma2 semaphore(%run_scoped3A : memref<!tpu.dma_semaphore, #tpu.memory_space<semaphore_mem>>) src(%dma_wait3A_104 : memref<960xi32, #tpu.memory_space<hbm>>) dst(%arg12 : memref<960xi32, #tpu.memory_space<vmem>>)
            tpu.yield
          }) : () -> ()
          "tpu.region"() ({
            %run_scoped3A = tpu.sem_alloc : memref<!tpu.dma_semaphore, #tpu.memory_space<semaphore_mem>>
            %dma_start3A_101 = tpu.memref_slice %arg8[%mul3A_100] : memref<322560xf32, #tpu.memory_space<hbm>> -> memref<960xf32, #tpu.memory_space<hbm>>
            %dma_start3A_102 = tpu.memref_slice %arg8[%mul3A_100] : memref<322560xf32, #tpu.memory_space<hbm>> -> memref<960xf32, #tpu.memory_space<hbm>>
            tpu.enqueue_dma source(%dma_start3A_102 : memref<960xf32, #tpu.memory_space<hbm>>) target(%arg13 : memref<960xf32, #tpu.memory_space<vmem>>) target_semaphore(%run_scoped3A : memref<!tpu.dma_semaphore, #tpu.memory_space<semaphore_mem>>)
            %dma_wait3A_103 = tpu.memref_slice %arg8[%mul3A_100] : memref<322560xf32, #tpu.memory_space<hbm>> -> memref<960xf32, #tpu.memory_space<hbm>>
            %dma_wait3A_104 = tpu.memref_slice %arg8[%mul3A_100] : memref<322560xf32, #tpu.memory_space<hbm>> -> memref<960xf32, #tpu.memory_space<hbm>>
            tpu.wait_dma2 semaphore(%run_scoped3A : memref<!tpu.dma_semaphore, #tpu.memory_space<semaphore_mem>>) src(%dma_wait3A_104 : memref<960xf32, #tpu.memory_space<hbm>>) dst(%arg13 : memref<960xf32, #tpu.memory_space<vmem>>)
            tpu.yield
          }) : () -> ()
        } else {
        }
        %rem3A_28 = arith.constant 0 : i32
        %rem3A_29 = arith.constant 20 : i32
        %rem3A_30 = arith.remsi %rem3A_28, %rem3A_29 : i32
        %mul3A_31 = arith.constant 48 : i32
        %mul3A_32 = arith.muli %rem3A_30, %mul3A_31 : i32
        %add3A_33 = arith.constant 0 : i32
        %add3A_34 = arith.addi %mul3A_32, %add3A_33 : i32
        %get3A = arith.index_cast %add3A_34 : i32 to index
        %get3A_35 = tpu.vector_load %arg11[%get3A] {strides = array<i32>} : memref<960xi32, #tpu.memory_space<vmem>>, vector<16xi32>,
        %add3A_36 = vector.broadcast %mul3A_15 : i32 to vector<16xi32>
        %add3A_37 = arith.addi %get3A_35, %add3A_36 : vector<16xi32>
        %swap3A = arith.constant 0 : index
        %swap3A_38 = tpu.vector_load %arg16[%swap3A] {strides = array<i32>} : memref<48xi32, #tpu.memory_space<vmem>>, vector<16xi32>,
        tpu.vector_store %arg16[%swap3A], %add3A_37 {strides = array<i32>} : memref<48xi32, #tpu.memory_space<vmem>>, vector<16xi32>,
        %get3A_39 = arith.index_cast %add3A_34 : i32 to index
        %get3A_40 = tpu.vector_load %arg12[%get3A_39] {strides = array<i32>} : memref<960xi32, #tpu.memory_space<vmem>>, vector<16xi32>,
        %swap3A_41 = arith.constant 0 : index
        %swap3A_42 = tpu.vector_load %arg14[%swap3A_41] {strides = array<i32>} : memref<48xi32, #tpu.memory_space<vmem>>, vector<16xi32>,
        tpu.vector_store %arg14[%swap3A_41], %get3A_40 {strides = array<i32>} : memref<48xi32, #tpu.memory_space<vmem>>, vector<16xi32>,
        %get3A_43 = arith.index_cast %add3A_34 : i32 to index
        %get3A_44 = tpu.vector_load %arg13[%get3A_43] {strides = array<i32>} : memref<960xf32, #tpu.memory_space<vmem>>, vector<16xf32>,
        %swap3A_45 = arith.constant 0 : index
        %swap3A_46 = tpu.vector_load %arg18[%swap3A_45] {strides = array<i32>} : memref<64xf32, #tpu.memory_space<vmem>>, vector<16xf32>,
        tpu.vector_store %arg18[%swap3A_45], %get3A_44 {strides = array<i32>} : memref<64xf32, #tpu.memory_space<vmem>>, vector<16xf32>,
        %add3A_47 = arith.constant 16 : i32
        %add3A_48 = arith.addi %mul3A_32, %add3A_47 : i32
        %get3A_49 = arith.index_cast %add3A_48 : i32 to index
        %get3A_50 = tpu.vector_load %arg11[%get3A_49] {strides = array<i32>} : memref<960xi32, #tpu.memory_space<vmem>>, vector<16xi32>,
        %add3A_51 = vector.broadcast %mul3A_15 : i32 to vector<16xi32>
        %add3A_52 = arith.addi %get3A_50, %add3A_51 : vector<16xi32>
        %swap3A_53 = arith.constant 16 : index
        %swap3A_54 = tpu.vector_load %arg16[%swap3A_53] {strides = array<i32>} : memref<48xi32, #tpu.memory_space<vmem>>, vector<16xi32>,
        tpu.vector_store %arg16[%swap3A_53], %add3A_52 {strides = array<i32>} : memref<48xi32, #tpu.memory_space<vmem>>, vector<16xi32>,
        %get3A_55 = arith.index_cast %add3A_48 : i32 to index
        %get3A_56 = tpu.vector_load %arg12[%get3A_55] {strides = array<i32>} : memref<960xi32, #tpu.memory_space<vmem>>, vector<16xi32>,
        %swap3A_57 = arith.constant 16 : index
        %swap3A_58 = tpu.vector_load %arg14[%swap3A_57] {strides = array<i32>} : memref<48xi32, #tpu.memory_space<vmem>>, vector<16xi32>,
        tpu.vector_store %arg14[%swap3A_57], %get3A_56 {strides = array<i32>} : memref<48xi32, #tpu.memory_space<vmem>>, vector<16xi32>,
        %get3A_59 = arith.index_cast %add3A_48 : i32 to index
        %get3A_60 = tpu.vector_load %arg13[%get3A_59] {strides = array<i32>} : memref<960xf32, #tpu.memory_space<vmem>>, vector<16xf32>,
        %swap3A_61 = arith.constant 16 : index
        %swap3A_62 = tpu.vector_load %arg18[%swap3A_61] {strides = array<i32>} : memref<64xf32, #tpu.memory_space<vmem>>, vector<16xf32>,
        tpu.vector_store %arg18[%swap3A_61], %get3A_60 {strides = array<i32>} : memref<64xf32, #tpu.memory_space<vmem>>, vector<16xf32>,
        %add3A_63 = arith.constant 32 : i32
        %add3A_64 = arith.addi %mul3A_32, %add3A_63 : i32
        %get3A_65 = arith.index_cast %add3A_64 : i32 to index
        %get3A_66 = tpu.vector_load %arg11[%get3A_65] {strides = array<i32>} : memref<960xi32, #tpu.memory_space<vmem>>, vector<16xi32>,
        %add3A_67 = vector.broadcast %mul3A_15 : i32 to vector<16xi32>
        %add3A_68 = arith.addi %get3A_66, %add3A_67 : vector<16xi32>
        %swap3A_69 = arith.constant 32 : index
        %swap3A_70 = tpu.vector_load %arg16[%swap3A_69] {strides = array<i32>} : memref<48xi32, #tpu.memory_space<vmem>>, vector<16xi32>,
        tpu.vector_store %arg16[%swap3A_69], %add3A_68 {strides = array<i32>} : memref<48xi32, #tpu.memory_space<vmem>>, vector<16xi32>,
        %get3A_71 = arith.index_cast %add3A_64 : i32 to index
        %get3A_72 = tpu.vector_load %arg12[%get3A_71] {strides = array<i32>} : memref<960xi32, #tpu.memory_space<vmem>>, vector<16xi32>,
        %swap3A_73 = arith.constant 32 : index
        %swap3A_74 = tpu.vector_load %arg14[%swap3A_73] {strides = array<i32>} : memref<48xi32, #tpu.memory_space<vmem>>, vector<16xi32>,
        tpu.vector_store %arg14[%swap3A_73], %get3A_72 {strides = array<i32>} : memref<48xi32, #tpu.memory_space<vmem>>, vector<16xi32>,
        %get3A_75 = arith.index_cast %add3A_64 : i32 to index
        %get3A_76 = tpu.vector_load %arg13[%get3A_75] {strides = array<i32>} : memref<960xf32, #tpu.memory_space<vmem>>, vector<16xf32>,
        %swap3A_77 = arith.constant 32 : index
        %swap3A_78 = tpu.vector_load %arg18[%swap3A_77] {strides = array<i32>} : memref<64xf32, #tpu.memory_space<vmem>>, vector<16xf32>,
        tpu.vector_store %arg18[%swap3A_77], %get3A_76 {strides = array<i32>} : memref<64xf32, #tpu.memory_space<vmem>>, vector<16xf32>,
        %dma_start3A = arith.constant 0 : i32
        %dma_start3A_79 = arith.constant 0 : i32
        %dma_start3A_80 = tpu.memref_slice %arg2[%dma_start3A, %dma_start3A_79] : memref<20000x128xf32, #tpu.memory_space<hbm>> -> memref<20000x128xf32, #tpu.memory_space<hbm>>
        tpu.enqueue_indirect_dma source(%dma_start3A_80 : memref<20000x128xf32, #tpu.memory_space<hbm>>) target(%arg20 : memref<48x128xf32, #tpu.memory_space<vmem>>) offsets(%arg16 : memref<48xi32, #tpu.memory_space<vmem>>) semaphore(%arg24 : memref<!tpu.dma_semaphore, #tpu.memory_space<semaphore_mem>>)
        %scan3A_81 = arith.constant 0 : i32
        %scan3A_82 = arith.constant 0 : i32
        %scan3A_83 = arith.constant 210 : i32
        %scan3A_84 = arith.addi %scan3A_82, %scan3A_83 : i32
        %scan3A_85 = arith.constant 1 : i32
        scf.for %scan3A_96 = %scan3A_82 to %scan3A_84 step %scan3A_85  : i32 {
          %mul3A_97 = arith.constant 2 : i32
          %mul3A_98 = arith.muli %scan3A_96, %mul3A_97 : i32
          %add3A_99 = arith.constant 0 : i32
          %add3A_100 = arith.addi %mul3A_98, %add3A_99 : i32
          %ge3A = arith.constant 1 : i32
          %ge3A_101 = arith.cmpi sge, %add3A_100, %ge3A : i32
          %convert_element_type3A_102 = arith.extui %ge3A_101 : i1 to i32
          %cond3A_103 = arith.constant 0 : i32
          %cond3A_104 = arith.cmpi ne, %convert_element_type3A_102, %cond3A_103 : i32
          scf.if %cond3A_104 {
            %dma_wait3A_144 = arith.constant 0 : i32
            %dma_wait3A_145 = arith.constant 0 : i32
            %dma_wait3A_146 = tpu.memref_slice %arg23[%dma_wait3A_144, %dma_wait3A_145] : memref<10112x128xf32, #tpu.memory_space<vmem_shared>> -> memref<10112x128xf32, #tpu.memory_space<vmem_shared>>
            tpu.wait_indirect_dma semaphore(%arg26 : memref<!tpu.dma_semaphore, #tpu.memory_space<semaphore_mem>>) src(%arg22 : memref<48x128xf32, #tpu.memory_space<vmem>>) dst(%dma_wait3A_146 : memref<10112x128xf32, #tpu.memory_space<vmem_shared>>)
          } else {
          }
          %add3A_105 = arith.constant 1 : i32
          %add3A_106 = arith.addi %add3A_100, %add3A_105 : i32
          %lt3A = arith.constant 420 : i32
          %lt3A_107 = arith.cmpi slt, %add3A_106, %lt3A : i32
          %convert_element_type3A_108 = arith.extui %lt3A_107 : i1 to i32
          %cond3A_109 = arith.constant 0 : i32
          %cond3A_110 = arith.cmpi ne, %convert_element_type3A_108, %cond3A_109 : i32
          scf.if %cond3A_110 {
            %add3A_144 = arith.constant 1 : i32
            %add3A_145 = arith.addi %add3A_100, %add3A_144 : i32
            %rem3A_146 = arith.constant 20 : i32
            %rem3A_147 = arith.remsi %add3A_145, %rem3A_146 : i32
            %eq3A_148 = arith.constant 0 : i32
            %eq3A_149 = arith.cmpi eq, %rem3A_147, %eq3A_148 : i32
            %convert_element_type3A_150 = arith.extui %eq3A_149 : i1 to i32
            %cond3A_151 = arith.constant 0 : i32
            %cond3A_152 = arith.cmpi ne, %convert_element_type3A_150, %cond3A_151 : i32
            scf.if %cond3A_152 {
              %mul3A_208 = arith.constant 420 : i32
              %mul3A_209 = arith.muli %arg1, %mul3A_208 : i32
              %add3A_210 = arith.addi %mul3A_209, %add3A_145 : i32
              %mul3A_211 = arith.constant 48 : i32
              %mul3A_212 = arith.muli %add3A_210, %mul3A_211 : i32
              "tpu.region"() ({
                %run_scoped3A = tpu.sem_alloc : memref<!tpu.dma_semaphore, #tpu.memory_space<semaphore_mem>>
                %dma_start3A_213 = tpu.memref_slice %arg6[%mul3A_212] : memref<322560xi32, #tpu.memory_space<hbm>> -> memref<960xi32, #tpu.memory_space<hbm>>
                %dma_start3A_214 = tpu.memref_slice %arg6[%mul3A_212] : memref<322560xi32, #tpu.memory_space<hbm>> -> memref<960xi32, #tpu.memory_space<hbm>>
                tpu.enqueue_dma source(%dma_start3A_214 : memref<960xi32, #tpu.memory_space<hbm>>) target(%arg11 : memref<960xi32, #tpu.memory_space<vmem>>) target_semaphore(%run_scoped3A : memref<!tpu.dma_semaphore, #tpu.memory_space<semaphore_mem>>)
                %dma_wait3A_215 = tpu.memref_slice %arg6[%mul3A_212] : memref<322560xi32, #tpu.memory_space<hbm>> -> memref<960xi32, #tpu.memory_space<hbm>>
                %dma_wait3A_216 = tpu.memref_slice %arg6[%mul3A_212] : memref<322560xi32, #tpu.memory_space<hbm>> -> memref<960xi32, #tpu.memory_space<hbm>>
                tpu.wait_dma2 semaphore(%run_scoped3A : memref<!tpu.dma_semaphore, #tpu.memory_space<semaphore_mem>>) src(%dma_wait3A_216 : memref<960xi32, #tpu.memory_space<hbm>>) dst(%arg11 : memref<960xi32, #tpu.memory_space<vmem>>)
                tpu.yield
              }) : () -> ()
              "tpu.region"() ({
                %run_scoped3A = tpu.sem_alloc : memref<!tpu.dma_semaphore, #tpu.memory_space<semaphore_mem>>
                %dma_start3A_213 = tpu.memref_slice %arg7[%mul3A_212] : memref<322560xi32, #tpu.memory_space<hbm>> -> memref<960xi32, #tpu.memory_space<hbm>>
                %dma_start3A_214 = tpu.memref_slice %arg7[%mul3A_212] : memref<322560xi32, #tpu.memory_space<hbm>> -> memref<960xi32, #tpu.memory_space<hbm>>
                tpu.enqueue_dma source(%dma_start3A_214 : memref<960xi32, #tpu.memory_space<hbm>>) target(%arg12 : memref<960xi32, #tpu.memory_space<vmem>>) target_semaphore(%run_scoped3A : memref<!tpu.dma_semaphore, #tpu.memory_space<semaphore_mem>>)
                %dma_wait3A_215 = tpu.memref_slice %arg7[%mul3A_212] : memref<322560xi32, #tpu.memory_space<hbm>> -> memref<960xi32, #tpu.memory_space<hbm>>
                %dma_wait3A_216 = tpu.memref_slice %arg7[%mul3A_212] : memref<322560xi32, #tpu.memory_space<hbm>> -> memref<960xi32, #tpu.memory_space<hbm>>
                tpu.wait_dma2 semaphore(%run_scoped3A : memref<!tpu.dma_semaphore, #tpu.memory_space<semaphore_mem>>) src(%dma_wait3A_216 : memref<960xi32, #tpu.memory_space<hbm>>) dst(%arg12 : memref<960xi32, #tpu.memory_space<vmem>>)
                tpu.yield
              }) : () -> ()
              "tpu.region"() ({
                %run_scoped3A = tpu.sem_alloc : memref<!tpu.dma_semaphore, #tpu.memory_space<semaphore_mem>>
                %dma_start3A_213 = tpu.memref_slice %arg8[%mul3A_212] : memref<322560xf32, #tpu.memory_space<hbm>> -> memref<960xf32, #tpu.memory_space<hbm>>
                %dma_start3A_214 = tpu.memref_slice %arg8[%mul3A_212] : memref<322560xf32, #tpu.memory_space<hbm>> -> memref<960xf32, #tpu.memory_space<hbm>>
                tpu.enqueue_dma source(%dma_start3A_214 : memref<960xf32, #tpu.memory_space<hbm>>) target(%arg13 : memref<960xf32, #tpu.memory_space<vmem>>) target_semaphore(%run_scoped3A : memref<!tpu.dma_semaphore, #tpu.memory_space<semaphore_mem>>)
                %dma_wait3A_215 = tpu.memref_slice %arg8[%mul3A_212] : memref<322560xf32, #tpu.memory_space<hbm>> -> memref<960xf32, #tpu.memory_space<hbm>>
                %dma_wait3A_216 = tpu.memref_slice %arg8[%mul3A_212] : memref<322560xf32, #tpu.memory_space<hbm>> -> memref<960xf32, #tpu.memory_space<hbm>>
                tpu.wait_dma2 semaphore(%run_scoped3A : memref<!tpu.dma_semaphore, #tpu.memory_space<semaphore_mem>>) src(%dma_wait3A_216 : memref<960xf32, #tpu.memory_space<hbm>>) dst(%arg13 : memref<960xf32, #tpu.memory_space<vmem>>)
                tpu.yield
              }) : () -> ()
            } else {
            }
            %rem3A_153 = arith.constant 20 : i32
            %rem3A_154 = arith.remsi %add3A_145, %rem3A_153 : i32
            %mul3A_155 = arith.constant 48 : i32
            %mul3A_156 = arith.muli %rem3A_154, %mul3A_155 : i32
            %add3A_157 = arith.constant 0 : i32
            %add3A_158 = arith.addi %mul3A_156, %add3A_157 : i32
            %get3A_159 = arith.index_cast %add3A_158 : i32 to index
            %get3A_160 = tpu.vector_load %arg11[%get3A_159] {strides = array<i32>} : memref<960xi32, #tpu.memory_space<vmem>>, vector<16xi32>,
            %add3A_161 = vector.broadcast %mul3A_15 : i32 to vector<16xi32>
            %add3A_162 = arith.addi %get3A_160, %add3A_161 : vector<16xi32>
            %swap3A_163 = arith.constant 0 : index
            %swap3A_164 = tpu.vector_load %arg17[%swap3A_163] {strides = array<i32>} : memref<48xi32, #tpu.memory_space<vmem>>, vector<16xi32>,
            tpu.vector_store %arg17[%swap3A_163], %add3A_162 {strides = array<i32>} : memref<48xi32, #tpu.memory_space<vmem>>, vector<16xi32>,
            %get3A_165 = arith.index_cast %add3A_158 : i32 to index
            %get3A_166 = tpu.vector_load %arg12[%get3A_165] {strides = array<i32>} : memref<960xi32, #tpu.memory_space<vmem>>, vector<16xi32>,
            %swap3A_167 = arith.constant 0 : index
            %swap3A_168 = tpu.vector_load %arg15[%swap3A_167] {strides = array<i32>} : memref<48xi32, #tpu.memory_space<vmem>>, vector<16xi32>,
            tpu.vector_store %arg15[%swap3A_167], %get3A_166 {strides = array<i32>} : memref<48xi32, #tpu.memory_space<vmem>>, vector<16xi32>,
            %get3A_169 = arith.index_cast %add3A_158 : i32 to index
            %get3A_170 = tpu.vector_load %arg13[%get3A_169] {strides = array<i32>} : memref<960xf32, #tpu.memory_space<vmem>>, vector<16xf32>,
            %swap3A_171 = arith.constant 0 : index
            %swap3A_172 = tpu.vector_load %arg19[%swap3A_171] {strides = array<i32>} : memref<64xf32, #tpu.memory_space<vmem>>, vector<16xf32>,
            tpu.vector_store %arg19[%swap3A_171], %get3A_170 {strides = array<i32>} : memref<64xf32, #tpu.memory_space<vmem>>, vector<16xf32>,
            %add3A_173 = arith.constant 16 : i32
            %add3A_174 = arith.addi %mul3A_156, %add3A_173 : i32
            %get3A_175 = arith.index_cast %add3A_174 : i32 to index
            %get3A_176 = tpu.vector_load %arg11[%get3A_175] {strides = array<i32>} : memref<960xi32, #tpu.memory_space<vmem>>, vector<16xi32>,
            %add3A_177 = vector.broadcast %mul3A_15 : i32 to vector<16xi32>
            %add3A_178 = arith.addi %get3A_176, %add3A_177 : vector<16xi32>
            %swap3A_179 = arith.constant 16 : index
            %swap3A_180 = tpu.vector_load %arg17[%swap3A_179] {strides = array<i32>} : memref<48xi32, #tpu.memory_space<vmem>>, vector<16xi32>,
            tpu.vector_store %arg17[%swap3A_179], %add3A_178 {strides = array<i32>} : memref<48xi32, #tpu.memory_space<vmem>>, vector<16xi32>,
            %get3A_181 = arith.index_cast %add3A_174 : i32 to index
            %get3A_182 = tpu.vector_load %arg12[%get3A_181] {strides = array<i32>} : memref<960xi32, #tpu.memory_space<vmem>>, vector<16xi32>,
            %swap3A_183 = arith.constant 16 : index
            %swap3A_184 = tpu.vector_load %arg15[%swap3A_183] {strides = array<i32>} : memref<48xi32, #tpu.memory_space<vmem>>, vector<16xi32>,
            tpu.vector_store %arg15[%swap3A_183], %get3A_182 {strides = array<i32>} : memref<48xi32, #tpu.memory_space<vmem>>, vector<16xi32>,
            %get3A_185 = arith.index_cast %add3A_174 : i32 to index
            %get3A_186 = tpu.vector_load %arg13[%get3A_185] {strides = array<i32>} : memref<960xf32, #tpu.memory_space<vmem>>, vector<16xf32>,
            %swap3A_187 = arith.constant 16 : index
            %swap3A_188 = tpu.vector_load %arg19[%swap3A_187] {strides = array<i32>} : memref<64xf32, #tpu.memory_space<vmem>>, vector<16xf32>,
            tpu.vector_store %arg19[%swap3A_187], %get3A_186 {strides = array<i32>} : memref<64xf32, #tpu.memory_space<vmem>>, vector<16xf32>,
            %add3A_189 = arith.constant 32 : i32
            %add3A_190 = arith.addi %mul3A_156, %add3A_189 : i32
            %get3A_191 = arith.index_cast %add3A_190 : i32 to index
            %get3A_192 = tpu.vector_load %arg11[%get3A_191] {strides = array<i32>} : memref<960xi32, #tpu.memory_space<vmem>>, vector<16xi32>,
            %add3A_193 = vector.broadcast %mul3A_15 : i32 to vector<16xi32>
            %add3A_194 = arith.addi %get3A_192, %add3A_193 : vector<16xi32>
            %swap3A_195 = arith.constant 32 : index
            %swap3A_196 = tpu.vector_load %arg17[%swap3A_195] {strides = array<i32>} : memref<48xi32, #tpu.memory_space<vmem>>, vector<16xi32>,
            tpu.vector_store %arg17[%swap3A_195], %add3A_194 {strides = array<i32>} : memref<48xi32, #tpu.memory_space<vmem>>, vector<16xi32>,
            %get3A_197 = arith.index_cast %add3A_190 : i32 to index
            %get3A_198 = tpu.vector_load %arg12[%get3A_197] {strides = array<i32>} : memref<960xi32, #tpu.memory_space<vmem>>, vector<16xi32>,
            %swap3A_199 = arith.constant 32 : index
            %swap3A_200 = tpu.vector_load %arg15[%swap3A_199] {strides = array<i32>} : memref<48xi32, #tpu.memory_space<vmem>>, vector<16xi32>,
            tpu.vector_store %arg15[%swap3A_199], %get3A_198 {strides = array<i32>} : memref<48xi32, #tpu.memory_space<vmem>>, vector<16xi32>,
            %get3A_201 = arith.index_cast %add3A_190 : i32 to index
            %get3A_202 = tpu.vector_load %arg13[%get3A_201] {strides = array<i32>} : memref<960xf32, #tpu.memory_space<vmem>>, vector<16xf32>,
            %swap3A_203 = arith.constant 32 : index
            %swap3A_204 = tpu.vector_load %arg19[%swap3A_203] {strides = array<i32>} : memref<64xf32, #tpu.memory_space<vmem>>, vector<16xf32>,
            tpu.vector_store %arg19[%swap3A_203], %get3A_202 {strides = array<i32>} : memref<64xf32, #tpu.memory_space<vmem>>, vector<16xf32>,
            %dma_start3A_205 = arith.constant 0 : i32
            %dma_start3A_206 = arith.constant 0 : i32
            %dma_start3A_207 = tpu.memref_slice %arg2[%dma_start3A_205, %dma_start3A_206] : memref<20000x128xf32, #tpu.memory_space<hbm>> -> memref<20000x128xf32, #tpu.memory_space<hbm>>
            tpu.enqueue_indirect_dma source(%dma_start3A_207 : memref<20000x128xf32, #tpu.memory_space<hbm>>) target(%arg21 : memref<48x128xf32, #tpu.memory_space<vmem>>) offsets(%arg17 : memref<48xi32, #tpu.memory_space<vmem>>) semaphore(%arg25 : memref<!tpu.dma_semaphore, #tpu.memory_space<semaphore_mem>>)
          } else {
          }
          %dma_wait3A_111 = arith.constant 0 : i32
          %dma_wait3A_112 = arith.constant 0 : i32
          %dma_wait3A_113 = tpu.memref_slice %arg2[%dma_wait3A_111, %dma_wait3A_112] : memref<20000x128xf32, #tpu.memory_space<hbm>> -> memref<20000x128xf32, #tpu.memory_space<hbm>>
          tpu.wait_indirect_dma semaphore(%arg24 : memref<!tpu.dma_semaphore, #tpu.memory_space<semaphore_mem>>) src(%dma_wait3A_113 : memref<20000x128xf32, #tpu.memory_space<hbm>>) dst(%arg20 : memref<48x128xf32, #tpu.memory_space<vmem>>)
          %parallel_loop3A = arith.constant 0 : i32
          %parallel_loop3A_114 = arith.constant 48 : i32
          %parallel_loop3A_115 = arith.constant 1 : i32
          scf.for %parallel_loop3A_144 = %parallel_loop3A to %parallel_loop3A_114 step %parallel_loop3A_115  : i32 {
            %parallel_loop3A_145 = arith.index_cast %parallel_loop3A_144 : i32 to index
            %parallel_loop3A_146 = tpu.vector_load %arg18[%parallel_loop3A_145] {strides = array<i32>} : memref<64xf32, #tpu.memory_space<vmem>>, vector<16xf32>,
            %parallel_loop3A_147 = vector.extract_strided_slice %parallel_loop3A_146 {offsets = [0], sizes = [1], strides = [1]} : vector<16xf32> to vector<1xf32>
            %parallel_loop3A_148 = vector.extract %parallel_loop3A_147[0] : f32 from vector<1xf32>
            %parallel_loop3A_149 = vector.broadcast %parallel_loop3A_148 : f32 to vector<16xf32>
            %parallel_loop3A_150 = arith.index_cast %parallel_loop3A_144 : i32 to index
            %parallel_loop3A_151 = arith.constant 0 : index
            %parallel_loop3A_152 = tpu.vector_load %arg20[%parallel_loop3A_150, %parallel_loop3A_151] {strides = array<i32>} : memref<48x128xf32, #tpu.memory_space<vmem>>, vector<16xf32>,
            %parallel_loop3A_153 = arith.mulf %parallel_loop3A_152, %parallel_loop3A_149 : vector<16xf32>
            %parallel_loop3A_154 = arith.index_cast %parallel_loop3A_144 : i32 to index
            %parallel_loop3A_155 = arith.constant 0 : index
            %parallel_loop3A_156 = tpu.vector_load %arg22[%parallel_loop3A_154, %parallel_loop3A_155] {strides = array<i32>} : memref<48x128xf32, #tpu.memory_space<vmem>>, vector<16xf32>,
            tpu.vector_store %arg22[%parallel_loop3A_154, %parallel_loop3A_155], %parallel_loop3A_153 {strides = array<i32>} : memref<48x128xf32, #tpu.memory_space<vmem>>, vector<16xf32>,
            %parallel_loop3A_157 = arith.index_cast %parallel_loop3A_144 : i32 to index
            %parallel_loop3A_158 = arith.constant 16 : index
            %parallel_loop3A_159 = tpu.vector_load %arg20[%parallel_loop3A_157, %parallel_loop3A_158] {strides = array<i32>} : memref<48x128xf32, #tpu.memory_space<vmem>>, vector<16xf32>,
            %parallel_loop3A_160 = arith.mulf %parallel_loop3A_159, %parallel_loop3A_149 : vector<16xf32>
            %parallel_loop3A_161 = arith.index_cast %parallel_loop3A_144 : i32 to index
            %parallel_loop3A_162 = arith.constant 16 : index
            %parallel_loop3A_163 = tpu.vector_load %arg22[%parallel_loop3A_161, %parallel_loop3A_162] {strides = array<i32>} : memref<48x128xf32, #tpu.memory_space<vmem>>, vector<16xf32>,
            tpu.vector_store %arg22[%parallel_loop3A_161, %parallel_loop3A_162], %parallel_loop3A_160 {strides = array<i32>} : memref<48x128xf32, #tpu.memory_space<vmem>>, vector<16xf32>,
            %parallel_loop3A_164 = arith.index_cast %parallel_loop3A_144 : i32 to index
            %parallel_loop3A_165 = arith.constant 32 : index
            %parallel_loop3A_166 = tpu.vector_load %arg20[%parallel_loop3A_164, %parallel_loop3A_165] {strides = array<i32>} : memref<48x128xf32, #tpu.memory_space<vmem>>, vector<16xf32>,
            %parallel_loop3A_167 = arith.mulf %parallel_loop3A_166, %parallel_loop3A_149 : vector<16xf32>
            %parallel_loop3A_168 = arith.index_cast %parallel_loop3A_144 : i32 to index
            %parallel_loop3A_169 = arith.constant 32 : index
            %parallel_loop3A_170 = tpu.vector_load %arg22[%parallel_loop3A_168, %parallel_loop3A_169] {strides = array<i32>} : memref<48x128xf32, #tpu.memory_space<vmem>>, vector<16xf32>,
            tpu.vector_store %arg22[%parallel_loop3A_168, %parallel_loop3A_169], %parallel_loop3A_167 {strides = array<i32>} : memref<48x128xf32, #tpu.memory_space<vmem>>, vector<16xf32>,
            %parallel_loop3A_171 = arith.index_cast %parallel_loop3A_144 : i32 to index
            %parallel_loop3A_172 = arith.constant 48 : index
            %parallel_loop3A_173 = tpu.vector_load %arg20[%parallel_loop3A_171, %parallel_loop3A_172] {strides = array<i32>} : memref<48x128xf32, #tpu.memory_space<vmem>>, vector<16xf32>,
            %parallel_loop3A_174 = arith.mulf %parallel_loop3A_173, %parallel_loop3A_149 : vector<16xf32>
            %parallel_loop3A_175 = arith.index_cast %parallel_loop3A_144 : i32 to index
            %parallel_loop3A_176 = arith.constant 48 : index
            %parallel_loop3A_177 = tpu.vector_load %arg22[%parallel_loop3A_175, %parallel_loop3A_176] {strides = array<i32>} : memref<48x128xf32, #tpu.memory_space<vmem>>, vector<16xf32>,
            tpu.vector_store %arg22[%parallel_loop3A_175, %parallel_loop3A_176], %parallel_loop3A_174 {strides = array<i32>} : memref<48x128xf32, #tpu.memory_space<vmem>>, vector<16xf32>,
            %parallel_loop3A_178 = arith.index_cast %parallel_loop3A_144 : i32 to index
            %parallel_loop3A_179 = arith.constant 64 : index
            %parallel_loop3A_180 = tpu.vector_load %arg20[%parallel_loop3A_178, %parallel_loop3A_179] {strides = array<i32>} : memref<48x128xf32, #tpu.memory_space<vmem>>, vector<16xf32>,
            %parallel_loop3A_181 = arith.mulf %parallel_loop3A_180, %parallel_loop3A_149 : vector<16xf32>
            %parallel_loop3A_182 = arith.index_cast %parallel_loop3A_144 : i32 to index
            %parallel_loop3A_183 = arith.constant 64 : index
            %parallel_loop3A_184 = tpu.vector_load %arg22[%parallel_loop3A_182, %parallel_loop3A_183] {strides = array<i32>} : memref<48x128xf32, #tpu.memory_space<vmem>>, vector<16xf32>,
            tpu.vector_store %arg22[%parallel_loop3A_182, %parallel_loop3A_183], %parallel_loop3A_181 {strides = array<i32>} : memref<48x128xf32, #tpu.memory_space<vmem>>, vector<16xf32>,
            %parallel_loop3A_185 = arith.index_cast %parallel_loop3A_144 : i32 to index
            %parallel_loop3A_186 = arith.constant 80 : index
            %parallel_loop3A_187 = tpu.vector_load %arg20[%parallel_loop3A_185, %parallel_loop3A_186] {strides = array<i32>} : memref<48x128xf32, #tpu.memory_space<vmem>>, vector<16xf32>,
            %parallel_loop3A_188 = arith.mulf %parallel_loop3A_187, %parallel_loop3A_149 : vector<16xf32>
            %parallel_loop3A_189 = arith.index_cast %parallel_loop3A_144 : i32 to index
            %parallel_loop3A_190 = arith.constant 80 : index
            %parallel_loop3A_191 = tpu.vector_load %arg22[%parallel_loop3A_189, %parallel_loop3A_190] {strides = array<i32>} : memref<48x128xf32, #tpu.memory_space<vmem>>, vector<16xf32>,
            tpu.vector_store %arg22[%parallel_loop3A_189, %parallel_loop3A_190], %parallel_loop3A_188 {strides = array<i32>} : memref<48x128xf32, #tpu.memory_space<vmem>>, vector<16xf32>,
            %parallel_loop3A_192 = arith.index_cast %parallel_loop3A_144 : i32 to index
            %parallel_loop3A_193 = arith.constant 96 : index
            %parallel_loop3A_194 = tpu.vector_load %arg20[%parallel_loop3A_192, %parallel_loop3A_193] {strides = array<i32>} : memref<48x128xf32, #tpu.memory_space<vmem>>, vector<16xf32>,
            %parallel_loop3A_195 = arith.mulf %parallel_loop3A_194, %parallel_loop3A_149 : vector<16xf32>
            %parallel_loop3A_196 = arith.index_cast %parallel_loop3A_144 : i32 to index
            %parallel_loop3A_197 = arith.constant 96 : index
            %parallel_loop3A_198 = tpu.vector_load %arg22[%parallel_loop3A_196, %parallel_loop3A_197] {strides = array<i32>} : memref<48x128xf32, #tpu.memory_space<vmem>>, vector<16xf32>,
            tpu.vector_store %arg22[%parallel_loop3A_196, %parallel_loop3A_197], %parallel_loop3A_195 {strides = array<i32>} : memref<48x128xf32, #tpu.memory_space<vmem>>, vector<16xf32>,
            %parallel_loop3A_199 = arith.index_cast %parallel_loop3A_144 : i32 to index
            %parallel_loop3A_200 = arith.constant 112 : index
            %parallel_loop3A_201 = tpu.vector_load %arg20[%parallel_loop3A_199, %parallel_loop3A_200] {strides = array<i32>} : memref<48x128xf32, #tpu.memory_space<vmem>>, vector<16xf32>,
            %parallel_loop3A_202 = arith.mulf %parallel_loop3A_201, %parallel_loop3A_149 : vector<16xf32>
            %parallel_loop3A_203 = arith.index_cast %parallel_loop3A_144 : i32 to index
            %parallel_loop3A_204 = arith.constant 112 : index
            %parallel_loop3A_205 = tpu.vector_load %arg22[%parallel_loop3A_203, %parallel_loop3A_204] {strides = array<i32>} : memref<48x128xf32, #tpu.memory_space<vmem>>, vector<16xf32>,
            tpu.vector_store %arg22[%parallel_loop3A_203, %parallel_loop3A_204], %parallel_loop3A_202 {strides = array<i32>} : memref<48x128xf32, #tpu.memory_space<vmem>>, vector<16xf32>,
          } {sc.loop_unroll_factor = 8 : i64, sc.parallel_access}
          %dma_start3A_116 = arith.constant 0 : i32
          %dma_start3A_117 = arith.constant 0 : i32
          %dma_start3A_118 = tpu.memref_slice %arg23[%dma_start3A_116, %dma_start3A_117] : memref<10112x128xf32, #tpu.memory_space<vmem_shared>> -> memref<10112x128xf32, #tpu.memory_space<vmem_shared>>
          tpu.enqueue_indirect_dma source(%arg22 : memref<48x128xf32, #tpu.memory_space<vmem>>) target(%dma_start3A_118 : memref<10112x128xf32, #tpu.memory_space<vmem_shared>>) offsets(%arg14 : memref<48xi32, #tpu.memory_space<vmem>>) semaphore(%arg26 : memref<!tpu.dma_semaphore, #tpu.memory_space<semaphore_mem>>) {add = true}
          %mul3A_119 = arith.constant 2 : i32
          %mul3A_120 = arith.muli %scan3A_96, %mul3A_119 : i32
          %add3A_121 = arith.constant 1 : i32
          %add3A_122 = arith.addi %mul3A_120, %add3A_121 : i32
          %ge3A_123 = arith.constant 1 : i32
          %ge3A_124 = arith.cmpi sge, %add3A_122, %ge3A_123 : i32
          %convert_element_type3A_125 = arith.extui %ge3A_124 : i1 to i32
          %cond3A_126 = arith.constant 0 : i32
          %cond3A_127 = arith.cmpi ne, %convert_element_type3A_125, %cond3A_126 : i32
          scf.if %cond3A_127 {
            %dma_wait3A_144 = arith.constant 0 : i32
            %dma_wait3A_145 = arith.constant 0 : i32
            %dma_wait3A_146 = tpu.memref_slice %arg23[%dma_wait3A_144, %dma_wait3A_145] : memref<10112x128xf32, #tpu.memory_space<vmem_shared>> -> memref<10112x128xf32, #tpu.memory_space<vmem_shared>>
            tpu.wait_indirect_dma semaphore(%arg26 : memref<!tpu.dma_semaphore, #tpu.memory_space<semaphore_mem>>) src(%arg22 : memref<48x128xf32, #tpu.memory_space<vmem>>) dst(%dma_wait3A_146 : memref<10112x128xf32, #tpu.memory_space<vmem_shared>>)
          } else {
          }
          %add3A_128 = arith.constant 1 : i32
          %add3A_129 = arith.addi %add3A_122, %add3A_128 : i32
          %lt3A_130 = arith.constant 420 : i32
          %lt3A_131 = arith.cmpi slt, %add3A_129, %lt3A_130 : i32
          %convert_element_type3A_132 = arith.extui %lt3A_131 : i1 to i32
          %cond3A_133 = arith.constant 0 : i32
          %cond3A_134 = arith.cmpi ne, %convert_element_type3A_132, %cond3A_133 : i32
          scf.if %cond3A_134 {
            %add3A_144 = arith.constant 1 : i32
            %add3A_145 = arith.addi %add3A_122, %add3A_144 : i32
            %rem3A_146 = arith.constant 20 : i32
            %rem3A_147 = arith.remsi %add3A_145, %rem3A_146 : i32
            %eq3A_148 = arith.constant 0 : i32
            %eq3A_149 = arith.cmpi eq, %rem3A_147, %eq3A_148 : i32
            %convert_element_type3A_150 = arith.extui %eq3A_149 : i1 to i32
            %cond3A_151 = arith.constant 0 : i32
            %cond3A_152 = arith.cmpi ne, %convert_element_type3A_150, %cond3A_151 : i32
            scf.if %cond3A_152 {
              %mul3A_208 = arith.constant 420 : i32
              %mul3A_209 = arith.muli %arg1, %mul3A_208 : i32
              %add3A_210 = arith.addi %mul3A_209, %add3A_145 : i32
              %mul3A_211 = arith.constant 48 : i32
              %mul3A_212 = arith.muli %add3A_210, %mul3A_211 : i32
              "tpu.region"() ({
                %run_scoped3A = tpu.sem_alloc : memref<!tpu.dma_semaphore, #tpu.memory_space<semaphore_mem>>
                %dma_start3A_213 = tpu.memref_slice %arg6[%mul3A_212] : memref<322560xi32, #tpu.memory_space<hbm>> -> memref<960xi32, #tpu.memory_space<hbm>>
                %dma_start3A_214 = tpu.memref_slice %arg6[%mul3A_212] : memref<322560xi32, #tpu.memory_space<hbm>> -> memref<960xi32, #tpu.memory_space<hbm>>
                tpu.enqueue_dma source(%dma_start3A_214 : memref<960xi32, #tpu.memory_space<hbm>>) target(%arg11 : memref<960xi32, #tpu.memory_space<vmem>>) target_semaphore(%run_scoped3A : memref<!tpu.dma_semaphore, #tpu.memory_space<semaphore_mem>>)
                %dma_wait3A_215 = tpu.memref_slice %arg6[%mul3A_212] : memref<322560xi32, #tpu.memory_space<hbm>> -> memref<960xi32, #tpu.memory_space<hbm>>
                %dma_wait3A_216 = tpu.memref_slice %arg6[%mul3A_212] : memref<322560xi32, #tpu.memory_space<hbm>> -> memref<960xi32, #tpu.memory_space<hbm>>
                tpu.wait_dma2 semaphore(%run_scoped3A : memref<!tpu.dma_semaphore, #tpu.memory_space<semaphore_mem>>) src(%dma_wait3A_216 : memref<960xi32, #tpu.memory_space<hbm>>) dst(%arg11 : memref<960xi32, #tpu.memory_space<vmem>>)
                tpu.yield
              }) : () -> ()
              "tpu.region"() ({
                %run_scoped3A = tpu.sem_alloc : memref<!tpu.dma_semaphore, #tpu.memory_space<semaphore_mem>>
                %dma_start3A_213 = tpu.memref_slice %arg7[%mul3A_212] : memref<322560xi32, #tpu.memory_space<hbm>> -> memref<960xi32, #tpu.memory_space<hbm>>
                %dma_start3A_214 = tpu.memref_slice %arg7[%mul3A_212] : memref<322560xi32, #tpu.memory_space<hbm>> -> memref<960xi32, #tpu.memory_space<hbm>>
                tpu.enqueue_dma source(%dma_start3A_214 : memref<960xi32, #tpu.memory_space<hbm>>) target(%arg12 : memref<960xi32, #tpu.memory_space<vmem>>) target_semaphore(%run_scoped3A : memref<!tpu.dma_semaphore, #tpu.memory_space<semaphore_mem>>)
                %dma_wait3A_215 = tpu.memref_slice %arg7[%mul3A_212] : memref<322560xi32, #tpu.memory_space<hbm>> -> memref<960xi32, #tpu.memory_space<hbm>>
                %dma_wait3A_216 = tpu.memref_slice %arg7[%mul3A_212] : memref<322560xi32, #tpu.memory_space<hbm>> -> memref<960xi32, #tpu.memory_space<hbm>>
                tpu.wait_dma2 semaphore(%run_scoped3A : memref<!tpu.dma_semaphore, #tpu.memory_space<semaphore_mem>>) src(%dma_wait3A_216 : memref<960xi32, #tpu.memory_space<hbm>>) dst(%arg12 : memref<960xi32, #tpu.memory_space<vmem>>)
                tpu.yield
              }) : () -> ()
              "tpu.region"() ({
                %run_scoped3A = tpu.sem_alloc : memref<!tpu.dma_semaphore, #tpu.memory_space<semaphore_mem>>
                %dma_start3A_213 = tpu.memref_slice %arg8[%mul3A_212] : memref<322560xf32, #tpu.memory_space<hbm>> -> memref<960xf32, #tpu.memory_space<hbm>>
                %dma_start3A_214 = tpu.memref_slice %arg8[%mul3A_212] : memref<322560xf32, #tpu.memory_space<hbm>> -> memref<960xf32, #tpu.memory_space<hbm>>
                tpu.enqueue_dma source(%dma_start3A_214 : memref<960xf32, #tpu.memory_space<hbm>>) target(%arg13 : memref<960xf32, #tpu.memory_space<vmem>>) target_semaphore(%run_scoped3A : memref<!tpu.dma_semaphore, #tpu.memory_space<semaphore_mem>>)
                %dma_wait3A_215 = tpu.memref_slice %arg8[%mul3A_212] : memref<322560xf32, #tpu.memory_space<hbm>> -> memref<960xf32, #tpu.memory_space<hbm>>
                %dma_wait3A_216 = tpu.memref_slice %arg8[%mul3A_212] : memref<322560xf32, #tpu.memory_space<hbm>> -> memref<960xf32, #tpu.memory_space<hbm>>
                tpu.wait_dma2 semaphore(%run_scoped3A : memref<!tpu.dma_semaphore, #tpu.memory_space<semaphore_mem>>) src(%dma_wait3A_216 : memref<960xf32, #tpu.memory_space<hbm>>) dst(%arg13 : memref<960xf32, #tpu.memory_space<vmem>>)
                tpu.yield
              }) : () -> ()
            } else {
            }
            %rem3A_153 = arith.constant 20 : i32
            %rem3A_154 = arith.remsi %add3A_145, %rem3A_153 : i32
            %mul3A_155 = arith.constant 48 : i32
            %mul3A_156 = arith.muli %rem3A_154, %mul3A_155 : i32
            %add3A_157 = arith.constant 0 : i32
            %add3A_158 = arith.addi %mul3A_156, %add3A_157 : i32
            %get3A_159 = arith.index_cast %add3A_158 : i32 to index
            %get3A_160 = tpu.vector_load %arg11[%get3A_159] {strides = array<i32>} : memref<960xi32, #tpu.memory_space<vmem>>, vector<16xi32>,
            %add3A_161 = vector.broadcast %mul3A_15 : i32 to vector<16xi32>
            %add3A_162 = arith.addi %get3A_160, %add3A_161 : vector<16xi32>
            %swap3A_163 = arith.constant 0 : index
            %swap3A_164 = tpu.vector_load %arg16[%swap3A_163] {strides = array<i32>} : memref<48xi32, #tpu.memory_space<vmem>>, vector<16xi32>,
            tpu.vector_store %arg16[%swap3A_163], %add3A_162 {strides = array<i32>} : memref<48xi32, #tpu.memory_space<vmem>>, vector<16xi32>,
            %get3A_165 = arith.index_cast %add3A_158 : i32 to index
            %get3A_166 = tpu.vector_load %arg12[%get3A_165] {strides = array<i32>} : memref<960xi32, #tpu.memory_space<vmem>>, vector<16xi32>,
            %swap3A_167 = arith.constant 0 : index
            %swap3A_168 = tpu.vector_load %arg14[%swap3A_167] {strides = array<i32>} : memref<48xi32, #tpu.memory_space<vmem>>, vector<16xi32>,
            tpu.vector_store %arg14[%swap3A_167], %get3A_166 {strides = array<i32>} : memref<48xi32, #tpu.memory_space<vmem>>, vector<16xi32>,
            %get3A_169 = arith.index_cast %add3A_158 : i32 to index
            %get3A_170 = tpu.vector_load %arg13[%get3A_169] {strides = array<i32>} : memref<960xf32, #tpu.memory_space<vmem>>, vector<16xf32>,
            %swap3A_171 = arith.constant 0 : index
            %swap3A_172 = tpu.vector_load %arg18[%swap3A_171] {strides = array<i32>} : memref<64xf32, #tpu.memory_space<vmem>>, vector<16xf32>,
            tpu.vector_store %arg18[%swap3A_171], %get3A_170 {strides = array<i32>} : memref<64xf32, #tpu.memory_space<vmem>>, vector<16xf32>,
            %add3A_173 = arith.constant 16 : i32
            %add3A_174 = arith.addi %mul3A_156, %add3A_173 : i32
            %get3A_175 = arith.index_cast %add3A_174 : i32 to index
            %get3A_176 = tpu.vector_load %arg11[%get3A_175] {strides = array<i32>} : memref<960xi32, #tpu.memory_space<vmem>>, vector<16xi32>,
            %add3A_177 = vector.broadcast %mul3A_15 : i32 to vector<16xi32>
            %add3A_178 = arith.addi %get3A_176, %add3A_177 : vector<16xi32>
            %swap3A_179 = arith.constant 16 : index
            %swap3A_180 = tpu.vector_load %arg16[%swap3A_179] {strides = array<i32>} : memref<48xi32, #tpu.memory_space<vmem>>, vector<16xi32>,
            tpu.vector_store %arg16[%swap3A_179], %add3A_178 {strides = array<i32>} : memref<48xi32, #tpu.memory_space<vmem>>, vector<16xi32>,
            %get3A_181 = arith.index_cast %add3A_174 : i32 to index
            %get3A_182 = tpu.vector_load %arg12[%get3A_181] {strides = array<i32>} : memref<960xi32, #tpu.memory_space<vmem>>, vector<16xi32>,
            %swap3A_183 = arith.constant 16 : index
            %swap3A_184 = tpu.vector_load %arg14[%swap3A_183] {strides = array<i32>} : memref<48xi32, #tpu.memory_space<vmem>>, vector<16xi32>,
            tpu.vector_store %arg14[%swap3A_183], %get3A_182 {strides = array<i32>} : memref<48xi32, #tpu.memory_space<vmem>>, vector<16xi32>,
            %get3A_185 = arith.index_cast %add3A_174 : i32 to index
            %get3A_186 = tpu.vector_load %arg13[%get3A_185] {strides = array<i32>} : memref<960xf32, #tpu.memory_space<vmem>>, vector<16xf32>,
            %swap3A_187 = arith.constant 16 : index
            %swap3A_188 = tpu.vector_load %arg18[%swap3A_187] {strides = array<i32>} : memref<64xf32, #tpu.memory_space<vmem>>, vector<16xf32>,
            tpu.vector_store %arg18[%swap3A_187], %get3A_186 {strides = array<i32>} : memref<64xf32, #tpu.memory_space<vmem>>, vector<16xf32>,
            %add3A_189 = arith.constant 32 : i32
            %add3A_190 = arith.addi %mul3A_156, %add3A_189 : i32
            %get3A_191 = arith.index_cast %add3A_190 : i32 to index
            %get3A_192 = tpu.vector_load %arg11[%get3A_191] {strides = array<i32>} : memref<960xi32, #tpu.memory_space<vmem>>, vector<16xi32>,
            %add3A_193 = vector.broadcast %mul3A_15 : i32 to vector<16xi32>
            %add3A_194 = arith.addi %get3A_192, %add3A_193 : vector<16xi32>
            %swap3A_195 = arith.constant 32 : index
            %swap3A_196 = tpu.vector_load %arg16[%swap3A_195] {strides = array<i32>} : memref<48xi32, #tpu.memory_space<vmem>>, vector<16xi32>,
            tpu.vector_store %arg16[%swap3A_195], %add3A_194 {strides = array<i32>} : memref<48xi32, #tpu.memory_space<vmem>>, vector<16xi32>,
            %get3A_197 = arith.index_cast %add3A_190 : i32 to index
            %get3A_198 = tpu.vector_load %arg12[%get3A_197] {strides = array<i32>} : memref<960xi32, #tpu.memory_space<vmem>>, vector<16xi32>,
            %swap3A_199 = arith.constant 32 : index
            %swap3A_200 = tpu.vector_load %arg14[%swap3A_199] {strides = array<i32>} : memref<48xi32, #tpu.memory_space<vmem>>, vector<16xi32>,
            tpu.vector_store %arg14[%swap3A_199], %get3A_198 {strides = array<i32>} : memref<48xi32, #tpu.memory_space<vmem>>, vector<16xi32>,
            %get3A_201 = arith.index_cast %add3A_190 : i32 to index
            %get3A_202 = tpu.vector_load %arg13[%get3A_201] {strides = array<i32>} : memref<960xf32, #tpu.memory_space<vmem>>, vector<16xf32>,
            %swap3A_203 = arith.constant 32 : index
            %swap3A_204 = tpu.vector_load %arg18[%swap3A_203] {strides = array<i32>} : memref<64xf32, #tpu.memory_space<vmem>>, vector<16xf32>,
            tpu.vector_store %arg18[%swap3A_203], %get3A_202 {strides = array<i32>} : memref<64xf32, #tpu.memory_space<vmem>>, vector<16xf32>,
            %dma_start3A_205 = arith.constant 0 : i32
            %dma_start3A_206 = arith.constant 0 : i32
            %dma_start3A_207 = tpu.memref_slice %arg2[%dma_start3A_205, %dma_start3A_206] : memref<20000x128xf32, #tpu.memory_space<hbm>> -> memref<20000x128xf32, #tpu.memory_space<hbm>>
            tpu.enqueue_indirect_dma source(%dma_start3A_207 : memref<20000x128xf32, #tpu.memory_space<hbm>>) target(%arg20 : memref<48x128xf32, #tpu.memory_space<vmem>>) offsets(%arg16 : memref<48xi32, #tpu.memory_space<vmem>>) semaphore(%arg24 : memref<!tpu.dma_semaphore, #tpu.memory_space<semaphore_mem>>)
          } else {
          }
          %dma_wait3A_135 = arith.constant 0 : i32
          %dma_wait3A_136 = arith.constant 0 : i32
          %dma_wait3A_137 = tpu.memref_slice %arg2[%dma_wait3A_135, %dma_wait3A_136] : memref<20000x128xf32, #tpu.memory_space<hbm>> -> memref<20000x128xf32, #tpu.memory_space<hbm>>
          tpu.wait_indirect_dma semaphore(%arg25 : memref<!tpu.dma_semaphore, #tpu.memory_space<semaphore_mem>>) src(%dma_wait3A_137 : memref<20000x128xf32, #tpu.memory_space<hbm>>) dst(%arg21 : memref<48x128xf32, #tpu.memory_space<vmem>>)
          %parallel_loop3A_138 = arith.constant 0 : i32
          %parallel_loop3A_139 = arith.constant 48 : i32
          %parallel_loop3A_140 = arith.constant 1 : i32
          scf.for %parallel_loop3A_144 = %parallel_loop3A_138 to %parallel_loop3A_139 step %parallel_loop3A_140  : i32 {
            %parallel_loop3A_145 = arith.index_cast %parallel_loop3A_144 : i32 to index
            %parallel_loop3A_146 = tpu.vector_load %arg19[%parallel_loop3A_145] {strides = array<i32>} : memref<64xf32, #tpu.memory_space<vmem>>, vector<16xf32>,
            %parallel_loop3A_147 = vector.extract_strided_slice %parallel_loop3A_146 {offsets = [0], sizes = [1], strides = [1]} : vector<16xf32> to vector<1xf32>
            %parallel_loop3A_148 = vector.extract %parallel_loop3A_147[0] : f32 from vector<1xf32>
            %parallel_loop3A_149 = vector.broadcast %parallel_loop3A_148 : f32 to vector<16xf32>
            %parallel_loop3A_150 = arith.index_cast %parallel_loop3A_144 : i32 to index
            %parallel_loop3A_151 = arith.constant 0 : index
            %parallel_loop3A_152 = tpu.vector_load %arg21[%parallel_loop3A_150, %parallel_loop3A_151] {strides = array<i32>} : memref<48x128xf32, #tpu.memory_space<vmem>>, vector<16xf32>,
            %parallel_loop3A_153 = arith.mulf %parallel_loop3A_152, %parallel_loop3A_149 : vector<16xf32>
            %parallel_loop3A_154 = arith.index_cast %parallel_loop3A_144 : i32 to index
            %parallel_loop3A_155 = arith.constant 0 : index
            %parallel_loop3A_156 = tpu.vector_load %arg22[%parallel_loop3A_154, %parallel_loop3A_155] {strides = array<i32>} : memref<48x128xf32, #tpu.memory_space<vmem>>, vector<16xf32>,
            tpu.vector_store %arg22[%parallel_loop3A_154, %parallel_loop3A_155], %parallel_loop3A_153 {strides = array<i32>} : memref<48x128xf32, #tpu.memory_space<vmem>>, vector<16xf32>,
            %parallel_loop3A_157 = arith.index_cast %parallel_loop3A_144 : i32 to index
            %parallel_loop3A_158 = arith.constant 16 : index
            %parallel_loop3A_159 = tpu.vector_load %arg21[%parallel_loop3A_157, %parallel_loop3A_158] {strides = array<i32>} : memref<48x128xf32, #tpu.memory_space<vmem>>, vector<16xf32>,
            %parallel_loop3A_160 = arith.mulf %parallel_loop3A_159, %parallel_loop3A_149 : vector<16xf32>
            %parallel_loop3A_161 = arith.index_cast %parallel_loop3A_144 : i32 to index
            %parallel_loop3A_162 = arith.constant 16 : index
            %parallel_loop3A_163 = tpu.vector_load %arg22[%parallel_loop3A_161, %parallel_loop3A_162] {strides = array<i32>} : memref<48x128xf32, #tpu.memory_space<vmem>>, vector<16xf32>,
            tpu.vector_store %arg22[%parallel_loop3A_161, %parallel_loop3A_162], %parallel_loop3A_160 {strides = array<i32>} : memref<48x128xf32, #tpu.memory_space<vmem>>, vector<16xf32>,
            %parallel_loop3A_164 = arith.index_cast %parallel_loop3A_144 : i32 to index
            %parallel_loop3A_165 = arith.constant 32 : index
            %parallel_loop3A_166 = tpu.vector_load %arg21[%parallel_loop3A_164, %parallel_loop3A_165] {strides = array<i32>} : memref<48x128xf32, #tpu.memory_space<vmem>>, vector<16xf32>,
            %parallel_loop3A_167 = arith.mulf %parallel_loop3A_166, %parallel_loop3A_149 : vector<16xf32>
            %parallel_loop3A_168 = arith.index_cast %parallel_loop3A_144 : i32 to index
            %parallel_loop3A_169 = arith.constant 32 : index
            %parallel_loop3A_170 = tpu.vector_load %arg22[%parallel_loop3A_168, %parallel_loop3A_169] {strides = array<i32>} : memref<48x128xf32, #tpu.memory_space<vmem>>, vector<16xf32>,
            tpu.vector_store %arg22[%parallel_loop3A_168, %parallel_loop3A_169], %parallel_loop3A_167 {strides = array<i32>} : memref<48x128xf32, #tpu.memory_space<vmem>>, vector<16xf32>,
            %parallel_loop3A_171 = arith.index_cast %parallel_loop3A_144 : i32 to index
            %parallel_loop3A_172 = arith.constant 48 : index
            %parallel_loop3A_173 = tpu.vector_load %arg21[%parallel_loop3A_171, %parallel_loop3A_172] {strides = array<i32>} : memref<48x128xf32, #tpu.memory_space<vmem>>, vector<16xf32>,
            %parallel_loop3A_174 = arith.mulf %parallel_loop3A_173, %parallel_loop3A_149 : vector<16xf32>
            %parallel_loop3A_175 = arith.index_cast %parallel_loop3A_144 : i32 to index
            %parallel_loop3A_176 = arith.constant 48 : index
            %parallel_loop3A_177 = tpu.vector_load %arg22[%parallel_loop3A_175, %parallel_loop3A_176] {strides = array<i32>} : memref<48x128xf32, #tpu.memory_space<vmem>>, vector<16xf32>,
            tpu.vector_store %arg22[%parallel_loop3A_175, %parallel_loop3A_176], %parallel_loop3A_174 {strides = array<i32>} : memref<48x128xf32, #tpu.memory_space<vmem>>, vector<16xf32>,
            %parallel_loop3A_178 = arith.index_cast %parallel_loop3A_144 : i32 to index
            %parallel_loop3A_179 = arith.constant 64 : index
            %parallel_loop3A_180 = tpu.vector_load %arg21[%parallel_loop3A_178, %parallel_loop3A_179] {strides = array<i32>} : memref<48x128xf32, #tpu.memory_space<vmem>>, vector<16xf32>,
            %parallel_loop3A_181 = arith.mulf %parallel_loop3A_180, %parallel_loop3A_149 : vector<16xf32>
            %parallel_loop3A_182 = arith.index_cast %parallel_loop3A_144 : i32 to index
            %parallel_loop3A_183 = arith.constant 64 : index
            %parallel_loop3A_184 = tpu.vector_load %arg22[%parallel_loop3A_182, %parallel_loop3A_183] {strides = array<i32>} : memref<48x128xf32, #tpu.memory_space<vmem>>, vector<16xf32>,
            tpu.vector_store %arg22[%parallel_loop3A_182, %parallel_loop3A_183], %parallel_loop3A_181 {strides = array<i32>} : memref<48x128xf32, #tpu.memory_space<vmem>>, vector<16xf32>,
            %parallel_loop3A_185 = arith.index_cast %parallel_loop3A_144 : i32 to index
            %parallel_loop3A_186 = arith.constant 80 : index
            %parallel_loop3A_187 = tpu.vector_load %arg21[%parallel_loop3A_185, %parallel_loop3A_186] {strides = array<i32>} : memref<48x128xf32, #tpu.memory_space<vmem>>, vector<16xf32>,
            %parallel_loop3A_188 = arith.mulf %parallel_loop3A_187, %parallel_loop3A_149 : vector<16xf32>
            %parallel_loop3A_189 = arith.index_cast %parallel_loop3A_144 : i32 to index
            %parallel_loop3A_190 = arith.constant 80 : index
            %parallel_loop3A_191 = tpu.vector_load %arg22[%parallel_loop3A_189, %parallel_loop3A_190] {strides = array<i32>} : memref<48x128xf32, #tpu.memory_space<vmem>>, vector<16xf32>,
            tpu.vector_store %arg22[%parallel_loop3A_189, %parallel_loop3A_190], %parallel_loop3A_188 {strides = array<i32>} : memref<48x128xf32, #tpu.memory_space<vmem>>, vector<16xf32>,
            %parallel_loop3A_192 = arith.index_cast %parallel_loop3A_144 : i32 to index
            %parallel_loop3A_193 = arith.constant 96 : index
            %parallel_loop3A_194 = tpu.vector_load %arg21[%parallel_loop3A_192, %parallel_loop3A_193] {strides = array<i32>} : memref<48x128xf32, #tpu.memory_space<vmem>>, vector<16xf32>,
            %parallel_loop3A_195 = arith.mulf %parallel_loop3A_194, %parallel_loop3A_149 : vector<16xf32>
            %parallel_loop3A_196 = arith.index_cast %parallel_loop3A_144 : i32 to index
            %parallel_loop3A_197 = arith.constant 96 : index
            %parallel_loop3A_198 = tpu.vector_load %arg22[%parallel_loop3A_196, %parallel_loop3A_197] {strides = array<i32>} : memref<48x128xf32, #tpu.memory_space<vmem>>, vector<16xf32>,
            tpu.vector_store %arg22[%parallel_loop3A_196, %parallel_loop3A_197], %parallel_loop3A_195 {strides = array<i32>} : memref<48x128xf32, #tpu.memory_space<vmem>>, vector<16xf32>,
            %parallel_loop3A_199 = arith.index_cast %parallel_loop3A_144 : i32 to index
            %parallel_loop3A_200 = arith.constant 112 : index
            %parallel_loop3A_201 = tpu.vector_load %arg21[%parallel_loop3A_199, %parallel_loop3A_200] {strides = array<i32>} : memref<48x128xf32, #tpu.memory_space<vmem>>, vector<16xf32>,
            %parallel_loop3A_202 = arith.mulf %parallel_loop3A_201, %parallel_loop3A_149 : vector<16xf32>
            %parallel_loop3A_203 = arith.index_cast %parallel_loop3A_144 : i32 to index
            %parallel_loop3A_204 = arith.constant 112 : index
            %parallel_loop3A_205 = tpu.vector_load %arg22[%parallel_loop3A_203, %parallel_loop3A_204] {strides = array<i32>} : memref<48x128xf32, #tpu.memory_space<vmem>>, vector<16xf32>,
            tpu.vector_store %arg22[%parallel_loop3A_203, %parallel_loop3A_204], %parallel_loop3A_202 {strides = array<i32>} : memref<48x128xf32, #tpu.memory_space<vmem>>, vector<16xf32>,
          } {sc.loop_unroll_factor = 8 : i64, sc.parallel_access}
          %dma_start3A_141 = arith.constant 0 : i32
          %dma_start3A_142 = arith.constant 0 : i32
          %dma_start3A_143 = tpu.memref_slice %arg23[%dma_start3A_141, %dma_start3A_142] : memref<10112x128xf32, #tpu.memory_space<vmem_shared>> -> memref<10112x128xf32, #tpu.memory_space<vmem_shared>>
          tpu.enqueue_indirect_dma source(%arg22 : memref<48x128xf32, #tpu.memory_space<vmem>>) target(%dma_start3A_143 : memref<10112x128xf32, #tpu.memory_space<vmem_shared>>) offsets(%arg15 : memref<48xi32, #tpu.memory_space<vmem>>) semaphore(%arg26 : memref<!tpu.dma_semaphore, #tpu.memory_space<semaphore_mem>>) {add = true}
        }
        %scan3A_86 = arith.constant 210 : i32
        %dma_wait3A = arith.constant 0 : i32
        %dma_wait3A_87 = arith.constant 0 : i32
        %dma_wait3A_88 = tpu.memref_slice %arg23[%dma_wait3A, %dma_wait3A_87] : memref<10112x128xf32, #tpu.memory_space<vmem_shared>> -> memref<10112x128xf32, #tpu.memory_space<vmem_shared>>
        tpu.wait_indirect_dma semaphore(%arg26 : memref<!tpu.dma_semaphore, #tpu.memory_space<semaphore_mem>>) src(%arg22 : memref<48x128xf32, #tpu.memory_space<vmem>>) dst(%dma_wait3A_88 : memref<10112x128xf32, #tpu.memory_space<vmem_shared>>)
        %barrier3A_89 = arith.constant 0 : index
        tpu.barrier barrier_id(%barrier3A_89)
        %mul3A_90 = arith.constant 632 : i32
        %mul3A_91 = arith.muli %arg1, %mul3A_90 : i32
        %mul3A_92 = arith.constant 632 : i32
        %mul3A_93 = arith.muli %arg1, %mul3A_92 : i32
        %add3A_94 = arith.addi %mul3A_17, %mul3A_93 : i32
        "tpu.region"() ({
          %run_scoped3A = tpu.sem_alloc : memref<!tpu.dma_semaphore, #tpu.memory_space<semaphore_mem>>
          %dma_start3A_96 = arith.constant 0 : i32
          %dma_start3A_97 = tpu.memref_slice %arg10[%add3A_94, %dma_start3A_96] : memref<40448x128xf32, #tpu.memory_space<hbm>> -> memref<632x128xf32, #tpu.memory_space<hbm>>
          %dma_start3A_98 = arith.constant 0 : i32
          %dma_start3A_99 = tpu.memref_slice %arg23[%mul3A_91, %dma_start3A_98] : memref<10112x128xf32, #tpu.memory_space<vmem_shared>> -> memref<632x128xf32, #tpu.memory_space<vmem_shared>>
          tpu.enqueue_dma source(%dma_start3A_99 : memref<632x128xf32, #tpu.memory_space<vmem_shared>>) target(%dma_start3A_97 : memref<632x128xf32, #tpu.memory_space<hbm>>) target_semaphore(%run_scoped3A : memref<!tpu.dma_semaphore, #tpu.memory_space<semaphore_mem>>)
          %dma_wait3A_100 = arith.constant 0 : i32
          %dma_wait3A_101 = tpu.memref_slice %arg10[%add3A_94, %dma_wait3A_100] : memref<40448x128xf32, #tpu.memory_space<hbm>> -> memref<632x128xf32, #tpu.memory_space<hbm>>
          %dma_wait3A_102 = arith.constant 0 : i32
          %dma_wait3A_103 = tpu.memref_slice %arg23[%mul3A_91, %dma_wait3A_102] : memref<10112x128xf32, #tpu.memory_space<vmem_shared>> -> memref<632x128xf32, #tpu.memory_space<vmem_shared>>
          tpu.wait_dma2 semaphore(%run_scoped3A : memref<!tpu.dma_semaphore, #tpu.memory_space<semaphore_mem>>) src(%dma_wait3A_103 : memref<632x128xf32, #tpu.memory_space<vmem_shared>>) dst(%dma_wait3A_101 : memref<632x128xf32, #tpu.memory_space<hbm>>)
          tpu.yield
        }) : () -> ()
        %barrier3A_95 = arith.constant 0 : index
        tpu.barrier barrier_id(%barrier3A_95)
      } else {
      }
    }
    %scan3A_4 = arith.constant 2 : i32
    return
  }
}

module attributes {stable_mosaic.version = 14 : i64} {
  func.func @_tc_rel_body(%arg0: memref<200x128xf32, #tpu.memory_space<vmem>>, %arg1: memref<200x128xf32, #tpu.memory_space<vmem>>, %arg2: memref<128x128xf32, #tpu.memory_space<vmem>>, %arg3: memref<128x128xf32, #tpu.memory_space<vmem>>, %arg4: memref<128x128xf32, #tpu.memory_space<vmem>>, %arg5: memref<200x128xf32, #tpu.memory_space<vmem>>, %arg6: memref<200x128xf32, #tpu.memory_space<vmem>>, %arg7: memref<200x128xf32, #tpu.memory_space<vmem>>, %arg8: memref<200x128xf32, #tpu.memory_space<vmem>>, %arg9: memref<200x128xf32, #tpu.memory_space<vmem>>, %arg10: memref<200x128xf32, #tpu.memory_space<vmem>>) attributes {dimension_semantics = [], scalar_prefetch = 0 : i64, scratch_operands = 0 : i64, tpu.core_type = #tpu.core_type<tc>} {
    %get3A = arith.constant 0 : index
    %get3A_0 = arith.constant 0 : index
    %get3A_1 = vector.load %arg2[%get3A, %get3A_0] : memref<128x128xf32, #tpu.memory_space<vmem>>, vector<128x128xf32>
    %get3A_2 = arith.constant 0 : index
    %get3A_3 = arith.constant 0 : index
    %get3A_4 = vector.load %arg0[%get3A_2, %get3A_3] : memref<200x128xf32, #tpu.memory_space<vmem>>, vector<200x128xf32>
    %get3A_5 = arith.constant 0 : index
    %get3A_6 = arith.constant 0 : index
    %get3A_7 = vector.load %arg1[%get3A_5, %get3A_6] : memref<200x128xf32, #tpu.memory_space<vmem>>, vector<200x128xf32>
    %dot_general3A = arith.constant dense<0.000000e+00> : vector<200x128xf32>
    %dot_general3A_8 = tpu.matmul %get3A_4, %get3A_1, %dot_general3A {dimension_numbers = #tpu.dot_dimension_numbers<[1], [1], [0], [0], [0, 0, 1, 0], [], []>, transpose_lhs_hint = false} : vector<200x128xf32>, vector<128x128xf32>, vector<200x128xf32> -> vector<200x128xf32>
    %swap3A = arith.constant 0 : index
    %swap3A_9 = arith.constant 0 : index
    %swap3A_10 = vector.load %arg5[%swap3A, %swap3A_9] : memref<200x128xf32, #tpu.memory_space<vmem>>, vector<200x128xf32>
    tpu.vector_store %arg5[%swap3A, %swap3A_9], %dot_general3A_8 {strides = array<i32>} : memref<200x128xf32, #tpu.memory_space<vmem>>, vector<200x128xf32>,
    %abs3A = math.absf %get3A_1 : vector<128x128xf32>
    %dot_general3A_11 = arith.constant dense<0.000000e+00> : vector<200x128xf32>
    %dot_general3A_12 = tpu.matmul %get3A_7, %abs3A, %dot_general3A_11 {dimension_numbers = #tpu.dot_dimension_numbers<[1], [1], [0], [0], [0, 0, 1, 0], [], []>, transpose_lhs_hint = false} : vector<200x128xf32>, vector<128x128xf32>, vector<200x128xf32> -> vector<200x128xf32>
    %swap3A_13 = arith.constant 0 : index
    %swap3A_14 = arith.constant 0 : index
    %swap3A_15 = vector.load %arg6[%swap3A_13, %swap3A_14] : memref<200x128xf32, #tpu.memory_space<vmem>>, vector<200x128xf32>
    tpu.vector_store %arg6[%swap3A_13, %swap3A_14], %dot_general3A_12 {strides = array<i32>} : memref<200x128xf32, #tpu.memory_space<vmem>>, vector<200x128xf32>,
    %get3A_16 = arith.constant 0 : index
    %get3A_17 = arith.constant 0 : index
    %get3A_18 = vector.load %arg3[%get3A_16, %get3A_17] : memref<128x128xf32, #tpu.memory_space<vmem>>, vector<128x128xf32>
    %dot_general3A_19 = arith.constant dense<0.000000e+00> : vector<200x128xf32>
    %dot_general3A_20 = tpu.matmul %get3A_4, %get3A_18, %dot_general3A_19 {dimension_numbers = #tpu.dot_dimension_numbers<[1], [1], [0], [0], [0, 0, 1, 0], [], []>, transpose_lhs_hint = false} : vector<200x128xf32>, vector<128x128xf32>, vector<200x128xf32> -> vector<200x128xf32>
    %swap3A_21 = arith.constant 0 : index
    %swap3A_22 = arith.constant 0 : index
    %swap3A_23 = vector.load %arg7[%swap3A_21, %swap3A_22] : memref<200x128xf32, #tpu.memory_space<vmem>>, vector<200x128xf32>
    tpu.vector_store %arg7[%swap3A_21, %swap3A_22], %dot_general3A_20 {strides = array<i32>} : memref<200x128xf32, #tpu.memory_space<vmem>>, vector<200x128xf32>,
    %get3A_24 = arith.constant 0 : index
    %get3A_25 = arith.constant 0 : index
    %get3A_26 = vector.load %arg3[%get3A_24, %get3A_25] : memref<128x128xf32, #tpu.memory_space<vmem>>, vector<128x128xf32>
    %abs3A_27 = math.absf %get3A_26 : vector<128x128xf32>
    %dot_general3A_28 = arith.constant dense<0.000000e+00> : vector<200x128xf32>
    %dot_general3A_29 = tpu.matmul %get3A_7, %abs3A_27, %dot_general3A_28 {dimension_numbers = #tpu.dot_dimension_numbers<[1], [1], [0], [0], [0, 0, 1, 0], [], []>, transpose_lhs_hint = false} : vector<200x128xf32>, vector<128x128xf32>, vector<200x128xf32> -> vector<200x128xf32>
    %swap3A_30 = arith.constant 0 : index
    %swap3A_31 = arith.constant 0 : index
    %swap3A_32 = vector.load %arg8[%swap3A_30, %swap3A_31] : memref<200x128xf32, #tpu.memory_space<vmem>>, vector<200x128xf32>
    tpu.vector_store %arg8[%swap3A_30, %swap3A_31], %dot_general3A_29 {strides = array<i32>} : memref<200x128xf32, #tpu.memory_space<vmem>>, vector<200x128xf32>,
    %get3A_33 = arith.constant 0 : index
    %get3A_34 = arith.constant 0 : index
    %get3A_35 = vector.load %arg4[%get3A_33, %get3A_34] : memref<128x128xf32, #tpu.memory_space<vmem>>, vector<128x128xf32>
    %dot_general3A_36 = arith.constant dense<0.000000e+00> : vector<200x128xf32>
    %dot_general3A_37 = tpu.matmul %get3A_4, %get3A_35, %dot_general3A_36 {dimension_numbers = #tpu.dot_dimension_numbers<[1], [1], [0], [0], [0, 0, 1, 0], [], []>, transpose_lhs_hint = false} : vector<200x128xf32>, vector<128x128xf32>, vector<200x128xf32> -> vector<200x128xf32>
    %swap3A_38 = arith.constant 0 : index
    %swap3A_39 = arith.constant 0 : index
    %swap3A_40 = vector.load %arg9[%swap3A_38, %swap3A_39] : memref<200x128xf32, #tpu.memory_space<vmem>>, vector<200x128xf32>
    tpu.vector_store %arg9[%swap3A_38, %swap3A_39], %dot_general3A_37 {strides = array<i32>} : memref<200x128xf32, #tpu.memory_space<vmem>>, vector<200x128xf32>,
    %get3A_41 = arith.constant 0 : index
    %get3A_42 = arith.constant 0 : index
    %get3A_43 = vector.load %arg4[%get3A_41, %get3A_42] : memref<128x128xf32, #tpu.memory_space<vmem>>, vector<128x128xf32>
    %abs3A_44 = math.absf %get3A_43 : vector<128x128xf32>
    %dot_general3A_45 = arith.constant dense<0.000000e+00> : vector<200x128xf32>
    %dot_general3A_46 = tpu.matmul %get3A_7, %abs3A_44, %dot_general3A_45 {dimension_numbers = #tpu.dot_dimension_numbers<[1], [1], [0], [0], [0, 0, 1, 0], [], []>, transpose_lhs_hint = false} : vector<200x128xf32>, vector<128x128xf32>, vector<200x128xf32> -> vector<200x128xf32>
    %swap3A_47 = arith.constant 0 : index
    %swap3A_48 = arith.constant 0 : index
    %swap3A_49 = vector.load %arg10[%swap3A_47, %swap3A_48] : memref<200x128xf32, #tpu.memory_space<vmem>>, vector<200x128xf32>
    tpu.vector_store %arg10[%swap3A_47, %swap3A_48], %dot_general3A_46 {strides = array<i32>} : memref<200x128xf32, #tpu.memory_space<vmem>>, vector<200x128xf32>,
    return
  }
}

module attributes {stable_mosaic.version = 14 : i64} {
  func.func @_tc_combine_body(%arg0: i32, %arg1: memref<2000x128xf32, #tpu.memory_space<vmem>>, %arg2: memref<2000x128xf32, #tpu.memory_space<vmem>>, %arg3: memref<2000x128xf32, #tpu.memory_space<vmem>>, %arg4: memref<2000x128xf32, #tpu.memory_space<vmem>>, %arg5: memref<2000x256xf32, #tpu.memory_space<vmem>>, %arg6: memref<2000x256xf32, #tpu.memory_space<vmem>>, %arg7: memref<2000x128xf32, #tpu.memory_space<vmem>>, %arg8: memref<2000x128xf32, #tpu.memory_space<vmem>>, %arg9: memref<128x128xf32, #tpu.memory_space<vmem>>, %arg10: memref<128x128xf32, #tpu.memory_space<vmem>>, %arg11: memref<128x128xf32, #tpu.memory_space<vmem>>, %arg12: memref<256x128xf32, #tpu.memory_space<vmem>>, %arg13: memref<256x128xf32, #tpu.memory_space<vmem>>, %arg14: memref<256x128xf32, #tpu.memory_space<vmem>>, %arg15: memref<256x128xf32, #tpu.memory_space<vmem>>, %arg16: memref<1x128xf32, #tpu.memory_space<vmem>>, %arg17: memref<1x128xf32, #tpu.memory_space<vmem>>, %arg18: memref<2000x128xf32, #tpu.memory_space<vmem>>, %arg19: memref<2000x128xf32, #tpu.memory_space<vmem>>) attributes {dimension_semantics = [#tpu.dimension_semantics<arbitrary>], iteration_bounds = array<i64: 5>, scalar_prefetch = 0 : i64, scratch_operands = 0 : i64, tpu.core_type = #tpu.core_type<tc>, window_params = [{transform_indices = @transform_0, window_bounds = array<i64: 2000, 128>}, {transform_indices = @transform_1, window_bounds = array<i64: 2000, 128>}, {transform_indices = @transform_2, window_bounds = array<i64: 2000, 128>}, {transform_indices = @transform_3, window_bounds = array<i64: 2000, 128>}, {transform_indices = @transform_4, window_bounds = array<i64: 2000, 256>}, {transform_indices = @transform_5, window_bounds = array<i64: 2000, 256>}, {transform_indices = @transform_6, window_bounds = array<i64: 2000, 128>}, {transform_indices = @transform_7, window_bounds = array<i64: 2000, 128>}, {pipeline_mode = #tpu.pipeline_mode<synchronous>, transform_indices = @transform_8, window_bounds = array<i64: 128, 128>}, {pipeline_mode = #tpu.pipeline_mode<synchronous>, transform_indices = @transform_9, window_bounds = array<i64: 128, 128>}, {pipeline_mode = #tpu.pipeline_mode<synchronous>, transform_indices = @transform_10, window_bounds = array<i64: 128, 128>}, {pipeline_mode = #tpu.pipeline_mode<synchronous>, transform_indices = @transform_11, window_bounds = array<i64: 256, 128>}, {pipeline_mode = #tpu.pipeline_mode<synchronous>, transform_indices = @transform_12, window_bounds = array<i64: 256, 128>}, {pipeline_mode = #tpu.pipeline_mode<synchronous>, transform_indices = @transform_13, window_bounds = array<i64: 256, 128>}, {pipeline_mode = #tpu.pipeline_mode<synchronous>, transform_indices = @transform_14, window_bounds = array<i64: 256, 128>}, {pipeline_mode = #tpu.pipeline_mode<synchronous>, transform_indices = @transform_15, window_bounds = array<i64: 1, 128>}, {pipeline_mode = #tpu.pipeline_mode<synchronous>, transform_indices = @transform_16, window_bounds = array<i64: 1, 128>}, {transform_indices = @transform_17, window_bounds = array<i64: 2000, 128>}, {transform_indices = @transform_18, window_bounds = array<i64: 2000, 128>}]} {
    %get3A = arith.constant 0 : index
    %get3A_0 = arith.constant 0 : index
    %get3A_1 = vector.load %arg9[%get3A, %get3A_0] : memref<128x128xf32, #tpu.memory_space<vmem>>, vector<128x128xf32>
    %get3A_2 = arith.constant 0 : index
    %get3A_3 = arith.constant 0 : index
    %get3A_4 = vector.load %arg10[%get3A_2, %get3A_3] : memref<128x128xf32, #tpu.memory_space<vmem>>, vector<128x128xf32>
    %get3A_5 = arith.constant 0 : index
    %get3A_6 = arith.constant 0 : index
    %get3A_7 = vector.load %arg11[%get3A_5, %get3A_6] : memref<128x128xf32, #tpu.memory_space<vmem>>, vector<128x128xf32>
    %get3A_8 = arith.constant 0 : index
    %get3A_9 = arith.constant 0 : index
    %get3A_10 = vector.load %arg17[%get3A_8, %get3A_9] : memref<1x128xf32, #tpu.memory_space<vmem>>, vector<1x128xf32>
    %max3A = arith.constant 0.000000e+00 : f32
    %max3A_11 = vector.broadcast %max3A : f32 to vector<1x128xf32>
    %max3A_12 = arith.maximumf %get3A_10, %max3A_11 : vector<1x128xf32>
    %abs3A = math.absf %get3A_10 : vector<1x128xf32>
    %neg3A = arith.constant 0.000000e+00 : f32
    %neg3A_13 = vector.broadcast %neg3A : f32 to vector<1x128xf32>
    %neg3A_14 = arith.subf %neg3A_13, %abs3A : vector<1x128xf32>
    %exp3A = math.exp %neg3A_14 : vector<1x128xf32>
    %add3A = arith.constant 1.000000e+00 : f32
    %add3A_15 = vector.broadcast %add3A : f32 to vector<1x128xf32>
    %add3A_16 = arith.addf %add3A_15, %exp3A : vector<1x128xf32>
    %log3A = math.log %add3A_16 : vector<1x128xf32>
    %add3A_17 = arith.addf %max3A_12, %log3A : vector<1x128xf32>
    %get3A_18 = arith.constant 0 : index
    %get3A_19 = arith.constant 0 : index
    %get3A_20 = vector.load %arg1[%get3A_18, %get3A_19] : memref<2000x128xf32, #tpu.memory_space<vmem>>, vector<2000x128xf32>
    %dot_general3A = arith.constant dense<0.000000e+00> : vector<2000x128xf32>
    %dot_general3A_21 = tpu.matmul %get3A_20, %get3A_1, %dot_general3A {dimension_numbers = #tpu.dot_dimension_numbers<[1], [1], [0], [0], [0, 0, 1, 0], [], []>, transpose_lhs_hint = false} : vector<2000x128xf32>, vector<128x128xf32>, vector<2000x128xf32> -> vector<2000x128xf32>
    %get3A_22 = arith.constant 0 : index
    %get3A_23 = arith.constant 0 : index
    %get3A_24 = vector.load %arg3[%get3A_22, %get3A_23] : memref<2000x128xf32, #tpu.memory_space<vmem>>, vector<2000x128xf32>
    %dot_general3A_25 = arith.constant dense<0.000000e+00> : vector<2000x128xf32>
    %dot_general3A_26 = tpu.matmul %get3A_24, %get3A_4, %dot_general3A_25 {dimension_numbers = #tpu.dot_dimension_numbers<[1], [1], [0], [0], [0, 0, 1, 0], [], []>, transpose_lhs_hint = false} : vector<2000x128xf32>, vector<128x128xf32>, vector<2000x128xf32> -> vector<2000x128xf32>
    %add3A_27 = arith.addf %dot_general3A_21, %dot_general3A_26 : vector<2000x128xf32>
    %get3A_28 = arith.constant 0 : index
    %get3A_29 = arith.constant 0 : index
    %get3A_30 = vector.load %arg5[%get3A_28, %get3A_29] : memref<2000x256xf32, #tpu.memory_space<vmem>>, vector<2000x256xf32>
    %get3A_31 = arith.constant 0 : index
    %get3A_32 = arith.constant 0 : index
    %get3A_33 = vector.load %arg12[%get3A_31, %get3A_32] : memref<256x128xf32, #tpu.memory_space<vmem>>, vector<256x128xf32>
    %dot_general3A_34 = arith.constant dense<0.000000e+00> : vector<2000x128xf32>
    %dot_general3A_35 = tpu.matmul %get3A_30, %get3A_33, %dot_general3A_34 {dimension_numbers = #tpu.dot_dimension_numbers<[1], [0], [0], [1], [0, 0, 1, 1], [], []>, transpose_lhs_hint = false} : vector<2000x256xf32>, vector<256x128xf32>, vector<2000x128xf32> -> vector<2000x128xf32>
    %add3A_36 = arith.addf %add3A_27, %dot_general3A_35 : vector<2000x128xf32>
    %get3A_37 = arith.constant 0 : index
    %get3A_38 = arith.constant 0 : index
    %get3A_39 = vector.load %arg6[%get3A_37, %get3A_38] : memref<2000x256xf32, #tpu.memory_space<vmem>>, vector<2000x256xf32>
    %get3A_40 = arith.constant 0 : index
    %get3A_41 = arith.constant 0 : index
    %get3A_42 = vector.load %arg14[%get3A_40, %get3A_41] : memref<256x128xf32, #tpu.memory_space<vmem>>, vector<256x128xf32>
    %dot_general3A_43 = arith.constant dense<0.000000e+00> : vector<2000x128xf32>
    %dot_general3A_44 = tpu.matmul %get3A_39, %get3A_42, %dot_general3A_43 {dimension_numbers = #tpu.dot_dimension_numbers<[1], [0], [0], [1], [0, 0, 1, 1], [], []>, transpose_lhs_hint = false} : vector<2000x256xf32>, vector<256x128xf32>, vector<2000x128xf32> -> vector<2000x128xf32>
    %sub3A = arith.subf %add3A_36, %dot_general3A_44 : vector<2000x128xf32>
    %get3A_45 = arith.constant 0 : index
    %get3A_46 = arith.constant 0 : index
    %get3A_47 = vector.load %arg7[%get3A_45, %get3A_46] : memref<2000x128xf32, #tpu.memory_space<vmem>>, vector<2000x128xf32>
    %get3A_48 = arith.constant 0 : index
    %get3A_49 = arith.constant 0 : index
    %get3A_50 = vector.load %arg16[%get3A_48, %get3A_49] : memref<1x128xf32, #tpu.memory_space<vmem>>, vector<1x128xf32>
    %add3A_51 = vector.broadcast %get3A_50 : vector<1x128xf32> to vector<2000x128xf32>
    %add3A_52 = arith.addf %get3A_47, %add3A_51 : vector<2000x128xf32>
    %dot_general3A_53 = arith.constant dense<0.000000e+00> : vector<2000x128xf32>
    %dot_general3A_54 = tpu.matmul %add3A_52, %get3A_7, %dot_general3A_53 {dimension_numbers = #tpu.dot_dimension_numbers<[1], [1], [0], [0], [0, 0, 1, 0], [], []>, transpose_lhs_hint = false} : vector<2000x128xf32>, vector<128x128xf32>, vector<2000x128xf32> -> vector<2000x128xf32>
    %add3A_55 = arith.addf %sub3A, %dot_general3A_54 : vector<2000x128xf32>
    %get3A_56 = arith.constant 0 : index
    %get3A_57 = arith.constant 0 : index
    %get3A_58 = vector.load %arg2[%get3A_56, %get3A_57] : memref<2000x128xf32, #tpu.memory_space<vmem>>, vector<2000x128xf32>
    %abs3A_59 = math.absf %get3A_1 : vector<128x128xf32>
    %dot_general3A_60 = arith.constant dense<0.000000e+00> : vector<2000x128xf32>
    %dot_general3A_61 = tpu.matmul %get3A_58, %abs3A_59, %dot_general3A_60 {dimension_numbers = #tpu.dot_dimension_numbers<[1], [1], [0], [0], [0, 0, 1, 0], [], []>, transpose_lhs_hint = false} : vector<2000x128xf32>, vector<128x128xf32>, vector<2000x128xf32> -> vector<2000x128xf32>
    %get3A_62 = arith.constant 0 : index
    %get3A_63 = arith.constant 0 : index
    %get3A_64 = vector.load %arg4[%get3A_62, %get3A_63] : memref<2000x128xf32, #tpu.memory_space<vmem>>, vector<2000x128xf32>
    %abs3A_65 = math.absf %get3A_4 : vector<128x128xf32>
    %dot_general3A_66 = arith.constant dense<0.000000e+00> : vector<2000x128xf32>
    %dot_general3A_67 = tpu.matmul %get3A_64, %abs3A_65, %dot_general3A_66 {dimension_numbers = #tpu.dot_dimension_numbers<[1], [1], [0], [0], [0, 0, 1, 0], [], []>, transpose_lhs_hint = false} : vector<2000x128xf32>, vector<128x128xf32>, vector<2000x128xf32> -> vector<2000x128xf32>
    %add3A_68 = arith.addf %dot_general3A_61, %dot_general3A_67 : vector<2000x128xf32>
    %get3A_69 = arith.constant 0 : index
    %get3A_70 = arith.constant 0 : index
    %get3A_71 = vector.load %arg5[%get3A_69, %get3A_70] : memref<2000x256xf32, #tpu.memory_space<vmem>>, vector<2000x256xf32>
    %get3A_72 = arith.constant 0 : index
    %get3A_73 = arith.constant 0 : index
    %get3A_74 = vector.load %arg13[%get3A_72, %get3A_73] : memref<256x128xf32, #tpu.memory_space<vmem>>, vector<256x128xf32>
    %dot_general3A_75 = arith.constant dense<0.000000e+00> : vector<2000x128xf32>
    %dot_general3A_76 = tpu.matmul %get3A_71, %get3A_74, %dot_general3A_75 {dimension_numbers = #tpu.dot_dimension_numbers<[1], [0], [0], [1], [0, 0, 1, 1], [], []>, transpose_lhs_hint = false} : vector<2000x256xf32>, vector<256x128xf32>, vector<2000x128xf32> -> vector<2000x128xf32>
    %add3A_77 = arith.addf %add3A_68, %dot_general3A_76 : vector<2000x128xf32>
    %get3A_78 = arith.constant 0 : index
    %get3A_79 = arith.constant 0 : index
    %get3A_80 = vector.load %arg6[%get3A_78, %get3A_79] : memref<2000x256xf32, #tpu.memory_space<vmem>>, vector<2000x256xf32>
    %get3A_81 = arith.constant 0 : index
    %get3A_82 = arith.constant 0 : index
    %get3A_83 = vector.load %arg15[%get3A_81, %get3A_82] : memref<256x128xf32, #tpu.memory_space<vmem>>, vector<256x128xf32>
    %dot_general3A_84 = arith.constant dense<0.000000e+00> : vector<2000x128xf32>
    %dot_general3A_85 = tpu.matmul %get3A_80, %get3A_83, %dot_general3A_84 {dimension_numbers = #tpu.dot_dimension_numbers<[1], [0], [0], [1], [0, 0, 1, 1], [], []>, transpose_lhs_hint = false} : vector<2000x256xf32>, vector<256x128xf32>, vector<2000x128xf32> -> vector<2000x128xf32>
    %add3A_86 = arith.addf %add3A_77, %dot_general3A_85 : vector<2000x128xf32>
    %get3A_87 = arith.constant 0 : index
    %get3A_88 = arith.constant 0 : index
    %get3A_89 = vector.load %arg8[%get3A_87, %get3A_88] : memref<2000x128xf32, #tpu.memory_space<vmem>>, vector<2000x128xf32>
    %add3A_90 = vector.broadcast %add3A_17 : vector<1x128xf32> to vector<2000x128xf32>
    %add3A_91 = arith.addf %get3A_89, %add3A_90 : vector<2000x128xf32>
    %abs3A_92 = math.absf %get3A_7 : vector<128x128xf32>
    %dot_general3A_93 = arith.constant dense<0.000000e+00> : vector<2000x128xf32>
    %dot_general3A_94 = tpu.matmul %add3A_91, %abs3A_92, %dot_general3A_93 {dimension_numbers = #tpu.dot_dimension_numbers<[1], [1], [0], [0], [0, 0, 1, 0], [], []>, transpose_lhs_hint = false} : vector<2000x128xf32>, vector<128x128xf32>, vector<2000x128xf32> -> vector<2000x128xf32>
    %add3A_95 = arith.addf %add3A_86, %dot_general3A_94 : vector<2000x128xf32>
    %mul3A = arith.constant 0.333333343 : f32
    %mul3A_96 = vector.broadcast %mul3A : f32 to vector<2000x128xf32>
    %mul3A_97 = arith.mulf %add3A_55, %mul3A_96 : vector<2000x128xf32>
    %mul3A_98 = arith.constant 0.333333343 : f32
    %mul3A_99 = vector.broadcast %mul3A_98 : f32 to vector<2000x128xf32>
    %mul3A_100 = arith.mulf %add3A_95, %mul3A_99 : vector<2000x128xf32>
    %sub3A_101 = arith.subf %mul3A_97, %mul3A_100 : vector<2000x128xf32>
    %max3A_102 = arith.constant 0.000000e+00 : f32
    %max3A_103 = vector.broadcast %max3A_102 : f32 to vector<2000x128xf32>
    %max3A_104 = arith.maximumf %sub3A_101, %max3A_103 : vector<2000x128xf32>
    %add3A_105 = arith.addf %mul3A_97, %mul3A_100 : vector<2000x128xf32>
    %max3A_106 = arith.constant 0.000000e+00 : f32
    %max3A_107 = vector.broadcast %max3A_106 : f32 to vector<2000x128xf32>
    %max3A_108 = arith.maximumf %add3A_105, %max3A_107 : vector<2000x128xf32>
    %add3A_109 = arith.addf %max3A_108, %max3A_104 : vector<2000x128xf32>
    %mul3A_110 = arith.constant 5.000000e-01 : f32
    %mul3A_111 = vector.broadcast %mul3A_110 : f32 to vector<2000x128xf32>
    %mul3A_112 = arith.mulf %add3A_109, %mul3A_111 : vector<2000x128xf32>
    %swap3A = arith.constant 0 : index
    %swap3A_113 = arith.constant 0 : index
    %swap3A_114 = vector.load %arg18[%swap3A, %swap3A_113] : memref<2000x128xf32, #tpu.memory_space<vmem>>, vector<2000x128xf32>
    tpu.vector_store %arg18[%swap3A, %swap3A_113], %mul3A_112 {strides = array<i32>} : memref<2000x128xf32, #tpu.memory_space<vmem>>, vector<2000x128xf32>,
    %sub3A_115 = arith.subf %max3A_108, %max3A_104 : vector<2000x128xf32>
    %mul3A_116 = arith.constant 5.000000e-01 : f32
    %mul3A_117 = vector.broadcast %mul3A_116 : f32 to vector<2000x128xf32>
    %mul3A_118 = arith.mulf %sub3A_115, %mul3A_117 : vector<2000x128xf32>
    %swap3A_119 = arith.constant 0 : index
    %swap3A_120 = arith.constant 0 : index
    %swap3A_121 = vector.load %arg19[%swap3A_119, %swap3A_120] : memref<2000x128xf32, #tpu.memory_space<vmem>>, vector<2000x128xf32>
    tpu.vector_store %arg19[%swap3A_119, %swap3A_120], %mul3A_118 {strides = array<i32>} : memref<2000x128xf32, #tpu.memory_space<vmem>>, vector<2000x128xf32>,
    return
  }
  func.func @transform_0(%arg0: i32) -> (i32, i32) {
    %c0_i32 = arith.constant 0 : i32
    %c0_i32_0 = arith.constant 0 : i32
    return %arg0, %c0_i32 : i32, i32
  }
  func.func @transform_1(%arg0: i32) -> (i32, i32) {
    %c0_i32 = arith.constant 0 : i32
    %c0_i32_0 = arith.constant 0 : i32
    return %arg0, %c0_i32 : i32, i32
  }
  func.func @transform_2(%arg0: i32) -> (i32, i32) {
    %c0_i32 = arith.constant 0 : i32
    %c0_i32_0 = arith.constant 0 : i32
    return %arg0, %c0_i32 : i32, i32
  }
  func.func @transform_3(%arg0: i32) -> (i32, i32) {
    %c0_i32 = arith.constant 0 : i32
    %c0_i32_0 = arith.constant 0 : i32
    return %arg0, %c0_i32 : i32, i32
  }
  func.func @transform_4(%arg0: i32) -> (i32, i32) {
    %c0_i32 = arith.constant 0 : i32
    %c0_i32_0 = arith.constant 0 : i32
    return %arg0, %c0_i32 : i32, i32
  }
  func.func @transform_5(%arg0: i32) -> (i32, i32) {
    %c0_i32 = arith.constant 0 : i32
    %c0_i32_0 = arith.constant 0 : i32
    return %arg0, %c0_i32 : i32, i32
  }
  func.func @transform_6(%arg0: i32) -> (i32, i32) {
    %c0_i32 = arith.constant 0 : i32
    %c0_i32_0 = arith.constant 0 : i32
    return %arg0, %c0_i32 : i32, i32
  }
  func.func @transform_7(%arg0: i32) -> (i32, i32) {
    %c0_i32 = arith.constant 0 : i32
    %c0_i32_0 = arith.constant 0 : i32
    return %arg0, %c0_i32 : i32, i32
  }
  func.func @transform_8(%arg0: i32) -> (i32, i32) {
    %c0_i32 = arith.constant 0 : i32
    %c0_i32_0 = arith.constant 0 : i32
    %c0_i32_1 = arith.constant 0 : i32
    return %c0_i32, %c0_i32_0 : i32, i32
  }
  func.func @transform_9(%arg0: i32) -> (i32, i32) {
    %c0_i32 = arith.constant 0 : i32
    %c0_i32_0 = arith.constant 0 : i32
    %c0_i32_1 = arith.constant 0 : i32
    return %c0_i32, %c0_i32_0 : i32, i32
  }
  func.func @transform_10(%arg0: i32) -> (i32, i32) {
    %c0_i32 = arith.constant 0 : i32
    %c0_i32_0 = arith.constant 0 : i32
    %c0_i32_1 = arith.constant 0 : i32
    return %c0_i32, %c0_i32_0 : i32, i32
  }
  func.func @transform_11(%arg0: i32) -> (i32, i32) {
    %c0_i32 = arith.constant 0 : i32
    %c0_i32_0 = arith.constant 0 : i32
    %c0_i32_1 = arith.constant 0 : i32
    return %c0_i32, %c0_i32_0 : i32, i32
  }
  func.func @transform_12(%arg0: i32) -> (i32, i32) {
    %c0_i32 = arith.constant 0 : i32
    %c0_i32_0 = arith.constant 0 : i32
    %c0_i32_1 = arith.constant 0 : i32
    return %c0_i32, %c0_i32_0 : i32, i32
  }
  func.func @transform_13(%arg0: i32) -> (i32, i32) {
    %c0_i32 = arith.constant 0 : i32
    %c0_i32_0 = arith.constant 0 : i32
    %c0_i32_1 = arith.constant 0 : i32
    return %c0_i32, %c0_i32_0 : i32, i32
  }
  func.func @transform_14(%arg0: i32) -> (i32, i32) {
    %c0_i32 = arith.constant 0 : i32
    %c0_i32_0 = arith.constant 0 : i32
    %c0_i32_1 = arith.constant 0 : i32
    return %c0_i32, %c0_i32_0 : i32, i32
  }
  func.func @transform_15(%arg0: i32) -> (i32, i32) {
    %c0_i32 = arith.constant 0 : i32
    %c0_i32_0 = arith.constant 0 : i32
    %c0_i32_1 = arith.constant 0 : i32
    return %c0_i32, %c0_i32_0 : i32, i32
  }
  func.func @transform_16(%arg0: i32) -> (i32, i32) {
    %c0_i32 = arith.constant 0 : i32
    %c0_i32_0 = arith.constant 0 : i32
    %c0_i32_1 = arith.constant 0 : i32
    return %c0_i32, %c0_i32_0 : i32, i32
  }
  func.func @transform_17(%arg0: i32) -> (i32, i32) {
    %c0_i32 = arith.constant 0 : i32
    %c0_i32_0 = arith.constant 0 : i32
    return %arg0, %c0_i32 : i32, i32
  }
  func.func @transform_18(%arg0: i32) -> (i32, i32) {
    %c0_i32 = arith.constant 0 : i32
    %c0_i32_0 = arith.constant 0 : i32
    return %arg0, %c0_i32 : i32, i32
  }
}

</mosaic_0001>

<sc_bundles>
// kernel: kernel.6.cloned.1.call-start
scs
__scs_entry_jumppad:
0x0: {  	(pc) =	sbr.rel $0x88, $3  }
0x1: {  	(tag) =	ssettag $0x0;
	lr =	simm.s32 $0x1  }
0x2: {  	[smem:$0x3F8F] =	sst lr;
	_ =	strace $0xD0000000  }
0x3: {  	_ = 	snop  }
0x4: {  	_ = 	snop  }
0x5: {  	_ = 	snop  }
0x6: {  	_ = 	snop  }
0x7: {  	_ = 	snop  }
__scs_overlays_trampoline_lowered:
0x8: {  	[smem:$0x3F9E] =	sst s0  }
0x9: {  	[smem:$0x3F9F] =	sst s1  }
0xa: {  	[smem:$0x3FA0] =	sst s2  }
0xb: {  	[smem:$0x3FA1] =	sst s3  }
0xc: {  	[smem:$0x3FA2] =	sst s4  }
0xd: {  	[smem:$0x3FA3] =	sst s5  }
0xe: {  	[smem:$0x3FA4] =	sst s6  }
0xf: {  	[smem:$0x3FA5] =	sst s7  }
0x10: {  	[smem:$0x3FA6] =	sst s8  }
0x11: {  	[smem:$0x3FA7] =	sst s9;
	s0 =	simm.s32 @!p0 $0x0  }
0x12: {  	s1 =	sld [smem:$0x3F8D];
	s0 =	simm.s32 @p0 $0x1  }
0x13: {  	[smem:$0x3FA8] =	sst s0;
	s0 =	simm.s32 @!p1 $0x0  }
0x14: {  	s2 =	sld [smem:$0x3F8C];
	s0 =	simm.s32 @p1 $0x1  }
0x15: {  	[smem:$0x3FA9] =	sst s0;
	s0 =	simm.s32 @!p2 $0x0  }
0x16: {  	s3 =	sld [smem:$0x3FDB];
	s0 =	simm.s32 @p2 $0x1  }
0x17: {  	s4 =	simm.s32 $0x1BF5;
	[smem:$0x3FAB] =	sst s0  }
0x18: {  	s0 =	sld [smem:$0x3F8E];
	_ =	swait.ge [sflag:s4], $0x0  }
0x19: {  	s7 =	sld [smem:$0x3F8F]  }
0x1a: {  	s8 =	sadd.s32 $0xFFFFE003, lr  }
0x1b: {  	s9 =	sadd.s32 $0xFFFFFEF7, lr;
	s5 =	simm.s32 $0xFFFFFFFF;
	p2 =	slt.u32 s8, $0xFFFFF086  }
0x1c: {  	p1 =	slt.u32 s9, $0xF7A;
	s5 =	simm.s32 @!p2 $0x0  }
0x1d: {  	s5 =	simm.s32 @p1 $0x1;
	p0 =	seq.s32 s7, s2  }
0x1e: {  	s7 =	smul.u32 @!p0 $0xF7A, s2;
	p2 =	seq.s32 @!p0 s5, $0x0  }
0x1f: {  	s9 =	smul.u32 $0xF7A, s1;
	s8 =	simm.s32 @!p0 $0x1BF5;
	p2 =	por !p2, p0  }
0x20: {  	[sflag:s8] =	ssyncset.s32 @!p0 $0xFFFFF086;
	s6 =	sadd.s32 @!p0 s3, s7;
	s7 =	simm.s32 @!p0 $0x108  }
0x21: {  	s3 =	sadd.s32 s3, s9;
	s6 =	sadd.s32 @!p0 $0x88, s6;
	s7 =	simm.s32 @p2 $0x1082  }
0x22: {  	[simem:s7], [sflag:s8] =	dma.local @!p0 [hbm:s6], $0xF7A  }
0x23: {  	s9 =	sor.u32 $0xD0000000, s2;
	s6 =	simm.s32 $0x108;
	_ =	swait.ge @!p0 [sflag:s8], $0x0  }
0x24: {  	s3 =	sadd.s32 $0x88, s3;
	s6 =	simm.s32 @!p1 $0x1082;
	[sflag:s4] =	ssyncset.s32 $0xFFFFF086  }
0x25: {  	[simem:s6], [sflag:s4] =	dma.local [hbm:s3], $0xF7A  }
0x26: {  	[smem:$0x3F8F] =	sst s1;
	(tag) =	ssettag s2;
	_ =	strace s9  }
0x27: {  	s1 =	sld [smem:$0x3F9F]  }
0x28: {  	s2 =	sld [smem:$0x3FA0]  }
0x29: {  	s4 =	sld [smem:$0x3FA2]  }
0x2a: {  	p0 =	seq.s32 s5, $0x0;
	s5 =	sld [smem:$0x3FA3]  }
0x2b: {  	s6 =	sld [smem:$0x3FA4]  }
0x2c: {  	s7 =	sld [smem:$0x3FA5]  }
0x2d: {  	s3 =	simm.s32 $0x108;
	s8 =	sld [smem:$0x3FA6]  }
0x2e: {  	s3 =	simm.s32 @!p0 $0x1082;
	s9 =	sld [smem:$0x3FA7]  }
0x2f: {  	lr =	sadd.s32 s0, s3;
	s0 =	sld [smem:$0x3F9E]  }
0x30: {  	s3 =	sld [smem:$0x3FA1]  }
0x31: {  	[smem:$0x3FAA] =	sst s10  }
0x32: {  	s10 =	sld [smem:$0x3FA8];
	_ =	sdelay $0x3  }
0x33: {  	p0 =	seq.s32 s10, $0x1;
	s10 =	sld [smem:$0x3FAA];
	_ =	sdelay $0x3  }
0x34: {  	[smem:$0x3FAA] =	sst s10  }
0x35: {  	s10 =	sld [smem:$0x3FA9];
	_ =	sdelay $0x3  }
0x36: {  	p1 =	seq.s32 s10, $0x1;
	s10 =	sld [smem:$0x3FAA];
	_ =	sdelay $0x3  }
0x37: {  	[smem:$0x3FAA] =	sst s10  }
0x38: {  	s10 =	sld [smem:$0x3FAB]  }
0x39: {  	_ = 	snop;
	(pc) =	sbr.ind lr, $3  }
0x3a: {  	_ = 	snop  }
0x3b: {  	_ = 	snop  }
0x3c: {  	p2 =	seq.s32 s10, $0x1;
	s10 =	sld [smem:$0x3FAA]  }
0x3d: {  	_ =	shalt  }
0x3e: {  	_ =	shalt  }
0x3f: {  	_ =	shalt  }
0x40: {  	_ =	shalt  }
0x41: {  	_ =	shalt  }
0x42: {  	_ =	shalt  }
0x43: {  	_ =	shalt  }
0x44: {  	_ =	shalt  }
0x45: {  	_ =	shalt  }
0x46: {  	_ =	shalt  }
0x47: {  	_ =	shalt  }
0x48: {  	_ =	shalt  }
0x49: {  	_ =	shalt  }
0x4a: {  	_ =	shalt  }
0x4b: {  	_ =	shalt  }
0x4c: {  	_ =	shalt  }
0x4d: {  	_ =	shalt  }
0x4e: {  	_ =	shalt  }
0x4f: {  	_ =	shalt  }
0x50: {  	_ =	shalt  }
0x51: {  	_ =	shalt  }
0x52: {  	_ =	shalt  }
0x53: {  	_ =	shalt  }
0x54: {  	_ =	shalt  }
0x55: {  	_ =	shalt  }
0x56: {  	_ =	shalt  }
0x57: {  	_ =	shalt  }
0x58: {  	_ =	shalt  }
0x59: {  	_ =	shalt  }
0x5a: {  	_ =	shalt  }
0x5b: {  	_ =	shalt  }
0x5c: {  	_ =	shalt  }
0x5d: {  	_ =	shalt  }
0x5e: {  	_ =	shalt  }
0x5f: {  	_ =	shalt  }
0x60: {  	_ =	shalt  }
0x61: {  	_ =	shalt  }
0x62: {  	_ =	shalt  }
0x63: {  	_ =	shalt  }
0x64: {  	_ =	shalt  }
0x65: {  	_ =	shalt  }
0x66: {  	_ =	shalt  }
0x67: {  	_ =	shalt  }
0x68: {  	_ =	shalt  }
0x69: {  	_ =	shalt  }
0x6a: {  	_ =	shalt  }
0x6b: {  	_ =	shalt  }
0x6c: {  	_ =	shalt  }
0x6d: {  	_ =	shalt  }
0x6e: {  	_ =	shalt  }
0x6f: {  	_ =	shalt  }
0x70: {  	_ =	shalt  }
0x71: {  	_ =	shalt  }
0x72: {  	_ =	shalt  }
0x73: {  	_ =	shalt  }
0x74: {  	_ =	shalt  }
0x75: {  	_ =	shalt  }
0x76: {  	_ =	shalt  }
0x77: {  	_ =	shalt  }
0x78: {  	_ =	shalt  }
0x79: {  	_ =	shalt  }
0x7a: {  	_ =	shalt  }
0x7b: {  	_ =	shalt  }
0x7c: {  	_ =	shalt  }
0x7d: {  	_ =	shalt  }
0x7e: {  	_ =	shalt  }
0x7f: {  	_ =	shalt  }
0x80: {  	_ =	shalt  }
0x81: {  	_ =	shalt  }
0x82: {  	_ =	shalt  }
0x83: {  	_ =	shalt  }
0x84: {  	_ =	shalt  }
0x85: {  	_ =	shalt  }
0x86: {  	_ =	shalt  }
0x87: {  	_ =	shalt  }
.Lfunc_end0:
.L_simem_size_0:
called_computation_lowered:
.L_overlay_start_0:
0x88: {  	s2 =	sld [smem:$0x3FD9]  }
0x89: {  	s3 =	sld [smem:$0x3FFE];
	_ =	sdelay $0x1  }
0x8a: {  	s1 =	srdreg.scid  }
0x8b: {  	s0 =	sand.u32 $0x1, s1  }
0x8c: {  	s15 =	sshll.u32 s0, $0xA;
	s2 =	sadd.s32 s3, s2  }
0x8d: {  	s2 =	sadd.s32 s2, s15  }
0x8e: {  	[smem:$0x3FB6] =	sst s2  }
0x8f: {  	_ = 	snop  }
0x90: {  	s2 =	sld [smem:$0x3FD0];
	_ =	sdelay $0x2  }
0x91: {  	s4 =	simm.s32 $0xB;
	s16 =	simm.s32 $0x10  }
0x92: {  	[smem:s16], [sflag:s4] =	dma.local [hbm:s2], $0x1  }
0x93: {  	_ =	swait.eq [sflag:s4], $0x1  }
0x94: {  	[sflag:s4] =	ssyncset.done $0x0  }
0x95: {  	s17 =	sld [smem:$0x10];
	[sflag:s4] =	ssyncadd.s32 $0xFFFFFFFF  }
0x96: {  	s18 =	sld [smem:$0x11];
	(tm) =	ssettm $0x1  }
0x97: {  	s19 =	sld [smem:$0x3FFB];
	_ =	sdelay $0x3  }
0x98: {  	_ =	strace s19  }
0x99: {  	s2 =	sld [smem:$0x3FFC];
	_ =	sdelay $0x3  }
0x9a: {  	_ =	strace s2  }
0x9b: {  	s2 =	sld [smem:$0x3FFD];
	_ =	sdelay $0x3  }
0x9c: {  	_ =	strace s2  }
0x9d: {  	_ =	strace $0x8FFFFFFF  }
0x9e: {  	s20 =	sld [smem:$0x3FDB];
	_ =	sdelay $0x1  }
0x9f: {  	s5 =	simm.s32 $_scs_section_size  }
0xa0: {  	s6 =	simm.s32 $_size__tile_overlayer_lowered;
	s7 =	simm.s32 $_tile_overlayer_lowered  }
0xa1: {  	s8 =	simm.s32 $0x1BFF;
	s21 =	sshll.u32 s7, $0x1;
	s5 =	sadd.s32 s5, s20  }
0xa2: {  	s22 =	simm.s32 $0x0;
	s6 =	sshll.u32 s6, $0x1;
	s7 =	sadd.s32 s21, s5  }
0xa3: {  	[timem:s22], [sflag:s8] =	dma.local [hbm:s7], s6  }
0xa4: {  	_ =	swait.ge [sflag:s8], s6  }
0xa5: {  	s6 =	ssub.s32 $0x0, s6;
	[sflag:s8] =	ssyncset.done $0x0  }
0xa6: {  	[sflag:s8] =	ssyncadd.s32 s6;
	_ =	sdelay $0x1  }
0xa7: {  	s23 =	simm.s32 $0x1B8B  }
0xa8: {  	_ =	swait.ge [sflag:s23], $0x1  }
0xa9: {  	[sflag:s23] =	ssyncset.done $0x0  }
0xaa: {  	[sflag:s23] =	ssyncadd.s32 $0xFFFFFFFF  }
0xab: {  	s6 =	sld [smem:$0x0]  }
0xac: {  	s7 =	sand.u32 $0xFFFFFFFE, s1  }
0xad: {  	p0 =	sne.s32 s1, s7  }
0xae: {  	s7 =	sshll.u32 @p0 s7, $0xE  }
0xaf: {  	s7 =	sadd.s32 @p0 $0x11B8D, s7;
	s8 =	sshll.u32 @p0 s6, $0x11  }
0xb0: {  	s7 =	sor.u32 @p0 s8, s7  }
0xb1: {  	[sflag:s7] =	ssyncadd.remote.s32 @p0 $0x1;
	_ =	sdelay $0x1  }
0xb2: {  	s7 =	simm.s32 @p0 $0x1B8D  }
0xb3: {  	_ =	swait.eq @p0 [sflag:s7], $0x1  }
0xb4: {  	[sflag:s7] =	ssyncadd.s32 @p0 $0xFFFFFFFF  }
0xb5: {  	s8 =	sshll.u32 @!p0 s1, $0xE  }
0xb6: {  	s8 =	sor.u32 @!p0 $0x4000, s8;
	s7 =	simm.s32 @!p0 $0x1B8D  }
0xb7: {  	s6 =	sshll.u32 @!p0 s6, $0x11;
	s8 =	sadd.s32 @!p0 $0x11B8D, s8;
	_ =	swait.eq @!p0 [sflag:s7], $0x1  }
0xb8: {  	s6 =	sor.u32 @!p0 s6, s8;
	[sflag:s7] =	ssyncadd.s32 @!p0 $0xFFFFFFFF  }
0xb9: {  	s25 =	simm.s32 $0x1B8E;
	s24 =	sld [smem:$0x3FFE];
	[sflag:s6] =	ssyncadd.remote.s32 @!p0 $0x1  }
0xba: {  	s26 =	simm.s32 $execute0_lowered;
	[smem:$0x3FD2] =	sst s25  }
0xbb: {  	s7 =	sshll.u32 s26, $0x1;
	_ =	strace $0x80000049;
	[dreg:$0x1] =	wrdreg $0xFFFFFFFF  }
0xbc: {  	s28 =	simm.s32 $_size_execute0_lowered;
	s5 =	sadd.s32 s5, s7;
	[dreg:$0x0] =	wrdreg $0x0  }
0xbd: {  	s7 =	sshll.u32 s28, $0x1;
	[dreg:$0x2] =	wrdreg s5  }
0xbe: {  	[dreg:$0x3] =	wrdreg s7  }
0xbf: {  	[dreg:$0x4] =	wrdreg $0xC0  }
0xc0: {  	_ =	task [dreg:s22], $0x5FFFF  }
0xc1: {  	[dreg:$0x1] =	wrdreg $0xFFFFFFFF  }
0xc2: {  	[dreg:$0x0] =	wrdreg $0x60  }
0xc3: {  	[dreg:$0x2] =	wrdreg s24  }
0xc4: {  	[dreg:$0x3] =	wrdreg s18  }
0xc5: {  	[dreg:$0x4] =	wrdreg s17  }
0xc6: {  	[dreg:$0x5] =	wrdreg $0x57000  }
0xc7: {  	[dreg:$0x6] =	wrdreg $0x9  }
0xc8: {  	_ =	task.clear_ibuf [dreg:s22], $0x7FFFF;
	_ =	strace $0x90000049  }
0xc9: {  	s29 =	simm.s32 $0x9;
	_ =	strace $0x8000004B  }
0xca: {  	_ =	swait.ge [sflag:s29], $0x1  }
0xcb: {  	[sflag:s29] =	ssyncadd.s32 $0xFFFFFFFF  }
0xcc: {  	_ =	strace $0x9000004B  }
0xcd: {  	_ =	sfence  }
0xce: {  	s30 =	sld [smem:$0x0];
	_ =	sdelay $0x2  }
0xcf: {  	s31 =	sshll.u32 s1, $0xD;
	s1 =	sshrl.u32 s1, $0x2  }
0xd0: {  	s4 =	sand.u32 $0x4000, s31;
	s1 =	sadd.s32 s1, s30  }
0xd1: {  	s0 =	sor.u32 s4, s0;
	s1 =	sshll.u32 s1, $0x11  }
0xd2: {  	s0 =	sor.u32 s1, s0  }
0xd3: {  	s0 =	sadd.s32 $0x8F2B, s0  }
0xd4: {  	[sflag:s0] =	ssyncadd.remote.s32 $0x1  }
0xd5: {  	_ =	sfence.sel $0xFFFF  }
0xd6: {  	[dreg:$0x0] =	wrdreg $0xFFFFFFFF;
	(pc) =	sbr.abs _section_cstart, $3  }
0xd7: {  	[dreg:$0x1] =	wrdreg $0xFFFFFFFF  }
0xd8: {  	_ =	task.clear_ibuf [dreg:s22], $0x2FFFF;
	_ =	strace $0x9FFFFFFF  }
0xd9: {  	(tm) =	ssettm $0x7FFFFFFF  }
tec
execute0_lowered:
.L_overlay_start_1:
0x0: {  	(tag) =	ssettag $0x1  }
0x1: {  	s0 =	rddreg [dreg:$0x0]  }
0x2: {  	s1 =	rddreg [dreg:$0x1]  }
0x3: {  	s2 =	rddreg [dreg:$0x2]  }
0x4: {  	s3 =	rddreg [dreg:$0x3]  }
0x5: {  	s18 =	simm.s32 $0x0;
	s4 =	srdreg.scid;
	s12 =	stileid.u32  }
0x6: {  	s29 =	simm.s32 $0x30;
	s15 =	simm.s32 $0x2;
	[smem:$0x7FF] =	sst s18  }
0x7: {  	s5 =	sadd.s32 $0xC0200, s0;
	s7 =	sadd.s32 $0x3E00, s0;
	s11 =	smul.u32 $0x4F000, s12  }
0x8: {  	s8 =	sadd.s32 $0xAC600, s0;
	s9 =	sadd.s32 $0xB6400, s0;
	s20 =	smul.u32 $0x9D8, s12  }
0x9: {  	s4 =	sand.u32 $0x1, s4;
	s13 =	sadd.s32 $0x10E400, s0;
	s21 =	smul.u32 $0x2780, s12  }
0xa: {  	s10 =	sadd.s32 $0xDC00, s0;
	s14 =	sadd.s32 $0x110C00, s0;
	s16 =	smul.u32 $0x1A4, s12  }
0xb: {  	s25 =	smul.u32 $0x278, s12;
	s31 =	sshll.u32 s12, $0x6;
	s12 =	simm.s32 $0x3F00  }
0xc: {  	_ =	strace $0x8000004A;
	s6 =	ssub.s32 $0x2, s4;
	[dreg:$0x6] =	wrdreg s13  }
0xd: {  	p0 =	seq.s32 s4, $0x1;
	[dreg:$0x7] =	wrdreg s14;
	s22 =	sadd.s32 s1, s20  }
0xe: {  	s17 =	sshrl.u32 s6, $0x1;
	s23 =	sadd.s32 s2, s20;
	[dreg:$0x8] =	wrdreg s22  }
0xf: {  	s19 =	sshrl.u32 s11, $0x2;
	s24 =	sadd.s32 s7, s20;
	[dreg:$0x9] =	wrdreg s23  }
0x10: {  	s4 =	sadd.s32 s14, s21;
	s26 =	sadd.s32 s8, s20;
	[dreg:$0xa] =	wrdreg s24  }
0x11: {  	s28 =	sadd.s32 s9, s20;
	s30 =	sadd.s32 s10, s20;
	[dreg:$0xb] =	wrdreg s4  }
0x12: {  	s14 =	simm.s32 $0x3;
	s0 =	ssub.s32 s6, s17;
	[dreg:$0xc] =	wrdreg s26  }
.Ltmp0:
0x13: {  	s13 =	sadd.s32 s19, s3;
	[dreg:$0xd] =	wrdreg s28;
	(pc) =	sbr.rel .LBB2_1-.Ltmp0, $4  }
0x14: {  	[dreg:$0xe] =	wrdreg s30;
	s4 =	sadd.s32 $0x4F00, s25;
	s24 =	sor.u32 $0x1C04, s31  }
0x15: {  	s25 =	simm.s32 $0x4;
	s6 =	simm.s32 $0x2700;
	s23 =	simm.s32 $0x1  }
0x16: {  	s17 =	simm.s32 $0xC80;
	[dreg:$0xf] =	wrdreg s4;
	s0 =	smax.u32 s0, $0x1  }
0x17: {  	s4 =	simm.s32 $0xC00;
	[dreg:$0x10] =	wrdreg s0;
	s0 =	simm.s32 $0xD80  }
.LBB2_18:
0x18: {  	s18 =	rddreg [dreg:$0x5]  }
0x19: {  	s11 =	rddreg [dreg:$0x10];
	s18 =	sadd.s32 $0x1, s18  }
0x1a: {  	p1 =	sne.s32 s18, s11  }
.Ltmp1:
0x1b: {  	_ = 	snop;
	(pc) =	sbr.rel @!p1 .LBB2_19-.Ltmp1, $1  }
0x1c: {  	_ =	sdelay $0x3  }
.LBB2_1:
.Ltmp2:
0x1d: {  	(pc) =	sbr.rel .LBB2_2-.Ltmp2, $2  }
0x1e: {  	_ =	sdelay $0x2  }
0x1f: {  	[dreg:$0x5] =	wrdreg s18;
	p2 =	por $0x1, $0x1;
	s19 =	simm.s32 $0x0  }
.LBB2_17:
0x20: {  	[hbm:s11], [sflag:s24] =	dma.local [spmem:s18], $0x2780  }
.Ltmp3:
0x21: {  	_ =	swait.ge [sflag:s25], $0x2780;
	(pc) =	sbr.rel @!p1 .LBB2_18-.Ltmp3, $4  }
0x22: {  	[sflag:s25] =	ssyncset.done $0x0  }
0x23: {  	[sflag:s25] =	ssyncadd.s32 $0xFFFFD880  }
0x24: {  	[bflag:$0x0] =	sbarrier.arrive $0xFFFF  }
0x25: {  	s19 =	simm.s32 $0x1;
	p2 =	por $0x0, $0x0  }
.LBB2_2:
0x26: {  	s18 =	sshrl.u32 s13, $0x3;
	s11 =	rddreg [dreg:$0x6]  }
0x27: {  	[spmem:s18], [sflag:s24] =	dma.local [hbm:s11], $0x2780  }
.Ltmp4:
0x28: {  	_ =	swait.ge [sflag:s25], $0x2780;
	(pc) =	sbr.rel @!p0 .LBB2_3-.Ltmp4, $4  }
0x29: {  	[sflag:s25] =	ssyncset.done $0x0  }
0x2a: {  	[sflag:s25] =	ssyncadd.s32 $0xFFFFD880  }
0x2b: {  	[bflag:$0x0] =	sbarrier.arrive $0xFFFF  }
0x2c: {  	p1 =	por p2, p2;
	s20 =	simm.s32 $0x0;
	s11 =	smul.u32 $0x2710, s19  }
0x2d: {  	s21 =	rddreg [dreg:$0xc]  }
0x2e: {  	[tilespmem:s20], [sflag:$0x4] =	stream.linear.gather [hbm4b:s21+s20], $0x3C0, $0x38;
	[tilespmem:$0x19300] =	vst v63  }
0x2f: {  	_ =	swait.ge [sflag:s25], $0x3C0  }
0x30: {  	[sflag:s25] =	ssyncset.done $0x0  }
0x31: {  	s22 =	simm.s32 $0x400;
	s31 =	rddreg [dreg:$0xd];
	[sflag:s25] =	ssyncadd.s32 $0xFFFFFC40  }
0x32: {  	[tilespmem:s22], [sflag:$0x4] =	stream.linear.gather [hbm4b:s31+s20], $0x3C0, $0x38;
	[tilespmem:$0x19300] =	vst v63  }
0x33: {  	_ =	swait.ge [sflag:s25], $0x3C0  }
0x34: {  	[sflag:s25] =	ssyncset.done $0x0  }
0x35: {  	s28 =	simm.s32 $0x800;
	s26 =	rddreg [dreg:$0xe];
	[sflag:s25] =	ssyncadd.s32 $0xFFFFFC40  }
0x36: {  	[tilespmem:s28], [sflag:$0x4] =	stream.linear.gather [hbm4b:s26+s20], $0x3C0, $0x38;
	[tilespmem:$0x19300] =	vst v63  }
0x37: {  	_ =	swait.ge [sflag:s25], $0x3C0  }
0x38: {  	[sflag:s25] =	ssyncset.done $0x0  }
0x39: {  	[sflag:s25] =	ssyncadd.s32 $0xFFFFFC40  }
0x3a: {  	v0 =	vld [tilespmem:$0x0]  }
0x3b: {  	v1 =	vld [tilespmem:$0x400]  }
0x3c: {  	v2 =	vld [tilespmem:$0x800]  }
0x3d: {  	v3 =	vld [tilespmem:$0x10];
	_ =	sdelay $0x1  }
0x3e: {  	v4 =	vld [tilespmem:$0x410]  }
0x3f: {  	v5 =	vld [tilespmem:$0x810];
	[tilespmem:$0xC00] =	vst v1  }
0x40: {  	v0 =	vadd.s32 s11, v0;
	[tilespmem:$0xE00] =	vst v2;
	v2 =	vld [tilespmem:$0x420]  }
0x41: {  	v1 =	vadd.s32 s11, v3;
	[tilespmem:$0xD00] =	vst v0;
	v0 =	vld [tilespmem:$0x20]  }
0x42: {  	[tilespmem:$0xD10] =	vst v1;
	v1 =	vld [tilespmem:$0x820];
	_ =	sdelay $0x1  }
0x43: {  	[tilespmem:$0xC10] =	vst v4  }
0x44: {  	[tilespmem:$0xE10] =	vst v5  }
0x45: {  	[tilespmem:$0xC20] =	vst v2  }
0x46: {  	v0 =	vadd.s32 s11, v0;
	[tilespmem:$0xE20] =	vst v1  }
0x47: {  	s30 =	simm.s32 $0xD00;
	s31 =	simm.s32 $0xF00;
	[tilespmem:$0xD20] =	vst v0  }
0x48: {  	v0 =	vmov s11;
	[tilespmem:s31], [sflag:$0x1] =	stream.indirect.gather [hbm4b:s5+s29], $0x80, s30, s29, $0xb8;
	[tilespmem:$0x19300] =	vst v63  }
.LBB2_11:
0x49: {  	s21 =	sshll.u32 s20, $0x1  }
0x4a: {  	s11 =	sor.u32 $0x1, s21  }
0x4b: {  	s22 =	sand.u32 $0xFFFF, s11  }
0x4c: {  	s22 =	smul.u32 $0xCCCD, s22;
	_ =	sdelay $0x1  }
0x4d: {  	s22 =	sshrl.u32 s22, $0x14  }
0x4e: {  	s22 =	smul.u32 $0x14, s22  }
0x4f: {  	p2 =	seq.s32 s20, $0x0  }
0x50: {  	s26 =	simm.s32 @!p2 $0x3;
	s11 =	ssub.s32 s11, s22  }
0x51: {  	_ =	swait.ge @!p2 [sflag:s26], $0x1800;
	s11 =	smul.u32 $0x30, s11  }
0x52: {  	[sflag:s26] =	ssyncset.done @!p2 $0x0  }
0x53: {  	[sflag:s26] =	ssyncadd.s32 @!p2 $0xFFFFE800;
	s11 =	sand.u32 $0xFFF0, s11  }
0x54: {  	v1 =	vld [tilespmem:s11+$0x0];
	_ =	sdelay $0x4  }
0x55: {  	v1 =	vadd.s32 v0, v1  }
0x56: {  	[tilespmem:$0xD80] =	vst v1  }
0x57: {  	v1 =	vld [tilespmem:s11+$0x400];
	_ =	sdelay $0x4  }
0x58: {  	s26 =	sor.u32 $0x800, s11;
	[tilespmem:$0xC80] =	vst v1  }
0x59: {  	v1 =	vld [tilespmem:s26+$0x0];
	_ =	sdelay $0x4  }
0x5a: {  	[tilespmem:$0xE80] =	vst v1  }
0x5b: {  	v1 =	vld [tilespmem:s11+$0x10];
	_ =	sdelay $0x4  }
0x5c: {  	v1 =	vadd.s32 v0, v1  }
0x5d: {  	[tilespmem:$0xD90] =	vst v1  }
0x5e: {  	v1 =	vld [tilespmem:s11+$0x410];
	_ =	sdelay $0x4  }
0x5f: {  	[tilespmem:$0xC90] =	vst v1  }
0x60: {  	v1 =	vld [tilespmem:s11+$0x810];
	_ =	sdelay $0x4  }
0x61: {  	[tilespmem:$0xE90] =	vst v1  }
0x62: {  	v1 =	vld [tilespmem:s11+$0x20];
	_ =	sdelay $0x4  }
0x63: {  	v1 =	vadd.s32 v0, v1  }
0x64: {  	[tilespmem:$0xDA0] =	vst v1  }
0x65: {  	v1 =	vld [tilespmem:s11+$0x420];
	_ =	sdelay $0x4  }
0x66: {  	[tilespmem:$0xCA0] =	vst v1  }
0x67: {  	v1 =	vld [tilespmem:s11+$0x820];
	_ =	sdelay $0x4  }
0x68: {  	[tilespmem:$0xEA0] =	vst v1  }
0x69: {  	[tilespmem:s6], [sflag:$0x2] =	stream.indirect.gather [hbm4b:s5+s29], $0x80, s0, s29, $0xb8;
	[tilespmem:$0x19300] =	vst v63  }
0x6a: {  	_ =	swait.ge [sflag:s23], $0x1800  }
0x6b: {  	[sflag:s23] =	ssyncset.done $0x0  }
0x6c: {  	s26 =	simm.s32 $0xE04;
	[sflag:s23] =	ssyncadd.s32 $0xFFFFE800  }
0x6d: {  	s30 =	simm.s32 $0x1100;
	v1 =	vld.msk [tilespmem:s26+$0x3 ss:$0x0], $0xffff  }
0x6e: {  	v2 =	vld [tilespmem:s30+$0x180]  }
0x6f: {  	v12 =	vld.msk [tilespmem:s26+$0xFFFFFFFD ss:$0x0], $0xffff  }
0x70: {  	v11 =	vld.msk [tilespmem:s26+$0xFFFFFFFE ss:$0x0], $0xffff  }
0x71: {  	v10 =	vld.msk [tilespmem:s26+$0xFFFFFFFF ss:$0x0], $0xffff  }
0x72: {  	v9 =	vld.msk [tilespmem:s26+$0x0 ss:$0x0], $0xffff  }
0x73: {  	v8 =	vld.msk [tilespmem:s26+$0x1 ss:$0x0], $0xffff  }
0x74: {  	v7 =	vld.msk [tilespmem:s26+$0x2 ss:$0x0], $0xffff  }
0x75: {  	v13 =	vld.msk [tilespmem:s26+$0xFFFFFFFC ss:$0x0], $0xffff  }
0x76: {  	v3 =	vld [tilespmem:s30+$0xFFFFFE00]  }
0x77: {  	v4 =	vld [tilespmem:s30+$0xFFFFFE80]  }
0x78: {  	v5 =	vld [tilespmem:s30+$0xFFFFFF00]  }
0x79: {  	v6 =	vld [tilespmem:s30+$0xFFFFFF80]  }
0x7a: {  	v14 =	vld [tilespmem:s30+$0x0];
	v2 =	vmul.f32 v1, v2  }
0x7b: {  	s22 =	simm.s32 $0x4100;
	v16 =	vld [tilespmem:s30+$0x100]  }
0x7c: {  	[tilespmem:s22+$0x180] =	vst v2;
	v2 =	vmul.f32 v13, v3;
	v3 =	vld [tilespmem:s30+$0x80]  }
0x7d: {  	s28 =	simm.s32 $0x1500;
	v4 =	vmul.f32 v12, v4;
	v15 =	vld [tilespmem:s30+$0x190]  }
0x7e: {  	v23 =	vld [tilespmem:s28+$0x180];
	[tilespmem:s22+$0xFFFFFE00] =	vst v2;
	v2 =	vmul.f32 v11, v5  }
0x7f: {  	[tilespmem:s22+$0xFFFFFE80] =	vst v4;
	v4 =	vmul.f32 v10, v6;
	v5 =	vld [tilespmem:s30+$0xFFFFFE10]  }
0x80: {  	v6 =	vld [tilespmem:s30+$0xFFFFFE90];
	[tilespmem:s22+$0xFFFFFF00] =	vst v2;
	v2 =	vmul.f32 v9, v14  }
0x81: {  	[tilespmem:s22+$0xFFFFFF80] =	vst v4;
	v14 =	vld [tilespmem:s30+$0xFFFFFF10];
	v3 =	vmul.f32 v8, v3  }
0x82: {  	v4 =	vmul.f32 v15, v1;
	v15 =	vld [tilespmem:s30+$0xFFFFFF90];
	[tilespmem:s22+$0x0] =	vst v2  }
0x83: {  	v2 =	vmul.f32 v7, v16;
	v16 =	vld [tilespmem:s30+$0x10];
	[tilespmem:s22+$0x80] =	vst v3  }
0x84: {  	[tilespmem:s22+$0x190] =	vst v4;
	v3 =	vmul.f32 v5, v13;
	v4 =	vld [tilespmem:s30+$0x90]  }
0x85: {  	[tilespmem:s22+$0x100] =	vst v2;
	v2 =	vmul.f32 v6, v12;
	v5 =	vld [tilespmem:s30+$0x1A0]  }
0x86: {  	v6 =	vld [tilespmem:s30+$0x110];
	[tilespmem:s22+$0xFFFFFE10] =	vst v3;
	v3 =	vmul.f32 v14, v11  }
0x87: {  	[tilespmem:s22+$0xFFFFFE90] =	vst v2;
	v14 =	vld [tilespmem:s30+$0xFFFFFE20];
	v2 =	vmul.f32 v15, v10  }
0x88: {  	v15 =	vld [tilespmem:s30+$0xFFFFFEA0];
	[tilespmem:s22+$0xFFFFFF10] =	vst v3;
	v3 =	vmul.f32 v16, v9  }
0x89: {  	v16 =	vld [tilespmem:s30+$0xFFFFFF20];
	[tilespmem:s22+$0xFFFFFF90] =	vst v2;
	v2 =	vmul.f32 v4, v8  }
0x8a: {  	v4 =	vmul.f32 v5, v1;
	v5 =	vld [tilespmem:s30+$0xFFFFFFA0];
	[tilespmem:s22+$0x10] =	vst v3  }
0x8b: {  	v3 =	vmul.f32 v6, v7;
	v6 =	vld [tilespmem:s30+$0x20];
	[tilespmem:s22+$0x90] =	vst v2  }
0x8c: {  	[tilespmem:s22+$0x1A0] =	vst v4;
	v2 =	vmul.f32 v14, v13;
	v4 =	vld [tilespmem:s30+$0xA0]  }
0x8d: {  	[tilespmem:s22+$0x110] =	vst v3;
	v3 =	vmul.f32 v15, v12;
	v14 =	vld [tilespmem:s30+$0x1B0]  }
0x8e: {  	v15 =	vld [tilespmem:s30+$0x120];
	[tilespmem:s22+$0xFFFFFE20] =	vst v2;
	v2 =	vmul.f32 v16, v11  }
0x8f: {  	[tilespmem:s22+$0xFFFFFEA0] =	vst v3;
	v16 =	vld [tilespmem:s30+$0xFFFFFE30];
	v3 =	vmul.f32 v5, v10  }
0x90: {  	v5 =	vld [tilespmem:s30+$0xFFFFFEB0];
	[tilespmem:s22+$0xFFFFFF20] =	vst v2;
	v2 =	vmul.f32 v6, v9  }
0x91: {  	v6 =	vld [tilespmem:s30+$0xFFFFFF30];
	[tilespmem:s22+$0xFFFFFFA0] =	vst v3;
	v3 =	vmul.f32 v4, v8  }
0x92: {  	v4 =	vmul.f32 v14, v1;
	v14 =	vld [tilespmem:s30+$0xFFFFFFB0];
	[tilespmem:s22+$0x20] =	vst v2  }
0x93: {  	v2 =	vmul.f32 v15, v7;
	v15 =	vld [tilespmem:s30+$0x30];
	[tilespmem:s22+$0xA0] =	vst v3  }
0x94: {  	[tilespmem:s22+$0x1B0] =	vst v4;
	v3 =	vmul.f32 v16, v13;
	v4 =	vld [tilespmem:s30+$0xB0]  }
0x95: {  	[tilespmem:s22+$0x120] =	vst v2;
	v2 =	vmul.f32 v5, v12;
	v16 =	vld [tilespmem:s30+$0x1C0]  }
0x96: {  	v5 =	vld [tilespmem:s30+$0x130];
	[tilespmem:s22+$0xFFFFFE30] =	vst v3;
	v3 =	vmul.f32 v6, v11  }
0x97: {  	[tilespmem:s22+$0xFFFFFEB0] =	vst v2;
	v6 =	vld [tilespmem:s30+$0xFFFFFE40];
	v2 =	vmul.f32 v14, v10  }
0x98: {  	v14 =	vld [tilespmem:s30+$0xFFFFFEC0];
	[tilespmem:s22+$0xFFFFFF30] =	vst v3;
	v3 =	vmul.f32 v15, v9  }
0x99: {  	v15 =	vld [tilespmem:s30+$0xFFFFFF40];
	[tilespmem:s22+$0xFFFFFFB0] =	vst v2;
	v2 =	vmul.f32 v4, v8  }
0x9a: {  	v4 =	vmul.f32 v16, v1;
	v16 =	vld [tilespmem:s30+$0xFFFFFFC0];
	[tilespmem:s22+$0x30] =	vst v3  }
0x9b: {  	v3 =	vmul.f32 v5, v7;
	v5 =	vld [tilespmem:s30+$0x40];
	[tilespmem:s22+$0xB0] =	vst v2  }
0x9c: {  	[tilespmem:s22+$0x1C0] =	vst v4;
	v2 =	vmul.f32 v6, v13;
	v4 =	vld [tilespmem:s30+$0xC0]  }
0x9d: {  	[tilespmem:s22+$0x130] =	vst v3;
	v3 =	vmul.f32 v14, v12;
	v6 =	vld [tilespmem:s30+$0x1D0]  }
0x9e: {  	v14 =	vld [tilespmem:s30+$0x140];
	[tilespmem:s22+$0xFFFFFE40] =	vst v2;
	v2 =	vmul.f32 v15, v11  }
0x9f: {  	[tilespmem:s22+$0xFFFFFEC0] =	vst v3;
	v15 =	vld [tilespmem:s30+$0xFFFFFE50];
	v3 =	vmul.f32 v16, v10  }
0xa0: {  	v16 =	vld [tilespmem:s30+$0xFFFFFED0];
	[tilespmem:s22+$0xFFFFFF40] =	vst v2;
	v2 =	vmul.f32 v5, v9  }
0xa1: {  	v5 =	vld [tilespmem:s30+$0xFFFFFF50];
	[tilespmem:s22+$0xFFFFFFC0] =	vst v3;
	v3 =	vmul.f32 v4, v8  }
0xa2: {  	v4 =	vmul.f32 v6, v1;
	v6 =	vld [tilespmem:s30+$0xFFFFFFD0];
	[tilespmem:s22+$0x40] =	vst v2  }
0xa3: {  	v2 =	vmul.f32 v14, v7;
	v14 =	vld [tilespmem:s30+$0x50];
	[tilespmem:s22+$0xC0] =	vst v3  }
0xa4: {  	[tilespmem:s22+$0x1D0] =	vst v4;
	v3 =	vmul.f32 v15, v13;
	v4 =	vld [tilespmem:s30+$0xD0]  }
0xa5: {  	[tilespmem:s22+$0x140] =	vst v2;
	v2 =	vmul.f32 v16, v12;
	v15 =	vld [tilespmem:s30+$0x1E0]  }
0xa6: {  	v16 =	vld [tilespmem:s30+$0x150];
	[tilespmem:s22+$0xFFFFFE50] =	vst v3;
	v3 =	vmul.f32 v5, v11  }
0xa7: {  	[tilespmem:s22+$0xFFFFFED0] =	vst v2;
	v5 =	vld [tilespmem:s30+$0xFFFFFE60];
	v2 =	vmul.f32 v6, v10  }
0xa8: {  	v6 =	vld [tilespmem:s30+$0xFFFFFEE0];
	[tilespmem:s22+$0xFFFFFF50] =	vst v3;
	v3 =	vmul.f32 v14, v9  }
0xa9: {  	v14 =	vld [tilespmem:s30+$0xFFFFFF60];
	[tilespmem:s22+$0xFFFFFFD0] =	vst v2;
	v2 =	vmul.f32 v4, v8  }
0xaa: {  	v4 =	vmul.f32 v15, v1;
	v15 =	vld [tilespmem:s30+$0xFFFFFFE0];
	[tilespmem:s22+$0x50] =	vst v3  }
0xab: {  	v3 =	vmul.f32 v16, v7;
	v16 =	vld [tilespmem:s30+$0x60];
	[tilespmem:s22+$0xD0] =	vst v2  }
0xac: {  	s11 =	simm.s32 $0xE0C;
	[tilespmem:s22+$0x1E0] =	vst v4;
	v4 =	vld [tilespmem:s30+$0xE0]  }
0xad: {  	[tilespmem:s22+$0x150] =	vst v3;
	v3 =	vmul.f32 v6, v12;
	v6 =	vld.msk [tilespmem:s11+$0xFFFFFFFD ss:$0x0], $0xffff  }
0xae: {  	v2 =	vmul.f32 v5, v13;
	v5 =	vld.msk [tilespmem:s11+$0xFFFFFFFE ss:$0x0], $0xffff  }
0xaf: {  	v17 =	vld [tilespmem:s30+$0x1F0]  }
0xb0: {  	v18 =	vld [tilespmem:s30+$0x160]  }
0xb1: {  	[tilespmem:s22+$0xFFFFFE60] =	vst v2;
	v2 =	vmul.f32 v14, v11;
	v14 =	vld.msk [tilespmem:s11+$0x3 ss:$0x0], $0xffff  }
0xb2: {  	[tilespmem:s22+$0xFFFFFEE0] =	vst v3;
	v19 =	vld [tilespmem:s30+$0xFFFFFE70]  }
0xb3: {  	v3 =	vmul.f32 v15, v10;
	v15 =	vld [tilespmem:s30+$0xFFFFFEF0];
	[tilespmem:s22+$0xFFFFFF60] =	vst v2  }
0xb4: {  	v2 =	vmul.f32 v16, v9;
	v16 =	vld [tilespmem:s30+$0xFFFFFF70]  }
0xb5: {  	[tilespmem:s22+$0xFFFFFFE0] =	vst v3;
	v3 =	vmul.f32 v4, v8;
	v4 =	vld.msk [tilespmem:s11+$0x0 ss:$0x0], $0xffff  }
0xb6: {  	v20 =	vld [tilespmem:s30+$0xFFFFFFF0]  }
0xb7: {  	[tilespmem:s22+$0x60] =	vst v2;
	v2 =	vld.msk [tilespmem:s11+$0x1 ss:$0x0], $0xffff  }
0xb8: {  	v21 =	vld [tilespmem:s30+$0x70]  }
0xb9: {  	v1 =	vmul.f32 v17, v1;
	[tilespmem:s22+$0xE0] =	vst v3;
	v3 =	vld.msk [tilespmem:s11+$0xFFFFFFFF ss:$0x0], $0xffff  }
0xba: {  	v17 =	vmul.f32 v14, v23;
	v22 =	vld [tilespmem:s30+$0xF0]  }
0xbb: {  	s26 =	simm.s32 $0x4500;
	v18 =	vmul.f32 v18, v7;
	[tilespmem:s22+$0x1F0] =	vst v1;
	v1 =	vld.msk [tilespmem:s11+$0x2 ss:$0x0], $0xffff  }
0xbc: {  	v19 =	vmul.f32 v19, v13;
	v13 =	vld.msk [tilespmem:s11+$0xFFFFFFFC ss:$0x0], $0xffff;
	[tilespmem:s26+$0x180] =	vst v17  }
0xbd: {  	[tilespmem:s22+$0x160] =	vst v18;
	v12 =	vmul.f32 v15, v12;
	v15 =	vld [tilespmem:s28+$0x190]  }
0xbe: {  	[tilespmem:s22+$0xFFFFFE70] =	vst v19;
	v11 =	vmul.f32 v16, v11;
	v16 =	vld [tilespmem:s28+$0xFFFFFE00]  }
0xbf: {  	[tilespmem:s22+$0xFFFFFEF0] =	vst v12;
	v12 =	vld [tilespmem:s28+$0xFFFFFE80];
	v10 =	vmul.f32 v20, v10  }
0xc0: {  	[tilespmem:s22+$0xFFFFFF70] =	vst v11;
	v9 =	vmul.f32 v21, v9;
	v11 =	vld [tilespmem:s28+$0xFFFFFF00]  }
0xc1: {  	[tilespmem:s22+$0xFFFFFFF0] =	vst v10;
	v8 =	vmul.f32 v22, v8;
	v10 =	vld [tilespmem:s28+$0xFFFFFF80]  }
0xc2: {  	[tilespmem:s22+$0x70] =	vst v9;
	v9 =	vld [tilespmem:s28+$0x0];
	v15 =	vmul.f32 v15, v14  }
0xc3: {  	[tilespmem:s22+$0xF0] =	vst v8;
	v8 =	vmul.f32 v13, v16;
	v16 =	vld [tilespmem:s28+$0x80]  }
0xc4: {  	v17 =	vld [tilespmem:s28+$0x100];
	v12 =	vmul.f32 v6, v12;
	[tilespmem:s26+$0x190] =	vst v15  }
0xc5: {  	[tilespmem:s26+$0xFFFFFE00] =	vst v8;
	v8 =	vmul.f32 v5, v11;
	v11 =	vld [tilespmem:s28+$0x1A0]  }
0xc6: {  	[tilespmem:s26+$0xFFFFFE80] =	vst v12;
	v15 =	vld [tilespmem:s28+$0xFFFFFE10];
	v10 =	vmul.f32 v3, v10  }
0xc7: {  	v12 =	vld [tilespmem:s28+$0xFFFFFE90];
	[tilespmem:s26+$0xFFFFFF00] =	vst v8;
	v8 =	vmul.f32 v4, v9  }
0xc8: {  	v9 =	vld [tilespmem:s28+$0xFFFFFF10];
	[tilespmem:s26+$0xFFFFFF80] =	vst v10;
	v10 =	vmul.f32 v2, v16  }
0xc9: {  	v16 =	vld [tilespmem:s28+$0xFFFFFF90];
	[tilespmem:s26+$0x0] =	vst v8;
	v8 =	vmul.f32 v1, v17  }
0xca: {  	v17 =	vld [tilespmem:s28+$0x10];
	[tilespmem:s26+$0x80] =	vst v10;
	v10 =	vmul.f32 v11, v14  }
0xcb: {  	v11 =	vmul.f32 v15, v13;
	v15 =	vld [tilespmem:s28+$0x90];
	[tilespmem:s26+$0x100] =	vst v8  }
0xcc: {  	v8 =	vmul.f32 v12, v6;
	v12 =	vld [tilespmem:s28+$0x110];
	[tilespmem:s26+$0x1A0] =	vst v10  }
0xcd: {  	[tilespmem:s26+$0xFFFFFE10] =	vst v11;
	v9 =	vmul.f32 v9, v5;
	v10 =	vld [tilespmem:s28+$0x1B0]  }
0xce: {  	[tilespmem:s26+$0xFFFFFE90] =	vst v8;
	v11 =	vld [tilespmem:s28+$0xFFFFFE20];
	v8 =	vmul.f32 v16, v3  }
0xcf: {  	v16 =	vld [tilespmem:s28+$0xFFFFFEA0];
	[tilespmem:s26+$0xFFFFFF10] =	vst v9;
	v9 =	vmul.f32 v17, v4  }
0xd0: {  	v17 =	vld [tilespmem:s28+$0xFFFFFF20];
	[tilespmem:s26+$0xFFFFFF90] =	vst v8;
	v8 =	vmul.f32 v15, v2  }
0xd1: {  	v15 =	vld [tilespmem:s28+$0xFFFFFFA0];
	[tilespmem:s26+$0x10] =	vst v9;
	v9 =	vmul.f32 v12, v1  }
0xd2: {  	v12 =	vld [tilespmem:s28+$0x20];
	[tilespmem:s26+$0x90] =	vst v8;
	v8 =	vmul.f32 v10, v14  }
0xd3: {  	v10 =	vmul.f32 v11, v13;
	v11 =	vld [tilespmem:s28+$0xA0];
	[tilespmem:s26+$0x110] =	vst v9  }
0xd4: {  	v9 =	vmul.f32 v16, v6;
	v16 =	vld [tilespmem:s28+$0x120];
	[tilespmem:s26+$0x1B0] =	vst v8  }
0xd5: {  	[tilespmem:s26+$0xFFFFFE20] =	vst v10;
	v8 =	vmul.f32 v17, v5;
	v10 =	vld [tilespmem:s28+$0x1C0]  }
0xd6: {  	[tilespmem:s26+$0xFFFFFEA0] =	vst v9;
	v17 =	vld [tilespmem:s28+$0xFFFFFE30];
	v9 =	vmul.f32 v15, v3  }
0xd7: {  	v15 =	vld [tilespmem:s28+$0xFFFFFEB0];
	[tilespmem:s26+$0xFFFFFF20] =	vst v8;
	v8 =	vmul.f32 v12, v4  }
0xd8: {  	v12 =	vld [tilespmem:s28+$0xFFFFFF30];
	[tilespmem:s26+$0xFFFFFFA0] =	vst v9;
	v9 =	vmul.f32 v11, v2  }
0xd9: {  	v11 =	vld [tilespmem:s28+$0xFFFFFFB0];
	[tilespmem:s26+$0x20] =	vst v8;
	v8 =	vmul.f32 v16, v1  }
0xda: {  	v16 =	vld [tilespmem:s28+$0x30];
	[tilespmem:s26+$0xA0] =	vst v9;
	v9 =	vmul.f32 v10, v14  }
0xdb: {  	v10 =	vmul.f32 v17, v13;
	v17 =	vld [tilespmem:s28+$0xB0];
	[tilespmem:s26+$0x120] =	vst v8  }
0xdc: {  	v8 =	vmul.f32 v15, v6;
	v15 =	vld [tilespmem:s28+$0x130];
	[tilespmem:s26+$0x1C0] =	vst v9  }
0xdd: {  	[tilespmem:s26+$0xFFFFFE30] =	vst v10;
	v9 =	vmul.f32 v12, v5;
	v10 =	vld [tilespmem:s28+$0x1D0]  }
0xde: {  	[tilespmem:s26+$0xFFFFFEB0] =	vst v8;
	v12 =	vld [tilespmem:s28+$0xFFFFFE40];
	v8 =	vmul.f32 v11, v3  }
0xdf: {  	v11 =	vld [tilespmem:s28+$0xFFFFFEC0];
	[tilespmem:s26+$0xFFFFFF30] =	vst v9;
	v9 =	vmul.f32 v16, v4  }
0xe0: {  	v16 =	vld [tilespmem:s28+$0xFFFFFF40];
	[tilespmem:s26+$0xFFFFFFB0] =	vst v8;
	v8 =	vmul.f32 v17, v2  }
0xe1: {  	v17 =	vld [tilespmem:s28+$0xFFFFFFC0];
	[tilespmem:s26+$0x30] =	vst v9;
	v9 =	vmul.f32 v15, v1  }
0xe2: {  	v15 =	vld [tilespmem:s28+$0x40];
	[tilespmem:s26+$0xB0] =	vst v8;
	v8 =	vmul.f32 v10, v14  }
0xe3: {  	v10 =	vmul.f32 v12, v13;
	v12 =	vld [tilespmem:s28+$0xC0];
	[tilespmem:s26+$0x130] =	vst v9  }
0xe4: {  	v9 =	vmul.f32 v11, v6;
	v11 =	vld [tilespmem:s28+$0x140];
	[tilespmem:s26+$0x1D0] =	vst v8  }
0xe5: {  	[tilespmem:s26+$0xFFFFFE40] =	vst v10;
	v8 =	vmul.f32 v16, v5;
	v10 =	vld [tilespmem:s28+$0x1E0]  }
0xe6: {  	[tilespmem:s26+$0xFFFFFEC0] =	vst v9;
	v16 =	vld [tilespmem:s28+$0xFFFFFE50];
	v9 =	vmul.f32 v17, v3  }
0xe7: {  	v17 =	vld [tilespmem:s28+$0xFFFFFED0];
	[tilespmem:s26+$0xFFFFFF40] =	vst v8;
	v8 =	vmul.f32 v15, v4  }
0xe8: {  	v15 =	vld [tilespmem:s28+$0xFFFFFF50];
	[tilespmem:s26+$0xFFFFFFC0] =	vst v9;
	v9 =	vmul.f32 v12, v2  }
0xe9: {  	v12 =	vld [tilespmem:s28+$0xFFFFFFD0];
	[tilespmem:s26+$0x40] =	vst v8;
	v8 =	vmul.f32 v11, v1  }
0xea: {  	v11 =	vld [tilespmem:s28+$0x50];
	[tilespmem:s26+$0xC0] =	vst v9;
	v9 =	vmul.f32 v10, v14  }
0xeb: {  	v10 =	vmul.f32 v16, v13;
	v16 =	vld [tilespmem:s28+$0xD0];
	[tilespmem:s26+$0x140] =	vst v8  }
0xec: {  	v8 =	vmul.f32 v17, v6;
	v17 =	vld [tilespmem:s28+$0x150];
	[tilespmem:s26+$0x1E0] =	vst v9  }
0xed: {  	[tilespmem:s26+$0xFFFFFE50] =	vst v10;
	v9 =	vmul.f32 v15, v5;
	v10 =	vld [tilespmem:s28+$0x1F0]  }
0xee: {  	[tilespmem:s26+$0xFFFFFED0] =	vst v8;
	v15 =	vld [tilespmem:s28+$0xFFFFFE60];
	v8 =	vmul.f32 v12, v3  }
0xef: {  	v12 =	vld [tilespmem:s28+$0xFFFFFEE0];
	[tilespmem:s26+$0xFFFFFF50] =	vst v9;
	v9 =	vmul.f32 v11, v4  }
0xf0: {  	v11 =	vld [tilespmem:s28+$0xFFFFFF60];
	[tilespmem:s26+$0xFFFFFFD0] =	vst v8;
	v8 =	vmul.f32 v16, v2  }
0xf1: {  	v16 =	vld [tilespmem:s28+$0xFFFFFFE0];
	[tilespmem:s26+$0x50] =	vst v9;
	v9 =	vmul.f32 v17, v1  }
0xf2: {  	v17 =	vld [tilespmem:s28+$0x60];
	[tilespmem:s26+$0xD0] =	vst v8;
	v8 =	vmul.f32 v10, v14  }
0xf3: {  	v10 =	vmul.f32 v15, v13;
	v15 =	vld [tilespmem:s28+$0xE0];
	[tilespmem:s26+$0x150] =	vst v9  }
0xf4: {  	v9 =	vmul.f32 v12, v6;
	v12 =	vld [tilespmem:s28+$0x160];
	[tilespmem:s26+$0x1F0] =	vst v8  }
0xf5: {  	v18 =	vld [tilespmem:s30+$0x170];
	[tilespmem:s26+$0xFFFFFE60] =	vst v10;
	v8 =	vmul.f32 v11, v5  }
0xf6: {  	[tilespmem:s26+$0xFFFFFEE0] =	vst v9;
	v63 =	vld [tilespmem:s28+$0xFFFFFE70];
	v9 =	vmul.f32 v16, v3  }
0xf7: {  	v14 =	vld [tilespmem:s28+$0xFFFFFEF0];
	[tilespmem:s26+$0xFFFFFF60] =	vst v8;
	v8 =	vmul.f32 v17, v4  }
0xf8: {  	v10 =	vld [tilespmem:s28+$0xFFFFFF70];
	[tilespmem:s26+$0xFFFFFFE0] =	vst v9;
	v9 =	vmul.f32 v15, v2  }
0xf9: {  	v11 =	vld [tilespmem:s28+$0xFFFFFFF0];
	[tilespmem:s26+$0x60] =	vst v8;
	v16 =	vmul.f32 v12, v1  }
0xfa: {  	v15 =	vmul.f32 v18, v7;
	v12 =	vld [tilespmem:s28+$0x70];
	[tilespmem:s26+$0xE0] =	vst v9  }
0xfb: {  	s31 =	simm.s32 $0x1500;
	s11 =	simm.s32 $0xE14;
	s30 =	simm.s32 $0x8;
	v8 =	vmul.f32 v63, v13;
	v7 =	vld [tilespmem:s28+$0xF0];
	[tilespmem:s26+$0x160] =	vst v16  }
.LBB2_12:
0xfc: {  	v9 =	vld.msk [tilespmem:s11+$0x3 ss:$0x0], $0xffff;
	s30 =	sadd.s32 $0x8, s30;
	v13 =	vmul.f32 v14, v6;
	s28 =	sadd.s32 $0x400, s28;
	[tilespmem:s22+$0x170] =	vst v15;
	s22 =	smov.u32 s26  }
0xfd: {  	v14 =	vld [tilespmem:s28+$0x180];
	p2 =	slt.u32 s30, $0x28;
	[tilespmem:s26+$0xFFFFFE70] =	vst v8;
	v8 =	vmul.f32 v10, v5  }
0xfe: {  	v6 =	vld.msk [tilespmem:s11+$0xFFFFFFFD ss:$0x0], $0xffff;
	[tilespmem:s26+$0xFFFFFEF0] =	vst v13;
	v10 =	vmul.f32 v11, v3  }
0xff: {  	v5 =	vld.msk [tilespmem:s11+$0xFFFFFFFE ss:$0x0], $0xffff;
	[tilespmem:s26+$0xFFFFFF70] =	vst v8;
	v8 =	vmul.f32 v12, v4  }
0x100: {  	v3 =	vld.msk [tilespmem:s11+$0xFFFFFFFF ss:$0x0], $0xffff;
	[tilespmem:s26+$0xFFFFFFF0] =	vst v10;
	v7 =	vmul.f32 v7, v2  }
0x101: {  	v4 =	vld.msk [tilespmem:s11+$0x0 ss:$0x0], $0xffff;
	[tilespmem:s26+$0x70] =	vst v8  }
0x102: {  	v2 =	vld.msk [tilespmem:s11+$0x1 ss:$0x0], $0xffff;
	v10 =	vmul.f32 v9, v14;
	[tilespmem:s26+$0xF0] =	vst v7  }
0x103: {  	s26 =	sadd.s32 $0x400, s26;
	v7 =	vld.msk [tilespmem:s11+$0x2 ss:$0x0], $0xffff  }
0x104: {  	v8 =	vld.msk [tilespmem:s11+$0xFFFFFFFC ss:$0x0], $0xffff;
	[tilespmem:s26+$0x180] =	vst v10  }
0x105: {  	v10 =	vld [tilespmem:s28+$0x190]  }
0x106: {  	v11 =	vld [tilespmem:s28+$0xFFFFFE00]  }
0x107: {  	v12 =	vld [tilespmem:s28+$0xFFFFFE80]  }
0x108: {  	v13 =	vld [tilespmem:s28+$0xFFFFFF00]  }
0x109: {  	v14 =	vld [tilespmem:s28+$0xFFFFFF80]  }
0x10a: {  	v15 =	vld [tilespmem:s28+$0x0];
	v10 =	vmul.f32 v10, v9  }
0x10b: {  	v11 =	vmul.f32 v8, v11;
	v16 =	vld [tilespmem:s28+$0x80]  }
0x10c: {  	v12 =	vmul.f32 v6, v12;
	v17 =	vld [tilespmem:s28+$0x100];
	[tilespmem:s26+$0x190] =	vst v10  }
0x10d: {  	[tilespmem:s26+$0xFFFFFE00] =	vst v11;
	v10 =	vmul.f32 v5, v13;
	v11 =	vld [tilespmem:s28+$0x1A0]  }
0x10e: {  	v13 =	vld [tilespmem:s28+$0xFFFFFE10];
	[tilespmem:s26+$0xFFFFFE80] =	vst v12;
	v12 =	vmul.f32 v3, v14  }
0x10f: {  	v14 =	vld [tilespmem:s28+$0xFFFFFE90];
	[tilespmem:s26+$0xFFFFFF00] =	vst v10;
	v10 =	vmul.f32 v4, v15  }
0x110: {  	v15 =	vld [tilespmem:s28+$0xFFFFFF10];
	[tilespmem:s26+$0xFFFFFF80] =	vst v12;
	v12 =	vmul.f32 v2, v16  }
0x111: {  	v16 =	vld [tilespmem:s28+$0xFFFFFF90];
	[tilespmem:s26+$0x0] =	vst v10;
	v10 =	vmul.f32 v7, v17  }
0x112: {  	v17 =	vld [tilespmem:s28+$0x10];
	[tilespmem:s26+$0x80] =	vst v12;
	v11 =	vmul.f32 v11, v9  }
0x113: {  	v12 =	vmul.f32 v13, v8;
	v13 =	vld [tilespmem:s28+$0x90];
	[tilespmem:s26+$0x100] =	vst v10  }
0x114: {  	v10 =	vmul.f32 v14, v6;
	v14 =	vld [tilespmem:s28+$0x110];
	[tilespmem:s26+$0x1A0] =	vst v11  }
0x115: {  	[tilespmem:s26+$0xFFFFFE10] =	vst v12;
	v11 =	vmul.f32 v15, v5;
	v12 =	vld [tilespmem:s28+$0x1B0]  }
0x116: {  	v15 =	vld [tilespmem:s28+$0xFFFFFE20];
	[tilespmem:s26+$0xFFFFFE90] =	vst v10;
	v10 =	vmul.f32 v16, v3  }
0x117: {  	v16 =	vld [tilespmem:s28+$0xFFFFFEA0];
	[tilespmem:s26+$0xFFFFFF10] =	vst v11;
	v11 =	vmul.f32 v17, v4  }
0x118: {  	v17 =	vld [tilespmem:s28+$0xFFFFFF20];
	[tilespmem:s26+$0xFFFFFF90] =	vst v10;
	v10 =	vmul.f32 v13, v2  }
0x119: {  	v13 =	vld [tilespmem:s28+$0xFFFFFFA0];
	[tilespmem:s26+$0x10] =	vst v11;
	v11 =	vmul.f32 v14, v7  }
0x11a: {  	v14 =	vld [tilespmem:s28+$0x20];
	[tilespmem:s26+$0x90] =	vst v10;
	v10 =	vmul.f32 v12, v9  }
0x11b: {  	v12 =	vmul.f32 v15, v8;
	v15 =	vld [tilespmem:s28+$0xA0];
	[tilespmem:s26+$0x110] =	vst v11  }
0x11c: {  	v11 =	vmul.f32 v16, v6;
	v16 =	vld [tilespmem:s28+$0x120];
	[tilespmem:s26+$0x1B0] =	vst v10  }
0x11d: {  	[tilespmem:s26+$0xFFFFFE20] =	vst v12;
	v10 =	vmul.f32 v17, v5;
	v12 =	vld [tilespmem:s28+$0x1C0]  }
0x11e: {  	v17 =	vld [tilespmem:s28+$0xFFFFFE30];
	[tilespmem:s26+$0xFFFFFEA0] =	vst v11;
	v11 =	vmul.f32 v13, v3  }
0x11f: {  	v13 =	vld [tilespmem:s28+$0xFFFFFEB0];
	[tilespmem:s26+$0xFFFFFF20] =	vst v10;
	v10 =	vmul.f32 v14, v4  }
0x120: {  	v14 =	vld [tilespmem:s28+$0xFFFFFF30];
	[tilespmem:s26+$0xFFFFFFA0] =	vst v11;
	v11 =	vmul.f32 v15, v2  }
0x121: {  	v15 =	vld [tilespmem:s28+$0xFFFFFFB0];
	[tilespmem:s26+$0x20] =	vst v10;
	v10 =	vmul.f32 v16, v7  }
0x122: {  	v16 =	vld [tilespmem:s28+$0x30];
	[tilespmem:s26+$0xA0] =	vst v11;
	v11 =	vmul.f32 v12, v9  }
0x123: {  	v12 =	vmul.f32 v17, v8;
	v17 =	vld [tilespmem:s28+$0xB0];
	[tilespmem:s26+$0x120] =	vst v10  }
0x124: {  	v10 =	vmul.f32 v13, v6;
	v13 =	vld [tilespmem:s28+$0x130];
	[tilespmem:s26+$0x1C0] =	vst v11  }
0x125: {  	[tilespmem:s26+$0xFFFFFE30] =	vst v12;
	v11 =	vmul.f32 v14, v5;
	v12 =	vld [tilespmem:s28+$0x1D0]  }
0x126: {  	v14 =	vld [tilespmem:s28+$0xFFFFFE40];
	[tilespmem:s26+$0xFFFFFEB0] =	vst v10;
	v10 =	vmul.f32 v15, v3  }
0x127: {  	v15 =	vld [tilespmem:s28+$0xFFFFFEC0];
	[tilespmem:s26+$0xFFFFFF30] =	vst v11;
	v11 =	vmul.f32 v16, v4  }
0x128: {  	v16 =	vld [tilespmem:s28+$0xFFFFFF40];
	[tilespmem:s26+$0xFFFFFFB0] =	vst v10;
	v10 =	vmul.f32 v17, v2  }
0x129: {  	v17 =	vld [tilespmem:s28+$0xFFFFFFC0];
	[tilespmem:s26+$0x30] =	vst v11;
	v11 =	vmul.f32 v13, v7  }
0x12a: {  	v13 =	vld [tilespmem:s28+$0x40];
	[tilespmem:s26+$0xB0] =	vst v10;
	v10 =	vmul.f32 v12, v9  }
0x12b: {  	v12 =	vmul.f32 v14, v8;
	v14 =	vld [tilespmem:s28+$0xC0];
	[tilespmem:s26+$0x130] =	vst v11  }
0x12c: {  	v11 =	vmul.f32 v15, v6;
	v15 =	vld [tilespmem:s28+$0x140];
	[tilespmem:s26+$0x1D0] =	vst v10  }
0x12d: {  	[tilespmem:s26+$0xFFFFFE40] =	vst v12;
	v10 =	vmul.f32 v16, v5;
	v12 =	vld [tilespmem:s28+$0x1E0]  }
0x12e: {  	v16 =	vld [tilespmem:s28+$0xFFFFFE50];
	[tilespmem:s26+$0xFFFFFEC0] =	vst v11;
	v11 =	vmul.f32 v17, v3  }
0x12f: {  	v17 =	vld [tilespmem:s28+$0xFFFFFED0];
	[tilespmem:s26+$0xFFFFFF40] =	vst v10;
	v10 =	vmul.f32 v13, v4  }
0x130: {  	v13 =	vld [tilespmem:s28+$0xFFFFFF50];
	[tilespmem:s26+$0xFFFFFFC0] =	vst v11;
	v11 =	vmul.f32 v14, v2  }
0x131: {  	v14 =	vld [tilespmem:s28+$0xFFFFFFD0];
	[tilespmem:s26+$0x40] =	vst v10;
	v10 =	vmul.f32 v15, v7  }
0x132: {  	v15 =	vld [tilespmem:s28+$0x50];
	[tilespmem:s26+$0xC0] =	vst v11;
	v11 =	vmul.f32 v12, v9  }
0x133: {  	v12 =	vmul.f32 v16, v8;
	v16 =	vld [tilespmem:s28+$0xD0];
	[tilespmem:s26+$0x140] =	vst v10  }
0x134: {  	v10 =	vmul.f32 v17, v6;
	v17 =	vld [tilespmem:s28+$0x150];
	[tilespmem:s26+$0x1E0] =	vst v11  }
0x135: {  	[tilespmem:s26+$0xFFFFFE50] =	vst v12;
	v11 =	vmul.f32 v13, v5;
	v12 =	vld [tilespmem:s28+$0x1F0]  }
0x136: {  	v13 =	vld [tilespmem:s28+$0xFFFFFE60];
	[tilespmem:s26+$0xFFFFFED0] =	vst v10;
	v10 =	vmul.f32 v14, v3  }
0x137: {  	v14 =	vld [tilespmem:s28+$0xFFFFFEE0];
	[tilespmem:s26+$0xFFFFFF50] =	vst v11;
	v11 =	vmul.f32 v15, v4  }
0x138: {  	v15 =	vld [tilespmem:s28+$0xFFFFFF60];
	[tilespmem:s26+$0xFFFFFFD0] =	vst v10;
	v10 =	vmul.f32 v16, v2  }
0x139: {  	v16 =	vld [tilespmem:s28+$0xFFFFFFE0];
	[tilespmem:s26+$0x50] =	vst v11;
	v11 =	vmul.f32 v17, v7  }
0x13a: {  	v17 =	vld [tilespmem:s28+$0x60];
	[tilespmem:s26+$0xD0] =	vst v10;
	v9 =	vmul.f32 v12, v9  }
0x13b: {  	v10 =	vmul.f32 v13, v8;
	v12 =	vld [tilespmem:s28+$0xE0];
	[tilespmem:s26+$0x150] =	vst v11  }
0x13c: {  	v11 =	vmul.f32 v14, v6;
	v13 =	vld [tilespmem:s28+$0x160];
	[tilespmem:s26+$0x1F0] =	vst v9  }
0x13d: {  	[tilespmem:s26+$0xFFFFFE60] =	vst v10;
	v9 =	vmul.f32 v15, v5;
	v15 =	vld [tilespmem:s31+$0x170];
	s31 =	smov.u32 s28  }
0x13e: {  	v18 =	vld [tilespmem:s28+$0xFFFFFE70];
	[tilespmem:s26+$0xFFFFFEE0] =	vst v11;
	v11 =	vmul.f32 v16, v3  }
.Ltmp5:
0x13f: {  	v14 =	vld [tilespmem:s28+$0xFFFFFEF0];
	[tilespmem:s26+$0xFFFFFF60] =	vst v9;
	v9 =	vmul.f32 v17, v4;
	(pc) =	sbr.rel @p2 .LBB2_12-.Ltmp5, $4  }
0x140: {  	v10 =	vld [tilespmem:s28+$0xFFFFFF70];
	[tilespmem:s26+$0xFFFFFFE0] =	vst v11;
	v16 =	vmul.f32 v12, v2  }
0x141: {  	v11 =	vld [tilespmem:s28+$0xFFFFFFF0];
	[tilespmem:s26+$0x60] =	vst v9;
	v9 =	vmul.f32 v13, v7  }
0x142: {  	v12 =	vld [tilespmem:s28+$0x70];
	[tilespmem:s26+$0xE0] =	vst v16;
	v15 =	vmul.f32 v15, v1;
	v1 =	vmov v7  }
0x143: {  	s11 =	sadd.s32 $0x8, s11;
	v8 =	vmul.f32 v18, v8;
	v7 =	vld [tilespmem:s28+$0xF0];
	[tilespmem:s26+$0x160] =	vst v9  }
0x144: {  	v6 =	vmul.f32 v14, v6;
	[tilespmem:s22+$0x170] =	vst v15;
	v9 =	vld [tilespmem:s31+$0x170];
	s11 =	sadd.s32 $0x2, s21;
	p2 =	seq.s32 s20, $0xD1  }
0x145: {  	[tilespmem:s26+$0xFFFFFE70] =	vst v8;
	v5 =	vmul.f32 v10, v5;
	s21 =	smulhi.u32 @!p2 $0x66666667, s11  }
0x146: {  	[tilespmem:s26+$0xFFFFFEF0] =	vst v6;
	v3 =	vmul.f32 v11, v3  }
0x147: {  	[tilespmem:s26+$0xFFFFFF70] =	vst v5;
	v4 =	vmul.f32 v12, v4;
	s21 =	sshrl.u32 @!p2 s21, $0x3  }
0x148: {  	[tilespmem:s26+$0xFFFFFFF0] =	vst v3;
	v2 =	vmul.f32 v7, v2;
	s21 =	smul.u32 @!p2 $0x14, s21  }
0x149: {  	[tilespmem:s26+$0x70] =	vst v4;
	v1 =	vmul.f32 v9, v1  }
0x14a: {  	[tilespmem:s26+$0xF0] =	vst v2;
	s21 =	ssub.s32 @!p2 s11, s21  }
0x14b: {  	[tilespmem:s26+$0x170] =	vst v1;
	p3 =	sne.s32 @!p2 s21, $0x0  }
0x14c: {  	[spmem:s3] =	stream.indirect.scatter.add.f32 [tilespmem:s12], [sflag:$0x3], $0x80, s4, s29, $0xb8;
	[tilespmem:$0x19300] =	vst v63  }
0x14d: {  	p3 =	por p3, p2  }
0x14e: {  	s11 =	sadd.s32 @!p3 s16, s11  }
0x14f: {  	_ =	swait.ge [sflag:s14], $0x1800;
	s11 =	smul.u32 @!p3 $0x6, s11  }
0x150: {  	[sflag:s14] =	ssyncset.done $0x0  }
0x151: {  	s26 =	simm.s32 @!p3 $0x0;
	[sflag:s14] =	ssyncadd.s32 $0xFFFFE800;
	s22 =	sadd.s32 @!p3 s8, s11  }
0x152: {  	[tilespmem:s26], [sflag:$0x4] =	stream.linear.gather @!p3 [hbm4b:s22+s26], $0x3C0, $0x38;
	[tilespmem:$0x19300] =	vst v63  }
0x153: {  	s22 =	simm.s32 @!p3 $0x4  }
0x154: {  	_ =	swait.ge @!p3 [sflag:s22], $0x3C0  }
0x155: {  	[sflag:s22] =	ssyncset.done @!p3 $0x0  }
0x156: {  	s30 =	simm.s32 @!p3 $0x400;
	s28 =	sadd.s32 @!p3 s9, s11;
	[sflag:s22] =	ssyncadd.s32 @!p3 $0xFFFFFC40  }
0x157: {  	[tilespmem:s30], [sflag:$0x4] =	stream.linear.gather @!p3 [hbm4b:s28+s26], $0x3C0, $0x38;
	[tilespmem:$0x19300] =	vst v63  }
0x158: {  	_ =	swait.ge @!p3 [sflag:s22], $0x3C0  }
0x159: {  	[sflag:s22] =	ssyncset.done @!p3 $0x0  }
0x15a: {  	s11 =	sadd.s32 @!p3 s10, s11;
	s28 =	simm.s32 @!p3 $0x800;
	[sflag:s22] =	ssyncadd.s32 @!p3 $0xFFFFFC40  }
0x15b: {  	[tilespmem:s28], [sflag:$0x4] =	stream.linear.gather @!p3 [hbm4b:s11+s26], $0x3C0, $0x38;
	[tilespmem:$0x19300] =	vst v63  }
0x15c: {  	_ =	swait.ge @!p3 [sflag:s22], $0x3C0  }
0x15d: {  	s11 =	smul.u32 @!p2 $0x30, s21;
	[sflag:s22] =	ssyncset.done @!p3 $0x0  }
0x15e: {  	[sflag:s22] =	ssyncadd.s32 @!p3 $0xFFFFFC40  }
0x15f: {  	v1 =	vld @!p2 [tilespmem:s11+$0x0];
	_ =	sdelay $0x4  }
0x160: {  	v1 =	vadd.s32 @!p2 v0, v1  }
0x161: {  	[tilespmem:$0xD00] =	vst @!p2 v1  }
0x162: {  	v1 =	vld @!p2 [tilespmem:s11+$0x400];
	_ =	sdelay $0x4  }
0x163: {  	[tilespmem:$0xC00] =	vst @!p2 v1  }
0x164: {  	v1 =	vld @!p2 [tilespmem:s11+$0x800];
	_ =	sdelay $0x4  }
0x165: {  	s21 =	sor.u32 @!p2 $0x10, s11;
	[tilespmem:$0xE00] =	vst @!p2 v1  }
0x166: {  	v1 =	vld @!p2 [tilespmem:s21+$0x0];
	_ =	sdelay $0x4  }
0x167: {  	v1 =	vadd.s32 @!p2 v0, v1  }
0x168: {  	[tilespmem:$0xD10] =	vst @!p2 v1  }
0x169: {  	v1 =	vld @!p2 [tilespmem:s11+$0x410];
	_ =	sdelay $0x4  }
0x16a: {  	[tilespmem:$0xC10] =	vst @!p2 v1  }
0x16b: {  	v1 =	vld @!p2 [tilespmem:s11+$0x810];
	_ =	sdelay $0x4  }
0x16c: {  	[tilespmem:$0xE10] =	vst @!p2 v1  }
0x16d: {  	v1 =	vld @!p2 [tilespmem:s11+$0x20];
	_ =	sdelay $0x4  }
0x16e: {  	v1 =	vadd.s32 @!p2 v0, v1  }
0x16f: {  	[tilespmem:$0xD20] =	vst @!p2 v1  }
0x170: {  	v1 =	vld @!p2 [tilespmem:s11+$0x420];
	_ =	sdelay $0x4  }
0x171: {  	[tilespmem:$0xC20] =	vst @!p2 v1  }
0x172: {  	v1 =	vld @!p2 [tilespmem:s11+$0x820];
	_ =	sdelay $0x4  }
0x173: {  	s22 =	simm.s32 @!p2 $0xF00;
	s21 =	simm.s32 @!p2 $0xD00;
	s11 =	simm.s32 @!p2 $0x30;
	[tilespmem:$0xE20] =	vst @!p2 v1  }
0x174: {  	[tilespmem:s22], [sflag:$0x1] =	stream.indirect.gather @!p2 [hbm4b:s5+s11], $0x80, s21, s11, $0xb8;
	[tilespmem:$0x19300] =	vst v63  }
0x175: {  	_ =	swait.ge [sflag:s15], $0x1800  }
0x176: {  	[sflag:s15] =	ssyncset.done $0x0  }
0x177: {  	s26 =	simm.s32 $0xE84;
	[sflag:s15] =	ssyncadd.s32 $0xFFFFE800  }
0x178: {  	s28 =	simm.s32 $0x2900;
	v1 =	vld.msk [tilespmem:s26+$0x3 ss:$0x0], $0xffff  }
0x179: {  	v2 =	vld [tilespmem:s28+$0x180]  }
0x17a: {  	v12 =	vld.msk [tilespmem:s26+$0xFFFFFFFD ss:$0x0], $0xffff  }
0x17b: {  	v11 =	vld.msk [tilespmem:s26+$0xFFFFFFFE ss:$0x0], $0xffff  }
0x17c: {  	v10 =	vld.msk [tilespmem:s26+$0xFFFFFFFF ss:$0x0], $0xffff  }
0x17d: {  	v9 =	vld.msk [tilespmem:s26+$0x0 ss:$0x0], $0xffff  }
0x17e: {  	v8 =	vld.msk [tilespmem:s26+$0x1 ss:$0x0], $0xffff  }
0x17f: {  	v7 =	vld.msk [tilespmem:s26+$0x2 ss:$0x0], $0xffff  }
0x180: {  	v13 =	vld.msk [tilespmem:s26+$0xFFFFFFFC ss:$0x0], $0xffff  }
0x181: {  	v3 =	vld [tilespmem:s28+$0xFFFFFE00]  }
0x182: {  	v4 =	vld [tilespmem:s28+$0xFFFFFE80]  }
0x183: {  	v5 =	vld [tilespmem:s28+$0xFFFFFF00]  }
0x184: {  	v6 =	vld [tilespmem:s28+$0xFFFFFF80]  }
0x185: {  	v14 =	vld [tilespmem:s28+$0x0];
	v2 =	vmul.f32 v1, v2  }
0x186: {  	s21 =	simm.s32 $0x4100;
	v16 =	vld [tilespmem:s28+$0x100]  }
0x187: {  	[tilespmem:s21+$0x180] =	vst v2;
	v2 =	vmul.f32 v13, v3;
	v3 =	vld [tilespmem:s28+$0x80]  }
0x188: {  	s26 =	simm.s32 $0x2D00;
	v4 =	vmul.f32 v12, v4;
	v15 =	vld [tilespmem:s28+$0x190]  }
0x189: {  	v23 =	vld [tilespmem:s26+$0x180];
	[tilespmem:s21+$0xFFFFFE00] =	vst v2;
	v2 =	vmul.f32 v11, v5  }
0x18a: {  	[tilespmem:s21+$0xFFFFFE80] =	vst v4;
	v4 =	vmul.f32 v10, v6;
	v5 =	vld [tilespmem:s28+$0xFFFFFE10]  }
0x18b: {  	v6 =	vld [tilespmem:s28+$0xFFFFFE90];
	[tilespmem:s21+$0xFFFFFF00] =	vst v2;
	v2 =	vmul.f32 v9, v14  }
0x18c: {  	[tilespmem:s21+$0xFFFFFF80] =	vst v4;
	v14 =	vld [tilespmem:s28+$0xFFFFFF10];
	v3 =	vmul.f32 v8, v3  }
0x18d: {  	v4 =	vmul.f32 v15, v1;
	v15 =	vld [tilespmem:s28+$0xFFFFFF90];
	[tilespmem:s21+$0x0] =	vst v2  }
0x18e: {  	v2 =	vmul.f32 v7, v16;
	v16 =	vld [tilespmem:s28+$0x10];
	[tilespmem:s21+$0x80] =	vst v3  }
0x18f: {  	[tilespmem:s21+$0x190] =	vst v4;
	v3 =	vmul.f32 v5, v13;
	v4 =	vld [tilespmem:s28+$0x90]  }
0x190: {  	[tilespmem:s21+$0x100] =	vst v2;
	v2 =	vmul.f32 v6, v12;
	v5 =	vld [tilespmem:s28+$0x1A0]  }
0x191: {  	v6 =	vld [tilespmem:s28+$0x110];
	[tilespmem:s21+$0xFFFFFE10] =	vst v3;
	v3 =	vmul.f32 v14, v11  }
0x192: {  	[tilespmem:s21+$0xFFFFFE90] =	vst v2;
	v14 =	vld [tilespmem:s28+$0xFFFFFE20];
	v2 =	vmul.f32 v15, v10  }
0x193: {  	v15 =	vld [tilespmem:s28+$0xFFFFFEA0];
	[tilespmem:s21+$0xFFFFFF10] =	vst v3;
	v3 =	vmul.f32 v16, v9  }
0x194: {  	v16 =	vld [tilespmem:s28+$0xFFFFFF20];
	[tilespmem:s21+$0xFFFFFF90] =	vst v2;
	v2 =	vmul.f32 v4, v8  }
0x195: {  	v4 =	vmul.f32 v5, v1;
	v5 =	vld [tilespmem:s28+$0xFFFFFFA0];
	[tilespmem:s21+$0x10] =	vst v3  }
0x196: {  	v3 =	vmul.f32 v6, v7;
	v6 =	vld [tilespmem:s28+$0x20];
	[tilespmem:s21+$0x90] =	vst v2  }
0x197: {  	[tilespmem:s21+$0x1A0] =	vst v4;
	v2 =	vmul.f32 v14, v13;
	v4 =	vld [tilespmem:s28+$0xA0]  }
0x198: {  	[tilespmem:s21+$0x110] =	vst v3;
	v3 =	vmul.f32 v15, v12;
	v14 =	vld [tilespmem:s28+$0x1B0]  }
0x199: {  	v15 =	vld [tilespmem:s28+$0x120];
	[tilespmem:s21+$0xFFFFFE20] =	vst v2;
	v2 =	vmul.f32 v16, v11  }
0x19a: {  	[tilespmem:s21+$0xFFFFFEA0] =	vst v3;
	v16 =	vld [tilespmem:s28+$0xFFFFFE30];
	v3 =	vmul.f32 v5, v10  }
0x19b: {  	v5 =	vld [tilespmem:s28+$0xFFFFFEB0];
	[tilespmem:s21+$0xFFFFFF20] =	vst v2;
	v2 =	vmul.f32 v6, v9  }
0x19c: {  	v6 =	vld [tilespmem:s28+$0xFFFFFF30];
	[tilespmem:s21+$0xFFFFFFA0] =	vst v3;
	v3 =	vmul.f32 v4, v8  }
0x19d: {  	v4 =	vmul.f32 v14, v1;
	v14 =	vld [tilespmem:s28+$0xFFFFFFB0];
	[tilespmem:s21+$0x20] =	vst v2  }
0x19e: {  	v2 =	vmul.f32 v15, v7;
	v15 =	vld [tilespmem:s28+$0x30];
	[tilespmem:s21+$0xA0] =	vst v3  }
0x19f: {  	[tilespmem:s21+$0x1B0] =	vst v4;
	v3 =	vmul.f32 v16, v13;
	v4 =	vld [tilespmem:s28+$0xB0]  }
0x1a0: {  	[tilespmem:s21+$0x120] =	vst v2;
	v2 =	vmul.f32 v5, v12;
	v16 =	vld [tilespmem:s28+$0x1C0]  }
0x1a1: {  	v5 =	vld [tilespmem:s28+$0x130];
	[tilespmem:s21+$0xFFFFFE30] =	vst v3;
	v3 =	vmul.f32 v6, v11  }
0x1a2: {  	[tilespmem:s21+$0xFFFFFEB0] =	vst v2;
	v6 =	vld [tilespmem:s28+$0xFFFFFE40];
	v2 =	vmul.f32 v14, v10  }
0x1a3: {  	v14 =	vld [tilespmem:s28+$0xFFFFFEC0];
	[tilespmem:s21+$0xFFFFFF30] =	vst v3;
	v3 =	vmul.f32 v15, v9  }
0x1a4: {  	v15 =	vld [tilespmem:s28+$0xFFFFFF40];
	[tilespmem:s21+$0xFFFFFFB0] =	vst v2;
	v2 =	vmul.f32 v4, v8  }
0x1a5: {  	v4 =	vmul.f32 v16, v1;
	v16 =	vld [tilespmem:s28+$0xFFFFFFC0];
	[tilespmem:s21+$0x30] =	vst v3  }
0x1a6: {  	v3 =	vmul.f32 v5, v7;
	v5 =	vld [tilespmem:s28+$0x40];
	[tilespmem:s21+$0xB0] =	vst v2  }
0x1a7: {  	[tilespmem:s21+$0x1C0] =	vst v4;
	v2 =	vmul.f32 v6, v13;
	v4 =	vld [tilespmem:s28+$0xC0]  }
0x1a8: {  	[tilespmem:s21+$0x130] =	vst v3;
	v3 =	vmul.f32 v14, v12;
	v6 =	vld [tilespmem:s28+$0x1D0]  }
0x1a9: {  	v14 =	vld [tilespmem:s28+$0x140];
	[tilespmem:s21+$0xFFFFFE40] =	vst v2;
	v2 =	vmul.f32 v15, v11  }
0x1aa: {  	[tilespmem:s21+$0xFFFFFEC0] =	vst v3;
	v15 =	vld [tilespmem:s28+$0xFFFFFE50];
	v3 =	vmul.f32 v16, v10  }
0x1ab: {  	v16 =	vld [tilespmem:s28+$0xFFFFFED0];
	[tilespmem:s21+$0xFFFFFF40] =	vst v2;
	v2 =	vmul.f32 v5, v9  }
0x1ac: {  	v5 =	vld [tilespmem:s28+$0xFFFFFF50];
	[tilespmem:s21+$0xFFFFFFC0] =	vst v3;
	v3 =	vmul.f32 v4, v8  }
0x1ad: {  	v4 =	vmul.f32 v6, v1;
	v6 =	vld [tilespmem:s28+$0xFFFFFFD0];
	[tilespmem:s21+$0x40] =	vst v2  }
0x1ae: {  	v2 =	vmul.f32 v14, v7;
	v14 =	vld [tilespmem:s28+$0x50];
	[tilespmem:s21+$0xC0] =	vst v3  }
0x1af: {  	[tilespmem:s21+$0x1D0] =	vst v4;
	v3 =	vmul.f32 v15, v13;
	v4 =	vld [tilespmem:s28+$0xD0]  }
0x1b0: {  	[tilespmem:s21+$0x140] =	vst v2;
	v2 =	vmul.f32 v16, v12;
	v15 =	vld [tilespmem:s28+$0x1E0]  }
0x1b1: {  	v16 =	vld [tilespmem:s28+$0x150];
	[tilespmem:s21+$0xFFFFFE50] =	vst v3;
	v3 =	vmul.f32 v5, v11  }
0x1b2: {  	[tilespmem:s21+$0xFFFFFED0] =	vst v2;
	v5 =	vld [tilespmem:s28+$0xFFFFFE60];
	v2 =	vmul.f32 v6, v10  }
0x1b3: {  	v6 =	vld [tilespmem:s28+$0xFFFFFEE0];
	[tilespmem:s21+$0xFFFFFF50] =	vst v3;
	v3 =	vmul.f32 v14, v9  }
0x1b4: {  	v14 =	vld [tilespmem:s28+$0xFFFFFF60];
	[tilespmem:s21+$0xFFFFFFD0] =	vst v2;
	v2 =	vmul.f32 v4, v8  }
0x1b5: {  	v4 =	vmul.f32 v15, v1;
	v15 =	vld [tilespmem:s28+$0xFFFFFFE0];
	[tilespmem:s21+$0x50] =	vst v3  }
0x1b6: {  	v3 =	vmul.f32 v16, v7;
	v16 =	vld [tilespmem:s28+$0x60];
	[tilespmem:s21+$0xD0] =	vst v2  }
0x1b7: {  	s31 =	simm.s32 $0xE8C;
	[tilespmem:s21+$0x1E0] =	vst v4;
	v4 =	vld [tilespmem:s28+$0xE0]  }
0x1b8: {  	[tilespmem:s21+$0x150] =	vst v3;
	v3 =	vmul.f32 v6, v12;
	v6 =	vld.msk [tilespmem:s31+$0xFFFFFFFD ss:$0x0], $0xffff  }
0x1b9: {  	v2 =	vmul.f32 v5, v13;
	v5 =	vld.msk [tilespmem:s31+$0xFFFFFFFE ss:$0x0], $0xffff  }
0x1ba: {  	v17 =	vld [tilespmem:s28+$0x1F0]  }
0x1bb: {  	v18 =	vld [tilespmem:s28+$0x160]  }
0x1bc: {  	[tilespmem:s21+$0xFFFFFE60] =	vst v2;
	v2 =	vmul.f32 v14, v11;
	v14 =	vld.msk [tilespmem:s31+$0x3 ss:$0x0], $0xffff  }
0x1bd: {  	[tilespmem:s21+$0xFFFFFEE0] =	vst v3;
	v19 =	vld [tilespmem:s28+$0xFFFFFE70]  }
0x1be: {  	v3 =	vmul.f32 v15, v10;
	v15 =	vld [tilespmem:s28+$0xFFFFFEF0];
	[tilespmem:s21+$0xFFFFFF60] =	vst v2  }
0x1bf: {  	v2 =	vmul.f32 v16, v9;
	v16 =	vld [tilespmem:s28+$0xFFFFFF70]  }
0x1c0: {  	[tilespmem:s21+$0xFFFFFFE0] =	vst v3;
	v3 =	vmul.f32 v4, v8;
	v4 =	vld.msk [tilespmem:s31+$0x0 ss:$0x0], $0xffff  }
0x1c1: {  	v20 =	vld [tilespmem:s28+$0xFFFFFFF0]  }
0x1c2: {  	[tilespmem:s21+$0x60] =	vst v2;
	v2 =	vld.msk [tilespmem:s31+$0x1 ss:$0x0], $0xffff  }
0x1c3: {  	v21 =	vld [tilespmem:s28+$0x70]  }
0x1c4: {  	v1 =	vmul.f32 v17, v1;
	[tilespmem:s21+$0xE0] =	vst v3;
	v3 =	vld.msk [tilespmem:s31+$0xFFFFFFFF ss:$0x0], $0xffff  }
0x1c5: {  	v17 =	vmul.f32 v14, v23;
	v22 =	vld [tilespmem:s28+$0xF0]  }
0x1c6: {  	s22 =	simm.s32 $0x4500;
	v18 =	vmul.f32 v18, v7;
	[tilespmem:s21+$0x1F0] =	vst v1;
	v1 =	vld.msk [tilespmem:s31+$0x2 ss:$0x0], $0xffff  }
0x1c7: {  	v19 =	vmul.f32 v19, v13;
	v13 =	vld.msk [tilespmem:s31+$0xFFFFFFFC ss:$0x0], $0xffff;
	[tilespmem:s22+$0x180] =	vst v17  }
0x1c8: {  	[tilespmem:s21+$0x160] =	vst v18;
	v12 =	vmul.f32 v15, v12;
	v15 =	vld [tilespmem:s26+$0x190]  }
0x1c9: {  	[tilespmem:s21+$0xFFFFFE70] =	vst v19;
	v11 =	vmul.f32 v16, v11;
	v16 =	vld [tilespmem:s26+$0xFFFFFE00]  }
0x1ca: {  	[tilespmem:s21+$0xFFFFFEF0] =	vst v12;
	v12 =	vld [tilespmem:s26+$0xFFFFFE80];
	v10 =	vmul.f32 v20, v10  }
0x1cb: {  	[tilespmem:s21+$0xFFFFFF70] =	vst v11;
	v9 =	vmul.f32 v21, v9;
	v11 =	vld [tilespmem:s26+$0xFFFFFF00]  }
0x1cc: {  	[tilespmem:s21+$0xFFFFFFF0] =	vst v10;
	v8 =	vmul.f32 v22, v8;
	v10 =	vld [tilespmem:s26+$0xFFFFFF80]  }
0x1cd: {  	[tilespmem:s21+$0x70] =	vst v9;
	v9 =	vld [tilespmem:s26+$0x0];
	v15 =	vmul.f32 v15, v14  }
0x1ce: {  	[tilespmem:s21+$0xF0] =	vst v8;
	v8 =	vmul.f32 v13, v16;
	v16 =	vld [tilespmem:s26+$0x80]  }
0x1cf: {  	v17 =	vld [tilespmem:s26+$0x100];
	v12 =	vmul.f32 v6, v12;
	[tilespmem:s22+$0x190] =	vst v15  }
0x1d0: {  	[tilespmem:s22+$0xFFFFFE00] =	vst v8;
	v8 =	vmul.f32 v5, v11;
	v11 =	vld [tilespmem:s26+$0x1A0]  }
0x1d1: {  	[tilespmem:s22+$0xFFFFFE80] =	vst v12;
	v15 =	vld [tilespmem:s26+$0xFFFFFE10];
	v10 =	vmul.f32 v3, v10  }
0x1d2: {  	v12 =	vld [tilespmem:s26+$0xFFFFFE90];
	[tilespmem:s22+$0xFFFFFF00] =	vst v8;
	v8 =	vmul.f32 v4, v9  }
0x1d3: {  	v9 =	vld [tilespmem:s26+$0xFFFFFF10];
	[tilespmem:s22+$0xFFFFFF80] =	vst v10;
	v10 =	vmul.f32 v2, v16  }
0x1d4: {  	v16 =	vld [tilespmem:s26+$0xFFFFFF90];
	[tilespmem:s22+$0x0] =	vst v8;
	v8 =	vmul.f32 v1, v17  }
0x1d5: {  	v17 =	vld [tilespmem:s26+$0x10];
	[tilespmem:s22+$0x80] =	vst v10;
	v10 =	vmul.f32 v11, v14  }
0x1d6: {  	v11 =	vmul.f32 v15, v13;
	v15 =	vld [tilespmem:s26+$0x90];
	[tilespmem:s22+$0x100] =	vst v8  }
0x1d7: {  	v8 =	vmul.f32 v12, v6;
	v12 =	vld [tilespmem:s26+$0x110];
	[tilespmem:s22+$0x1A0] =	vst v10  }
0x1d8: {  	[tilespmem:s22+$0xFFFFFE10] =	vst v11;
	v9 =	vmul.f32 v9, v5;
	v10 =	vld [tilespmem:s26+$0x1B0]  }
0x1d9: {  	[tilespmem:s22+$0xFFFFFE90] =	vst v8;
	v11 =	vld [tilespmem:s26+$0xFFFFFE20];
	v8 =	vmul.f32 v16, v3  }
0x1da: {  	v16 =	vld [tilespmem:s26+$0xFFFFFEA0];
	[tilespmem:s22+$0xFFFFFF10] =	vst v9;
	v9 =	vmul.f32 v17, v4  }
0x1db: {  	v17 =	vld [tilespmem:s26+$0xFFFFFF20];
	[tilespmem:s22+$0xFFFFFF90] =	vst v8;
	v8 =	vmul.f32 v15, v2  }
0x1dc: {  	v15 =	vld [tilespmem:s26+$0xFFFFFFA0];
	[tilespmem:s22+$0x10] =	vst v9;
	v9 =	vmul.f32 v12, v1  }
0x1dd: {  	v12 =	vld [tilespmem:s26+$0x20];
	[tilespmem:s22+$0x90] =	vst v8;
	v8 =	vmul.f32 v10, v14  }
0x1de: {  	v10 =	vmul.f32 v11, v13;
	v11 =	vld [tilespmem:s26+$0xA0];
	[tilespmem:s22+$0x110] =	vst v9  }
0x1df: {  	v9 =	vmul.f32 v16, v6;
	v16 =	vld [tilespmem:s26+$0x120];
	[tilespmem:s22+$0x1B0] =	vst v8  }
0x1e0: {  	[tilespmem:s22+$0xFFFFFE20] =	vst v10;
	v8 =	vmul.f32 v17, v5;
	v10 =	vld [tilespmem:s26+$0x1C0]  }
0x1e1: {  	[tilespmem:s22+$0xFFFFFEA0] =	vst v9;
	v17 =	vld [tilespmem:s26+$0xFFFFFE30];
	v9 =	vmul.f32 v15, v3  }
0x1e2: {  	v15 =	vld [tilespmem:s26+$0xFFFFFEB0];
	[tilespmem:s22+$0xFFFFFF20] =	vst v8;
	v8 =	vmul.f32 v12, v4  }
0x1e3: {  	v12 =	vld [tilespmem:s26+$0xFFFFFF30];
	[tilespmem:s22+$0xFFFFFFA0] =	vst v9;
	v9 =	vmul.f32 v11, v2  }
0x1e4: {  	v11 =	vld [tilespmem:s26+$0xFFFFFFB0];
	[tilespmem:s22+$0x20] =	vst v8;
	v8 =	vmul.f32 v16, v1  }
0x1e5: {  	v16 =	vld [tilespmem:s26+$0x30];
	[tilespmem:s22+$0xA0] =	vst v9;
	v9 =	vmul.f32 v10, v14  }
0x1e6: {  	v10 =	vmul.f32 v17, v13;
	v17 =	vld [tilespmem:s26+$0xB0];
	[tilespmem:s22+$0x120] =	vst v8  }
0x1e7: {  	v8 =	vmul.f32 v15, v6;
	v15 =	vld [tilespmem:s26+$0x130];
	[tilespmem:s22+$0x1C0] =	vst v9  }
0x1e8: {  	[tilespmem:s22+$0xFFFFFE30] =	vst v10;
	v9 =	vmul.f32 v12, v5;
	v10 =	vld [tilespmem:s26+$0x1D0]  }
0x1e9: {  	[tilespmem:s22+$0xFFFFFEB0] =	vst v8;
	v12 =	vld [tilespmem:s26+$0xFFFFFE40];
	v8 =	vmul.f32 v11, v3  }
0x1ea: {  	v11 =	vld [tilespmem:s26+$0xFFFFFEC0];
	[tilespmem:s22+$0xFFFFFF30] =	vst v9;
	v9 =	vmul.f32 v16, v4  }
0x1eb: {  	v16 =	vld [tilespmem:s26+$0xFFFFFF40];
	[tilespmem:s22+$0xFFFFFFB0] =	vst v8;
	v8 =	vmul.f32 v17, v2  }
0x1ec: {  	v17 =	vld [tilespmem:s26+$0xFFFFFFC0];
	[tilespmem:s22+$0x30] =	vst v9;
	v9 =	vmul.f32 v15, v1  }
0x1ed: {  	v15 =	vld [tilespmem:s26+$0x40];
	[tilespmem:s22+$0xB0] =	vst v8;
	v8 =	vmul.f32 v10, v14  }
0x1ee: {  	v10 =	vmul.f32 v12, v13;
	v12 =	vld [tilespmem:s26+$0xC0];
	[tilespmem:s22+$0x130] =	vst v9  }
0x1ef: {  	v9 =	vmul.f32 v11, v6;
	v11 =	vld [tilespmem:s26+$0x140];
	[tilespmem:s22+$0x1D0] =	vst v8  }
0x1f0: {  	[tilespmem:s22+$0xFFFFFE40] =	vst v10;
	v8 =	vmul.f32 v16, v5;
	v10 =	vld [tilespmem:s26+$0x1E0]  }
0x1f1: {  	[tilespmem:s22+$0xFFFFFEC0] =	vst v9;
	v16 =	vld [tilespmem:s26+$0xFFFFFE50];
	v9 =	vmul.f32 v17, v3  }
0x1f2: {  	v17 =	vld [tilespmem:s26+$0xFFFFFED0];
	[tilespmem:s22+$0xFFFFFF40] =	vst v8;
	v8 =	vmul.f32 v15, v4  }
0x1f3: {  	v15 =	vld [tilespmem:s26+$0xFFFFFF50];
	[tilespmem:s22+$0xFFFFFFC0] =	vst v9;
	v9 =	vmul.f32 v12, v2  }
0x1f4: {  	v12 =	vld [tilespmem:s26+$0xFFFFFFD0];
	[tilespmem:s22+$0x40] =	vst v8;
	v8 =	vmul.f32 v11, v1  }
0x1f5: {  	v11 =	vld [tilespmem:s26+$0x50];
	[tilespmem:s22+$0xC0] =	vst v9;
	v9 =	vmul.f32 v10, v14  }
0x1f6: {  	v10 =	vmul.f32 v16, v13;
	v16 =	vld [tilespmem:s26+$0xD0];
	[tilespmem:s22+$0x140] =	vst v8  }
0x1f7: {  	v8 =	vmul.f32 v17, v6;
	v17 =	vld [tilespmem:s26+$0x150];
	[tilespmem:s22+$0x1E0] =	vst v9  }
0x1f8: {  	[tilespmem:s22+$0xFFFFFE50] =	vst v10;
	v9 =	vmul.f32 v15, v5;
	v10 =	vld [tilespmem:s26+$0x1F0]  }
0x1f9: {  	[tilespmem:s22+$0xFFFFFED0] =	vst v8;
	v15 =	vld [tilespmem:s26+$0xFFFFFE60];
	v8 =	vmul.f32 v12, v3  }
0x1fa: {  	v12 =	vld [tilespmem:s26+$0xFFFFFEE0];
	[tilespmem:s22+$0xFFFFFF50] =	vst v9;
	v9 =	vmul.f32 v11, v4  }
0x1fb: {  	v11 =	vld [tilespmem:s26+$0xFFFFFF60];
	[tilespmem:s22+$0xFFFFFFD0] =	vst v8;
	v8 =	vmul.f32 v16, v2  }
0x1fc: {  	v16 =	vld [tilespmem:s26+$0xFFFFFFE0];
	[tilespmem:s22+$0x50] =	vst v9;
	v9 =	vmul.f32 v17, v1  }
0x1fd: {  	v17 =	vld [tilespmem:s26+$0x60];
	[tilespmem:s22+$0xD0] =	vst v8;
	v8 =	vmul.f32 v10, v14  }
0x1fe: {  	v10 =	vmul.f32 v15, v13;
	v15 =	vld [tilespmem:s26+$0xE0];
	[tilespmem:s22+$0x150] =	vst v9  }
0x1ff: {  	v9 =	vmul.f32 v12, v6;
	v12 =	vld [tilespmem:s26+$0x160];
	[tilespmem:s22+$0x1F0] =	vst v8  }
0x200: {  	v18 =	vld [tilespmem:s28+$0x170];
	[tilespmem:s22+$0xFFFFFE60] =	vst v10;
	v8 =	vmul.f32 v11, v5  }
0x201: {  	[tilespmem:s22+$0xFFFFFEE0] =	vst v9;
	v63 =	vld [tilespmem:s26+$0xFFFFFE70];
	v9 =	vmul.f32 v16, v3  }
0x202: {  	v14 =	vld [tilespmem:s26+$0xFFFFFEF0];
	[tilespmem:s22+$0xFFFFFF60] =	vst v8;
	v8 =	vmul.f32 v17, v4  }
0x203: {  	v10 =	vld [tilespmem:s26+$0xFFFFFF70];
	[tilespmem:s22+$0xFFFFFFE0] =	vst v9;
	v9 =	vmul.f32 v15, v2  }
0x204: {  	v11 =	vld [tilespmem:s26+$0xFFFFFFF0];
	[tilespmem:s22+$0x60] =	vst v8;
	v16 =	vmul.f32 v12, v1  }
0x205: {  	v15 =	vmul.f32 v18, v7;
	v12 =	vld [tilespmem:s26+$0x70];
	[tilespmem:s22+$0xE0] =	vst v9  }
0x206: {  	s30 =	simm.s32 $0x2D00;
	s11 =	simm.s32 $0xE94;
	s28 =	simm.s32 $0x8;
	v8 =	vmul.f32 v63, v13;
	v7 =	vld [tilespmem:s26+$0xF0];
	[tilespmem:s22+$0x160] =	vst v16  }
.LBB2_14:
0x207: {  	v9 =	vld.msk [tilespmem:s11+$0x3 ss:$0x0], $0xffff;
	s28 =	sadd.s32 $0x8, s28;
	v13 =	vmul.f32 v14, v6;
	s26 =	sadd.s32 $0x400, s26;
	[tilespmem:s21+$0x170] =	vst v15;
	s21 =	smov.u32 s22  }
0x208: {  	v14 =	vld [tilespmem:s26+$0x180];
	p2 =	slt.u32 s28, $0x28;
	[tilespmem:s22+$0xFFFFFE70] =	vst v8;
	v8 =	vmul.f32 v10, v5  }
0x209: {  	v6 =	vld.msk [tilespmem:s11+$0xFFFFFFFD ss:$0x0], $0xffff;
	[tilespmem:s22+$0xFFFFFEF0] =	vst v13;
	v10 =	vmul.f32 v11, v3  }
0x20a: {  	v5 =	vld.msk [tilespmem:s11+$0xFFFFFFFE ss:$0x0], $0xffff;
	[tilespmem:s22+$0xFFFFFF70] =	vst v8;
	v8 =	vmul.f32 v12, v4  }
0x20b: {  	v3 =	vld.msk [tilespmem:s11+$0xFFFFFFFF ss:$0x0], $0xffff;
	[tilespmem:s22+$0xFFFFFFF0] =	vst v10;
	v7 =	vmul.f32 v7, v2  }
0x20c: {  	v4 =	vld.msk [tilespmem:s11+$0x0 ss:$0x0], $0xffff;
	[tilespmem:s22+$0x70] =	vst v8  }
0x20d: {  	v2 =	vld.msk [tilespmem:s11+$0x1 ss:$0x0], $0xffff;
	v10 =	vmul.f32 v9, v14;
	[tilespmem:s22+$0xF0] =	vst v7  }
0x20e: {  	s22 =	sadd.s32 $0x400, s22;
	v7 =	vld.msk [tilespmem:s11+$0x2 ss:$0x0], $0xffff  }
0x20f: {  	v8 =	vld.msk [tilespmem:s11+$0xFFFFFFFC ss:$0x0], $0xffff;
	[tilespmem:s22+$0x180] =	vst v10  }
0x210: {  	v10 =	vld [tilespmem:s26+$0x190]  }
0x211: {  	v11 =	vld [tilespmem:s26+$0xFFFFFE00]  }
0x212: {  	v12 =	vld [tilespmem:s26+$0xFFFFFE80]  }
0x213: {  	v13 =	vld [tilespmem:s26+$0xFFFFFF00]  }
0x214: {  	v14 =	vld [tilespmem:s26+$0xFFFFFF80]  }
0x215: {  	v15 =	vld [tilespmem:s26+$0x0];
	v10 =	vmul.f32 v10, v9  }
0x216: {  	v11 =	vmul.f32 v8, v11;
	v16 =	vld [tilespmem:s26+$0x80]  }
0x217: {  	v12 =	vmul.f32 v6, v12;
	v17 =	vld [tilespmem:s26+$0x100];
	[tilespmem:s22+$0x190] =	vst v10  }
0x218: {  	[tilespmem:s22+$0xFFFFFE00] =	vst v11;
	v10 =	vmul.f32 v5, v13;
	v11 =	vld [tilespmem:s26+$0x1A0]  }
0x219: {  	v13 =	vld [tilespmem:s26+$0xFFFFFE10];
	[tilespmem:s22+$0xFFFFFE80] =	vst v12;
	v12 =	vmul.f32 v3, v14  }
0x21a: {  	v14 =	vld [tilespmem:s26+$0xFFFFFE90];
	[tilespmem:s22+$0xFFFFFF00] =	vst v10;
	v10 =	vmul.f32 v4, v15  }
0x21b: {  	v15 =	vld [tilespmem:s26+$0xFFFFFF10];
	[tilespmem:s22+$0xFFFFFF80] =	vst v12;
	v12 =	vmul.f32 v2, v16  }
0x21c: {  	v16 =	vld [tilespmem:s26+$0xFFFFFF90];
	[tilespmem:s22+$0x0] =	vst v10;
	v10 =	vmul.f32 v7, v17  }
0x21d: {  	v17 =	vld [tilespmem:s26+$0x10];
	[tilespmem:s22+$0x80] =	vst v12;
	v11 =	vmul.f32 v11, v9  }
0x21e: {  	v12 =	vmul.f32 v13, v8;
	v13 =	vld [tilespmem:s26+$0x90];
	[tilespmem:s22+$0x100] =	vst v10  }
0x21f: {  	v10 =	vmul.f32 v14, v6;
	v14 =	vld [tilespmem:s26+$0x110];
	[tilespmem:s22+$0x1A0] =	vst v11  }
0x220: {  	[tilespmem:s22+$0xFFFFFE10] =	vst v12;
	v11 =	vmul.f32 v15, v5;
	v12 =	vld [tilespmem:s26+$0x1B0]  }
0x221: {  	v15 =	vld [tilespmem:s26+$0xFFFFFE20];
	[tilespmem:s22+$0xFFFFFE90] =	vst v10;
	v10 =	vmul.f32 v16, v3  }
0x222: {  	v16 =	vld [tilespmem:s26+$0xFFFFFEA0];
	[tilespmem:s22+$0xFFFFFF10] =	vst v11;
	v11 =	vmul.f32 v17, v4  }
0x223: {  	v17 =	vld [tilespmem:s26+$0xFFFFFF20];
	[tilespmem:s22+$0xFFFFFF90] =	vst v10;
	v10 =	vmul.f32 v13, v2  }
0x224: {  	v13 =	vld [tilespmem:s26+$0xFFFFFFA0];
	[tilespmem:s22+$0x10] =	vst v11;
	v11 =	vmul.f32 v14, v7  }
0x225: {  	v14 =	vld [tilespmem:s26+$0x20];
	[tilespmem:s22+$0x90] =	vst v10;
	v10 =	vmul.f32 v12, v9  }
0x226: {  	v12 =	vmul.f32 v15, v8;
	v15 =	vld [tilespmem:s26+$0xA0];
	[tilespmem:s22+$0x110] =	vst v11  }
0x227: {  	v11 =	vmul.f32 v16, v6;
	v16 =	vld [tilespmem:s26+$0x120];
	[tilespmem:s22+$0x1B0] =	vst v10  }
0x228: {  	[tilespmem:s22+$0xFFFFFE20] =	vst v12;
	v10 =	vmul.f32 v17, v5;
	v12 =	vld [tilespmem:s26+$0x1C0]  }
0x229: {  	v17 =	vld [tilespmem:s26+$0xFFFFFE30];
	[tilespmem:s22+$0xFFFFFEA0] =	vst v11;
	v11 =	vmul.f32 v13, v3  }
0x22a: {  	v13 =	vld [tilespmem:s26+$0xFFFFFEB0];
	[tilespmem:s22+$0xFFFFFF20] =	vst v10;
	v10 =	vmul.f32 v14, v4  }
0x22b: {  	v14 =	vld [tilespmem:s26+$0xFFFFFF30];
	[tilespmem:s22+$0xFFFFFFA0] =	vst v11;
	v11 =	vmul.f32 v15, v2  }
0x22c: {  	v15 =	vld [tilespmem:s26+$0xFFFFFFB0];
	[tilespmem:s22+$0x20] =	vst v10;
	v10 =	vmul.f32 v16, v7  }
0x22d: {  	v16 =	vld [tilespmem:s26+$0x30];
	[tilespmem:s22+$0xA0] =	vst v11;
	v11 =	vmul.f32 v12, v9  }
0x22e: {  	v12 =	vmul.f32 v17, v8;
	v17 =	vld [tilespmem:s26+$0xB0];
	[tilespmem:s22+$0x120] =	vst v10  }
0x22f: {  	v10 =	vmul.f32 v13, v6;
	v13 =	vld [tilespmem:s26+$0x130];
	[tilespmem:s22+$0x1C0] =	vst v11  }
0x230: {  	[tilespmem:s22+$0xFFFFFE30] =	vst v12;
	v11 =	vmul.f32 v14, v5;
	v12 =	vld [tilespmem:s26+$0x1D0]  }
0x231: {  	v14 =	vld [tilespmem:s26+$0xFFFFFE40];
	[tilespmem:s22+$0xFFFFFEB0] =	vst v10;
	v10 =	vmul.f32 v15, v3  }
0x232: {  	v15 =	vld [tilespmem:s26+$0xFFFFFEC0];
	[tilespmem:s22+$0xFFFFFF30] =	vst v11;
	v11 =	vmul.f32 v16, v4  }
0x233: {  	v16 =	vld [tilespmem:s26+$0xFFFFFF40];
	[tilespmem:s22+$0xFFFFFFB0] =	vst v10;
	v10 =	vmul.f32 v17, v2  }
0x234: {  	v17 =	vld [tilespmem:s26+$0xFFFFFFC0];
	[tilespmem:s22+$0x30] =	vst v11;
	v11 =	vmul.f32 v13, v7  }
0x235: {  	v13 =	vld [tilespmem:s26+$0x40];
	[tilespmem:s22+$0xB0] =	vst v10;
	v10 =	vmul.f32 v12, v9  }
0x236: {  	v12 =	vmul.f32 v14, v8;
	v14 =	vld [tilespmem:s26+$0xC0];
	[tilespmem:s22+$0x130] =	vst v11  }
0x237: {  	v11 =	vmul.f32 v15, v6;
	v15 =	vld [tilespmem:s26+$0x140];
	[tilespmem:s22+$0x1D0] =	vst v10  }
0x238: {  	[tilespmem:s22+$0xFFFFFE40] =	vst v12;
	v10 =	vmul.f32 v16, v5;
	v12 =	vld [tilespmem:s26+$0x1E0]  }
0x239: {  	v16 =	vld [tilespmem:s26+$0xFFFFFE50];
	[tilespmem:s22+$0xFFFFFEC0] =	vst v11;
	v11 =	vmul.f32 v17, v3  }
0x23a: {  	v17 =	vld [tilespmem:s26+$0xFFFFFED0];
	[tilespmem:s22+$0xFFFFFF40] =	vst v10;
	v10 =	vmul.f32 v13, v4  }
0x23b: {  	v13 =	vld [tilespmem:s26+$0xFFFFFF50];
	[tilespmem:s22+$0xFFFFFFC0] =	vst v11;
	v11 =	vmul.f32 v14, v2  }
0x23c: {  	v14 =	vld [tilespmem:s26+$0xFFFFFFD0];
	[tilespmem:s22+$0x40] =	vst v10;
	v10 =	vmul.f32 v15, v7  }
0x23d: {  	v15 =	vld [tilespmem:s26+$0x50];
	[tilespmem:s22+$0xC0] =	vst v11;
	v11 =	vmul.f32 v12, v9  }
0x23e: {  	v12 =	vmul.f32 v16, v8;
	v16 =	vld [tilespmem:s26+$0xD0];
	[tilespmem:s22+$0x140] =	vst v10  }
0x23f: {  	v10 =	vmul.f32 v17, v6;
	v17 =	vld [tilespmem:s26+$0x150];
	[tilespmem:s22+$0x1E0] =	vst v11  }
0x240: {  	[tilespmem:s22+$0xFFFFFE50] =	vst v12;
	v11 =	vmul.f32 v13, v5;
	v12 =	vld [tilespmem:s26+$0x1F0]  }
0x241: {  	v13 =	vld [tilespmem:s26+$0xFFFFFE60];
	[tilespmem:s22+$0xFFFFFED0] =	vst v10;
	v10 =	vmul.f32 v14, v3  }
0x242: {  	v14 =	vld [tilespmem:s26+$0xFFFFFEE0];
	[tilespmem:s22+$0xFFFFFF50] =	vst v11;
	v11 =	vmul.f32 v15, v4  }
0x243: {  	v15 =	vld [tilespmem:s26+$0xFFFFFF60];
	[tilespmem:s22+$0xFFFFFFD0] =	vst v10;
	v10 =	vmul.f32 v16, v2  }
0x244: {  	v16 =	vld [tilespmem:s26+$0xFFFFFFE0];
	[tilespmem:s22+$0x50] =	vst v11;
	v11 =	vmul.f32 v17, v7  }
0x245: {  	v17 =	vld [tilespmem:s26+$0x60];
	[tilespmem:s22+$0xD0] =	vst v10;
	v9 =	vmul.f32 v12, v9  }
0x246: {  	v10 =	vmul.f32 v13, v8;
	v12 =	vld [tilespmem:s26+$0xE0];
	[tilespmem:s22+$0x150] =	vst v11  }
0x247: {  	v11 =	vmul.f32 v14, v6;
	v13 =	vld [tilespmem:s26+$0x160];
	[tilespmem:s22+$0x1F0] =	vst v9  }
0x248: {  	[tilespmem:s22+$0xFFFFFE60] =	vst v10;
	v9 =	vmul.f32 v15, v5;
	v15 =	vld [tilespmem:s30+$0x170];
	s30 =	smov.u32 s26  }
0x249: {  	v18 =	vld [tilespmem:s26+$0xFFFFFE70];
	[tilespmem:s22+$0xFFFFFEE0] =	vst v11;
	v11 =	vmul.f32 v16, v3  }
.Ltmp6:
0x24a: {  	v14 =	vld [tilespmem:s26+$0xFFFFFEF0];
	[tilespmem:s22+$0xFFFFFF60] =	vst v9;
	v9 =	vmul.f32 v17, v4;
	(pc) =	sbr.rel @p2 .LBB2_14-.Ltmp6, $4  }
0x24b: {  	v10 =	vld [tilespmem:s26+$0xFFFFFF70];
	[tilespmem:s22+$0xFFFFFFE0] =	vst v11;
	v16 =	vmul.f32 v12, v2  }
0x24c: {  	v11 =	vld [tilespmem:s26+$0xFFFFFFF0];
	[tilespmem:s22+$0x60] =	vst v9;
	v9 =	vmul.f32 v13, v7  }
0x24d: {  	v12 =	vld [tilespmem:s26+$0x70];
	[tilespmem:s22+$0xE0] =	vst v16;
	v15 =	vmul.f32 v15, v1;
	v1 =	vmov v7  }
0x24e: {  	s11 =	sadd.s32 $0x8, s11;
	v8 =	vmul.f32 v18, v8;
	v7 =	vld [tilespmem:s26+$0xF0];
	[tilespmem:s22+$0x160] =	vst v9  }
0x24f: {  	v6 =	vmul.f32 v14, v6;
	[tilespmem:s21+$0x170] =	vst v15;
	v9 =	vld [tilespmem:s30+$0x170]  }
0x250: {  	[tilespmem:s22+$0xFFFFFE70] =	vst v8;
	v5 =	vmul.f32 v10, v5  }
0x251: {  	s20 =	sadd.s32 $0x1, s20;
	[tilespmem:s22+$0xFFFFFEF0] =	vst v6;
	v3 =	vmul.f32 v11, v3  }
0x252: {  	p2 =	sne.s32 s20, $0xD2;
	[tilespmem:s22+$0xFFFFFF70] =	vst v5;
	v4 =	vmul.f32 v12, v4  }
.Ltmp7:
0x253: {  	[tilespmem:s22+$0xFFFFFFF0] =	vst v3;
	v2 =	vmul.f32 v7, v2;
	(pc) =	sbr.rel @p2 .LBB2_11-.Ltmp7, $4  }
0x254: {  	[tilespmem:s22+$0x70] =	vst v4;
	v1 =	vmul.f32 v9, v1  }
0x255: {  	[tilespmem:s22+$0xF0] =	vst v2  }
0x256: {  	[tilespmem:s22+$0x170] =	vst v1  }
0x257: {  	[spmem:s3] =	stream.indirect.scatter.add.f32 [tilespmem:s12], [sflag:$0x3], $0x80, s17, s29, $0xb8;
	[tilespmem:$0x19300] =	vst v63  }
0x258: {  	s11 =	smul.u32 $0x2780, s19;
	_ =	swait.ge [sflag:s14], $0x1800  }
.Ltmp8:
0x259: {  	[sflag:s14] =	ssyncset.done $0x0;
	(pc) =	sbr.rel .LBB2_17-.Ltmp8, $4  }
0x25a: {  	s30 =	rddreg [dreg:$0xf];
	[sflag:s14] =	ssyncadd.s32 $0xFFFFE800  }
0x25b: {  	s11 =	sadd.s32 s11, s30;
	[bflag:$0x0] =	sbarrier.arrive $0xFFFF  }
0x25c: {  	s11 =	sshll.u32 s11, $0x4;
	s31 =	rddreg [dreg:$0x7]  }
0x25d: {  	s11 =	sadd.s32 s31, s11  }
.LBB2_3:
0x25e: {  	s21 =	rddreg [dreg:$0x8]  }
0x25f: {  	[tilespmem:s20], [sflag:$0x4] =	stream.linear.gather [hbm4b:s21+s20], $0x3C0, $0x38;
	[tilespmem:$0x19300] =	vst v63  }
0x260: {  	_ =	swait.ge [sflag:s25], $0x3C0  }
0x261: {  	[sflag:s25] =	ssyncset.done $0x0  }
0x262: {  	s22 =	simm.s32 $0x400;
	s31 =	rddreg [dreg:$0x9];
	[sflag:s25] =	ssyncadd.s32 $0xFFFFFC40  }
0x263: {  	[tilespmem:s22], [sflag:$0x4] =	stream.linear.gather [hbm4b:s31+s20], $0x3C0, $0x38;
	[tilespmem:$0x19300] =	vst v63  }
0x264: {  	_ =	swait.ge [sflag:s25], $0x3C0  }
0x265: {  	[sflag:s25] =	ssyncset.done $0x0  }
0x266: {  	s28 =	simm.s32 $0x800;
	s26 =	rddreg [dreg:$0xa];
	[sflag:s25] =	ssyncadd.s32 $0xFFFFFC40  }
0x267: {  	[tilespmem:s28], [sflag:$0x4] =	stream.linear.gather [hbm4b:s26+s20], $0x3C0, $0x38;
	[tilespmem:$0x19300] =	vst v63  }
0x268: {  	_ =	swait.ge [sflag:s25], $0x3C0  }
0x269: {  	[sflag:s25] =	ssyncset.done $0x0  }
0x26a: {  	[sflag:s25] =	ssyncadd.s32 $0xFFFFFC40  }
0x26b: {  	v0 =	vld [tilespmem:$0x0]  }
0x26c: {  	v1 =	vld [tilespmem:$0x400]  }
0x26d: {  	v2 =	vld [tilespmem:$0x800]  }
0x26e: {  	v3 =	vld [tilespmem:$0x10];
	_ =	sdelay $0x1  }
0x26f: {  	v4 =	vld [tilespmem:$0x410]  }
0x270: {  	v5 =	vld [tilespmem:$0x810];
	[tilespmem:$0xC00] =	vst v1  }
0x271: {  	v0 =	vadd.s32 s11, v0;
	[tilespmem:$0xE00] =	vst v2;
	v2 =	vld [tilespmem:$0x420]  }
0x272: {  	v1 =	vadd.s32 s11, v3;
	[tilespmem:$0xD00] =	vst v0;
	v0 =	vld [tilespmem:$0x20]  }
0x273: {  	[tilespmem:$0xD10] =	vst v1;
	v1 =	vld [tilespmem:$0x820];
	_ =	sdelay $0x1  }
0x274: {  	[tilespmem:$0xC10] =	vst v4  }
0x275: {  	[tilespmem:$0xE10] =	vst v5  }
0x276: {  	[tilespmem:$0xC20] =	vst v2  }
0x277: {  	v0 =	vadd.s32 s11, v0;
	[tilespmem:$0xE20] =	vst v1  }
0x278: {  	s30 =	simm.s32 $0xD00;
	s31 =	simm.s32 $0xF00;
	[tilespmem:$0xD20] =	vst v0  }
0x279: {  	v0 =	vmov s11;
	[tilespmem:s31], [sflag:$0x1] =	stream.indirect.gather [hbm4b:s5+s29], $0x80, s30, s29, $0xb8;
	[tilespmem:$0x19300] =	vst v63  }
.LBB2_4:
0x27a: {  	s21 =	sshll.u32 s20, $0x1  }
0x27b: {  	s11 =	sor.u32 $0x1, s21  }
0x27c: {  	s22 =	sand.u32 $0xFFFF, s11  }
0x27d: {  	s22 =	smul.u32 $0xCCCD, s22;
	_ =	sdelay $0x1  }
0x27e: {  	s22 =	sshrl.u32 s22, $0x14  }
0x27f: {  	s22 =	smul.u32 $0x14, s22  }
0x280: {  	p2 =	seq.s32 s20, $0x0  }
0x281: {  	s26 =	simm.s32 @!p2 $0x3;
	s11 =	ssub.s32 s11, s22  }
0x282: {  	_ =	swait.ge @!p2 [sflag:s26], $0x1800;
	s11 =	smul.u32 $0x30, s11  }
0x283: {  	[sflag:s26] =	ssyncset.done @!p2 $0x0  }
0x284: {  	[sflag:s26] =	ssyncadd.s32 @!p2 $0xFFFFE800;
	s11 =	sand.u32 $0xFFF0, s11  }
0x285: {  	v1 =	vld [tilespmem:s11+$0x0];
	_ =	sdelay $0x4  }
0x286: {  	v1 =	vadd.s32 v0, v1  }
0x287: {  	[tilespmem:$0xD80] =	vst v1  }
0x288: {  	v1 =	vld [tilespmem:s11+$0x400];
	_ =	sdelay $0x4  }
0x289: {  	s26 =	sor.u32 $0x800, s11;
	[tilespmem:$0xC80] =	vst v1  }
0x28a: {  	v1 =	vld [tilespmem:s26+$0x0];
	_ =	sdelay $0x4  }
0x28b: {  	[tilespmem:$0xE80] =	vst v1  }
0x28c: {  	v1 =	vld [tilespmem:s11+$0x10];
	_ =	sdelay $0x4  }
0x28d: {  	v1 =	vadd.s32 v0, v1  }
0x28e: {  	[tilespmem:$0xD90] =	vst v1  }
0x28f: {  	v1 =	vld [tilespmem:s11+$0x410];
	_ =	sdelay $0x4  }
0x290: {  	[tilespmem:$0xC90] =	vst v1  }
0x291: {  	v1 =	vld [tilespmem:s11+$0x810];
	_ =	sdelay $0x4  }
0x292: {  	[tilespmem:$0xE90] =	vst v1  }
0x293: {  	v1 =	vld [tilespmem:s11+$0x20];
	_ =	sdelay $0x4  }
0x294: {  	v1 =	vadd.s32 v0, v1  }
0x295: {  	[tilespmem:$0xDA0] =	vst v1  }
0x296: {  	v1 =	vld [tilespmem:s11+$0x420];
	_ =	sdelay $0x4  }
0x297: {  	[tilespmem:$0xCA0] =	vst v1  }
0x298: {  	v1 =	vld [tilespmem:s11+$0x820];
	_ =	sdelay $0x4  }
0x299: {  	[tilespmem:$0xEA0] =	vst v1  }
0x29a: {  	[tilespmem:s6], [sflag:$0x2] =	stream.indirect.gather [hbm4b:s5+s29], $0x80, s0, s29, $0xb8;
	[tilespmem:$0x19300] =	vst v63  }
0x29b: {  	_ =	swait.ge [sflag:s23], $0x1800  }
0x29c: {  	[sflag:s23] =	ssyncset.done $0x0  }
0x29d: {  	s26 =	simm.s32 $0xE04;
	[sflag:s23] =	ssyncadd.s32 $0xFFFFE800  }
0x29e: {  	s30 =	simm.s32 $0x1100;
	v1 =	vld.msk [tilespmem:s26+$0x3 ss:$0x0], $0xffff  }
0x29f: {  	v2 =	vld [tilespmem:s30+$0x180]  }
0x2a0: {  	v12 =	vld.msk [tilespmem:s26+$0xFFFFFFFD ss:$0x0], $0xffff  }
0x2a1: {  	v11 =	vld.msk [tilespmem:s26+$0xFFFFFFFE ss:$0x0], $0xffff  }
0x2a2: {  	v10 =	vld.msk [tilespmem:s26+$0xFFFFFFFF ss:$0x0], $0xffff  }
0x2a3: {  	v9 =	vld.msk [tilespmem:s26+$0x0 ss:$0x0], $0xffff  }
0x2a4: {  	v8 =	vld.msk [tilespmem:s26+$0x1 ss:$0x0], $0xffff  }
0x2a5: {  	v7 =	vld.msk [tilespmem:s26+$0x2 ss:$0x0], $0xffff  }
0x2a6: {  	v13 =	vld.msk [tilespmem:s26+$0xFFFFFFFC ss:$0x0], $0xffff  }
0x2a7: {  	v3 =	vld [tilespmem:s30+$0xFFFFFE00]  }
0x2a8: {  	v4 =	vld [tilespmem:s30+$0xFFFFFE80]  }
0x2a9: {  	v5 =	vld [tilespmem:s30+$0xFFFFFF00]  }
0x2aa: {  	v6 =	vld [tilespmem:s30+$0xFFFFFF80]  }
0x2ab: {  	v14 =	vld [tilespmem:s30+$0x0];
	v2 =	vmul.f32 v1, v2  }
0x2ac: {  	s22 =	simm.s32 $0x4100;
	v16 =	vld [tilespmem:s30+$0x100]  }
0x2ad: {  	[tilespmem:s22+$0x180] =	vst v2;
	v2 =	vmul.f32 v13, v3;
	v3 =	vld [tilespmem:s30+$0x80]  }
0x2ae: {  	s28 =	simm.s32 $0x1500;
	v4 =	vmul.f32 v12, v4;
	v15 =	vld [tilespmem:s30+$0x190]  }
0x2af: {  	v23 =	vld [tilespmem:s28+$0x180];
	[tilespmem:s22+$0xFFFFFE00] =	vst v2;
	v2 =	vmul.f32 v11, v5  }
0x2b0: {  	[tilespmem:s22+$0xFFFFFE80] =	vst v4;
	v4 =	vmul.f32 v10, v6;
	v5 =	vld [tilespmem:s30+$0xFFFFFE10]  }
0x2b1: {  	v6 =	vld [tilespmem:s30+$0xFFFFFE90];
	[tilespmem:s22+$0xFFFFFF00] =	vst v2;
	v2 =	vmul.f32 v9, v14  }
0x2b2: {  	[tilespmem:s22+$0xFFFFFF80] =	vst v4;
	v14 =	vld [tilespmem:s30+$0xFFFFFF10];
	v3 =	vmul.f32 v8, v3  }
0x2b3: {  	v4 =	vmul.f32 v15, v1;
	v15 =	vld [tilespmem:s30+$0xFFFFFF90];
	[tilespmem:s22+$0x0] =	vst v2  }
0x2b4: {  	v2 =	vmul.f32 v7, v16;
	v16 =	vld [tilespmem:s30+$0x10];
	[tilespmem:s22+$0x80] =	vst v3  }
0x2b5: {  	[tilespmem:s22+$0x190] =	vst v4;
	v3 =	vmul.f32 v5, v13;
	v4 =	vld [tilespmem:s30+$0x90]  }
0x2b6: {  	[tilespmem:s22+$0x100] =	vst v2;
	v2 =	vmul.f32 v6, v12;
	v5 =	vld [tilespmem:s30+$0x1A0]  }
0x2b7: {  	v6 =	vld [tilespmem:s30+$0x110];
	[tilespmem:s22+$0xFFFFFE10] =	vst v3;
	v3 =	vmul.f32 v14, v11  }
0x2b8: {  	[tilespmem:s22+$0xFFFFFE90] =	vst v2;
	v14 =	vld [tilespmem:s30+$0xFFFFFE20];
	v2 =	vmul.f32 v15, v10  }
0x2b9: {  	v15 =	vld [tilespmem:s30+$0xFFFFFEA0];
	[tilespmem:s22+$0xFFFFFF10] =	vst v3;
	v3 =	vmul.f32 v16, v9  }
0x2ba: {  	v16 =	vld [tilespmem:s30+$0xFFFFFF20];
	[tilespmem:s22+$0xFFFFFF90] =	vst v2;
	v2 =	vmul.f32 v4, v8  }
0x2bb: {  	v4 =	vmul.f32 v5, v1;
	v5 =	vld [tilespmem:s30+$0xFFFFFFA0];
	[tilespmem:s22+$0x10] =	vst v3  }
0x2bc: {  	v3 =	vmul.f32 v6, v7;
	v6 =	vld [tilespmem:s30+$0x20];
	[tilespmem:s22+$0x90] =	vst v2  }
0x2bd: {  	[tilespmem:s22+$0x1A0] =	vst v4;
	v2 =	vmul.f32 v14, v13;
	v4 =	vld [tilespmem:s30+$0xA0]  }
0x2be: {  	[tilespmem:s22+$0x110] =	vst v3;
	v3 =	vmul.f32 v15, v12;
	v14 =	vld [tilespmem:s30+$0x1B0]  }
0x2bf: {  	v15 =	vld [tilespmem:s30+$0x120];
	[tilespmem:s22+$0xFFFFFE20] =	vst v2;
	v2 =	vmul.f32 v16, v11  }
0x2c0: {  	[tilespmem:s22+$0xFFFFFEA0] =	vst v3;
	v16 =	vld [tilespmem:s30+$0xFFFFFE30];
	v3 =	vmul.f32 v5, v10  }
0x2c1: {  	v5 =	vld [tilespmem:s30+$0xFFFFFEB0];
	[tilespmem:s22+$0xFFFFFF20] =	vst v2;
	v2 =	vmul.f32 v6, v9  }
0x2c2: {  	v6 =	vld [tilespmem:s30+$0xFFFFFF30];
	[tilespmem:s22+$0xFFFFFFA0] =	vst v3;
	v3 =	vmul.f32 v4, v8  }
0x2c3: {  	v4 =	vmul.f32 v14, v1;
	v14 =	vld [tilespmem:s30+$0xFFFFFFB0];
	[tilespmem:s22+$0x20] =	vst v2  }
0x2c4: {  	v2 =	vmul.f32 v15, v7;
	v15 =	vld [tilespmem:s30+$0x30];
	[tilespmem:s22+$0xA0] =	vst v3  }
0x2c5: {  	[tilespmem:s22+$0x1B0] =	vst v4;
	v3 =	vmul.f32 v16, v13;
	v4 =	vld [tilespmem:s30+$0xB0]  }
0x2c6: {  	[tilespmem:s22+$0x120] =	vst v2;
	v2 =	vmul.f32 v5, v12;
	v16 =	vld [tilespmem:s30+$0x1C0]  }
0x2c7: {  	v5 =	vld [tilespmem:s30+$0x130];
	[tilespmem:s22+$0xFFFFFE30] =	vst v3;
	v3 =	vmul.f32 v6, v11  }
0x2c8: {  	[tilespmem:s22+$0xFFFFFEB0] =	vst v2;
	v6 =	vld [tilespmem:s30+$0xFFFFFE40];
	v2 =	vmul.f32 v14, v10  }
0x2c9: {  	v14 =	vld [tilespmem:s30+$0xFFFFFEC0];
	[tilespmem:s22+$0xFFFFFF30] =	vst v3;
	v3 =	vmul.f32 v15, v9  }
0x2ca: {  	v15 =	vld [tilespmem:s30+$0xFFFFFF40];
	[tilespmem:s22+$0xFFFFFFB0] =	vst v2;
	v2 =	vmul.f32 v4, v8  }
0x2cb: {  	v4 =	vmul.f32 v16, v1;
	v16 =	vld [tilespmem:s30+$0xFFFFFFC0];
	[tilespmem:s22+$0x30] =	vst v3  }
0x2cc: {  	v3 =	vmul.f32 v5, v7;
	v5 =	vld [tilespmem:s30+$0x40];
	[tilespmem:s22+$0xB0] =	vst v2  }
0x2cd: {  	[tilespmem:s22+$0x1C0] =	vst v4;
	v2 =	vmul.f32 v6, v13;
	v4 =	vld [tilespmem:s30+$0xC0]  }
0x2ce: {  	[tilespmem:s22+$0x130] =	vst v3;
	v3 =	vmul.f32 v14, v12;
	v6 =	vld [tilespmem:s30+$0x1D0]  }
0x2cf: {  	v14 =	vld [tilespmem:s30+$0x140];
	[tilespmem:s22+$0xFFFFFE40] =	vst v2;
	v2 =	vmul.f32 v15, v11  }
0x2d0: {  	[tilespmem:s22+$0xFFFFFEC0] =	vst v3;
	v15 =	vld [tilespmem:s30+$0xFFFFFE50];
	v3 =	vmul.f32 v16, v10  }
0x2d1: {  	v16 =	vld [tilespmem:s30+$0xFFFFFED0];
	[tilespmem:s22+$0xFFFFFF40] =	vst v2;
	v2 =	vmul.f32 v5, v9  }
0x2d2: {  	v5 =	vld [tilespmem:s30+$0xFFFFFF50];
	[tilespmem:s22+$0xFFFFFFC0] =	vst v3;
	v3 =	vmul.f32 v4, v8  }
0x2d3: {  	v4 =	vmul.f32 v6, v1;
	v6 =	vld [tilespmem:s30+$0xFFFFFFD0];
	[tilespmem:s22+$0x40] =	vst v2  }
0x2d4: {  	v2 =	vmul.f32 v14, v7;
	v14 =	vld [tilespmem:s30+$0x50];
	[tilespmem:s22+$0xC0] =	vst v3  }
0x2d5: {  	[tilespmem:s22+$0x1D0] =	vst v4;
	v3 =	vmul.f32 v15, v13;
	v4 =	vld [tilespmem:s30+$0xD0]  }
0x2d6: {  	[tilespmem:s22+$0x140] =	vst v2;
	v2 =	vmul.f32 v16, v12;
	v15 =	vld [tilespmem:s30+$0x1E0]  }
0x2d7: {  	v16 =	vld [tilespmem:s30+$0x150];
	[tilespmem:s22+$0xFFFFFE50] =	vst v3;
	v3 =	vmul.f32 v5, v11  }
0x2d8: {  	[tilespmem:s22+$0xFFFFFED0] =	vst v2;
	v5 =	vld [tilespmem:s30+$0xFFFFFE60];
	v2 =	vmul.f32 v6, v10  }
0x2d9: {  	v6 =	vld [tilespmem:s30+$0xFFFFFEE0];
	[tilespmem:s22+$0xFFFFFF50] =	vst v3;
	v3 =	vmul.f32 v14, v9  }
0x2da: {  	v14 =	vld [tilespmem:s30+$0xFFFFFF60];
	[tilespmem:s22+$0xFFFFFFD0] =	vst v2;
	v2 =	vmul.f32 v4, v8  }
0x2db: {  	v4 =	vmul.f32 v15, v1;
	v15 =	vld [tilespmem:s30+$0xFFFFFFE0];
	[tilespmem:s22+$0x50] =	vst v3  }
0x2dc: {  	v3 =	vmul.f32 v16, v7;
	v16 =	vld [tilespmem:s30+$0x60];
	[tilespmem:s22+$0xD0] =	vst v2  }
0x2dd: {  	s11 =	simm.s32 $0xE0C;
	[tilespmem:s22+$0x1E0] =	vst v4;
	v4 =	vld [tilespmem:s30+$0xE0]  }
0x2de: {  	[tilespmem:s22+$0x150] =	vst v3;
	v3 =	vmul.f32 v6, v12;
	v6 =	vld.msk [tilespmem:s11+$0xFFFFFFFD ss:$0x0], $0xffff  }
0x2df: {  	v2 =	vmul.f32 v5, v13;
	v5 =	vld.msk [tilespmem:s11+$0xFFFFFFFE ss:$0x0], $0xffff  }
0x2e0: {  	v17 =	vld [tilespmem:s30+$0x1F0]  }
0x2e1: {  	v18 =	vld [tilespmem:s30+$0x160]  }
0x2e2: {  	[tilespmem:s22+$0xFFFFFE60] =	vst v2;
	v2 =	vmul.f32 v14, v11;
	v14 =	vld.msk [tilespmem:s11+$0x3 ss:$0x0], $0xffff  }
0x2e3: {  	[tilespmem:s22+$0xFFFFFEE0] =	vst v3;
	v19 =	vld [tilespmem:s30+$0xFFFFFE70]  }
0x2e4: {  	v3 =	vmul.f32 v15, v10;
	v15 =	vld [tilespmem:s30+$0xFFFFFEF0];
	[tilespmem:s22+$0xFFFFFF60] =	vst v2  }
0x2e5: {  	v2 =	vmul.f32 v16, v9;
	v16 =	vld [tilespmem:s30+$0xFFFFFF70]  }
0x2e6: {  	[tilespmem:s22+$0xFFFFFFE0] =	vst v3;
	v3 =	vmul.f32 v4, v8;
	v4 =	vld.msk [tilespmem:s11+$0x0 ss:$0x0], $0xffff  }
0x2e7: {  	v20 =	vld [tilespmem:s30+$0xFFFFFFF0]  }
0x2e8: {  	[tilespmem:s22+$0x60] =	vst v2;
	v2 =	vld.msk [tilespmem:s11+$0x1 ss:$0x0], $0xffff  }
0x2e9: {  	v21 =	vld [tilespmem:s30+$0x70]  }
0x2ea: {  	v1 =	vmul.f32 v17, v1;
	[tilespmem:s22+$0xE0] =	vst v3;
	v3 =	vld.msk [tilespmem:s11+$0xFFFFFFFF ss:$0x0], $0xffff  }
0x2eb: {  	v17 =	vmul.f32 v14, v23;
	v22 =	vld [tilespmem:s30+$0xF0]  }
0x2ec: {  	s26 =	simm.s32 $0x4500;
	v18 =	vmul.f32 v18, v7;
	[tilespmem:s22+$0x1F0] =	vst v1;
	v1 =	vld.msk [tilespmem:s11+$0x2 ss:$0x0], $0xffff  }
0x2ed: {  	v19 =	vmul.f32 v19, v13;
	v13 =	vld.msk [tilespmem:s11+$0xFFFFFFFC ss:$0x0], $0xffff;
	[tilespmem:s26+$0x180] =	vst v17  }
0x2ee: {  	[tilespmem:s22+$0x160] =	vst v18;
	v12 =	vmul.f32 v15, v12;
	v15 =	vld [tilespmem:s28+$0x190]  }
0x2ef: {  	[tilespmem:s22+$0xFFFFFE70] =	vst v19;
	v11 =	vmul.f32 v16, v11;
	v16 =	vld [tilespmem:s28+$0xFFFFFE00]  }
0x2f0: {  	[tilespmem:s22+$0xFFFFFEF0] =	vst v12;
	v12 =	vld [tilespmem:s28+$0xFFFFFE80];
	v10 =	vmul.f32 v20, v10  }
0x2f1: {  	[tilespmem:s22+$0xFFFFFF70] =	vst v11;
	v9 =	vmul.f32 v21, v9;
	v11 =	vld [tilespmem:s28+$0xFFFFFF00]  }
0x2f2: {  	[tilespmem:s22+$0xFFFFFFF0] =	vst v10;
	v8 =	vmul.f32 v22, v8;
	v10 =	vld [tilespmem:s28+$0xFFFFFF80]  }
0x2f3: {  	[tilespmem:s22+$0x70] =	vst v9;
	v9 =	vld [tilespmem:s28+$0x0];
	v15 =	vmul.f32 v15, v14  }
0x2f4: {  	[tilespmem:s22+$0xF0] =	vst v8;
	v8 =	vmul.f32 v13, v16;
	v16 =	vld [tilespmem:s28+$0x80]  }
0x2f5: {  	v17 =	vld [tilespmem:s28+$0x100];
	v12 =	vmul.f32 v6, v12;
	[tilespmem:s26+$0x190] =	vst v15  }
0x2f6: {  	[tilespmem:s26+$0xFFFFFE00] =	vst v8;
	v8 =	vmul.f32 v5, v11;
	v11 =	vld [tilespmem:s28+$0x1A0]  }
0x2f7: {  	[tilespmem:s26+$0xFFFFFE80] =	vst v12;
	v15 =	vld [tilespmem:s28+$0xFFFFFE10];
	v10 =	vmul.f32 v3, v10  }
0x2f8: {  	v12 =	vld [tilespmem:s28+$0xFFFFFE90];
	[tilespmem:s26+$0xFFFFFF00] =	vst v8;
	v8 =	vmul.f32 v4, v9  }
0x2f9: {  	v9 =	vld [tilespmem:s28+$0xFFFFFF10];
	[tilespmem:s26+$0xFFFFFF80] =	vst v10;
	v10 =	vmul.f32 v2, v16  }
0x2fa: {  	v16 =	vld [tilespmem:s28+$0xFFFFFF90];
	[tilespmem:s26+$0x0] =	vst v8;
	v8 =	vmul.f32 v1, v17  }
0x2fb: {  	v17 =	vld [tilespmem:s28+$0x10];
	[tilespmem:s26+$0x80] =	vst v10;
	v10 =	vmul.f32 v11, v14  }
0x2fc: {  	v11 =	vmul.f32 v15, v13;
	v15 =	vld [tilespmem:s28+$0x90];
	[tilespmem:s26+$0x100] =	vst v8  }
0x2fd: {  	v8 =	vmul.f32 v12, v6;
	v12 =	vld [tilespmem:s28+$0x110];
	[tilespmem:s26+$0x1A0] =	vst v10  }
0x2fe: {  	[tilespmem:s26+$0xFFFFFE10] =	vst v11;
	v9 =	vmul.f32 v9, v5;
	v10 =	vld [tilespmem:s28+$0x1B0]  }
0x2ff: {  	[tilespmem:s26+$0xFFFFFE90] =	vst v8;
	v11 =	vld [tilespmem:s28+$0xFFFFFE20];
	v8 =	vmul.f32 v16, v3  }
0x300: {  	v16 =	vld [tilespmem:s28+$0xFFFFFEA0];
	[tilespmem:s26+$0xFFFFFF10] =	vst v9;
	v9 =	vmul.f32 v17, v4  }
0x301: {  	v17 =	vld [tilespmem:s28+$0xFFFFFF20];
	[tilespmem:s26+$0xFFFFFF90] =	vst v8;
	v8 =	vmul.f32 v15, v2  }
0x302: {  	v15 =	vld [tilespmem:s28+$0xFFFFFFA0];
	[tilespmem:s26+$0x10] =	vst v9;
	v9 =	vmul.f32 v12, v1  }
0x303: {  	v12 =	vld [tilespmem:s28+$0x20];
	[tilespmem:s26+$0x90] =	vst v8;
	v8 =	vmul.f32 v10, v14  }
0x304: {  	v10 =	vmul.f32 v11, v13;
	v11 =	vld [tilespmem:s28+$0xA0];
	[tilespmem:s26+$0x110] =	vst v9  }
0x305: {  	v9 =	vmul.f32 v16, v6;
	v16 =	vld [tilespmem:s28+$0x120];
	[tilespmem:s26+$0x1B0] =	vst v8  }
0x306: {  	[tilespmem:s26+$0xFFFFFE20] =	vst v10;
	v8 =	vmul.f32 v17, v5;
	v10 =	vld [tilespmem:s28+$0x1C0]  }
0x307: {  	[tilespmem:s26+$0xFFFFFEA0] =	vst v9;
	v17 =	vld [tilespmem:s28+$0xFFFFFE30];
	v9 =	vmul.f32 v15, v3  }
0x308: {  	v15 =	vld [tilespmem:s28+$0xFFFFFEB0];
	[tilespmem:s26+$0xFFFFFF20] =	vst v8;
	v8 =	vmul.f32 v12, v4  }
0x309: {  	v12 =	vld [tilespmem:s28+$0xFFFFFF30];
	[tilespmem:s26+$0xFFFFFFA0] =	vst v9;
	v9 =	vmul.f32 v11, v2  }
0x30a: {  	v11 =	vld [tilespmem:s28+$0xFFFFFFB0];
	[tilespmem:s26+$0x20] =	vst v8;
	v8 =	vmul.f32 v16, v1  }
0x30b: {  	v16 =	vld [tilespmem:s28+$0x30];
	[tilespmem:s26+$0xA0] =	vst v9;
	v9 =	vmul.f32 v10, v14  }
0x30c: {  	v10 =	vmul.f32 v17, v13;
	v17 =	vld [tilespmem:s28+$0xB0];
	[tilespmem:s26+$0x120] =	vst v8  }
0x30d: {  	v8 =	vmul.f32 v15, v6;
	v15 =	vld [tilespmem:s28+$0x130];
	[tilespmem:s26+$0x1C0] =	vst v9  }
0x30e: {  	[tilespmem:s26+$0xFFFFFE30] =	vst v10;
	v9 =	vmul.f32 v12, v5;
	v10 =	vld [tilespmem:s28+$0x1D0]  }
0x30f: {  	[tilespmem:s26+$0xFFFFFEB0] =	vst v8;
	v12 =	vld [tilespmem:s28+$0xFFFFFE40];
	v8 =	vmul.f32 v11, v3  }
0x310: {  	v11 =	vld [tilespmem:s28+$0xFFFFFEC0];
	[tilespmem:s26+$0xFFFFFF30] =	vst v9;
	v9 =	vmul.f32 v16, v4  }
0x311: {  	v16 =	vld [tilespmem:s28+$0xFFFFFF40];
	[tilespmem:s26+$0xFFFFFFB0] =	vst v8;
	v8 =	vmul.f32 v17, v2  }
0x312: {  	v17 =	vld [tilespmem:s28+$0xFFFFFFC0];
	[tilespmem:s26+$0x30] =	vst v9;
	v9 =	vmul.f32 v15, v1  }
0x313: {  	v15 =	vld [tilespmem:s28+$0x40];
	[tilespmem:s26+$0xB0] =	vst v8;
	v8 =	vmul.f32 v10, v14  }
0x314: {  	v10 =	vmul.f32 v12, v13;
	v12 =	vld [tilespmem:s28+$0xC0];
	[tilespmem:s26+$0x130] =	vst v9  }
0x315: {  	v9 =	vmul.f32 v11, v6;
	v11 =	vld [tilespmem:s28+$0x140];
	[tilespmem:s26+$0x1D0] =	vst v8  }
0x316: {  	[tilespmem:s26+$0xFFFFFE40] =	vst v10;
	v8 =	vmul.f32 v16, v5;
	v10 =	vld [tilespmem:s28+$0x1E0]  }
0x317: {  	[tilespmem:s26+$0xFFFFFEC0] =	vst v9;
	v16 =	vld [tilespmem:s28+$0xFFFFFE50];
	v9 =	vmul.f32 v17, v3  }
0x318: {  	v17 =	vld [tilespmem:s28+$0xFFFFFED0];
	[tilespmem:s26+$0xFFFFFF40] =	vst v8;
	v8 =	vmul.f32 v15, v4  }
0x319: {  	v15 =	vld [tilespmem:s28+$0xFFFFFF50];
	[tilespmem:s26+$0xFFFFFFC0] =	vst v9;
	v9 =	vmul.f32 v12, v2  }
0x31a: {  	v12 =	vld [tilespmem:s28+$0xFFFFFFD0];
	[tilespmem:s26+$0x40] =	vst v8;
	v8 =	vmul.f32 v11, v1  }
0x31b: {  	v11 =	vld [tilespmem:s28+$0x50];
	[tilespmem:s26+$0xC0] =	vst v9;
	v9 =	vmul.f32 v10, v14  }
0x31c: {  	v10 =	vmul.f32 v16, v13;
	v16 =	vld [tilespmem:s28+$0xD0];
	[tilespmem:s26+$0x140] =	vst v8  }
0x31d: {  	v8 =	vmul.f32 v17, v6;
	v17 =	vld [tilespmem:s28+$0x150];
	[tilespmem:s26+$0x1E0] =	vst v9  }
0x31e: {  	[tilespmem:s26+$0xFFFFFE50] =	vst v10;
	v9 =	vmul.f32 v15, v5;
	v10 =	vld [tilespmem:s28+$0x1F0]  }
0x31f: {  	[tilespmem:s26+$0xFFFFFED0] =	vst v8;
	v15 =	vld [tilespmem:s28+$0xFFFFFE60];
	v8 =	vmul.f32 v12, v3  }
0x320: {  	v12 =	vld [tilespmem:s28+$0xFFFFFEE0];
	[tilespmem:s26+$0xFFFFFF50] =	vst v9;
	v9 =	vmul.f32 v11, v4  }
0x321: {  	v11 =	vld [tilespmem:s28+$0xFFFFFF60];
	[tilespmem:s26+$0xFFFFFFD0] =	vst v8;
	v8 =	vmul.f32 v16, v2  }
0x322: {  	v16 =	vld [tilespmem:s28+$0xFFFFFFE0];
	[tilespmem:s26+$0x50] =	vst v9;
	v9 =	vmul.f32 v17, v1  }
0x323: {  	v17 =	vld [tilespmem:s28+$0x60];
	[tilespmem:s26+$0xD0] =	vst v8;
	v8 =	vmul.f32 v10, v14  }
0x324: {  	v10 =	vmul.f32 v15, v13;
	v15 =	vld [tilespmem:s28+$0xE0];
	[tilespmem:s26+$0x150] =	vst v9  }
0x325: {  	v9 =	vmul.f32 v12, v6;
	v12 =	vld [tilespmem:s28+$0x160];
	[tilespmem:s26+$0x1F0] =	vst v8  }
0x326: {  	v18 =	vld [tilespmem:s30+$0x170];
	[tilespmem:s26+$0xFFFFFE60] =	vst v10;
	v8 =	vmul.f32 v11, v5  }
0x327: {  	[tilespmem:s26+$0xFFFFFEE0] =	vst v9;
	v63 =	vld [tilespmem:s28+$0xFFFFFE70];
	v9 =	vmul.f32 v16, v3  }
0x328: {  	v14 =	vld [tilespmem:s28+$0xFFFFFEF0];
	[tilespmem:s26+$0xFFFFFF60] =	vst v8;
	v8 =	vmul.f32 v17, v4  }
0x329: {  	v10 =	vld [tilespmem:s28+$0xFFFFFF70];
	[tilespmem:s26+$0xFFFFFFE0] =	vst v9;
	v9 =	vmul.f32 v15, v2  }
0x32a: {  	v11 =	vld [tilespmem:s28+$0xFFFFFFF0];
	[tilespmem:s26+$0x60] =	vst v8;
	v16 =	vmul.f32 v12, v1  }
0x32b: {  	v15 =	vmul.f32 v18, v7;
	v12 =	vld [tilespmem:s28+$0x70];
	[tilespmem:s26+$0xE0] =	vst v9  }
0x32c: {  	s31 =	simm.s32 $0x1500;
	s11 =	simm.s32 $0xE14;
	s30 =	simm.s32 $0x8;
	v8 =	vmul.f32 v63, v13;
	v7 =	vld [tilespmem:s28+$0xF0];
	[tilespmem:s26+$0x160] =	vst v16  }
.LBB2_5:
0x32d: {  	v9 =	vld.msk [tilespmem:s11+$0x3 ss:$0x0], $0xffff;
	s30 =	sadd.s32 $0x8, s30;
	v13 =	vmul.f32 v14, v6;
	s28 =	sadd.s32 $0x400, s28;
	[tilespmem:s22+$0x170] =	vst v15;
	s22 =	smov.u32 s26  }
0x32e: {  	v14 =	vld [tilespmem:s28+$0x180];
	p2 =	slt.u32 s30, $0x28;
	[tilespmem:s26+$0xFFFFFE70] =	vst v8;
	v8 =	vmul.f32 v10, v5  }
0x32f: {  	v6 =	vld.msk [tilespmem:s11+$0xFFFFFFFD ss:$0x0], $0xffff;
	[tilespmem:s26+$0xFFFFFEF0] =	vst v13;
	v10 =	vmul.f32 v11, v3  }
0x330: {  	v5 =	vld.msk [tilespmem:s11+$0xFFFFFFFE ss:$0x0], $0xffff;
	[tilespmem:s26+$0xFFFFFF70] =	vst v8;
	v8 =	vmul.f32 v12, v4  }
0x331: {  	v3 =	vld.msk [tilespmem:s11+$0xFFFFFFFF ss:$0x0], $0xffff;
	[tilespmem:s26+$0xFFFFFFF0] =	vst v10;
	v7 =	vmul.f32 v7, v2  }
0x332: {  	v4 =	vld.msk [tilespmem:s11+$0x0 ss:$0x0], $0xffff;
	[tilespmem:s26+$0x70] =	vst v8  }
0x333: {  	v2 =	vld.msk [tilespmem:s11+$0x1 ss:$0x0], $0xffff;
	v10 =	vmul.f32 v9, v14;
	[tilespmem:s26+$0xF0] =	vst v7  }
0x334: {  	s26 =	sadd.s32 $0x400, s26;
	v7 =	vld.msk [tilespmem:s11+$0x2 ss:$0x0], $0xffff  }
0x335: {  	v8 =	vld.msk [tilespmem:s11+$0xFFFFFFFC ss:$0x0], $0xffff;
	[tilespmem:s26+$0x180] =	vst v10  }
0x336: {  	v10 =	vld [tilespmem:s28+$0x190]  }
0x337: {  	v11 =	vld [tilespmem:s28+$0xFFFFFE00]  }
0x338: {  	v12 =	vld [tilespmem:s28+$0xFFFFFE80]  }
0x339: {  	v13 =	vld [tilespmem:s28+$0xFFFFFF00]  }
0x33a: {  	v14 =	vld [tilespmem:s28+$0xFFFFFF80]  }
0x33b: {  	v15 =	vld [tilespmem:s28+$0x0];
	v10 =	vmul.f32 v10, v9  }
0x33c: {  	v11 =	vmul.f32 v8, v11;
	v16 =	vld [tilespmem:s28+$0x80]  }
0x33d: {  	v12 =	vmul.f32 v6, v12;
	v17 =	vld [tilespmem:s28+$0x100];
	[tilespmem:s26+$0x190] =	vst v10  }
0x33e: {  	[tilespmem:s26+$0xFFFFFE00] =	vst v11;
	v10 =	vmul.f32 v5, v13;
	v11 =	vld [tilespmem:s28+$0x1A0]  }
0x33f: {  	v13 =	vld [tilespmem:s28+$0xFFFFFE10];
	[tilespmem:s26+$0xFFFFFE80] =	vst v12;
	v12 =	vmul.f32 v3, v14  }
0x340: {  	v14 =	vld [tilespmem:s28+$0xFFFFFE90];
	[tilespmem:s26+$0xFFFFFF00] =	vst v10;
	v10 =	vmul.f32 v4, v15  }
0x341: {  	v15 =	vld [tilespmem:s28+$0xFFFFFF10];
	[tilespmem:s26+$0xFFFFFF80] =	vst v12;
	v12 =	vmul.f32 v2, v16  }
0x342: {  	v16 =	vld [tilespmem:s28+$0xFFFFFF90];
	[tilespmem:s26+$0x0] =	vst v10;
	v10 =	vmul.f32 v7, v17  }
0x343: {  	v17 =	vld [tilespmem:s28+$0x10];
	[tilespmem:s26+$0x80] =	vst v12;
	v11 =	vmul.f32 v11, v9  }
0x344: {  	v12 =	vmul.f32 v13, v8;
	v13 =	vld [tilespmem:s28+$0x90];
	[tilespmem:s26+$0x100] =	vst v10  }
0x345: {  	v10 =	vmul.f32 v14, v6;
	v14 =	vld [tilespmem:s28+$0x110];
	[tilespmem:s26+$0x1A0] =	vst v11  }
0x346: {  	[tilespmem:s26+$0xFFFFFE10] =	vst v12;
	v11 =	vmul.f32 v15, v5;
	v12 =	vld [tilespmem:s28+$0x1B0]  }
0x347: {  	v15 =	vld [tilespmem:s28+$0xFFFFFE20];
	[tilespmem:s26+$0xFFFFFE90] =	vst v10;
	v10 =	vmul.f32 v16, v3  }
0x348: {  	v16 =	vld [tilespmem:s28+$0xFFFFFEA0];
	[tilespmem:s26+$0xFFFFFF10] =	vst v11;
	v11 =	vmul.f32 v17, v4  }
0x349: {  	v17 =	vld [tilespmem:s28+$0xFFFFFF20];
	[tilespmem:s26+$0xFFFFFF90] =	vst v10;
	v10 =	vmul.f32 v13, v2  }
0x34a: {  	v13 =	vld [tilespmem:s28+$0xFFFFFFA0];
	[tilespmem:s26+$0x10] =	vst v11;
	v11 =	vmul.f32 v14, v7  }
0x34b: {  	v14 =	vld [tilespmem:s28+$0x20];
	[tilespmem:s26+$0x90] =	vst v10;
	v10 =	vmul.f32 v12, v9  }
0x34c: {  	v12 =	vmul.f32 v15, v8;
	v15 =	vld [tilespmem:s28+$0xA0];
	[tilespmem:s26+$0x110] =	vst v11  }
0x34d: {  	v11 =	vmul.f32 v16, v6;
	v16 =	vld [tilespmem:s28+$0x120];
	[tilespmem:s26+$0x1B0] =	vst v10  }
0x34e: {  	[tilespmem:s26+$0xFFFFFE20] =	vst v12;
	v10 =	vmul.f32 v17, v5;
	v12 =	vld [tilespmem:s28+$0x1C0]  }
0x34f: {  	v17 =	vld [tilespmem:s28+$0xFFFFFE30];
	[tilespmem:s26+$0xFFFFFEA0] =	vst v11;
	v11 =	vmul.f32 v13, v3  }
0x350: {  	v13 =	vld [tilespmem:s28+$0xFFFFFEB0];
	[tilespmem:s26+$0xFFFFFF20] =	vst v10;
	v10 =	vmul.f32 v14, v4  }
0x351: {  	v14 =	vld [tilespmem:s28+$0xFFFFFF30];
	[tilespmem:s26+$0xFFFFFFA0] =	vst v11;
	v11 =	vmul.f32 v15, v2  }
0x352: {  	v15 =	vld [tilespmem:s28+$0xFFFFFFB0];
	[tilespmem:s26+$0x20] =	vst v10;
	v10 =	vmul.f32 v16, v7  }
0x353: {  	v16 =	vld [tilespmem:s28+$0x30];
	[tilespmem:s26+$0xA0] =	vst v11;
	v11 =	vmul.f32 v12, v9  }
0x354: {  	v12 =	vmul.f32 v17, v8;
	v17 =	vld [tilespmem:s28+$0xB0];
	[tilespmem:s26+$0x120] =	vst v10  }
0x355: {  	v10 =	vmul.f32 v13, v6;
	v13 =	vld [tilespmem:s28+$0x130];
	[tilespmem:s26+$0x1C0] =	vst v11  }
0x356: {  	[tilespmem:s26+$0xFFFFFE30] =	vst v12;
	v11 =	vmul.f32 v14, v5;
	v12 =	vld [tilespmem:s28+$0x1D0]  }
0x357: {  	v14 =	vld [tilespmem:s28+$0xFFFFFE40];
	[tilespmem:s26+$0xFFFFFEB0] =	vst v10;
	v10 =	vmul.f32 v15, v3  }
0x358: {  	v15 =	vld [tilespmem:s28+$0xFFFFFEC0];
	[tilespmem:s26+$0xFFFFFF30] =	vst v11;
	v11 =	vmul.f32 v16, v4  }
0x359: {  	v16 =	vld [tilespmem:s28+$0xFFFFFF40];
	[tilespmem:s26+$0xFFFFFFB0] =	vst v10;
	v10 =	vmul.f32 v17, v2  }
0x35a: {  	v17 =	vld [tilespmem:s28+$0xFFFFFFC0];
	[tilespmem:s26+$0x30] =	vst v11;
	v11 =	vmul.f32 v13, v7  }
0x35b: {  	v13 =	vld [tilespmem:s28+$0x40];
	[tilespmem:s26+$0xB0] =	vst v10;
	v10 =	vmul.f32 v12, v9  }
0x35c: {  	v12 =	vmul.f32 v14, v8;
	v14 =	vld [tilespmem:s28+$0xC0];
	[tilespmem:s26+$0x130] =	vst v11  }
0x35d: {  	v11 =	vmul.f32 v15, v6;
	v15 =	vld [tilespmem:s28+$0x140];
	[tilespmem:s26+$0x1D0] =	vst v10  }
0x35e: {  	[tilespmem:s26+$0xFFFFFE40] =	vst v12;
	v10 =	vmul.f32 v16, v5;
	v12 =	vld [tilespmem:s28+$0x1E0]  }
0x35f: {  	v16 =	vld [tilespmem:s28+$0xFFFFFE50];
	[tilespmem:s26+$0xFFFFFEC0] =	vst v11;
	v11 =	vmul.f32 v17, v3  }
0x360: {  	v17 =	vld [tilespmem:s28+$0xFFFFFED0];
	[tilespmem:s26+$0xFFFFFF40] =	vst v10;
	v10 =	vmul.f32 v13, v4  }
0x361: {  	v13 =	vld [tilespmem:s28+$0xFFFFFF50];
	[tilespmem:s26+$0xFFFFFFC0] =	vst v11;
	v11 =	vmul.f32 v14, v2  }
0x362: {  	v14 =	vld [tilespmem:s28+$0xFFFFFFD0];
	[tilespmem:s26+$0x40] =	vst v10;
	v10 =	vmul.f32 v15, v7  }
0x363: {  	v15 =	vld [tilespmem:s28+$0x50];
	[tilespmem:s26+$0xC0] =	vst v11;
	v11 =	vmul.f32 v12, v9  }
0x364: {  	v12 =	vmul.f32 v16, v8;
	v16 =	vld [tilespmem:s28+$0xD0];
	[tilespmem:s26+$0x140] =	vst v10  }
0x365: {  	v10 =	vmul.f32 v17, v6;
	v17 =	vld [tilespmem:s28+$0x150];
	[tilespmem:s26+$0x1E0] =	vst v11  }
0x366: {  	[tilespmem:s26+$0xFFFFFE50] =	vst v12;
	v11 =	vmul.f32 v13, v5;
	v12 =	vld [tilespmem:s28+$0x1F0]  }
0x367: {  	v13 =	vld [tilespmem:s28+$0xFFFFFE60];
	[tilespmem:s26+$0xFFFFFED0] =	vst v10;
	v10 =	vmul.f32 v14, v3  }
0x368: {  	v14 =	vld [tilespmem:s28+$0xFFFFFEE0];
	[tilespmem:s26+$0xFFFFFF50] =	vst v11;
	v11 =	vmul.f32 v15, v4  }
0x369: {  	v15 =	vld [tilespmem:s28+$0xFFFFFF60];
	[tilespmem:s26+$0xFFFFFFD0] =	vst v10;
	v10 =	vmul.f32 v16, v2  }
0x36a: {  	v16 =	vld [tilespmem:s28+$0xFFFFFFE0];
	[tilespmem:s26+$0x50] =	vst v11;
	v11 =	vmul.f32 v17, v7  }
0x36b: {  	v17 =	vld [tilespmem:s28+$0x60];
	[tilespmem:s26+$0xD0] =	vst v10;
	v9 =	vmul.f32 v12, v9  }
0x36c: {  	v10 =	vmul.f32 v13, v8;
	v12 =	vld [tilespmem:s28+$0xE0];
	[tilespmem:s26+$0x150] =	vst v11  }
0x36d: {  	v11 =	vmul.f32 v14, v6;
	v13 =	vld [tilespmem:s28+$0x160];
	[tilespmem:s26+$0x1F0] =	vst v9  }
0x36e: {  	[tilespmem:s26+$0xFFFFFE60] =	vst v10;
	v9 =	vmul.f32 v15, v5;
	v15 =	vld [tilespmem:s31+$0x170];
	s31 =	smov.u32 s28  }
0x36f: {  	v18 =	vld [tilespmem:s28+$0xFFFFFE70];
	[tilespmem:s26+$0xFFFFFEE0] =	vst v11;
	v11 =	vmul.f32 v16, v3  }
.Ltmp9:
0x370: {  	v14 =	vld [tilespmem:s28+$0xFFFFFEF0];
	[tilespmem:s26+$0xFFFFFF60] =	vst v9;
	v9 =	vmul.f32 v17, v4;
	(pc) =	sbr.rel @p2 .LBB2_5-.Ltmp9, $4  }
0x371: {  	v10 =	vld [tilespmem:s28+$0xFFFFFF70];
	[tilespmem:s26+$0xFFFFFFE0] =	vst v11;
	v16 =	vmul.f32 v12, v2  }
0x372: {  	v11 =	vld [tilespmem:s28+$0xFFFFFFF0];
	[tilespmem:s26+$0x60] =	vst v9;
	v9 =	vmul.f32 v13, v7  }
0x373: {  	v12 =	vld [tilespmem:s28+$0x70];
	[tilespmem:s26+$0xE0] =	vst v16;
	v15 =	vmul.f32 v15, v1;
	v1 =	vmov v7  }
0x374: {  	s11 =	sadd.s32 $0x8, s11;
	v8 =	vmul.f32 v18, v8;
	v7 =	vld [tilespmem:s28+$0xF0];
	[tilespmem:s26+$0x160] =	vst v9  }
0x375: {  	v6 =	vmul.f32 v14, v6;
	[tilespmem:s22+$0x170] =	vst v15;
	v9 =	vld [tilespmem:s31+$0x170];
	s11 =	sadd.s32 $0x2, s21;
	p2 =	seq.s32 s20, $0xD1  }
0x376: {  	[tilespmem:s26+$0xFFFFFE70] =	vst v8;
	v5 =	vmul.f32 v10, v5;
	s21 =	smulhi.u32 @!p2 $0x66666667, s11  }
0x377: {  	[tilespmem:s26+$0xFFFFFEF0] =	vst v6;
	v3 =	vmul.f32 v11, v3  }
0x378: {  	[tilespmem:s26+$0xFFFFFF70] =	vst v5;
	v4 =	vmul.f32 v12, v4;
	s21 =	sshrl.u32 @!p2 s21, $0x3  }
0x379: {  	[tilespmem:s26+$0xFFFFFFF0] =	vst v3;
	v2 =	vmul.f32 v7, v2;
	s21 =	smul.u32 @!p2 $0x14, s21  }
0x37a: {  	[tilespmem:s26+$0x70] =	vst v4;
	v1 =	vmul.f32 v9, v1  }
0x37b: {  	[tilespmem:s26+$0xF0] =	vst v2;
	s21 =	ssub.s32 @!p2 s11, s21  }
0x37c: {  	[tilespmem:s26+$0x170] =	vst v1;
	p3 =	sne.s32 @!p2 s21, $0x0  }
0x37d: {  	[spmem:s3] =	stream.indirect.scatter.add.f32 [tilespmem:s12], [sflag:$0x3], $0x80, s4, s29, $0xb8;
	[tilespmem:$0x19300] =	vst v63  }
0x37e: {  	p3 =	por p3, p2  }
0x37f: {  	s11 =	sadd.s32 @!p3 s16, s11  }
0x380: {  	_ =	swait.ge [sflag:s14], $0x1800;
	s11 =	smul.u32 @!p3 $0x6, s11  }
0x381: {  	[sflag:s14] =	ssyncset.done $0x0  }
0x382: {  	s26 =	simm.s32 @!p3 $0x0;
	[sflag:s14] =	ssyncadd.s32 $0xFFFFE800;
	s22 =	sadd.s32 @!p3 s1, s11  }
0x383: {  	[tilespmem:s26], [sflag:$0x4] =	stream.linear.gather @!p3 [hbm4b:s22+s26], $0x3C0, $0x38;
	[tilespmem:$0x19300] =	vst v63  }
0x384: {  	s22 =	simm.s32 @!p3 $0x4  }
0x385: {  	_ =	swait.ge @!p3 [sflag:s22], $0x3C0  }
0x386: {  	[sflag:s22] =	ssyncset.done @!p3 $0x0  }
0x387: {  	s30 =	simm.s32 @!p3 $0x400;
	s28 =	sadd.s32 @!p3 s2, s11;
	[sflag:s22] =	ssyncadd.s32 @!p3 $0xFFFFFC40  }
0x388: {  	[tilespmem:s30], [sflag:$0x4] =	stream.linear.gather @!p3 [hbm4b:s28+s26], $0x3C0, $0x38;
	[tilespmem:$0x19300] =	vst v63  }
0x389: {  	_ =	swait.ge @!p3 [sflag:s22], $0x3C0  }
0x38a: {  	[sflag:s22] =	ssyncset.done @!p3 $0x0  }
0x38b: {  	s11 =	sadd.s32 @!p3 s7, s11;
	s28 =	simm.s32 @!p3 $0x800;
	[sflag:s22] =	ssyncadd.s32 @!p3 $0xFFFFFC40  }
0x38c: {  	[tilespmem:s28], [sflag:$0x4] =	stream.linear.gather @!p3 [hbm4b:s11+s26], $0x3C0, $0x38;
	[tilespmem:$0x19300] =	vst v63  }
0x38d: {  	_ =	swait.ge @!p3 [sflag:s22], $0x3C0  }
0x38e: {  	s11 =	smul.u32 @!p2 $0x30, s21;
	[sflag:s22] =	ssyncset.done @!p3 $0x0  }
0x38f: {  	[sflag:s22] =	ssyncadd.s32 @!p3 $0xFFFFFC40  }
0x390: {  	v1 =	vld @!p2 [tilespmem:s11+$0x0];
	_ =	sdelay $0x4  }
0x391: {  	v1 =	vadd.s32 @!p2 v0, v1  }
0x392: {  	[tilespmem:$0xD00] =	vst @!p2 v1  }
0x393: {  	v1 =	vld @!p2 [tilespmem:s11+$0x400];
	_ =	sdelay $0x4  }
0x394: {  	[tilespmem:$0xC00] =	vst @!p2 v1  }
0x395: {  	v1 =	vld @!p2 [tilespmem:s11+$0x800];
	_ =	sdelay $0x4  }
0x396: {  	s21 =	sor.u32 @!p2 $0x10, s11;
	[tilespmem:$0xE00] =	vst @!p2 v1  }
0x397: {  	v1 =	vld @!p2 [tilespmem:s21+$0x0];
	_ =	sdelay $0x4  }
0x398: {  	v1 =	vadd.s32 @!p2 v0, v1  }
0x399: {  	[tilespmem:$0xD10] =	vst @!p2 v1  }
0x39a: {  	v1 =	vld @!p2 [tilespmem:s11+$0x410];
	_ =	sdelay $0x4  }
0x39b: {  	[tilespmem:$0xC10] =	vst @!p2 v1  }
0x39c: {  	v1 =	vld @!p2 [tilespmem:s11+$0x810];
	_ =	sdelay $0x4  }
0x39d: {  	[tilespmem:$0xE10] =	vst @!p2 v1  }
0x39e: {  	v1 =	vld @!p2 [tilespmem:s11+$0x20];
	_ =	sdelay $0x4  }
0x39f: {  	v1 =	vadd.s32 @!p2 v0, v1  }
0x3a0: {  	[tilespmem:$0xD20] =	vst @!p2 v1  }
0x3a1: {  	v1 =	vld @!p2 [tilespmem:s11+$0x420];
	_ =	sdelay $0x4  }
0x3a2: {  	[tilespmem:$0xC20] =	vst @!p2 v1  }
0x3a3: {  	v1 =	vld @!p2 [tilespmem:s11+$0x820];
	_ =	sdelay $0x4  }
0x3a4: {  	s22 =	simm.s32 @!p2 $0xF00;
	s21 =	simm.s32 @!p2 $0xD00;
	s11 =	simm.s32 @!p2 $0x30;
	[tilespmem:$0xE20] =	vst @!p2 v1  }
0x3a5: {  	[tilespmem:s22], [sflag:$0x1] =	stream.indirect.gather @!p2 [hbm4b:s5+s11], $0x80, s21, s11, $0xb8;
	[tilespmem:$0x19300] =	vst v63  }
0x3a6: {  	_ =	swait.ge [sflag:s15], $0x1800  }
0x3a7: {  	[sflag:s15] =	ssyncset.done $0x0  }
0x3a8: {  	s26 =	simm.s32 $0xE84;
	[sflag:s15] =	ssyncadd.s32 $0xFFFFE800  }
0x3a9: {  	s28 =	simm.s32 $0x2900;
	v1 =	vld.msk [tilespmem:s26+$0x3 ss:$0x0], $0xffff  }
0x3aa: {  	v2 =	vld [tilespmem:s28+$0x180]  }
0x3ab: {  	v12 =	vld.msk [tilespmem:s26+$0xFFFFFFFD ss:$0x0], $0xffff  }
0x3ac: {  	v11 =	vld.msk [tilespmem:s26+$0xFFFFFFFE ss:$0x0], $0xffff  }
0x3ad: {  	v10 =	vld.msk [tilespmem:s26+$0xFFFFFFFF ss:$0x0], $0xffff  }
0x3ae: {  	v9 =	vld.msk [tilespmem:s26+$0x0 ss:$0x0], $0xffff  }
0x3af: {  	v8 =	vld.msk [tilespmem:s26+$0x1 ss:$0x0], $0xffff  }
0x3b0: {  	v7 =	vld.msk [tilespmem:s26+$0x2 ss:$0x0], $0xffff  }
0x3b1: {  	v13 =	vld.msk [tilespmem:s26+$0xFFFFFFFC ss:$0x0], $0xffff  }
0x3b2: {  	v3 =	vld [tilespmem:s28+$0xFFFFFE00]  }
0x3b3: {  	v4 =	vld [tilespmem:s28+$0xFFFFFE80]  }
0x3b4: {  	v5 =	vld [tilespmem:s28+$0xFFFFFF00]  }
0x3b5: {  	v6 =	vld [tilespmem:s28+$0xFFFFFF80]  }
0x3b6: {  	v14 =	vld [tilespmem:s28+$0x0];
	v2 =	vmul.f32 v1, v2  }
0x3b7: {  	s21 =	simm.s32 $0x4100;
	v16 =	vld [tilespmem:s28+$0x100]  }
0x3b8: {  	[tilespmem:s21+$0x180] =	vst v2;
	v2 =	vmul.f32 v13, v3;
	v3 =	vld [tilespmem:s28+$0x80]  }
0x3b9: {  	s26 =	simm.s32 $0x2D00;
	v4 =	vmul.f32 v12, v4;
	v15 =	vld [tilespmem:s28+$0x190]  }
0x3ba: {  	v23 =	vld [tilespmem:s26+$0x180];
	[tilespmem:s21+$0xFFFFFE00] =	vst v2;
	v2 =	vmul.f32 v11, v5  }
0x3bb: {  	[tilespmem:s21+$0xFFFFFE80] =	vst v4;
	v4 =	vmul.f32 v10, v6;
	v5 =	vld [tilespmem:s28+$0xFFFFFE10]  }
0x3bc: {  	v6 =	vld [tilespmem:s28+$0xFFFFFE90];
	[tilespmem:s21+$0xFFFFFF00] =	vst v2;
	v2 =	vmul.f32 v9, v14  }
0x3bd: {  	[tilespmem:s21+$0xFFFFFF80] =	vst v4;
	v14 =	vld [tilespmem:s28+$0xFFFFFF10];
	v3 =	vmul.f32 v8, v3  }
0x3be: {  	v4 =	vmul.f32 v15, v1;
	v15 =	vld [tilespmem:s28+$0xFFFFFF90];
	[tilespmem:s21+$0x0] =	vst v2  }
0x3bf: {  	v2 =	vmul.f32 v7, v16;
	v16 =	vld [tilespmem:s28+$0x10];
	[tilespmem:s21+$0x80] =	vst v3  }
0x3c0: {  	[tilespmem:s21+$0x190] =	vst v4;
	v3 =	vmul.f32 v5, v13;
	v4 =	vld [tilespmem:s28+$0x90]  }
0x3c1: {  	[tilespmem:s21+$0x100] =	vst v2;
	v2 =	vmul.f32 v6, v12;
	v5 =	vld [tilespmem:s28+$0x1A0]  }
0x3c2: {  	v6 =	vld [tilespmem:s28+$0x110];
	[tilespmem:s21+$0xFFFFFE10] =	vst v3;
	v3 =	vmul.f32 v14, v11  }
0x3c3: {  	[tilespmem:s21+$0xFFFFFE90] =	vst v2;
	v14 =	vld [tilespmem:s28+$0xFFFFFE20];
	v2 =	vmul.f32 v15, v10  }
0x3c4: {  	v15 =	vld [tilespmem:s28+$0xFFFFFEA0];
	[tilespmem:s21+$0xFFFFFF10] =	vst v3;
	v3 =	vmul.f32 v16, v9  }
0x3c5: {  	v16 =	vld [tilespmem:s28+$0xFFFFFF20];
	[tilespmem:s21+$0xFFFFFF90] =	vst v2;
	v2 =	vmul.f32 v4, v8  }
0x3c6: {  	v4 =	vmul.f32 v5, v1;
	v5 =	vld [tilespmem:s28+$0xFFFFFFA0];
	[tilespmem:s21+$0x10] =	vst v3  }
0x3c7: {  	v3 =	vmul.f32 v6, v7;
	v6 =	vld [tilespmem:s28+$0x20];
	[tilespmem:s21+$0x90] =	vst v2  }
0x3c8: {  	[tilespmem:s21+$0x1A0] =	vst v4;
	v2 =	vmul.f32 v14, v13;
	v4 =	vld [tilespmem:s28+$0xA0]  }
0x3c9: {  	[tilespmem:s21+$0x110] =	vst v3;
	v3 =	vmul.f32 v15, v12;
	v14 =	vld [tilespmem:s28+$0x1B0]  }
0x3ca: {  	v15 =	vld [tilespmem:s28+$0x120];
	[tilespmem:s21+$0xFFFFFE20] =	vst v2;
	v2 =	vmul.f32 v16, v11  }
0x3cb: {  	[tilespmem:s21+$0xFFFFFEA0] =	vst v3;
	v16 =	vld [tilespmem:s28+$0xFFFFFE30];
	v3 =	vmul.f32 v5, v10  }
0x3cc: {  	v5 =	vld [tilespmem:s28+$0xFFFFFEB0];
	[tilespmem:s21+$0xFFFFFF20] =	vst v2;
	v2 =	vmul.f32 v6, v9  }
0x3cd: {  	v6 =	vld [tilespmem:s28+$0xFFFFFF30];
	[tilespmem:s21+$0xFFFFFFA0] =	vst v3;
	v3 =	vmul.f32 v4, v8  }
0x3ce: {  	v4 =	vmul.f32 v14, v1;
	v14 =	vld [tilespmem:s28+$0xFFFFFFB0];
	[tilespmem:s21+$0x20] =	vst v2  }
0x3cf: {  	v2 =	vmul.f32 v15, v7;
	v15 =	vld [tilespmem:s28+$0x30];
	[tilespmem:s21+$0xA0] =	vst v3  }
0x3d0: {  	[tilespmem:s21+$0x1B0] =	vst v4;
	v3 =	vmul.f32 v16, v13;
	v4 =	vld [tilespmem:s28+$0xB0]  }
0x3d1: {  	[tilespmem:s21+$0x120] =	vst v2;
	v2 =	vmul.f32 v5, v12;
	v16 =	vld [tilespmem:s28+$0x1C0]  }
0x3d2: {  	v5 =	vld [tilespmem:s28+$0x130];
	[tilespmem:s21+$0xFFFFFE30] =	vst v3;
	v3 =	vmul.f32 v6, v11  }
0x3d3: {  	[tilespmem:s21+$0xFFFFFEB0] =	vst v2;
	v6 =	vld [tilespmem:s28+$0xFFFFFE40];
	v2 =	vmul.f32 v14, v10  }
0x3d4: {  	v14 =	vld [tilespmem:s28+$0xFFFFFEC0];
	[tilespmem:s21+$0xFFFFFF30] =	vst v3;
	v3 =	vmul.f32 v15, v9  }
0x3d5: {  	v15 =	vld [tilespmem:s28+$0xFFFFFF40];
	[tilespmem:s21+$0xFFFFFFB0] =	vst v2;
	v2 =	vmul.f32 v4, v8  }
0x3d6: {  	v4 =	vmul.f32 v16, v1;
	v16 =	vld [tilespmem:s28+$0xFFFFFFC0];
	[tilespmem:s21+$0x30] =	vst v3  }
0x3d7: {  	v3 =	vmul.f32 v5, v7;
	v5 =	vld [tilespmem:s28+$0x40];
	[tilespmem:s21+$0xB0] =	vst v2  }
0x3d8: {  	[tilespmem:s21+$0x1C0] =	vst v4;
	v2 =	vmul.f32 v6, v13;
	v4 =	vld [tilespmem:s28+$0xC0]  }
0x3d9: {  	[tilespmem:s21+$0x130] =	vst v3;
	v3 =	vmul.f32 v14, v12;
	v6 =	vld [tilespmem:s28+$0x1D0]  }
0x3da: {  	v14 =	vld [tilespmem:s28+$0x140];
	[tilespmem:s21+$0xFFFFFE40] =	vst v2;
	v2 =	vmul.f32 v15, v11  }
0x3db: {  	[tilespmem:s21+$0xFFFFFEC0] =	vst v3;
	v15 =	vld [tilespmem:s28+$0xFFFFFE50];
	v3 =	vmul.f32 v16, v10  }
0x3dc: {  	v16 =	vld [tilespmem:s28+$0xFFFFFED0];
	[tilespmem:s21+$0xFFFFFF40] =	vst v2;
	v2 =	vmul.f32 v5, v9  }
0x3dd: {  	v5 =	vld [tilespmem:s28+$0xFFFFFF50];
	[tilespmem:s21+$0xFFFFFFC0] =	vst v3;
	v3 =	vmul.f32 v4, v8  }
0x3de: {  	v4 =	vmul.f32 v6, v1;
	v6 =	vld [tilespmem:s28+$0xFFFFFFD0];
	[tilespmem:s21+$0x40] =	vst v2  }
0x3df: {  	v2 =	vmul.f32 v14, v7;
	v14 =	vld [tilespmem:s28+$0x50];
	[tilespmem:s21+$0xC0] =	vst v3  }
0x3e0: {  	[tilespmem:s21+$0x1D0] =	vst v4;
	v3 =	vmul.f32 v15, v13;
	v4 =	vld [tilespmem:s28+$0xD0]  }
0x3e1: {  	[tilespmem:s21+$0x140] =	vst v2;
	v2 =	vmul.f32 v16, v12;
	v15 =	vld [tilespmem:s28+$0x1E0]  }
0x3e2: {  	v16 =	vld [tilespmem:s28+$0x150];
	[tilespmem:s21+$0xFFFFFE50] =	vst v3;
	v3 =	vmul.f32 v5, v11  }
0x3e3: {  	[tilespmem:s21+$0xFFFFFED0] =	vst v2;
	v5 =	vld [tilespmem:s28+$0xFFFFFE60];
	v2 =	vmul.f32 v6, v10  }
0x3e4: {  	v6 =	vld [tilespmem:s28+$0xFFFFFEE0];
	[tilespmem:s21+$0xFFFFFF50] =	vst v3;
	v3 =	vmul.f32 v14, v9  }
0x3e5: {  	v14 =	vld [tilespmem:s28+$0xFFFFFF60];
	[tilespmem:s21+$0xFFFFFFD0] =	vst v2;
	v2 =	vmul.f32 v4, v8  }
0x3e6: {  	v4 =	vmul.f32 v15, v1;
	v15 =	vld [tilespmem:s28+$0xFFFFFFE0];
	[tilespmem:s21+$0x50] =	vst v3  }
0x3e7: {  	v3 =	vmul.f32 v16, v7;
	v16 =	vld [tilespmem:s28+$0x60];
	[tilespmem:s21+$0xD0] =	vst v2  }
0x3e8: {  	s31 =	simm.s32 $0xE8C;
	[tilespmem:s21+$0x1E0] =	vst v4;
	v4 =	vld [tilespmem:s28+$0xE0]  }
0x3e9: {  	[tilespmem:s21+$0x150] =	vst v3;
	v3 =	vmul.f32 v6, v12;
	v6 =	vld.msk [tilespmem:s31+$0xFFFFFFFD ss:$0x0], $0xffff  }
0x3ea: {  	v2 =	vmul.f32 v5, v13;
	v5 =	vld.msk [tilespmem:s31+$0xFFFFFFFE ss:$0x0], $0xffff  }
0x3eb: {  	v17 =	vld [tilespmem:s28+$0x1F0]  }
0x3ec: {  	v18 =	vld [tilespmem:s28+$0x160]  }
0x3ed: {  	[tilespmem:s21+$0xFFFFFE60] =	vst v2;
	v2 =	vmul.f32 v14, v11;
	v14 =	vld.msk [tilespmem:s31+$0x3 ss:$0x0], $0xffff  }
0x3ee: {  	[tilespmem:s21+$0xFFFFFEE0] =	vst v3;
	v19 =	vld [tilespmem:s28+$0xFFFFFE70]  }
0x3ef: {  	v3 =	vmul.f32 v15, v10;
	v15 =	vld [tilespmem:s28+$0xFFFFFEF0];
	[tilespmem:s21+$0xFFFFFF60] =	vst v2  }
0x3f0: {  	v2 =	vmul.f32 v16, v9;
	v16 =	vld [tilespmem:s28+$0xFFFFFF70]  }
0x3f1: {  	[tilespmem:s21+$0xFFFFFFE0] =	vst v3;
	v3 =	vmul.f32 v4, v8;
	v4 =	vld.msk [tilespmem:s31+$0x0 ss:$0x0], $0xffff  }
0x3f2: {  	v20 =	vld [tilespmem:s28+$0xFFFFFFF0]  }
0x3f3: {  	[tilespmem:s21+$0x60] =	vst v2;
	v2 =	vld.msk [tilespmem:s31+$0x1 ss:$0x0], $0xffff  }
0x3f4: {  	v21 =	vld [tilespmem:s28+$0x70]  }
0x3f5: {  	v1 =	vmul.f32 v17, v1;
	[tilespmem:s21+$0xE0] =	vst v3;
	v3 =	vld.msk [tilespmem:s31+$0xFFFFFFFF ss:$0x0], $0xffff  }
0x3f6: {  	v17 =	vmul.f32 v14, v23;
	v22 =	vld [tilespmem:s28+$0xF0]  }
0x3f7: {  	s22 =	simm.s32 $0x4500;
	v18 =	vmul.f32 v18, v7;
	[tilespmem:s21+$0x1F0] =	vst v1;
	v1 =	vld.msk [tilespmem:s31+$0x2 ss:$0x0], $0xffff  }
0x3f8: {  	v19 =	vmul.f32 v19, v13;
	v13 =	vld.msk [tilespmem:s31+$0xFFFFFFFC ss:$0x0], $0xffff;
	[tilespmem:s22+$0x180] =	vst v17  }
0x3f9: {  	[tilespmem:s21+$0x160] =	vst v18;
	v12 =	vmul.f32 v15, v12;
	v15 =	vld [tilespmem:s26+$0x190]  }
0x3fa: {  	[tilespmem:s21+$0xFFFFFE70] =	vst v19;
	v11 =	vmul.f32 v16, v11;
	v16 =	vld [tilespmem:s26+$0xFFFFFE00]  }
0x3fb: {  	[tilespmem:s21+$0xFFFFFEF0] =	vst v12;
	v12 =	vld [tilespmem:s26+$0xFFFFFE80];
	v10 =	vmul.f32 v20, v10  }
0x3fc: {  	[tilespmem:s21+$0xFFFFFF70] =	vst v11;
	v9 =	vmul.f32 v21, v9;
	v11 =	vld [tilespmem:s26+$0xFFFFFF00]  }
0x3fd: {  	[tilespmem:s21+$0xFFFFFFF0] =	vst v10;
	v8 =	vmul.f32 v22, v8;
	v10 =	vld [tilespmem:s26+$0xFFFFFF80]  }
0x3fe: {  	[tilespmem:s21+$0x70] =	vst v9;
	v9 =	vld [tilespmem:s26+$0x0];
	v15 =	vmul.f32 v15, v14  }
0x3ff: {  	[tilespmem:s21+$0xF0] =	vst v8;
	v8 =	vmul.f32 v13, v16;
	v16 =	vld [tilespmem:s26+$0x80]  }
0x400: {  	v17 =	vld [tilespmem:s26+$0x100];
	v12 =	vmul.f32 v6, v12;
	[tilespmem:s22+$0x190] =	vst v15  }
0x401: {  	[tilespmem:s22+$0xFFFFFE00] =	vst v8;
	v8 =	vmul.f32 v5, v11;
	v11 =	vld [tilespmem:s26+$0x1A0]  }
0x402: {  	[tilespmem:s22+$0xFFFFFE80] =	vst v12;
	v15 =	vld [tilespmem:s26+$0xFFFFFE10];
	v10 =	vmul.f32 v3, v10  }
0x403: {  	v12 =	vld [tilespmem:s26+$0xFFFFFE90];
	[tilespmem:s22+$0xFFFFFF00] =	vst v8;
	v8 =	vmul.f32 v4, v9  }
0x404: {  	v9 =	vld [tilespmem:s26+$0xFFFFFF10];
	[tilespmem:s22+$0xFFFFFF80] =	vst v10;
	v10 =	vmul.f32 v2, v16  }
0x405: {  	v16 =	vld [tilespmem:s26+$0xFFFFFF90];
	[tilespmem:s22+$0x0] =	vst v8;
	v8 =	vmul.f32 v1, v17  }
0x406: {  	v17 =	vld [tilespmem:s26+$0x10];
	[tilespmem:s22+$0x80] =	vst v10;
	v10 =	vmul.f32 v11, v14  }
0x407: {  	v11 =	vmul.f32 v15, v13;
	v15 =	vld [tilespmem:s26+$0x90];
	[tilespmem:s22+$0x100] =	vst v8  }
0x408: {  	v8 =	vmul.f32 v12, v6;
	v12 =	vld [tilespmem:s26+$0x110];
	[tilespmem:s22+$0x1A0] =	vst v10  }
0x409: {  	[tilespmem:s22+$0xFFFFFE10] =	vst v11;
	v9 =	vmul.f32 v9, v5;
	v10 =	vld [tilespmem:s26+$0x1B0]  }
0x40a: {  	[tilespmem:s22+$0xFFFFFE90] =	vst v8;
	v11 =	vld [tilespmem:s26+$0xFFFFFE20];
	v8 =	vmul.f32 v16, v3  }
0x40b: {  	v16 =	vld [tilespmem:s26+$0xFFFFFEA0];
	[tilespmem:s22+$0xFFFFFF10] =	vst v9;
	v9 =	vmul.f32 v17, v4  }
0x40c: {  	v17 =	vld [tilespmem:s26+$0xFFFFFF20];
	[tilespmem:s22+$0xFFFFFF90] =	vst v8;
	v8 =	vmul.f32 v15, v2  }
0x40d: {  	v15 =	vld [tilespmem:s26+$0xFFFFFFA0];
	[tilespmem:s22+$0x10] =	vst v9;
	v9 =	vmul.f32 v12, v1  }
0x40e: {  	v12 =	vld [tilespmem:s26+$0x20];
	[tilespmem:s22+$0x90] =	vst v8;
	v8 =	vmul.f32 v10, v14  }
0x40f: {  	v10 =	vmul.f32 v11, v13;
	v11 =	vld [tilespmem:s26+$0xA0];
	[tilespmem:s22+$0x110] =	vst v9  }
0x410: {  	v9 =	vmul.f32 v16, v6;
	v16 =	vld [tilespmem:s26+$0x120];
	[tilespmem:s22+$0x1B0] =	vst v8  }
0x411: {  	[tilespmem:s22+$0xFFFFFE20] =	vst v10;
	v8 =	vmul.f32 v17, v5;
	v10 =	vld [tilespmem:s26+$0x1C0]  }
0x412: {  	[tilespmem:s22+$0xFFFFFEA0] =	vst v9;
	v17 =	vld [tilespmem:s26+$0xFFFFFE30];
	v9 =	vmul.f32 v15, v3  }
0x413: {  	v15 =	vld [tilespmem:s26+$0xFFFFFEB0];
	[tilespmem:s22+$0xFFFFFF20] =	vst v8;
	v8 =	vmul.f32 v12, v4  }
0x414: {  	v12 =	vld [tilespmem:s26+$0xFFFFFF30];
	[tilespmem:s22+$0xFFFFFFA0] =	vst v9;
	v9 =	vmul.f32 v11, v2  }
0x415: {  	v11 =	vld [tilespmem:s26+$0xFFFFFFB0];
	[tilespmem:s22+$0x20] =	vst v8;
	v8 =	vmul.f32 v16, v1  }
0x416: {  	v16 =	vld [tilespmem:s26+$0x30];
	[tilespmem:s22+$0xA0] =	vst v9;
	v9 =	vmul.f32 v10, v14  }
0x417: {  	v10 =	vmul.f32 v17, v13;
	v17 =	vld [tilespmem:s26+$0xB0];
	[tilespmem:s22+$0x120] =	vst v8  }
0x418: {  	v8 =	vmul.f32 v15, v6;
	v15 =	vld [tilespmem:s26+$0x130];
	[tilespmem:s22+$0x1C0] =	vst v9  }
0x419: {  	[tilespmem:s22+$0xFFFFFE30] =	vst v10;
	v9 =	vmul.f32 v12, v5;
	v10 =	vld [tilespmem:s26+$0x1D0]  }
0x41a: {  	[tilespmem:s22+$0xFFFFFEB0] =	vst v8;
	v12 =	vld [tilespmem:s26+$0xFFFFFE40];
	v8 =	vmul.f32 v11, v3  }
0x41b: {  	v11 =	vld [tilespmem:s26+$0xFFFFFEC0];
	[tilespmem:s22+$0xFFFFFF30] =	vst v9;
	v9 =	vmul.f32 v16, v4  }
0x41c: {  	v16 =	vld [tilespmem:s26+$0xFFFFFF40];
	[tilespmem:s22+$0xFFFFFFB0] =	vst v8;
	v8 =	vmul.f32 v17, v2  }
0x41d: {  	v17 =	vld [tilespmem:s26+$0xFFFFFFC0];
	[tilespmem:s22+$0x30] =	vst v9;
	v9 =	vmul.f32 v15, v1  }
0x41e: {  	v15 =	vld [tilespmem:s26+$0x40];
	[tilespmem:s22+$0xB0] =	vst v8;
	v8 =	vmul.f32 v10, v14  }
0x41f: {  	v10 =	vmul.f32 v12, v13;
	v12 =	vld [tilespmem:s26+$0xC0];
	[tilespmem:s22+$0x130] =	vst v9  }
0x420: {  	v9 =	vmul.f32 v11, v6;
	v11 =	vld [tilespmem:s26+$0x140];
	[tilespmem:s22+$0x1D0] =	vst v8  }
0x421: {  	[tilespmem:s22+$0xFFFFFE40] =	vst v10;
	v8 =	vmul.f32 v16, v5;
	v10 =	vld [tilespmem:s26+$0x1E0]  }
0x422: {  	[tilespmem:s22+$0xFFFFFEC0] =	vst v9;
	v16 =	vld [tilespmem:s26+$0xFFFFFE50];
	v9 =	vmul.f32 v17, v3  }
0x423: {  	v17 =	vld [tilespmem:s26+$0xFFFFFED0];
	[tilespmem:s22+$0xFFFFFF40] =	vst v8;
	v8 =	vmul.f32 v15, v4  }
0x424: {  	v15 =	vld [tilespmem:s26+$0xFFFFFF50];
	[tilespmem:s22+$0xFFFFFFC0] =	vst v9;
	v9 =	vmul.f32 v12, v2  }
0x425: {  	v12 =	vld [tilespmem:s26+$0xFFFFFFD0];
	[tilespmem:s22+$0x40] =	vst v8;
	v8 =	vmul.f32 v11, v1  }
0x426: {  	v11 =	vld [tilespmem:s26+$0x50];
	[tilespmem:s22+$0xC0] =	vst v9;
	v9 =	vmul.f32 v10, v14  }
0x427: {  	v10 =	vmul.f32 v16, v13;
	v16 =	vld [tilespmem:s26+$0xD0];
	[tilespmem:s22+$0x140] =	vst v8  }
0x428: {  	v8 =	vmul.f32 v17, v6;
	v17 =	vld [tilespmem:s26+$0x150];
	[tilespmem:s22+$0x1E0] =	vst v9  }
0x429: {  	[tilespmem:s22+$0xFFFFFE50] =	vst v10;
	v9 =	vmul.f32 v15, v5;
	v10 =	vld [tilespmem:s26+$0x1F0]  }
0x42a: {  	[tilespmem:s22+$0xFFFFFED0] =	vst v8;
	v15 =	vld [tilespmem:s26+$0xFFFFFE60];
	v8 =	vmul.f32 v12, v3  }
0x42b: {  	v12 =	vld [tilespmem:s26+$0xFFFFFEE0];
	[tilespmem:s22+$0xFFFFFF50] =	vst v9;
	v9 =	vmul.f32 v11, v4  }
0x42c: {  	v11 =	vld [tilespmem:s26+$0xFFFFFF60];
	[tilespmem:s22+$0xFFFFFFD0] =	vst v8;
	v8 =	vmul.f32 v16, v2  }
0x42d: {  	v16 =	vld [tilespmem:s26+$0xFFFFFFE0];
	[tilespmem:s22+$0x50] =	vst v9;
	v9 =	vmul.f32 v17, v1  }
0x42e: {  	v17 =	vld [tilespmem:s26+$0x60];
	[tilespmem:s22+$0xD0] =	vst v8;
	v8 =	vmul.f32 v10, v14  }
0x42f: {  	v10 =	vmul.f32 v15, v13;
	v15 =	vld [tilespmem:s26+$0xE0];
	[tilespmem:s22+$0x150] =	vst v9  }
0x430: {  	v9 =	vmul.f32 v12, v6;
	v12 =	vld [tilespmem:s26+$0x160];
	[tilespmem:s22+$0x1F0] =	vst v8  }
0x431: {  	v18 =	vld [tilespmem:s28+$0x170];
	[tilespmem:s22+$0xFFFFFE60] =	vst v10;
	v8 =	vmul.f32 v11, v5  }
0x432: {  	[tilespmem:s22+$0xFFFFFEE0] =	vst v9;
	v63 =	vld [tilespmem:s26+$0xFFFFFE70];
	v9 =	vmul.f32 v16, v3  }
0x433: {  	v14 =	vld [tilespmem:s26+$0xFFFFFEF0];
	[tilespmem:s22+$0xFFFFFF60] =	vst v8;
	v8 =	vmul.f32 v17, v4  }
0x434: {  	v10 =	vld [tilespmem:s26+$0xFFFFFF70];
	[tilespmem:s22+$0xFFFFFFE0] =	vst v9;
	v9 =	vmul.f32 v15, v2  }
0x435: {  	v11 =	vld [tilespmem:s26+$0xFFFFFFF0];
	[tilespmem:s22+$0x60] =	vst v8;
	v16 =	vmul.f32 v12, v1  }
0x436: {  	v15 =	vmul.f32 v18, v7;
	v12 =	vld [tilespmem:s26+$0x70];
	[tilespmem:s22+$0xE0] =	vst v9  }
0x437: {  	s30 =	simm.s32 $0x2D00;
	s11 =	simm.s32 $0xE94;
	s28 =	simm.s32 $0x8;
	v8 =	vmul.f32 v63, v13;
	v7 =	vld [tilespmem:s26+$0xF0];
	[tilespmem:s22+$0x160] =	vst v16  }
.LBB2_7:
0x438: {  	v9 =	vld.msk [tilespmem:s11+$0x3 ss:$0x0], $0xffff;
	s28 =	sadd.s32 $0x8, s28;
	v13 =	vmul.f32 v14, v6;
	s26 =	sadd.s32 $0x400, s26;
	[tilespmem:s21+$0x170] =	vst v15;
	s21 =	smov.u32 s22  }
0x439: {  	v14 =	vld [tilespmem:s26+$0x180];
	p2 =	slt.u32 s28, $0x28;
	[tilespmem:s22+$0xFFFFFE70] =	vst v8;
	v8 =	vmul.f32 v10, v5  }
0x43a: {  	v6 =	vld.msk [tilespmem:s11+$0xFFFFFFFD ss:$0x0], $0xffff;
	[tilespmem:s22+$0xFFFFFEF0] =	vst v13;
	v10 =	vmul.f32 v11, v3  }
0x43b: {  	v5 =	vld.msk [tilespmem:s11+$0xFFFFFFFE ss:$0x0], $0xffff;
	[tilespmem:s22+$0xFFFFFF70] =	vst v8;
	v8 =	vmul.f32 v12, v4  }
0x43c: {  	v3 =	vld.msk [tilespmem:s11+$0xFFFFFFFF ss:$0x0], $0xffff;
	[tilespmem:s22+$0xFFFFFFF0] =	vst v10;
	v7 =	vmul.f32 v7, v2  }
0x43d: {  	v4 =	vld.msk [tilespmem:s11+$0x0 ss:$0x0], $0xffff;
	[tilespmem:s22+$0x70] =	vst v8  }
0x43e: {  	v2 =	vld.msk [tilespmem:s11+$0x1 ss:$0x0], $0xffff;
	v10 =	vmul.f32 v9, v14;
	[tilespmem:s22+$0xF0] =	vst v7  }
0x43f: {  	s22 =	sadd.s32 $0x400, s22;
	v7 =	vld.msk [tilespmem:s11+$0x2 ss:$0x0], $0xffff  }
0x440: {  	v8 =	vld.msk [tilespmem:s11+$0xFFFFFFFC ss:$0x0], $0xffff;
	[tilespmem:s22+$0x180] =	vst v10  }
0x441: {  	v10 =	vld [tilespmem:s26+$0x190]  }
0x442: {  	v11 =	vld [tilespmem:s26+$0xFFFFFE00]  }
0x443: {  	v12 =	vld [tilespmem:s26+$0xFFFFFE80]  }
0x444: {  	v13 =	vld [tilespmem:s26+$0xFFFFFF00]  }
0x445: {  	v14 =	vld [tilespmem:s26+$0xFFFFFF80]  }
0x446: {  	v15 =	vld [tilespmem:s26+$0x0];
	v10 =	vmul.f32 v10, v9  }
0x447: {  	v11 =	vmul.f32 v8, v11;
	v16 =	vld [tilespmem:s26+$0x80]  }
0x448: {  	v12 =	vmul.f32 v6, v12;
	v17 =	vld [tilespmem:s26+$0x100];
	[tilespmem:s22+$0x190] =	vst v10  }
0x449: {  	[tilespmem:s22+$0xFFFFFE00] =	vst v11;
	v10 =	vmul.f32 v5, v13;
	v11 =	vld [tilespmem:s26+$0x1A0]  }
0x44a: {  	v13 =	vld [tilespmem:s26+$0xFFFFFE10];
	[tilespmem:s22+$0xFFFFFE80] =	vst v12;
	v12 =	vmul.f32 v3, v14  }
0x44b: {  	v14 =	vld [tilespmem:s26+$0xFFFFFE90];
	[tilespmem:s22+$0xFFFFFF00] =	vst v10;
	v10 =	vmul.f32 v4, v15  }
0x44c: {  	v15 =	vld [tilespmem:s26+$0xFFFFFF10];
	[tilespmem:s22+$0xFFFFFF80] =	vst v12;
	v12 =	vmul.f32 v2, v16  }
0x44d: {  	v16 =	vld [tilespmem:s26+$0xFFFFFF90];
	[tilespmem:s22+$0x0] =	vst v10;
	v10 =	vmul.f32 v7, v17  }
0x44e: {  	v17 =	vld [tilespmem:s26+$0x10];
	[tilespmem:s22+$0x80] =	vst v12;
	v11 =	vmul.f32 v11, v9  }
0x44f: {  	v12 =	vmul.f32 v13, v8;
	v13 =	vld [tilespmem:s26+$0x90];
	[tilespmem:s22+$0x100] =	vst v10  }
0x450: {  	v10 =	vmul.f32 v14, v6;
	v14 =	vld [tilespmem:s26+$0x110];
	[tilespmem:s22+$0x1A0] =	vst v11  }
0x451: {  	[tilespmem:s22+$0xFFFFFE10] =	vst v12;
	v11 =	vmul.f32 v15, v5;
	v12 =	vld [tilespmem:s26+$0x1B0]  }
0x452: {  	v15 =	vld [tilespmem:s26+$0xFFFFFE20];
	[tilespmem:s22+$0xFFFFFE90] =	vst v10;
	v10 =	vmul.f32 v16, v3  }
0x453: {  	v16 =	vld [tilespmem:s26+$0xFFFFFEA0];
	[tilespmem:s22+$0xFFFFFF10] =	vst v11;
	v11 =	vmul.f32 v17, v4  }
0x454: {  	v17 =	vld [tilespmem:s26+$0xFFFFFF20];
	[tilespmem:s22+$0xFFFFFF90] =	vst v10;
	v10 =	vmul.f32 v13, v2  }
0x455: {  	v13 =	vld [tilespmem:s26+$0xFFFFFFA0];
	[tilespmem:s22+$0x10] =	vst v11;
	v11 =	vmul.f32 v14, v7  }
0x456: {  	v14 =	vld [tilespmem:s26+$0x20];
	[tilespmem:s22+$0x90] =	vst v10;
	v10 =	vmul.f32 v12, v9  }
0x457: {  	v12 =	vmul.f32 v15, v8;
	v15 =	vld [tilespmem:s26+$0xA0];
	[tilespmem:s22+$0x110] =	vst v11  }
0x458: {  	v11 =	vmul.f32 v16, v6;
	v16 =	vld [tilespmem:s26+$0x120];
	[tilespmem:s22+$0x1B0] =	vst v10  }
0x459: {  	[tilespmem:s22+$0xFFFFFE20] =	vst v12;
	v10 =	vmul.f32 v17, v5;
	v12 =	vld [tilespmem:s26+$0x1C0]  }
0x45a: {  	v17 =	vld [tilespmem:s26+$0xFFFFFE30];
	[tilespmem:s22+$0xFFFFFEA0] =	vst v11;
	v11 =	vmul.f32 v13, v3  }
0x45b: {  	v13 =	vld [tilespmem:s26+$0xFFFFFEB0];
	[tilespmem:s22+$0xFFFFFF20] =	vst v10;
	v10 =	vmul.f32 v14, v4  }
0x45c: {  	v14 =	vld [tilespmem:s26+$0xFFFFFF30];
	[tilespmem:s22+$0xFFFFFFA0] =	vst v11;
	v11 =	vmul.f32 v15, v2  }
0x45d: {  	v15 =	vld [tilespmem:s26+$0xFFFFFFB0];
	[tilespmem:s22+$0x20] =	vst v10;
	v10 =	vmul.f32 v16, v7  }
0x45e: {  	v16 =	vld [tilespmem:s26+$0x30];
	[tilespmem:s22+$0xA0] =	vst v11;
	v11 =	vmul.f32 v12, v9  }
0x45f: {  	v12 =	vmul.f32 v17, v8;
	v17 =	vld [tilespmem:s26+$0xB0];
	[tilespmem:s22+$0x120] =	vst v10  }
0x460: {  	v10 =	vmul.f32 v13, v6;
	v13 =	vld [tilespmem:s26+$0x130];
	[tilespmem:s22+$0x1C0] =	vst v11  }
0x461: {  	[tilespmem:s22+$0xFFFFFE30] =	vst v12;
	v11 =	vmul.f32 v14, v5;
	v12 =	vld [tilespmem:s26+$0x1D0]  }
0x462: {  	v14 =	vld [tilespmem:s26+$0xFFFFFE40];
	[tilespmem:s22+$0xFFFFFEB0] =	vst v10;
	v10 =	vmul.f32 v15, v3  }
0x463: {  	v15 =	vld [tilespmem:s26+$0xFFFFFEC0];
	[tilespmem:s22+$0xFFFFFF30] =	vst v11;
	v11 =	vmul.f32 v16, v4  }
0x464: {  	v16 =	vld [tilespmem:s26+$0xFFFFFF40];
	[tilespmem:s22+$0xFFFFFFB0] =	vst v10;
	v10 =	vmul.f32 v17, v2  }
0x465: {  	v17 =	vld [tilespmem:s26+$0xFFFFFFC0];
	[tilespmem:s22+$0x30] =	vst v11;
	v11 =	vmul.f32 v13, v7  }
0x466: {  	v13 =	vld [tilespmem:s26+$0x40];
	[tilespmem:s22+$0xB0] =	vst v10;
	v10 =	vmul.f32 v12, v9  }
0x467: {  	v12 =	vmul.f32 v14, v8;
	v14 =	vld [tilespmem:s26+$0xC0];
	[tilespmem:s22+$0x130] =	vst v11  }
0x468: {  	v11 =	vmul.f32 v15, v6;
	v15 =	vld [tilespmem:s26+$0x140];
	[tilespmem:s22+$0x1D0] =	vst v10  }
0x469: {  	[tilespmem:s22+$0xFFFFFE40] =	vst v12;
	v10 =	vmul.f32 v16, v5;
	v12 =	vld [tilespmem:s26+$0x1E0]  }
0x46a: {  	v16 =	vld [tilespmem:s26+$0xFFFFFE50];
	[tilespmem:s22+$0xFFFFFEC0] =	vst v11;
	v11 =	vmul.f32 v17, v3  }
0x46b: {  	v17 =	vld [tilespmem:s26+$0xFFFFFED0];
	[tilespmem:s22+$0xFFFFFF40] =	vst v10;
	v10 =	vmul.f32 v13, v4  }
0x46c: {  	v13 =	vld [tilespmem:s26+$0xFFFFFF50];
	[tilespmem:s22+$0xFFFFFFC0] =	vst v11;
	v11 =	vmul.f32 v14, v2  }
0x46d: {  	v14 =	vld [tilespmem:s26+$0xFFFFFFD0];
	[tilespmem:s22+$0x40] =	vst v10;
	v10 =	vmul.f32 v15, v7  }
0x46e: {  	v15 =	vld [tilespmem:s26+$0x50];
	[tilespmem:s22+$0xC0] =	vst v11;
	v11 =	vmul.f32 v12, v9  }
0x46f: {  	v12 =	vmul.f32 v16, v8;
	v16 =	vld [tilespmem:s26+$0xD0];
	[tilespmem:s22+$0x140] =	vst v10  }
0x470: {  	v10 =	vmul.f32 v17, v6;
	v17 =	vld [tilespmem:s26+$0x150];
	[tilespmem:s22+$0x1E0] =	vst v11  }
0x471: {  	[tilespmem:s22+$0xFFFFFE50] =	vst v12;
	v11 =	vmul.f32 v13, v5;
	v12 =	vld [tilespmem:s26+$0x1F0]  }
0x472: {  	v13 =	vld [tilespmem:s26+$0xFFFFFE60];
	[tilespmem:s22+$0xFFFFFED0] =	vst v10;
	v10 =	vmul.f32 v14, v3  }
0x473: {  	v14 =	vld [tilespmem:s26+$0xFFFFFEE0];
	[tilespmem:s22+$0xFFFFFF50] =	vst v11;
	v11 =	vmul.f32 v15, v4  }
0x474: {  	v15 =	vld [tilespmem:s26+$0xFFFFFF60];
	[tilespmem:s22+$0xFFFFFFD0] =	vst v10;
	v10 =	vmul.f32 v16, v2  }
0x475: {  	v16 =	vld [tilespmem:s26+$0xFFFFFFE0];
	[tilespmem:s22+$0x50] =	vst v11;
	v11 =	vmul.f32 v17, v7  }
0x476: {  	v17 =	vld [tilespmem:s26+$0x60];
	[tilespmem:s22+$0xD0] =	vst v10;
	v9 =	vmul.f32 v12, v9  }
0x477: {  	v10 =	vmul.f32 v13, v8;
	v12 =	vld [tilespmem:s26+$0xE0];
	[tilespmem:s22+$0x150] =	vst v11  }
0x478: {  	v11 =	vmul.f32 v14, v6;
	v13 =	vld [tilespmem:s26+$0x160];
	[tilespmem:s22+$0x1F0] =	vst v9  }
0x479: {  	[tilespmem:s22+$0xFFFFFE60] =	vst v10;
	v9 =	vmul.f32 v15, v5;
	v15 =	vld [tilespmem:s30+$0x170];
	s30 =	smov.u32 s26  }
0x47a: {  	v18 =	vld [tilespmem:s26+$0xFFFFFE70];
	[tilespmem:s22+$0xFFFFFEE0] =	vst v11;
	v11 =	vmul.f32 v16, v3  }
.Ltmp10:
0x47b: {  	v14 =	vld [tilespmem:s26+$0xFFFFFEF0];
	[tilespmem:s22+$0xFFFFFF60] =	vst v9;
	v9 =	vmul.f32 v17, v4;
	(pc) =	sbr.rel @p2 .LBB2_7-.Ltmp10, $4  }
0x47c: {  	v10 =	vld [tilespmem:s26+$0xFFFFFF70];
	[tilespmem:s22+$0xFFFFFFE0] =	vst v11;
	v16 =	vmul.f32 v12, v2  }
0x47d: {  	v11 =	vld [tilespmem:s26+$0xFFFFFFF0];
	[tilespmem:s22+$0x60] =	vst v9;
	v9 =	vmul.f32 v13, v7  }
0x47e: {  	v12 =	vld [tilespmem:s26+$0x70];
	[tilespmem:s22+$0xE0] =	vst v16;
	v15 =	vmul.f32 v15, v1;
	v1 =	vmov v7  }
0x47f: {  	s11 =	sadd.s32 $0x8, s11;
	v8 =	vmul.f32 v18, v8;
	v7 =	vld [tilespmem:s26+$0xF0];
	[tilespmem:s22+$0x160] =	vst v9  }
0x480: {  	v6 =	vmul.f32 v14, v6;
	[tilespmem:s21+$0x170] =	vst v15;
	v9 =	vld [tilespmem:s30+$0x170]  }
0x481: {  	[tilespmem:s22+$0xFFFFFE70] =	vst v8;
	v5 =	vmul.f32 v10, v5  }
0x482: {  	s20 =	sadd.s32 $0x1, s20;
	[tilespmem:s22+$0xFFFFFEF0] =	vst v6;
	v3 =	vmul.f32 v11, v3  }
0x483: {  	p2 =	sne.s32 s20, $0xD2;
	[tilespmem:s22+$0xFFFFFF70] =	vst v5;
	v4 =	vmul.f32 v12, v4  }
.Ltmp11:
0x484: {  	[tilespmem:s22+$0xFFFFFFF0] =	vst v3;
	v2 =	vmul.f32 v7, v2;
	(pc) =	sbr.rel @p2 .LBB2_4-.Ltmp11, $4  }
0x485: {  	[tilespmem:s22+$0x70] =	vst v4;
	v1 =	vmul.f32 v9, v1  }
0x486: {  	[tilespmem:s22+$0xF0] =	vst v2  }
0x487: {  	[tilespmem:s22+$0x170] =	vst v1  }
0x488: {  	[spmem:s3] =	stream.indirect.scatter.add.f32 [tilespmem:s12], [sflag:$0x3], $0x80, s17, s29, $0xb8;
	[tilespmem:$0x19300] =	vst v63  }
0x489: {  	_ =	swait.ge [sflag:s14], $0x1800  }
.Ltmp12:
0x48a: {  	[sflag:s14] =	ssyncset.done $0x0;
	(pc) =	sbr.rel .LBB2_17-.Ltmp12, $4  }
0x48b: {  	[sflag:s14] =	ssyncadd.s32 $0xFFFFE800  }
0x48c: {  	s11 =	smul.u32 $0x27800, s19;
	[bflag:$0x0] =	sbarrier.arrive $0xFFFF  }
0x48d: {  	s31 =	rddreg [dreg:$0xb]  }
0x48e: {  	s11 =	sadd.s32 s31, s11  }
.LBB2_19:
0x48f: {  	_ =	sfence.sel $0x180000  }
0x490: {  	[bflag:$0x0] =	sbarrier.arrive $0xFFFF  }
0x491: {  	_ =	strace $0x9000004A  }
0x492: {  	s0 =	stileid.u32;
	[bflag:$0x2] =	sbarrier.arrive $0xFFFF  }
0x493: {  	p0 =	sne.s32 s0, $0x0;
	s0 =	rddreg [dreg:$0x4]  }
0x494: {  	s0 =	sadd.s32 @!p0 $0x100000, s0  }
0x495: {  	[sflag:s0] =	ssyncadd.tile.s32 @!p0 $0x1;
	_ =	shalt  }
.Lfunc_end2:
_tile_overlayer_lowered:
.L_overlay_start_2:
0x496: {  	(tag) =	ssettag $0x2  }
0x497: {  	s0 =	rddreg [dreg:$0x0];
	s2 =	stileid.u32  }
0x498: {  	s1 =	rddreg [dreg:$0x1];
	p0 =	sne.s32 s2, $0x0  }
0x499: {  	s3 =	rddreg [dreg:$0x2];
	[bflag:$0x3] =	sbarrier.arrive $0xFFFF;
	s2 =	simm.s32 @!p0 $0x1C04  }
0x49a: {  	[timem:s3], [sflag:s2] =	dma.local @!p0 [hbm:s0], s1  }
0x49b: {  	s0 =	simm.s32 @!p0 $0x4  }
0x49c: {  	_ =	swait.ge @!p0 [sflag:s0], s1  }
0x49d: {  	s1 =	ssub.s32 @!p0 $0x0, s1;
	[sflag:s0] =	ssyncset.done @!p0 $0x0  }
0x49e: {  	[sflag:s0] =	ssyncadd.s32 @!p0 s1  }
0x49f: {  	[bflag:$0x3] =	sbarrier.arrive $0xFFFF  }
0x4a0: {  	_ =	shalt  }

// kernel: kernel.9.cloned.1.call-start
scs
__scs_entry_jumppad:
0x0: {  	(pc) =	sbr.rel $0x88, $3  }
0x1: {  	(tag) =	ssettag $0x0;
	lr =	simm.s32 $0x1  }
0x2: {  	[smem:$0x3F8F] =	sst lr;
	_ =	strace $0xD0000000  }
0x3: {  	_ = 	snop  }
0x4: {  	_ = 	snop  }
0x5: {  	_ = 	snop  }
0x6: {  	_ = 	snop  }
0x7: {  	_ = 	snop  }
__scs_overlays_trampoline_lowered:
0x8: {  	[smem:$0x3F9E] =	sst s0  }
0x9: {  	[smem:$0x3F9F] =	sst s1  }
0xa: {  	[smem:$0x3FA0] =	sst s2  }
0xb: {  	[smem:$0x3FA1] =	sst s3  }
0xc: {  	[smem:$0x3FA2] =	sst s4  }
0xd: {  	[smem:$0x3FA3] =	sst s5  }
0xe: {  	[smem:$0x3FA4] =	sst s6  }
0xf: {  	[smem:$0x3FA5] =	sst s7  }
0x10: {  	[smem:$0x3FA6] =	sst s8  }
0x11: {  	[smem:$0x3FA7] =	sst s9;
	s0 =	simm.s32 @!p0 $0x0  }
0x12: {  	s1 =	sld [smem:$0x3F8D];
	s0 =	simm.s32 @p0 $0x1  }
0x13: {  	[smem:$0x3FA8] =	sst s0;
	s0 =	simm.s32 @!p1 $0x0  }
0x14: {  	s2 =	sld [smem:$0x3F8C];
	s0 =	simm.s32 @p1 $0x1  }
0x15: {  	[smem:$0x3FA9] =	sst s0;
	s0 =	simm.s32 @!p2 $0x0  }
0x16: {  	s3 =	sld [smem:$0x3FDB];
	s0 =	simm.s32 @p2 $0x1  }
0x17: {  	s4 =	simm.s32 $0x1BF5;
	[smem:$0x3FAB] =	sst s0  }
0x18: {  	s0 =	sld [smem:$0x3F8E];
	_ =	swait.ge [sflag:s4], $0x0  }
0x19: {  	s7 =	sld [smem:$0x3F8F]  }
0x1a: {  	s8 =	sadd.s32 $0xFFFFE003, lr  }
0x1b: {  	s9 =	sadd.s32 $0xFFFFFEF7, lr;
	s5 =	simm.s32 $0xFFFFFFFF;
	p2 =	slt.u32 s8, $0xFFFFF086  }
0x1c: {  	p1 =	slt.u32 s9, $0xF7A;
	s5 =	simm.s32 @!p2 $0x0  }
0x1d: {  	s5 =	simm.s32 @p1 $0x1;
	p0 =	seq.s32 s7, s2  }
0x1e: {  	s7 =	smul.u32 @!p0 $0xF7A, s2;
	p2 =	seq.s32 @!p0 s5, $0x0  }
0x1f: {  	s9 =	smul.u32 $0xF7A, s1;
	s8 =	simm.s32 @!p0 $0x1BF5;
	p2 =	por !p2, p0  }
0x20: {  	[sflag:s8] =	ssyncset.s32 @!p0 $0xFFFFF086;
	s6 =	sadd.s32 @!p0 s3, s7;
	s7 =	simm.s32 @!p0 $0x108  }
0x21: {  	s3 =	sadd.s32 s3, s9;
	s6 =	sadd.s32 @!p0 $0x88, s6;
	s7 =	simm.s32 @p2 $0x1082  }
0x22: {  	[simem:s7], [sflag:s8] =	dma.local @!p0 [hbm:s6], $0xF7A  }
0x23: {  	s9 =	sor.u32 $0xD0000000, s2;
	s6 =	simm.s32 $0x108;
	_ =	swait.ge @!p0 [sflag:s8], $0x0  }
0x24: {  	s3 =	sadd.s32 $0x88, s3;
	s6 =	simm.s32 @!p1 $0x1082;
	[sflag:s4] =	ssyncset.s32 $0xFFFFF086  }
0x25: {  	[simem:s6], [sflag:s4] =	dma.local [hbm:s3], $0xF7A  }
0x26: {  	[smem:$0x3F8F] =	sst s1;
	(tag) =	ssettag s2;
	_ =	strace s9  }
0x27: {  	s1 =	sld [smem:$0x3F9F]  }
0x28: {  	s2 =	sld [smem:$0x3FA0]  }
0x29: {  	s4 =	sld [smem:$0x3FA2]  }
0x2a: {  	p0 =	seq.s32 s5, $0x0;
	s5 =	sld [smem:$0x3FA3]  }
0x2b: {  	s6 =	sld [smem:$0x3FA4]  }
0x2c: {  	s7 =	sld [smem:$0x3FA5]  }
0x2d: {  	s3 =	simm.s32 $0x108;
	s8 =	sld [smem:$0x3FA6]  }
0x2e: {  	s3 =	simm.s32 @!p0 $0x1082;
	s9 =	sld [smem:$0x3FA7]  }
0x2f: {  	lr =	sadd.s32 s0, s3;
	s0 =	sld [smem:$0x3F9E]  }
0x30: {  	s3 =	sld [smem:$0x3FA1]  }
0x31: {  	[smem:$0x3FAA] =	sst s10  }
0x32: {  	s10 =	sld [smem:$0x3FA8];
	_ =	sdelay $0x3  }
0x33: {  	p0 =	seq.s32 s10, $0x1;
	s10 =	sld [smem:$0x3FAA];
	_ =	sdelay $0x3  }
0x34: {  	[smem:$0x3FAA] =	sst s10  }
0x35: {  	s10 =	sld [smem:$0x3FA9];
	_ =	sdelay $0x3  }
0x36: {  	p1 =	seq.s32 s10, $0x1;
	s10 =	sld [smem:$0x3FAA];
	_ =	sdelay $0x3  }
0x37: {  	[smem:$0x3FAA] =	sst s10  }
0x38: {  	s10 =	sld [smem:$0x3FAB]  }
0x39: {  	_ = 	snop;
	(pc) =	sbr.ind lr, $3  }
0x3a: {  	_ = 	snop  }
0x3b: {  	_ = 	snop  }
0x3c: {  	p2 =	seq.s32 s10, $0x1;
	s10 =	sld [smem:$0x3FAA]  }
0x3d: {  	_ =	shalt  }
0x3e: {  	_ =	shalt  }
0x3f: {  	_ =	shalt  }
0x40: {  	_ =	shalt  }
0x41: {  	_ =	shalt  }
0x42: {  	_ =	shalt  }
0x43: {  	_ =	shalt  }
0x44: {  	_ =	shalt  }
0x45: {  	_ =	shalt  }
0x46: {  	_ =	shalt  }
0x47: {  	_ =	shalt  }
0x48: {  	_ =	shalt  }
0x49: {  	_ =	shalt  }
0x4a: {  	_ =	shalt  }
0x4b: {  	_ =	shalt  }
0x4c: {  	_ =	shalt  }
0x4d: {  	_ =	shalt  }
0x4e: {  	_ =	shalt  }
0x4f: {  	_ =	shalt  }
0x50: {  	_ =	shalt  }
0x51: {  	_ =	shalt  }
0x52: {  	_ =	shalt  }
0x53: {  	_ =	shalt  }
0x54: {  	_ =	shalt  }
0x55: {  	_ =	shalt  }
0x56: {  	_ =	shalt  }
0x57: {  	_ =	shalt  }
0x58: {  	_ =	shalt  }
0x59: {  	_ =	shalt  }
0x5a: {  	_ =	shalt  }
0x5b: {  	_ =	shalt  }
0x5c: {  	_ =	shalt  }
0x5d: {  	_ =	shalt  }
0x5e: {  	_ =	shalt  }
0x5f: {  	_ =	shalt  }
0x60: {  	_ =	shalt  }
0x61: {  	_ =	shalt  }
0x62: {  	_ =	shalt  }
0x63: {  	_ =	shalt  }
0x64: {  	_ =	shalt  }
0x65: {  	_ =	shalt  }
0x66: {  	_ =	shalt  }
0x67: {  	_ =	shalt  }
0x68: {  	_ =	shalt  }
0x69: {  	_ =	shalt  }
0x6a: {  	_ =	shalt  }
0x6b: {  	_ =	shalt  }
0x6c: {  	_ =	shalt  }
0x6d: {  	_ =	shalt  }
0x6e: {  	_ =	shalt  }
0x6f: {  	_ =	shalt  }
0x70: {  	_ =	shalt  }
0x71: {  	_ =	shalt  }
0x72: {  	_ =	shalt  }
0x73: {  	_ =	shalt  }
0x74: {  	_ =	shalt  }
0x75: {  	_ =	shalt  }
0x76: {  	_ =	shalt  }
0x77: {  	_ =	shalt  }
0x78: {  	_ =	shalt  }
0x79: {  	_ =	shalt  }
0x7a: {  	_ =	shalt  }
0x7b: {  	_ =	shalt  }
0x7c: {  	_ =	shalt  }
0x7d: {  	_ =	shalt  }
0x7e: {  	_ =	shalt  }
0x7f: {  	_ =	shalt  }
0x80: {  	_ =	shalt  }
0x81: {  	_ =	shalt  }
0x82: {  	_ =	shalt  }
0x83: {  	_ =	shalt  }
0x84: {  	_ =	shalt  }
0x85: {  	_ =	shalt  }
0x86: {  	_ =	shalt  }
0x87: {  	_ =	shalt  }
.Lfunc_end0:
.L_simem_size_0:
called_computation.1_lowered:
.L_overlay_start_0:
0x88: {  	s2 =	sld [smem:$0x3FD9]  }
0x89: {  	s3 =	sld [smem:$0x3FFE];
	_ =	sdelay $0x1  }
0x8a: {  	s1 =	srdreg.scid  }
0x8b: {  	s0 =	sand.u32 $0x1, s1  }
0x8c: {  	s16 =	sshll.u32 s0, $0xA;
	s2 =	sadd.s32 s3, s2  }
0x8d: {  	s2 =	sadd.s32 s2, s16  }
0x8e: {  	[smem:$0x3FB6] =	sst s2  }
0x8f: {  	_ = 	snop  }
0x90: {  	(tm) =	ssettm $0x1  }
0x91: {  	s17 =	sld [smem:$0x3FFB];
	_ =	sdelay $0x3  }
0x92: {  	_ =	strace s17  }
0x93: {  	s2 =	sld [smem:$0x3FFC];
	_ =	sdelay $0x3  }
0x94: {  	_ =	strace s2  }
0x95: {  	s2 =	sld [smem:$0x3FFD];
	_ =	sdelay $0x3  }
0x96: {  	_ =	strace s2  }
0x97: {  	_ =	strace $0x8FFFFFFF  }
0x98: {  	s18 =	sld [smem:$0x3FDB];
	_ =	sdelay $0x1  }
0x99: {  	s19 =	simm.s32 $_scs_section_size  }
0x9a: {  	s4 =	simm.s32 $_size__tile_overlayer_lowered;
	s5 =	simm.s32 $_tile_overlayer_lowered  }
0x9b: {  	s22 =	simm.s32 $0x1BFF;
	s21 =	sshll.u32 s5, $0x1;
	s2 =	sadd.s32 s19, s18  }
0x9c: {  	s6 =	simm.s32 $0x0;
	s20 =	sshll.u32 s4, $0x1;
	s4 =	sadd.s32 s21, s2  }
0x9d: {  	[timem:s6], [sflag:s22] =	dma.local [hbm:s4], s20  }
0x9e: {  	_ =	swait.ge [sflag:s22], s20  }
0x9f: {  	s3 =	ssub.s32 $0x0, s20;
	[sflag:s22] =	ssyncset.done $0x0  }
0xa0: {  	[sflag:s22] =	ssyncadd.s32 s3;
	_ =	sdelay $0x1  }
0xa1: {  	s23 =	simm.s32 $0x1B8B  }
0xa2: {  	_ =	swait.ge [sflag:s23], $0x1  }
0xa3: {  	[sflag:s23] =	ssyncset.done $0x0  }
0xa4: {  	s25 =	simm.s32 $0x1B8E;
	s24 =	sld [smem:$0x3FFE];
	[sflag:s23] =	ssyncadd.s32 $0xFFFFFFFF  }
0xa5: {  	s26 =	simm.s32 $execute0_lowered;
	[smem:$0x3FD2] =	sst s25  }
0xa6: {  	s4 =	sshll.u32 s26, $0x1;
	_ =	strace $0x80000046;
	[dreg:$0x1] =	wrdreg $0xFFFFFFFF  }
0xa7: {  	s28 =	simm.s32 $_size_execute0_lowered;
	s2 =	sadd.s32 s2, s4;
	[dreg:$0x0] =	wrdreg $0x0  }
0xa8: {  	s4 =	sshll.u32 s28, $0x1;
	[dreg:$0x2] =	wrdreg s2  }
0xa9: {  	[dreg:$0x3] =	wrdreg s4  }
0xaa: {  	[dreg:$0x4] =	wrdreg $0xC0  }
0xab: {  	_ =	task [dreg:s6], $0x5FFFF  }
0xac: {  	[dreg:$0x1] =	wrdreg $0xFFFFFFFF  }
0xad: {  	[dreg:$0x0] =	wrdreg $0x60  }
0xae: {  	[dreg:$0x2] =	wrdreg s24  }
0xaf: {  	[dreg:$0x3] =	wrdreg $0xA000  }
0xb0: {  	[dreg:$0x4] =	wrdreg $0xA  }
0xb1: {  	_ =	task.clear_ibuf [dreg:s6], $0x5FFFF;
	_ =	strace $0x90000046  }
0xb2: {  	s29 =	simm.s32 $0xA;
	_ =	strace $0x80000048  }
0xb3: {  	_ =	swait.ge [sflag:s29], $0x1  }
0xb4: {  	[sflag:s29] =	ssyncadd.s32 $0xFFFFFFFF  }
0xb5: {  	_ =	strace $0x90000048  }
0xb6: {  	_ =	sfence  }
0xb7: {  	s30 =	sld [smem:$0x0];
	_ =	sdelay $0x2  }
0xb8: {  	s31 =	sshll.u32 s1, $0xD;
	s1 =	sshrl.u32 s1, $0x2  }
0xb9: {  	s3 =	sand.u32 $0x4000, s31;
	s1 =	sadd.s32 s1, s30  }
0xba: {  	s0 =	sor.u32 s3, s0;
	s1 =	sshll.u32 s1, $0x11  }
0xbb: {  	s0 =	sor.u32 s1, s0  }
0xbc: {  	s0 =	sadd.s32 $0x8F2B, s0  }
0xbd: {  	[sflag:s0] =	ssyncadd.remote.s32 $0x1  }
0xbe: {  	_ =	sfence.sel $0xFFFF  }
0xbf: {  	[dreg:$0x0] =	wrdreg $0xFFFFFFFF;
	(pc) =	sbr.abs _section_cstart, $3  }
0xc0: {  	[dreg:$0x1] =	wrdreg $0xFFFFFFFF  }
0xc1: {  	_ =	task.clear_ibuf [dreg:s6], $0x2FFFF;
	_ =	strace $0x9FFFFFFF  }
0xc2: {  	(tm) =	ssettm $0x7FFFFFFF  }
0xc3: {  	_ =	shalt  }
tec
execute0_lowered:
.L_overlay_start_1:
0x0: {  	(tag) =	ssettag $0x1  }
0x1: {  	s6 =	rddreg [dreg:$0x0]  }
0x2: {  	s2 =	rddreg [dreg:$0x1];
	s3 =	simm.s32 $0x0;
	s0 =	stileid.u32  }
0x3: {  	s4 =	srdreg.scid;
	s19 =	simm.s32 $0x3;
	s20 =	simm.s32 $0x400  }
0x4: {  	s21 =	simm.s32 $0x30;
	s22 =	simm.s32 $0x800;
	s23 =	simm.s32 $0x900  }
0x5: {  	s24 =	simm.s32 $0x880;
	s25 =	simm.s32 $0x980;
	s26 =	simm.s32 $0x1  }
0x6: {  	s28 =	simm.s32 $0x2;
	[smem:$0x7FF] =	sst s3;
	s5 =	smul.u32 $0x9D8, s0  }
0x7: {  	s7 =	sand.u32 $0x1, s4;
	s4 =	smul.u32 $0x1F400, s0;
	s13 =	sshll.u32 s0, $0x6  }
0x8: {  	_ =	strace $0x80000047;
	s8 =	ssub.s32 $0x2, s7;
	p0 =	seq.s32 s7, $0x1  }
0x9: {  	s13 =	sor.u32 $0x1C03, s13;
	s17 =	sadd.s32 s5, s6;
	s9 =	sshrl.u32 s8, $0x1  }
0xa: {  	s5 =	sadd.s32 $0x2B600, s6;
	s6 =	sadd.s32 $0x2F600, s6;
	s18 =	sadd.s32 s4, s2  }
.Ltmp0:
0xb: {  	s11 =	sadd.s32 $0x1F4000, s4;
	s12 =	ssub.s32 s8, s9;
	(pc) =	sbr.rel .LBB2_1-.Ltmp0, $4  }
0xc: {  	s1 =	sadd.s32 $0x17A00, s17;
	s31 =	sadd.s32 $0x3E00, s17;
	s9 =	sadd.s32 $0x21800, s17  }
0xd: {  	s10 =	sadd.s32 $0xDC00, s17;
	s14 =	sadd.s32 $0x17A0C, s17;
	s15 =	sadd.s32 $0x3E0C, s17  }
0xe: {  	s16 =	sadd.s32 $0x2180C, s17;
	s17 =	sadd.s32 $0xDC0C, s17;
	[dreg:$0x3] =	wrdreg s1  }
0xf: {  	s18 =	sshrl.u32 s18, $0x3;
	[dreg:$0x4] =	wrdreg s31;
	s12 =	smax.u32 s12, $0x1  }
.LBB2_8:
0x10: {  	s29 =	smov.u32 s11  }
.LBB2_9:
0x11: {  	_ =	swait.ge [sflag:s28], $0x30  }
0x12: {  	s3 =	sadd.s32 $0x1, s3;
	[sflag:s28] =	ssyncset.done $0x0  }
0x13: {  	s0 =	sshrl.u32 s29, $0x3;
	p1 =	sne.s32 s3, s12;
	[sflag:s28] =	ssyncadd.s32 $0xFFFFFFD0  }
.Ltmp1:
0x14: {  	s0 =	sadd.s32 s6, s0;
	[bflag:$0x0] =	sbarrier.arrive $0xFFFF;
	(pc) =	sbr.rel @!p1 .LBB2_10-.Ltmp1, $4  }
0x15: {  	[hbm:s0], [sflag:s13] =	dma.local [spmem:s18], $0x3E80  }
0x16: {  	_ =	swait.ge [sflag:s19], $0x3E80  }
0x17: {  	[sflag:s19] =	ssyncset.done $0x0  }
0x18: {  	[sflag:s19] =	ssyncadd.s32 $0xFFFFC180  }
.LBB2_1:
0x19: {  	[spmem:s18], [sflag:s13] =	dma.local [hbm:s5], $0x3E80  }
.Ltmp2:
0x1a: {  	_ =	swait.ge [sflag:s19], $0x3E80;
	(pc) =	sbr.rel @!p0 .LBB2_2-.Ltmp2, $4  }
0x1b: {  	[sflag:s19] =	ssyncset.done $0x0  }
0x1c: {  	[sflag:s19] =	ssyncadd.s32 $0xFFFFC180  }
0x1d: {  	[bflag:$0x0] =	sbarrier.arrive $0xFFFF  }
0x1e: {  	s29 =	simm.s32 $0x0  }
0x1f: {  	[tilespmem:s29], [sflag:$0x3] =	stream.linear.gather [hbm4b:s9+s29], $0x3C0, $0x38;
	[tilespmem:$0x1FE00] =	vst v63  }
0x20: {  	_ =	swait.ge [sflag:s19], $0x3C0  }
0x21: {  	[sflag:s19] =	ssyncset.done $0x0  }
0x22: {  	[sflag:s19] =	ssyncadd.s32 $0xFFFFFC40  }
0x23: {  	[tilespmem:s20], [sflag:$0x3] =	stream.linear.gather [hbm4b:s10+s29], $0x3C0, $0x38;
	[tilespmem:$0x1FE00] =	vst v63  }
0x24: {  	_ =	swait.ge [sflag:s19], $0x3C0  }
0x25: {  	[sflag:s19] =	ssyncset.done $0x0  }
0x26: {  	[sflag:s19] =	ssyncadd.s32 $0xFFFFFC40  }
0x27: {  	v0 =	vld [tilespmem:$0x0]  }
0x28: {  	v1 =	vld [tilespmem:$0x400]  }
0x29: {  	v2 =	vld [tilespmem:$0x10]  }
0x2a: {  	v3 =	vld [tilespmem:$0x410]  }
0x2b: {  	v4 =	vld [tilespmem:$0x20]  }
0x2c: {  	v63 =	vld [tilespmem:$0x420];
	[tilespmem:$0x800] =	vst v0  }
0x2d: {  	[tilespmem:$0x900] =	vst v1  }
0x2e: {  	[tilespmem:$0x810] =	vst v2  }
0x2f: {  	[tilespmem:$0x910] =	vst v3  }
0x30: {  	[tilespmem:$0x820] =	vst v4  }
0x31: {  	s30 =	smov.u32 s17;
	s31 =	smov.u32 s16;
	[tilespmem:$0x920] =	vst v63  }
0x32: {  	[spmem:s2] =	stream.indirect.scatter.add.f32 [tilespmem:s23], [sflag:$0x1], $0x1, s22, s21, $0xb8;
	[tilespmem:$0x1FE00] =	vst v63  }
.LBB2_7:
0x33: {  	s0 =	sor.u32 $0x1, s29  }
0x34: {  	s1 =	sand.u32 $0xFFFF, s0  }
0x35: {  	s1 =	smul.u32 $0xCCCD, s1;
	_ =	sdelay $0x1  }
0x36: {  	s1 =	sshrl.u32 s1, $0x14  }
0x37: {  	s1 =	smul.u32 $0x14, s1  }
0x38: {  	p1 =	seq.s32 s29, $0x0  }
0x39: {  	s0 =	ssub.s32 s0, s1;
	s1 =	simm.s32 @!p1 $0x2  }
0x3a: {  	_ =	swait.ge @!p1 [sflag:s1], $0x30;
	s0 =	smul.u32 $0x30, s0  }
0x3b: {  	[sflag:s1] =	ssyncset.done @!p1 $0x0  }
0x3c: {  	[sflag:s1] =	ssyncadd.s32 @!p1 $0xFFFFFFD0;
	s0 =	sand.u32 $0xFFF0, s0  }
0x3d: {  	v0 =	vld [tilespmem:s0+$0x0];
	_ =	sdelay $0x4  }
0x3e: {  	[tilespmem:$0x880] =	vst v0  }
0x3f: {  	v0 =	vld [tilespmem:s0+$0x400];
	_ =	sdelay $0x4  }
0x40: {  	[tilespmem:$0x980] =	vst v0  }
0x41: {  	v0 =	vld [tilespmem:s0+$0x10];
	_ =	sdelay $0x4  }
0x42: {  	[tilespmem:$0x890] =	vst v0  }
0x43: {  	v0 =	vld [tilespmem:s0+$0x410];
	_ =	sdelay $0x4  }
0x44: {  	[tilespmem:$0x990] =	vst v0  }
0x45: {  	v0 =	vld [tilespmem:s0+$0x20];
	_ =	sdelay $0x4  }
0x46: {  	[tilespmem:$0x8A0] =	vst v0  }
0x47: {  	v0 =	vld [tilespmem:s0+$0x420];
	_ =	sdelay $0x3  }
0x48: {  	p1 =	seq.s32 s29, $0x1A2  }
.Ltmp3:
0x49: {  	[tilespmem:$0x9A0] =	vst v0;
	(pc) =	sbr.rel @p1 .LBB2_8-.Ltmp3, $4  }
0x4a: {  	[spmem:s2] =	stream.indirect.scatter.add.f32 [tilespmem:s25], [sflag:$0x2], $0x1, s24, s21, $0xb8;
	[tilespmem:$0x1FE00] =	vst v63  }
0x4b: {  	_ =	swait.ge [sflag:s26], $0x30  }
0x4c: {  	[sflag:s26] =	ssyncset.done $0x0  }
0x4d: {  	[sflag:s26] =	ssyncadd.s32 $0xFFFFFFD0  }
0x4e: {  	s29 =	sadd.s32 $0x2, s29  }
0x4f: {  	s0 =	smul.u32 $0xCCCD, s29;
	_ =	sdelay $0x1  }
0x50: {  	s0 =	sshrl.u32 s0, $0x14  }
0x51: {  	s0 =	smul.u32 $0x14, s0;
	_ =	sdelay $0x1  }
0x52: {  	s0 =	ssub.s32 s29, s0  }
0x53: {  	s1 =	sand.u32 $0xFFFF, s0  }
0x54: {  	p1 =	sne.s32 s1, $0x0  }
0x55: {  	s1 =	simm.s32 @!p1 $0x0;
	s7 =	simm.s32 @!p1 $0x3  }
0x56: {  	[tilespmem:s1], [sflag:$0x3] =	stream.linear.gather @!p1 [hbm4b:s31+s1], $0x3C0, $0x38;
	[tilespmem:$0x1FE00] =	vst v63  }
0x57: {  	_ =	swait.ge @!p1 [sflag:s7], $0x3C0  }
0x58: {  	[sflag:s7] =	ssyncset.done @!p1 $0x0  }
0x59: {  	s8 =	simm.s32 @!p1 $0x400;
	[sflag:s7] =	ssyncadd.s32 @!p1 $0xFFFFFC40  }
0x5a: {  	[tilespmem:s8], [sflag:$0x3] =	stream.linear.gather @!p1 [hbm4b:s30+s1], $0x3C0, $0x38;
	[tilespmem:$0x1FE00] =	vst v63  }
0x5b: {  	s0 =	smul.u32 $0x30, s0;
	_ =	swait.ge @!p1 [sflag:s7], $0x3C0  }
0x5c: {  	[sflag:s7] =	ssyncset.done @!p1 $0x0  }
0x5d: {  	s0 =	sand.u32 $0xFFF0, s0;
	[sflag:s7] =	ssyncadd.s32 @!p1 $0xFFFFFC40  }
0x5e: {  	v0 =	vld [tilespmem:s0+$0x0];
	_ =	sdelay $0x4  }
0x5f: {  	[tilespmem:$0x800] =	vst v0  }
0x60: {  	v0 =	vld [tilespmem:s0+$0x400];
	_ =	sdelay $0x4  }
0x61: {  	s8 =	sor.u32 $0x10, s0;
	[tilespmem:$0x900] =	vst v0  }
0x62: {  	v0 =	vld [tilespmem:s8+$0x0];
	_ =	sdelay $0x4  }
0x63: {  	[tilespmem:$0x810] =	vst v0  }
0x64: {  	v0 =	vld [tilespmem:s0+$0x410];
	_ =	sdelay $0x4  }
0x65: {  	[tilespmem:$0x910] =	vst v0  }
0x66: {  	v0 =	vld [tilespmem:s0+$0x20];
	_ =	sdelay $0x4  }
0x67: {  	[tilespmem:$0x820] =	vst v0  }
0x68: {  	v0 =	vld [tilespmem:s0+$0x420];
	_ =	sdelay $0x1  }
.Ltmp4:
0x69: {  	_ = 	snop;
	(pc) =	sbr.rel .LBB2_7-.Ltmp4, $3  }
0x6a: {  	_ =	sdelay $0x1  }
0x6b: {  	s31 =	sadd.s32 $0xC, s31;
	s30 =	sadd.s32 $0xC, s30;
	[tilespmem:$0x920] =	vst v0  }
0x6c: {  	[spmem:s2] =	stream.indirect.scatter.add.f32 [tilespmem:s23], [sflag:$0x1], $0x1, s22, s21, $0xb8;
	[tilespmem:$0x1FE00] =	vst v63  }
.LBB2_2:
0x6d: {  	s0 =	rddreg [dreg:$0x3]  }
0x6e: {  	[tilespmem:s29], [sflag:$0x3] =	stream.linear.gather [hbm4b:s0+s29], $0x3C0, $0x38;
	[tilespmem:$0x1FE00] =	vst v63  }
0x6f: {  	_ =	swait.ge [sflag:s19], $0x3C0  }
0x70: {  	[sflag:s19] =	ssyncset.done $0x0  }
0x71: {  	s8 =	rddreg [dreg:$0x4];
	[sflag:s19] =	ssyncadd.s32 $0xFFFFFC40  }
0x72: {  	[tilespmem:s20], [sflag:$0x3] =	stream.linear.gather [hbm4b:s8+s29], $0x3C0, $0x38;
	[tilespmem:$0x1FE00] =	vst v63  }
0x73: {  	_ =	swait.ge [sflag:s19], $0x3C0  }
0x74: {  	[sflag:s19] =	ssyncset.done $0x0  }
0x75: {  	[sflag:s19] =	ssyncadd.s32 $0xFFFFFC40  }
0x76: {  	v0 =	vld [tilespmem:$0x0]  }
0x77: {  	v1 =	vld [tilespmem:$0x400]  }
0x78: {  	v2 =	vld [tilespmem:$0x10]  }
0x79: {  	v3 =	vld [tilespmem:$0x410]  }
0x7a: {  	v4 =	vld [tilespmem:$0x20]  }
0x7b: {  	v63 =	vld [tilespmem:$0x420];
	[tilespmem:$0x800] =	vst v0  }
0x7c: {  	[tilespmem:$0x900] =	vst v1  }
0x7d: {  	[tilespmem:$0x810] =	vst v2  }
0x7e: {  	[tilespmem:$0x910] =	vst v3  }
0x7f: {  	[tilespmem:$0x820] =	vst v4  }
0x80: {  	s30 =	smov.u32 s15;
	s31 =	smov.u32 s14;
	[tilespmem:$0x920] =	vst v63  }
0x81: {  	[spmem:s2] =	stream.indirect.scatter.add.f32 [tilespmem:s23], [sflag:$0x1], $0x1, s22, s21, $0xb8;
	[tilespmem:$0x1FE00] =	vst v63  }
.LBB2_3:
0x82: {  	s0 =	sor.u32 $0x1, s29  }
0x83: {  	s1 =	sand.u32 $0xFFFF, s0  }
0x84: {  	s1 =	smul.u32 $0xCCCD, s1;
	_ =	sdelay $0x1  }
0x85: {  	s1 =	sshrl.u32 s1, $0x14  }
0x86: {  	s1 =	smul.u32 $0x14, s1  }
0x87: {  	p1 =	seq.s32 s29, $0x0  }
0x88: {  	s0 =	ssub.s32 s0, s1;
	s1 =	simm.s32 @!p1 $0x2  }
0x89: {  	_ =	swait.ge @!p1 [sflag:s1], $0x30;
	s0 =	smul.u32 $0x30, s0  }
0x8a: {  	[sflag:s1] =	ssyncset.done @!p1 $0x0  }
0x8b: {  	[sflag:s1] =	ssyncadd.s32 @!p1 $0xFFFFFFD0;
	s0 =	sand.u32 $0xFFF0, s0  }
0x8c: {  	v0 =	vld [tilespmem:s0+$0x0];
	_ =	sdelay $0x4  }
0x8d: {  	[tilespmem:$0x880] =	vst v0  }
0x8e: {  	v0 =	vld [tilespmem:s0+$0x400];
	_ =	sdelay $0x4  }
0x8f: {  	[tilespmem:$0x980] =	vst v0  }
0x90: {  	v0 =	vld [tilespmem:s0+$0x10];
	_ =	sdelay $0x4  }
0x91: {  	[tilespmem:$0x890] =	vst v0  }
0x92: {  	v0 =	vld [tilespmem:s0+$0x410];
	_ =	sdelay $0x4  }
0x93: {  	[tilespmem:$0x990] =	vst v0  }
0x94: {  	v0 =	vld [tilespmem:s0+$0x20];
	_ =	sdelay $0x4  }
0x95: {  	[tilespmem:$0x8A0] =	vst v0  }
0x96: {  	v0 =	vld [tilespmem:s0+$0x420];
	_ =	sdelay $0x3  }
0x97: {  	p1 =	seq.s32 s29, $0x1A2  }
.Ltmp5:
0x98: {  	[tilespmem:$0x9A0] =	vst v0;
	(pc) =	sbr.rel @p1 .LBB2_4-.Ltmp5, $4  }
0x99: {  	[spmem:s2] =	stream.indirect.scatter.add.f32 [tilespmem:s25], [sflag:$0x2], $0x1, s24, s21, $0xb8;
	[tilespmem:$0x1FE00] =	vst v63  }
0x9a: {  	_ =	swait.ge [sflag:s26], $0x30  }
0x9b: {  	[sflag:s26] =	ssyncset.done $0x0  }
0x9c: {  	[sflag:s26] =	ssyncadd.s32 $0xFFFFFFD0  }
0x9d: {  	s29 =	sadd.s32 $0x2, s29  }
0x9e: {  	s0 =	smul.u32 $0xCCCD, s29;
	_ =	sdelay $0x1  }
0x9f: {  	s0 =	sshrl.u32 s0, $0x14  }
0xa0: {  	s0 =	smul.u32 $0x14, s0;
	_ =	sdelay $0x1  }
0xa1: {  	s0 =	ssub.s32 s29, s0  }
0xa2: {  	s1 =	sand.u32 $0xFFFF, s0  }
0xa3: {  	p1 =	sne.s32 s1, $0x0  }
0xa4: {  	s1 =	simm.s32 @!p1 $0x0;
	s7 =	simm.s32 @!p1 $0x3  }
0xa5: {  	[tilespmem:s1], [sflag:$0x3] =	stream.linear.gather @!p1 [hbm4b:s31+s1], $0x3C0, $0x38;
	[tilespmem:$0x1FE00] =	vst v63  }
0xa6: {  	_ =	swait.ge @!p1 [sflag:s7], $0x3C0  }
0xa7: {  	[sflag:s7] =	ssyncset.done @!p1 $0x0  }
0xa8: {  	s8 =	simm.s32 @!p1 $0x400;
	[sflag:s7] =	ssyncadd.s32 @!p1 $0xFFFFFC40  }
0xa9: {  	[tilespmem:s8], [sflag:$0x3] =	stream.linear.gather @!p1 [hbm4b:s30+s1], $0x3C0, $0x38;
	[tilespmem:$0x1FE00] =	vst v63  }
0xaa: {  	s0 =	smul.u32 $0x30, s0;
	_ =	swait.ge @!p1 [sflag:s7], $0x3C0  }
0xab: {  	[sflag:s7] =	ssyncset.done @!p1 $0x0  }
0xac: {  	s0 =	sand.u32 $0xFFF0, s0;
	[sflag:s7] =	ssyncadd.s32 @!p1 $0xFFFFFC40  }
0xad: {  	v0 =	vld [tilespmem:s0+$0x0];
	_ =	sdelay $0x4  }
0xae: {  	[tilespmem:$0x800] =	vst v0  }
0xaf: {  	v0 =	vld [tilespmem:s0+$0x400];
	_ =	sdelay $0x4  }
0xb0: {  	s8 =	sor.u32 $0x10, s0;
	[tilespmem:$0x900] =	vst v0  }
0xb1: {  	v0 =	vld [tilespmem:s8+$0x0];
	_ =	sdelay $0x4  }
0xb2: {  	[tilespmem:$0x810] =	vst v0  }
0xb3: {  	v0 =	vld [tilespmem:s0+$0x410];
	_ =	sdelay $0x4  }
0xb4: {  	[tilespmem:$0x910] =	vst v0  }
0xb5: {  	v0 =	vld [tilespmem:s0+$0x20];
	_ =	sdelay $0x4  }
0xb6: {  	[tilespmem:$0x820] =	vst v0  }
0xb7: {  	v0 =	vld [tilespmem:s0+$0x420];
	_ =	sdelay $0x1  }
.Ltmp6:
0xb8: {  	_ = 	snop;
	(pc) =	sbr.rel .LBB2_3-.Ltmp6, $3  }
0xb9: {  	_ =	sdelay $0x1  }
0xba: {  	s31 =	sadd.s32 $0xC, s31;
	s30 =	sadd.s32 $0xC, s30;
	[tilespmem:$0x920] =	vst v0  }
0xbb: {  	[spmem:s2] =	stream.indirect.scatter.add.f32 [tilespmem:s23], [sflag:$0x1], $0x1, s22, s21, $0xb8;
	[tilespmem:$0x1FE00] =	vst v63  }
.LBB2_4:
.Ltmp7:
0xbc: {  	(pc) =	sbr.rel .LBB2_9-.Ltmp7, $2  }
0xbd: {  	_ =	sdelay $0x2  }
0xbe: {  	s29 =	smov.u32 s4  }
.LBB2_10:
0xbf: {  	_ =	sfence.sel $0x180000  }
0xc0: {  	[bflag:$0x0] =	sbarrier.arrive $0xFFFF  }
0xc1: {  	_ =	strace $0x90000047  }
0xc2: {  	s0 =	stileid.u32;
	[bflag:$0x2] =	sbarrier.arrive $0xFFFF  }
0xc3: {  	p0 =	sne.s32 s0, $0x0;
	s0 =	rddreg [dreg:$0x2]  }
0xc4: {  	s0 =	sadd.s32 @!p0 $0x100000, s0  }
0xc5: {  	[sflag:s0] =	ssyncadd.tile.s32 @!p0 $0x1;
	_ =	shalt  }
.Lfunc_end2:
_tile_overlayer_lowered:
.L_overlay_start_2:
0xc6: {  	(tag) =	ssettag $0x2  }
0xc7: {  	s0 =	rddreg [dreg:$0x0];
	s2 =	stileid.u32  }
0xc8: {  	s1 =	rddreg [dreg:$0x1];
	p0 =	sne.s32 s2, $0x0  }
0xc9: {  	s3 =	rddreg [dreg:$0x2];
	[bflag:$0x3] =	sbarrier.arrive $0xFFFF;
	s2 =	simm.s32 @!p0 $0x1C03  }
0xca: {  	[timem:s3], [sflag:s2] =	dma.local @!p0 [hbm:s0], s1  }
0xcb: {  	s0 =	simm.s32 @!p0 $0x3  }
0xcc: {  	_ =	swait.ge @!p0 [sflag:s0], s1  }
0xcd: {  	s1 =	ssub.s32 @!p0 $0x0, s1;
	[sflag:s0] =	ssyncset.done @!p0 $0x0  }
0xce: {  	[sflag:s0] =	ssyncadd.s32 @!p0 s1  }
0xcf: {  	[bflag:$0x3] =	sbarrier.arrive $0xFFFF  }
0xd0: {  	_ =	shalt  }

</sc_bundles>
